<compile_context>
chip_gen: v7x
topology: tpu7x:2x2x1
jax: 0.10.2.dev20260603
libtpu: 0.0.44.dev20260713+nightly
codegen_flags: <defaults>
</compile_context>

<pallas_src>
import functools

import jax
import jax.numpy as jnp
from jax import lax
from jax.experimental import pallas as pl
from jax.experimental.pallas import tpu as pltpu
from jax.experimental.pallas import tpu_sc as plsc

_VOCAB = 1000
_BATCH = 16384
_D = 1000
_VPAD = 1024
_NC = 2
_NS = 16
_NW = _NC * _NS
_FB = 32
_LAST_START = _D - _FB
_LANES = 16
_BCHUNK = 256
_NBCHUNK = _BATCH // _BCHUNK
_GROUPS = _BCHUNK // _LANES


def _body(t1t_hbm, t2t_hbm, idx0_hbm, idx1_hbm, out_hbm,
          p1, p2, idx0_v, idx1_v, st0, st1, sem_w0, sem_w1, sem_p):
    wid = lax.axis_index("s") * _NC + lax.axis_index("c")
    fstart = jnp.minimum(wid * _FB, _LAST_START)
    for r in range(_FB):
        pltpu.async_copy(t1t_hbm.at[fstart + r],
                         p1.at[pl.ds(r * _VPAD, _VPAD)], sem_p)
        pltpu.async_copy(t2t_hbm.at[fstart + r],
                         p2.at[pl.ds(r * _VPAD, _VPAD)], sem_p)
    pltpu.sync_copy(idx0_hbm, idx0_v)
    pltpu.sync_copy(idx1_hbm, idx1_v)
    for r in range(_FB):
        pltpu.make_async_copy(t1t_hbm.at[fstart + r],
                              p1.at[pl.ds(r * _VPAD, _VPAD)], sem_p).wait()
        pltpu.make_async_copy(t2t_hbm.at[fstart + r],
                              p2.at[pl.ds(r * _VPAD, _VPAD)], sem_p).wait()

    def compute_chunk(c, stage):
        b0 = c * _BCHUNK

        def group_pair_body(h, carry):
            off_a = (2 * h) * _LANES
            off_b = off_a + _LANES
            step = jnp.int32(_VPAD)
            va0 = idx0_v[pl.ds(b0 + off_a, _LANES)]
            va1 = idx1_v[pl.ds(b0 + off_a, _LANES)]
            vb0 = idx0_v[pl.ds(b0 + off_b, _LANES)]
            vb1 = idx1_v[pl.ds(b0 + off_b, _LANES)]
            pa0 = plsc.load_gather(p1, [va0])
            qa0 = plsc.load_gather(p2, [va1])
            pb0 = plsc.load_gather(p1, [vb0])
            qb0 = plsc.load_gather(p2, [vb1])
            va0 = va0 + step
            va1 = va1 + step
            vb0 = vb0 + step
            vb1 = vb1 + step
            pa1 = plsc.load_gather(p1, [va0])
            qa1 = plsc.load_gather(p2, [va1])
            pb1 = plsc.load_gather(p1, [vb0])
            qb1 = plsc.load_gather(p2, [vb1])
            for f in range(2, _FB):
                va0 = va0 + step
                va1 = va1 + step
                vb0 = vb0 + step
                vb1 = vb1 + step
                pa2 = plsc.load_gather(p1, [va0])
                qa2 = plsc.load_gather(p2, [va1])
                pb2 = plsc.load_gather(p1, [vb0])
                qb2 = plsc.load_gather(p2, [vb1])
                stage[f - 2, pl.ds(off_a, _LANES)] = pa0 + qa0
                stage[f - 2, pl.ds(off_b, _LANES)] = pb0 + qb0
                pa0, qa0, pb0, qb0 = pa1, qa1, pb1, qb1
                pa1, qa1, pb1, qb1 = pa2, qa2, pb2, qb2
            stage[_FB - 2, pl.ds(off_a, _LANES)] = pa0 + qa0
            stage[_FB - 2, pl.ds(off_b, _LANES)] = pb0 + qb0
            stage[_FB - 1, pl.ds(off_a, _LANES)] = pa1 + qa1
            stage[_FB - 1, pl.ds(off_b, _LANES)] = pb1 + qb1
            return carry

        lax.fori_loop(0, _GROUPS // 2, group_pair_body, 0)

    def out_slice(c):
        return out_hbm.at[pl.ds(fstart, _FB), pl.ds(c * _BCHUNK, _BCHUNK)]

    def pair_body(k, carry):
        c0 = 2 * k
        c1 = 2 * k + 1

        @pl.when(k > 0)
        def _():
            pltpu.make_async_copy(st0, out_slice(c0), sem_w0).wait()
        compute_chunk(c0, st0)
        pltpu.async_copy(st0, out_slice(c0), sem_w0)

        @pl.when(k > 0)
        def _():
            pltpu.make_async_copy(st1, out_slice(c1), sem_w1).wait()
        compute_chunk(c1, st1)
        pltpu.async_copy(st1, out_slice(c1), sem_w1)
        return carry

    lax.fori_loop(0, _NBCHUNK // 2, pair_body, 0)
    pltpu.make_async_copy(st0, out_slice(_NBCHUNK - 2), sem_w0).wait()
    pltpu.make_async_copy(st1, out_slice(_NBCHUNK - 1), sem_w1).wait()


@jax.jit
def _sc_bigram_t(t1t, t2t, idx0, idx1):
    mesh = plsc.VectorSubcoreMesh(core_axis_name="c", subcore_axis_name="s")
    f = functools.partial(
        pl.kernel,
        out_type=jax.ShapeDtypeStruct((_D, _BATCH), jnp.float32),
        mesh=mesh,
        scratch_types=[
            pltpu.VMEM((_FB * _VPAD,), jnp.float32),
            pltpu.VMEM((_FB * _VPAD,), jnp.float32),
            pltpu.VMEM((_BATCH,), jnp.int32),
            pltpu.VMEM((_BATCH,), jnp.int32),
            pltpu.VMEM((_FB, _BCHUNK), jnp.float32),
            pltpu.VMEM((_FB, _BCHUNK), jnp.float32),
            pltpu.SemaphoreType.DMA,
            pltpu.SemaphoreType.DMA,
            pltpu.SemaphoreType.DMA,
        ],
        compiler_params=pltpu.CompilerParams(needs_layout_passes=False),
    )(_body)
    return f(t1t, t2t, idx0, idx1)


def kernel(idx, table1, table2):
    if idx.ndim == 1:
        idx = idx[:, None]
    idx = idx.astype(jnp.int32)
    idx0 = idx[:, 0]
    idx1 = idx[:, 1]
    pad = ((0, 0), (0, _VPAD - _VOCAB))
    t1t = jnp.pad(table1.T, pad)
    t2t = jnp.pad(table2.T, pad)
    out_t = _sc_bigram_t(t1t, t2t, idx0, idx1)
    return out_t.T

# --- scband reference (transcript-rebuilt; emitter-appended) ---
"""Pipeline reference for scband-neural-bigram-73452530696483 (READ-ONLY COPY).

The authoritative reference and input builder live on the scoring server;
editing this copy changes nothing except your own understanding.
"""

import jax, jax.numpy as jnp
import numpy as np

VOCAB = 1000
BATCH = 16384

def setup_inputs(seed: int = 0) -> dict:
    key = jax.random.key(seed)
    k_idx, k_t1, k_t2 = jax.random.split(key, 3)
    idx = jax.random.randint(k_idx, (BATCH, 2), 0, VOCAB, dtype=jnp.int64) if jax.config.jax_enable_x64 else jax.random.randint(k_idx, (BATCH, 2), 0, VOCAB, dtype=jnp.int32)
    table1 = jax.random.normal(k_t1, (VOCAB, VOCAB), dtype=jnp.float32)
    table2 = jax.random.normal(k_t2, (VOCAB, VOCAB), dtype=jnp.float32)
    return {"idx": idx, "table1": table1, "table2": table2}

def reference(idx, table1, table2):
    # idx: (batch, 2) int tensor; forward reads columns 0 and 1
    if idx.ndim == 1:
        idx = idx[:, None]
    idx_0 = idx[:, 0]
    idx_1 = idx[:, 1]
    logits_0 = jnp.take(table1, idx_0, axis=0)
    logits_1 = jnp.take(table2, idx_1, axis=0)
    logits = logits_0 + logits_1
    return logits

if __name__ == "__main__":
    import jax
    _d = setup_inputs()
    print(jax.jit(kernel)(*tuple(_d.values())))

</pallas_src>

<mosaic_0001>
#map = affine_map<(d0, d1) -> (0, 0)>
#map1 = affine_map<(d0, d1) -> (0)>
module attributes {stable_mosaic.version = 14 : i64} {
  func.func @_body(%arg0: i32, %arg1: i32, %arg2: memref<1000x1024xf32, #tpu.memory_space<hbm>>, %arg3: memref<1000x1024xf32, #tpu.memory_space<hbm>>, %arg4: memref<16384xi32, #tpu.memory_space<hbm>>, %arg5: memref<16384xi32, #tpu.memory_space<hbm>>, %arg6: memref<1000x16384xf32, #tpu.memory_space<hbm>>, %arg7: memref<32768xf32, #tpu.memory_space<vmem>>, %arg8: memref<32768xf32, #tpu.memory_space<vmem>>, %arg9: memref<16384xi32, #tpu.memory_space<vmem>>, %arg10: memref<16384xi32, #tpu.memory_space<vmem>>, %arg11: memref<32x256xf32, #tpu.memory_space<vmem>>, %arg12: memref<32x256xf32, #tpu.memory_space<vmem>>, %arg13: memref<!tpu.dma_semaphore, #tpu.memory_space<semaphore_mem>>, %arg14: memref<!tpu.dma_semaphore, #tpu.memory_space<semaphore_mem>>, %arg15: memref<!tpu.dma_semaphore, #tpu.memory_space<semaphore_mem>>) attributes {dimension_semantics = [#tpu.dimension_semantics<core_parallel>, #tpu.dimension_semantics<subcore_parallel>], iteration_bounds = array<i64: 2, 16>, scalar_prefetch = 0 : i64, scratch_operands = 9 : i64, tpu.core_type = #tpu.core_type<sc_vector_subcore>, window_params = [{transform_indices = #map}, {transform_indices = #map}, {transform_indices = #map1}, {transform_indices = #map1}, {transform_indices = #map}]} {
    %mul3A = arith.constant 2 : i32
    %mul3A_0 = arith.muli %arg1, %mul3A : i32
    %add3A = arith.addi %mul3A_0, %arg0 : i32
    %mul3A_1 = arith.constant 32 : i32
    %mul3A_2 = arith.muli %add3A, %mul3A_1 : i32
    %min3A = arith.constant 968 : i32
    %min3A_3 = arith.minsi %mul3A_2, %min3A : i32
    %add3A_4 = arith.constant 0 : i32
    %add3A_5 = arith.addi %min3A_3, %add3A_4 : i32
    %dma_start3A = arith.constant 0 : i32
    %dma_start3A_6 = tpu.memref_slice %arg7[%dma_start3A] : memref<32768xf32, #tpu.memory_space<vmem>> -> memref<1024xf32, #tpu.memory_space<vmem>>
    %dma_start3A_7 = arith.constant 0 : i32
    %dma_start3A_8 = tpu.memref_slice %arg2[%add3A_5, %dma_start3A_7] : memref<1000x1024xf32, #tpu.memory_space<hbm>> -> memref<1x1024xf32, #tpu.memory_space<hbm>>
    %dma_start3A_9 = tpu.memref_squeeze %dma_start3A_8 : memref<1x1024xf32, #tpu.memory_space<hbm>> -> memref<1024xf32, #tpu.memory_space<hbm>>
    %dma_start3A_10 = arith.constant 0 : i32
    %dma_start3A_11 = tpu.memref_slice %arg7[%dma_start3A_10] : memref<32768xf32, #tpu.memory_space<vmem>> -> memref<1024xf32, #tpu.memory_space<vmem>>
    %dma_start3A_12 = arith.constant 0 : i32
    %dma_start3A_13 = tpu.memref_slice %arg2[%add3A_5, %dma_start3A_12] : memref<1000x1024xf32, #tpu.memory_space<hbm>> -> memref<1x1024xf32, #tpu.memory_space<hbm>>
    %dma_start3A_14 = tpu.memref_squeeze %dma_start3A_13 : memref<1x1024xf32, #tpu.memory_space<hbm>> -> memref<1024xf32, #tpu.memory_space<hbm>>
    tpu.enqueue_dma source(%dma_start3A_14 : memref<1024xf32, #tpu.memory_space<hbm>>) target(%dma_start3A_11 : memref<1024xf32, #tpu.memory_space<vmem>>) target_semaphore(%arg15 : memref<!tpu.dma_semaphore, #tpu.memory_space<semaphore_mem>>)
    %add3A_15 = arith.constant 0 : i32
    %add3A_16 = arith.addi %min3A_3, %add3A_15 : i32
    %dma_start3A_17 = arith.constant 0 : i32
    %dma_start3A_18 = tpu.memref_slice %arg8[%dma_start3A_17] : memref<32768xf32, #tpu.memory_space<vmem>> -> memref<1024xf32, #tpu.memory_space<vmem>>
    %dma_start3A_19 = arith.constant 0 : i32
    %dma_start3A_20 = tpu.memref_slice %arg3[%add3A_16, %dma_start3A_19] : memref<1000x1024xf32, #tpu.memory_space<hbm>> -> memref<1x1024xf32, #tpu.memory_space<hbm>>
    %dma_start3A_21 = tpu.memref_squeeze %dma_start3A_20 : memref<1x1024xf32, #tpu.memory_space<hbm>> -> memref<1024xf32, #tpu.memory_space<hbm>>
    %dma_start3A_22 = arith.constant 0 : i32
    %dma_start3A_23 = tpu.memref_slice %arg8[%dma_start3A_22] : memref<32768xf32, #tpu.memory_space<vmem>> -> memref<1024xf32, #tpu.memory_space<vmem>>
    %dma_start3A_24 = arith.constant 0 : i32
    %dma_start3A_25 = tpu.memref_slice %arg3[%add3A_16, %dma_start3A_24] : memref<1000x1024xf32, #tpu.memory_space<hbm>> -> memref<1x1024xf32, #tpu.memory_space<hbm>>
    %dma_start3A_26 = tpu.memref_squeeze %dma_start3A_25 : memref<1x1024xf32, #tpu.memory_space<hbm>> -> memref<1024xf32, #tpu.memory_space<hbm>>
    tpu.enqueue_dma source(%dma_start3A_26 : memref<1024xf32, #tpu.memory_space<hbm>>) target(%dma_start3A_23 : memref<1024xf32, #tpu.memory_space<vmem>>) target_semaphore(%arg15 : memref<!tpu.dma_semaphore, #tpu.memory_space<semaphore_mem>>)
    %add3A_27 = arith.constant 1 : i32
    %add3A_28 = arith.addi %min3A_3, %add3A_27 : i32
    %dma_start3A_29 = arith.constant 1024 : i32
    %dma_start3A_30 = tpu.memref_slice %arg7[%dma_start3A_29] : memref<32768xf32, #tpu.memory_space<vmem>> -> memref<1024xf32, #tpu.memory_space<vmem>>
    %dma_start3A_31 = arith.constant 0 : i32
    %dma_start3A_32 = tpu.memref_slice %arg2[%add3A_28, %dma_start3A_31] : memref<1000x1024xf32, #tpu.memory_space<hbm>> -> memref<1x1024xf32, #tpu.memory_space<hbm>>
    %dma_start3A_33 = tpu.memref_squeeze %dma_start3A_32 : memref<1x1024xf32, #tpu.memory_space<hbm>> -> memref<1024xf32, #tpu.memory_space<hbm>>
    %dma_start3A_34 = arith.constant 1024 : i32
    %dma_start3A_35 = tpu.memref_slice %arg7[%dma_start3A_34] : memref<32768xf32, #tpu.memory_space<vmem>> -> memref<1024xf32, #tpu.memory_space<vmem>>
    %dma_start3A_36 = arith.constant 0 : i32
    %dma_start3A_37 = tpu.memref_slice %arg2[%add3A_28, %dma_start3A_36] : memref<1000x1024xf32, #tpu.memory_space<hbm>> -> memref<1x1024xf32, #tpu.memory_space<hbm>>
    %dma_start3A_38 = tpu.memref_squeeze %dma_start3A_37 : memref<1x1024xf32, #tpu.memory_space<hbm>> -> memref<1024xf32, #tpu.memory_space<hbm>>
    tpu.enqueue_dma source(%dma_start3A_38 : memref<1024xf32, #tpu.memory_space<hbm>>) target(%dma_start3A_35 : memref<1024xf32, #tpu.memory_space<vmem>>) target_semaphore(%arg15 : memref<!tpu.dma_semaphore, #tpu.memory_space<semaphore_mem>>)
    %add3A_39 = arith.constant 1 : i32
    %add3A_40 = arith.addi %min3A_3, %add3A_39 : i32
    %dma_start3A_41 = arith.constant 1024 : i32
    %dma_start3A_42 = tpu.memref_slice %arg8[%dma_start3A_41] : memref<32768xf32, #tpu.memory_space<vmem>> -> memref<1024xf32, #tpu.memory_space<vmem>>
    %dma_start3A_43 = arith.constant 0 : i32
    %dma_start3A_44 = tpu.memref_slice %arg3[%add3A_40, %dma_start3A_43] : memref<1000x1024xf32, #tpu.memory_space<hbm>> -> memref<1x1024xf32, #tpu.memory_space<hbm>>
    %dma_start3A_45 = tpu.memref_squeeze %dma_start3A_44 : memref<1x1024xf32, #tpu.memory_space<hbm>> -> memref<1024xf32, #tpu.memory_space<hbm>>
    %dma_start3A_46 = arith.constant 1024 : i32
    %dma_start3A_47 = tpu.memref_slice %arg8[%dma_start3A_46] : memref<32768xf32, #tpu.memory_space<vmem>> -> memref<1024xf32, #tpu.memory_space<vmem>>
    %dma_start3A_48 = arith.constant 0 : i32
    %dma_start3A_49 = tpu.memref_slice %arg3[%add3A_40, %dma_start3A_48] : memref<1000x1024xf32, #tpu.memory_space<hbm>> -> memref<1x1024xf32, #tpu.memory_space<hbm>>
    %dma_start3A_50 = tpu.memref_squeeze %dma_start3A_49 : memref<1x1024xf32, #tpu.memory_space<hbm>> -> memref<1024xf32, #tpu.memory_space<hbm>>
    tpu.enqueue_dma source(%dma_start3A_50 : memref<1024xf32, #tpu.memory_space<hbm>>) target(%dma_start3A_47 : memref<1024xf32, #tpu.memory_space<vmem>>) target_semaphore(%arg15 : memref<!tpu.dma_semaphore, #tpu.memory_space<semaphore_mem>>)
    %add3A_51 = arith.constant 2 : i32
    %add3A_52 = arith.addi %min3A_3, %add3A_51 : i32
    %dma_start3A_53 = arith.constant 2048 : i32
    %dma_start3A_54 = tpu.memref_slice %arg7[%dma_start3A_53] : memref<32768xf32, #tpu.memory_space<vmem>> -> memref<1024xf32, #tpu.memory_space<vmem>>
    %dma_start3A_55 = arith.constant 0 : i32
    %dma_start3A_56 = tpu.memref_slice %arg2[%add3A_52, %dma_start3A_55] : memref<1000x1024xf32, #tpu.memory_space<hbm>> -> memref<1x1024xf32, #tpu.memory_space<hbm>>
    %dma_start3A_57 = tpu.memref_squeeze %dma_start3A_56 : memref<1x1024xf32, #tpu.memory_space<hbm>> -> memref<1024xf32, #tpu.memory_space<hbm>>
    %dma_start3A_58 = arith.constant 2048 : i32
    %dma_start3A_59 = tpu.memref_slice %arg7[%dma_start3A_58] : memref<32768xf32, #tpu.memory_space<vmem>> -> memref<1024xf32, #tpu.memory_space<vmem>>
    %dma_start3A_60 = arith.constant 0 : i32
    %dma_start3A_61 = tpu.memref_slice %arg2[%add3A_52, %dma_start3A_60] : memref<1000x1024xf32, #tpu.memory_space<hbm>> -> memref<1x1024xf32, #tpu.memory_space<hbm>>
    %dma_start3A_62 = tpu.memref_squeeze %dma_start3A_61 : memref<1x1024xf32, #tpu.memory_space<hbm>> -> memref<1024xf32, #tpu.memory_space<hbm>>
    tpu.enqueue_dma source(%dma_start3A_62 : memref<1024xf32, #tpu.memory_space<hbm>>) target(%dma_start3A_59 : memref<1024xf32, #tpu.memory_space<vmem>>) target_semaphore(%arg15 : memref<!tpu.dma_semaphore, #tpu.memory_space<semaphore_mem>>)
    %add3A_63 = arith.constant 2 : i32
    %add3A_64 = arith.addi %min3A_3, %add3A_63 : i32
    %dma_start3A_65 = arith.constant 2048 : i32
    %dma_start3A_66 = tpu.memref_slice %arg8[%dma_start3A_65] : memref<32768xf32, #tpu.memory_space<vmem>> -> memref<1024xf32, #tpu.memory_space<vmem>>
    %dma_start3A_67 = arith.constant 0 : i32
    %dma_start3A_68 = tpu.memref_slice %arg3[%add3A_64, %dma_start3A_67] : memref<1000x1024xf32, #tpu.memory_space<hbm>> -> memref<1x1024xf32, #tpu.memory_space<hbm>>
    %dma_start3A_69 = tpu.memref_squeeze %dma_start3A_68 : memref<1x1024xf32, #tpu.memory_space<hbm>> -> memref<1024xf32, #tpu.memory_space<hbm>>
    %dma_start3A_70 = arith.constant 2048 : i32
    %dma_start3A_71 = tpu.memref_slice %arg8[%dma_start3A_70] : memref<32768xf32, #tpu.memory_space<vmem>> -> memref<1024xf32, #tpu.memory_space<vmem>>
    %dma_start3A_72 = arith.constant 0 : i32
    %dma_start3A_73 = tpu.memref_slice %arg3[%add3A_64, %dma_start3A_72] : memref<1000x1024xf32, #tpu.memory_space<hbm>> -> memref<1x1024xf32, #tpu.memory_space<hbm>>
    %dma_start3A_74 = tpu.memref_squeeze %dma_start3A_73 : memref<1x1024xf32, #tpu.memory_space<hbm>> -> memref<1024xf32, #tpu.memory_space<hbm>>
    tpu.enqueue_dma source(%dma_start3A_74 : memref<1024xf32, #tpu.memory_space<hbm>>) target(%dma_start3A_71 : memref<1024xf32, #tpu.memory_space<vmem>>) target_semaphore(%arg15 : memref<!tpu.dma_semaphore, #tpu.memory_space<semaphore_mem>>)
    %add3A_75 = arith.constant 3 : i32
    %add3A_76 = arith.addi %min3A_3, %add3A_75 : i32
    %dma_start3A_77 = arith.constant 3072 : i32
    %dma_start3A_78 = tpu.memref_slice %arg7[%dma_start3A_77] : memref<32768xf32, #tpu.memory_space<vmem>> -> memref<1024xf32, #tpu.memory_space<vmem>>
    %dma_start3A_79 = arith.constant 0 : i32
    %dma_start3A_80 = tpu.memref_slice %arg2[%add3A_76, %dma_start3A_79] : memref<1000x1024xf32, #tpu.memory_space<hbm>> -> memref<1x1024xf32, #tpu.memory_space<hbm>>
    %dma_start3A_81 = tpu.memref_squeeze %dma_start3A_80 : memref<1x1024xf32, #tpu.memory_space<hbm>> -> memref<1024xf32, #tpu.memory_space<hbm>>
    %dma_start3A_82 = arith.constant 3072 : i32
    %dma_start3A_83 = tpu.memref_slice %arg7[%dma_start3A_82] : memref<32768xf32, #tpu.memory_space<vmem>> -> memref<1024xf32, #tpu.memory_space<vmem>>
    %dma_start3A_84 = arith.constant 0 : i32
    %dma_start3A_85 = tpu.memref_slice %arg2[%add3A_76, %dma_start3A_84] : memref<1000x1024xf32, #tpu.memory_space<hbm>> -> memref<1x1024xf32, #tpu.memory_space<hbm>>
    %dma_start3A_86 = tpu.memref_squeeze %dma_start3A_85 : memref<1x1024xf32, #tpu.memory_space<hbm>> -> memref<1024xf32, #tpu.memory_space<hbm>>
    tpu.enqueue_dma source(%dma_start3A_86 : memref<1024xf32, #tpu.memory_space<hbm>>) target(%dma_start3A_83 : memref<1024xf32, #tpu.memory_space<vmem>>) target_semaphore(%arg15 : memref<!tpu.dma_semaphore, #tpu.memory_space<semaphore_mem>>)
    %add3A_87 = arith.constant 3 : i32
    %add3A_88 = arith.addi %min3A_3, %add3A_87 : i32
    %dma_start3A_89 = arith.constant 3072 : i32
    %dma_start3A_90 = tpu.memref_slice %arg8[%dma_start3A_89] : memref<32768xf32, #tpu.memory_space<vmem>> -> memref<1024xf32, #tpu.memory_space<vmem>>
    %dma_start3A_91 = arith.constant 0 : i32
    %dma_start3A_92 = tpu.memref_slice %arg3[%add3A_88, %dma_start3A_91] : memref<1000x1024xf32, #tpu.memory_space<hbm>> -> memref<1x1024xf32, #tpu.memory_space<hbm>>
    %dma_start3A_93 = tpu.memref_squeeze %dma_start3A_92 : memref<1x1024xf32, #tpu.memory_space<hbm>> -> memref<1024xf32, #tpu.memory_space<hbm>>
    %dma_start3A_94 = arith.constant 3072 : i32
    %dma_start3A_95 = tpu.memref_slice %arg8[%dma_start3A_94] : memref<32768xf32, #tpu.memory_space<vmem>> -> memref<1024xf32, #tpu.memory_space<vmem>>
    %dma_start3A_96 = arith.constant 0 : i32
    %dma_start3A_97 = tpu.memref_slice %arg3[%add3A_88, %dma_start3A_96] : memref<1000x1024xf32, #tpu.memory_space<hbm>> -> memref<1x1024xf32, #tpu.memory_space<hbm>>
    %dma_start3A_98 = tpu.memref_squeeze %dma_start3A_97 : memref<1x1024xf32, #tpu.memory_space<hbm>> -> memref<1024xf32, #tpu.memory_space<hbm>>
    tpu.enqueue_dma source(%dma_start3A_98 : memref<1024xf32, #tpu.memory_space<hbm>>) target(%dma_start3A_95 : memref<1024xf32, #tpu.memory_space<vmem>>) target_semaphore(%arg15 : memref<!tpu.dma_semaphore, #tpu.memory_space<semaphore_mem>>)
    %add3A_99 = arith.constant 4 : i32
    %add3A_100 = arith.addi %min3A_3, %add3A_99 : i32
    %dma_start3A_101 = arith.constant 4096 : i32
    %dma_start3A_102 = tpu.memref_slice %arg7[%dma_start3A_101] : memref<32768xf32, #tpu.memory_space<vmem>> -> memref<1024xf32, #tpu.memory_space<vmem>>
    %dma_start3A_103 = arith.constant 0 : i32
    %dma_start3A_104 = tpu.memref_slice %arg2[%add3A_100, %dma_start3A_103] : memref<1000x1024xf32, #tpu.memory_space<hbm>> -> memref<1x1024xf32, #tpu.memory_space<hbm>>
    %dma_start3A_105 = tpu.memref_squeeze %dma_start3A_104 : memref<1x1024xf32, #tpu.memory_space<hbm>> -> memref<1024xf32, #tpu.memory_space<hbm>>
    %dma_start3A_106 = arith.constant 4096 : i32
    %dma_start3A_107 = tpu.memref_slice %arg7[%dma_start3A_106] : memref<32768xf32, #tpu.memory_space<vmem>> -> memref<1024xf32, #tpu.memory_space<vmem>>
    %dma_start3A_108 = arith.constant 0 : i32
    %dma_start3A_109 = tpu.memref_slice %arg2[%add3A_100, %dma_start3A_108] : memref<1000x1024xf32, #tpu.memory_space<hbm>> -> memref<1x1024xf32, #tpu.memory_space<hbm>>
    %dma_start3A_110 = tpu.memref_squeeze %dma_start3A_109 : memref<1x1024xf32, #tpu.memory_space<hbm>> -> memref<1024xf32, #tpu.memory_space<hbm>>
    tpu.enqueue_dma source(%dma_start3A_110 : memref<1024xf32, #tpu.memory_space<hbm>>) target(%dma_start3A_107 : memref<1024xf32, #tpu.memory_space<vmem>>) target_semaphore(%arg15 : memref<!tpu.dma_semaphore, #tpu.memory_space<semaphore_mem>>)
    %add3A_111 = arith.constant 4 : i32
    %add3A_112 = arith.addi %min3A_3, %add3A_111 : i32
    %dma_start3A_113 = arith.constant 4096 : i32
    %dma_start3A_114 = tpu.memref_slice %arg8[%dma_start3A_113] : memref<32768xf32, #tpu.memory_space<vmem>> -> memref<1024xf32, #tpu.memory_space<vmem>>
    %dma_start3A_115 = arith.constant 0 : i32
    %dma_start3A_116 = tpu.memref_slice %arg3[%add3A_112, %dma_start3A_115] : memref<1000x1024xf32, #tpu.memory_space<hbm>> -> memref<1x1024xf32, #tpu.memory_space<hbm>>
    %dma_start3A_117 = tpu.memref_squeeze %dma_start3A_116 : memref<1x1024xf32, #tpu.memory_space<hbm>> -> memref<1024xf32, #tpu.memory_space<hbm>>
    %dma_start3A_118 = arith.constant 4096 : i32
    %dma_start3A_119 = tpu.memref_slice %arg8[%dma_start3A_118] : memref<32768xf32, #tpu.memory_space<vmem>> -> memref<1024xf32, #tpu.memory_space<vmem>>
    %dma_start3A_120 = arith.constant 0 : i32
    %dma_start3A_121 = tpu.memref_slice %arg3[%add3A_112, %dma_start3A_120] : memref<1000x1024xf32, #tpu.memory_space<hbm>> -> memref<1x1024xf32, #tpu.memory_space<hbm>>
    %dma_start3A_122 = tpu.memref_squeeze %dma_start3A_121 : memref<1x1024xf32, #tpu.memory_space<hbm>> -> memref<1024xf32, #tpu.memory_space<hbm>>
    tpu.enqueue_dma source(%dma_start3A_122 : memref<1024xf32, #tpu.memory_space<hbm>>) target(%dma_start3A_119 : memref<1024xf32, #tpu.memory_space<vmem>>) target_semaphore(%arg15 : memref<!tpu.dma_semaphore, #tpu.memory_space<semaphore_mem>>)
    %add3A_123 = arith.constant 5 : i32
    %add3A_124 = arith.addi %min3A_3, %add3A_123 : i32
    %dma_start3A_125 = arith.constant 5120 : i32
    %dma_start3A_126 = tpu.memref_slice %arg7[%dma_start3A_125] : memref<32768xf32, #tpu.memory_space<vmem>> -> memref<1024xf32, #tpu.memory_space<vmem>>
    %dma_start3A_127 = arith.constant 0 : i32
    %dma_start3A_128 = tpu.memref_slice %arg2[%add3A_124, %dma_start3A_127] : memref<1000x1024xf32, #tpu.memory_space<hbm>> -> memref<1x1024xf32, #tpu.memory_space<hbm>>
    %dma_start3A_129 = tpu.memref_squeeze %dma_start3A_128 : memref<1x1024xf32, #tpu.memory_space<hbm>> -> memref<1024xf32, #tpu.memory_space<hbm>>
    %dma_start3A_130 = arith.constant 5120 : i32
    %dma_start3A_131 = tpu.memref_slice %arg7[%dma_start3A_130] : memref<32768xf32, #tpu.memory_space<vmem>> -> memref<1024xf32, #tpu.memory_space<vmem>>
    %dma_start3A_132 = arith.constant 0 : i32
    %dma_start3A_133 = tpu.memref_slice %arg2[%add3A_124, %dma_start3A_132] : memref<1000x1024xf32, #tpu.memory_space<hbm>> -> memref<1x1024xf32, #tpu.memory_space<hbm>>
    %dma_start3A_134 = tpu.memref_squeeze %dma_start3A_133 : memref<1x1024xf32, #tpu.memory_space<hbm>> -> memref<1024xf32, #tpu.memory_space<hbm>>
    tpu.enqueue_dma source(%dma_start3A_134 : memref<1024xf32, #tpu.memory_space<hbm>>) target(%dma_start3A_131 : memref<1024xf32, #tpu.memory_space<vmem>>) target_semaphore(%arg15 : memref<!tpu.dma_semaphore, #tpu.memory_space<semaphore_mem>>)
    %add3A_135 = arith.constant 5 : i32
    %add3A_136 = arith.addi %min3A_3, %add3A_135 : i32
    %dma_start3A_137 = arith.constant 5120 : i32
    %dma_start3A_138 = tpu.memref_slice %arg8[%dma_start3A_137] : memref<32768xf32, #tpu.memory_space<vmem>> -> memref<1024xf32, #tpu.memory_space<vmem>>
    %dma_start3A_139 = arith.constant 0 : i32
    %dma_start3A_140 = tpu.memref_slice %arg3[%add3A_136, %dma_start3A_139] : memref<1000x1024xf32, #tpu.memory_space<hbm>> -> memref<1x1024xf32, #tpu.memory_space<hbm>>
    %dma_start3A_141 = tpu.memref_squeeze %dma_start3A_140 : memref<1x1024xf32, #tpu.memory_space<hbm>> -> memref<1024xf32, #tpu.memory_space<hbm>>
    %dma_start3A_142 = arith.constant 5120 : i32
    %dma_start3A_143 = tpu.memref_slice %arg8[%dma_start3A_142] : memref<32768xf32, #tpu.memory_space<vmem>> -> memref<1024xf32, #tpu.memory_space<vmem>>
    %dma_start3A_144 = arith.constant 0 : i32
    %dma_start3A_145 = tpu.memref_slice %arg3[%add3A_136, %dma_start3A_144] : memref<1000x1024xf32, #tpu.memory_space<hbm>> -> memref<1x1024xf32, #tpu.memory_space<hbm>>
    %dma_start3A_146 = tpu.memref_squeeze %dma_start3A_145 : memref<1x1024xf32, #tpu.memory_space<hbm>> -> memref<1024xf32, #tpu.memory_space<hbm>>
    tpu.enqueue_dma source(%dma_start3A_146 : memref<1024xf32, #tpu.memory_space<hbm>>) target(%dma_start3A_143 : memref<1024xf32, #tpu.memory_space<vmem>>) target_semaphore(%arg15 : memref<!tpu.dma_semaphore, #tpu.memory_space<semaphore_mem>>)
    %add3A_147 = arith.constant 6 : i32
    %add3A_148 = arith.addi %min3A_3, %add3A_147 : i32
    %dma_start3A_149 = arith.constant 6144 : i32
    %dma_start3A_150 = tpu.memref_slice %arg7[%dma_start3A_149] : memref<32768xf32, #tpu.memory_space<vmem>> -> memref<1024xf32, #tpu.memory_space<vmem>>
    %dma_start3A_151 = arith.constant 0 : i32
    %dma_start3A_152 = tpu.memref_slice %arg2[%add3A_148, %dma_start3A_151] : memref<1000x1024xf32, #tpu.memory_space<hbm>> -> memref<1x1024xf32, #tpu.memory_space<hbm>>
    %dma_start3A_153 = tpu.memref_squeeze %dma_start3A_152 : memref<1x1024xf32, #tpu.memory_space<hbm>> -> memref<1024xf32, #tpu.memory_space<hbm>>
    %dma_start3A_154 = arith.constant 6144 : i32
    %dma_start3A_155 = tpu.memref_slice %arg7[%dma_start3A_154] : memref<32768xf32, #tpu.memory_space<vmem>> -> memref<1024xf32, #tpu.memory_space<vmem>>
    %dma_start3A_156 = arith.constant 0 : i32
    %dma_start3A_157 = tpu.memref_slice %arg2[%add3A_148, %dma_start3A_156] : memref<1000x1024xf32, #tpu.memory_space<hbm>> -> memref<1x1024xf32, #tpu.memory_space<hbm>>
    %dma_start3A_158 = tpu.memref_squeeze %dma_start3A_157 : memref<1x1024xf32, #tpu.memory_space<hbm>> -> memref<1024xf32, #tpu.memory_space<hbm>>
    tpu.enqueue_dma source(%dma_start3A_158 : memref<1024xf32, #tpu.memory_space<hbm>>) target(%dma_start3A_155 : memref<1024xf32, #tpu.memory_space<vmem>>) target_semaphore(%arg15 : memref<!tpu.dma_semaphore, #tpu.memory_space<semaphore_mem>>)
    %add3A_159 = arith.constant 6 : i32
    %add3A_160 = arith.addi %min3A_3, %add3A_159 : i32
    %dma_start3A_161 = arith.constant 6144 : i32
    %dma_start3A_162 = tpu.memref_slice %arg8[%dma_start3A_161] : memref<32768xf32, #tpu.memory_space<vmem>> -> memref<1024xf32, #tpu.memory_space<vmem>>
    %dma_start3A_163 = arith.constant 0 : i32
    %dma_start3A_164 = tpu.memref_slice %arg3[%add3A_160, %dma_start3A_163] : memref<1000x1024xf32, #tpu.memory_space<hbm>> -> memref<1x1024xf32, #tpu.memory_space<hbm>>
    %dma_start3A_165 = tpu.memref_squeeze %dma_start3A_164 : memref<1x1024xf32, #tpu.memory_space<hbm>> -> memref<1024xf32, #tpu.memory_space<hbm>>
    %dma_start3A_166 = arith.constant 6144 : i32
    %dma_start3A_167 = tpu.memref_slice %arg8[%dma_start3A_166] : memref<32768xf32, #tpu.memory_space<vmem>> -> memref<1024xf32, #tpu.memory_space<vmem>>
    %dma_start3A_168 = arith.constant 0 : i32
    %dma_start3A_169 = tpu.memref_slice %arg3[%add3A_160, %dma_start3A_168] : memref<1000x1024xf32, #tpu.memory_space<hbm>> -> memref<1x1024xf32, #tpu.memory_space<hbm>>
    %dma_start3A_170 = tpu.memref_squeeze %dma_start3A_169 : memref<1x1024xf32, #tpu.memory_space<hbm>> -> memref<1024xf32, #tpu.memory_space<hbm>>
    tpu.enqueue_dma source(%dma_start3A_170 : memref<1024xf32, #tpu.memory_space<hbm>>) target(%dma_start3A_167 : memref<1024xf32, #tpu.memory_space<vmem>>) target_semaphore(%arg15 : memref<!tpu.dma_semaphore, #tpu.memory_space<semaphore_mem>>)
    %add3A_171 = arith.constant 7 : i32
    %add3A_172 = arith.addi %min3A_3, %add3A_171 : i32
    %dma_start3A_173 = arith.constant 7168 : i32
    %dma_start3A_174 = tpu.memref_slice %arg7[%dma_start3A_173] : memref<32768xf32, #tpu.memory_space<vmem>> -> memref<1024xf32, #tpu.memory_space<vmem>>
    %dma_start3A_175 = arith.constant 0 : i32
    %dma_start3A_176 = tpu.memref_slice %arg2[%add3A_172, %dma_start3A_175] : memref<1000x1024xf32, #tpu.memory_space<hbm>> -> memref<1x1024xf32, #tpu.memory_space<hbm>>
    %dma_start3A_177 = tpu.memref_squeeze %dma_start3A_176 : memref<1x1024xf32, #tpu.memory_space<hbm>> -> memref<1024xf32, #tpu.memory_space<hbm>>
    %dma_start3A_178 = arith.constant 7168 : i32
    %dma_start3A_179 = tpu.memref_slice %arg7[%dma_start3A_178] : memref<32768xf32, #tpu.memory_space<vmem>> -> memref<1024xf32, #tpu.memory_space<vmem>>
    %dma_start3A_180 = arith.constant 0 : i32
    %dma_start3A_181 = tpu.memref_slice %arg2[%add3A_172, %dma_start3A_180] : memref<1000x1024xf32, #tpu.memory_space<hbm>> -> memref<1x1024xf32, #tpu.memory_space<hbm>>
    %dma_start3A_182 = tpu.memref_squeeze %dma_start3A_181 : memref<1x1024xf32, #tpu.memory_space<hbm>> -> memref<1024xf32, #tpu.memory_space<hbm>>
    tpu.enqueue_dma source(%dma_start3A_182 : memref<1024xf32, #tpu.memory_space<hbm>>) target(%dma_start3A_179 : memref<1024xf32, #tpu.memory_space<vmem>>) target_semaphore(%arg15 : memref<!tpu.dma_semaphore, #tpu.memory_space<semaphore_mem>>)
    %add3A_183 = arith.constant 7 : i32
    %add3A_184 = arith.addi %min3A_3, %add3A_183 : i32
    %dma_start3A_185 = arith.constant 7168 : i32
    %dma_start3A_186 = tpu.memref_slice %arg8[%dma_start3A_185] : memref<32768xf32, #tpu.memory_space<vmem>> -> memref<1024xf32, #tpu.memory_space<vmem>>
    %dma_start3A_187 = arith.constant 0 : i32
    %dma_start3A_188 = tpu.memref_slice %arg3[%add3A_184, %dma_start3A_187] : memref<1000x1024xf32, #tpu.memory_space<hbm>> -> memref<1x1024xf32, #tpu.memory_space<hbm>>
    %dma_start3A_189 = tpu.memref_squeeze %dma_start3A_188 : memref<1x1024xf32, #tpu.memory_space<hbm>> -> memref<1024xf32, #tpu.memory_space<hbm>>
    %dma_start3A_190 = arith.constant 7168 : i32
    %dma_start3A_191 = tpu.memref_slice %arg8[%dma_start3A_190] : memref<32768xf32, #tpu.memory_space<vmem>> -> memref<1024xf32, #tpu.memory_space<vmem>>
    %dma_start3A_192 = arith.constant 0 : i32
    %dma_start3A_193 = tpu.memref_slice %arg3[%add3A_184, %dma_start3A_192] : memref<1000x1024xf32, #tpu.memory_space<hbm>> -> memref<1x1024xf32, #tpu.memory_space<hbm>>
    %dma_start3A_194 = tpu.memref_squeeze %dma_start3A_193 : memref<1x1024xf32, #tpu.memory_space<hbm>> -> memref<1024xf32, #tpu.memory_space<hbm>>
    tpu.enqueue_dma source(%dma_start3A_194 : memref<1024xf32, #tpu.memory_space<hbm>>) target(%dma_start3A_191 : memref<1024xf32, #tpu.memory_space<vmem>>) target_semaphore(%arg15 : memref<!tpu.dma_semaphore, #tpu.memory_space<semaphore_mem>>)
    %add3A_195 = arith.constant 8 : i32
    %add3A_196 = arith.addi %min3A_3, %add3A_195 : i32
    %dma_start3A_197 = arith.constant 8192 : i32
    %dma_start3A_198 = tpu.memref_slice %arg7[%dma_start3A_197] : memref<32768xf32, #tpu.memory_space<vmem>> -> memref<1024xf32, #tpu.memory_space<vmem>>
    %dma_start3A_199 = arith.constant 0 : i32
    %dma_start3A_200 = tpu.memref_slice %arg2[%add3A_196, %dma_start3A_199] : memref<1000x1024xf32, #tpu.memory_space<hbm>> -> memref<1x1024xf32, #tpu.memory_space<hbm>>
    %dma_start3A_201 = tpu.memref_squeeze %dma_start3A_200 : memref<1x1024xf32, #tpu.memory_space<hbm>> -> memref<1024xf32, #tpu.memory_space<hbm>>
    %dma_start3A_202 = arith.constant 8192 : i32
    %dma_start3A_203 = tpu.memref_slice %arg7[%dma_start3A_202] : memref<32768xf32, #tpu.memory_space<vmem>> -> memref<1024xf32, #tpu.memory_space<vmem>>
    %dma_start3A_204 = arith.constant 0 : i32
    %dma_start3A_205 = tpu.memref_slice %arg2[%add3A_196, %dma_start3A_204] : memref<1000x1024xf32, #tpu.memory_space<hbm>> -> memref<1x1024xf32, #tpu.memory_space<hbm>>
    %dma_start3A_206 = tpu.memref_squeeze %dma_start3A_205 : memref<1x1024xf32, #tpu.memory_space<hbm>> -> memref<1024xf32, #tpu.memory_space<hbm>>
    tpu.enqueue_dma source(%dma_start3A_206 : memref<1024xf32, #tpu.memory_space<hbm>>) target(%dma_start3A_203 : memref<1024xf32, #tpu.memory_space<vmem>>) target_semaphore(%arg15 : memref<!tpu.dma_semaphore, #tpu.memory_space<semaphore_mem>>)
    %add3A_207 = arith.constant 8 : i32
    %add3A_208 = arith.addi %min3A_3, %add3A_207 : i32
    %dma_start3A_209 = arith.constant 8192 : i32
    %dma_start3A_210 = tpu.memref_slice %arg8[%dma_start3A_209] : memref<32768xf32, #tpu.memory_space<vmem>> -> memref<1024xf32, #tpu.memory_space<vmem>>
    %dma_start3A_211 = arith.constant 0 : i32
    %dma_start3A_212 = tpu.memref_slice %arg3[%add3A_208, %dma_start3A_211] : memref<1000x1024xf32, #tpu.memory_space<hbm>> -> memref<1x1024xf32, #tpu.memory_space<hbm>>
    %dma_start3A_213 = tpu.memref_squeeze %dma_start3A_212 : memref<1x1024xf32, #tpu.memory_space<hbm>> -> memref<1024xf32, #tpu.memory_space<hbm>>
    %dma_start3A_214 = arith.constant 8192 : i32
    %dma_start3A_215 = tpu.memref_slice %arg8[%dma_start3A_214] : memref<32768xf32, #tpu.memory_space<vmem>> -> memref<1024xf32, #tpu.memory_space<vmem>>
    %dma_start3A_216 = arith.constant 0 : i32
    %dma_start3A_217 = tpu.memref_slice %arg3[%add3A_208, %dma_start3A_216] : memref<1000x1024xf32, #tpu.memory_space<hbm>> -> memref<1x1024xf32, #tpu.memory_space<hbm>>
    %dma_start3A_218 = tpu.memref_squeeze %dma_start3A_217 : memref<1x1024xf32, #tpu.memory_space<hbm>> -> memref<1024xf32, #tpu.memory_space<hbm>>
    tpu.enqueue_dma source(%dma_start3A_218 : memref<1024xf32, #tpu.memory_space<hbm>>) target(%dma_start3A_215 : memref<1024xf32, #tpu.memory_space<vmem>>) target_semaphore(%arg15 : memref<!tpu.dma_semaphore, #tpu.memory_space<semaphore_mem>>)
    %add3A_219 = arith.constant 9 : i32
    %add3A_220 = arith.addi %min3A_3, %add3A_219 : i32
    %dma_start3A_221 = arith.constant 9216 : i32
    %dma_start3A_222 = tpu.memref_slice %arg7[%dma_start3A_221] : memref<32768xf32, #tpu.memory_space<vmem>> -> memref<1024xf32, #tpu.memory_space<vmem>>
    %dma_start3A_223 = arith.constant 0 : i32
    %dma_start3A_224 = tpu.memref_slice %arg2[%add3A_220, %dma_start3A_223] : memref<1000x1024xf32, #tpu.memory_space<hbm>> -> memref<1x1024xf32, #tpu.memory_space<hbm>>
    %dma_start3A_225 = tpu.memref_squeeze %dma_start3A_224 : memref<1x1024xf32, #tpu.memory_space<hbm>> -> memref<1024xf32, #tpu.memory_space<hbm>>
    %dma_start3A_226 = arith.constant 9216 : i32
    %dma_start3A_227 = tpu.memref_slice %arg7[%dma_start3A_226] : memref<32768xf32, #tpu.memory_space<vmem>> -> memref<1024xf32, #tpu.memory_space<vmem>>
    %dma_start3A_228 = arith.constant 0 : i32
    %dma_start3A_229 = tpu.memref_slice %arg2[%add3A_220, %dma_start3A_228] : memref<1000x1024xf32, #tpu.memory_space<hbm>> -> memref<1x1024xf32, #tpu.memory_space<hbm>>
    %dma_start3A_230 = tpu.memref_squeeze %dma_start3A_229 : memref<1x1024xf32, #tpu.memory_space<hbm>> -> memref<1024xf32, #tpu.memory_space<hbm>>
    tpu.enqueue_dma source(%dma_start3A_230 : memref<1024xf32, #tpu.memory_space<hbm>>) target(%dma_start3A_227 : memref<1024xf32, #tpu.memory_space<vmem>>) target_semaphore(%arg15 : memref<!tpu.dma_semaphore, #tpu.memory_space<semaphore_mem>>)
    %add3A_231 = arith.constant 9 : i32
    %add3A_232 = arith.addi %min3A_3, %add3A_231 : i32
    %dma_start3A_233 = arith.constant 9216 : i32
    %dma_start3A_234 = tpu.memref_slice %arg8[%dma_start3A_233] : memref<32768xf32, #tpu.memory_space<vmem>> -> memref<1024xf32, #tpu.memory_space<vmem>>
    %dma_start3A_235 = arith.constant 0 : i32
    %dma_start3A_236 = tpu.memref_slice %arg3[%add3A_232, %dma_start3A_235] : memref<1000x1024xf32, #tpu.memory_space<hbm>> -> memref<1x1024xf32, #tpu.memory_space<hbm>>
    %dma_start3A_237 = tpu.memref_squeeze %dma_start3A_236 : memref<1x1024xf32, #tpu.memory_space<hbm>> -> memref<1024xf32, #tpu.memory_space<hbm>>
    %dma_start3A_238 = arith.constant 9216 : i32
    %dma_start3A_239 = tpu.memref_slice %arg8[%dma_start3A_238] : memref<32768xf32, #tpu.memory_space<vmem>> -> memref<1024xf32, #tpu.memory_space<vmem>>
    %dma_start3A_240 = arith.constant 0 : i32
    %dma_start3A_241 = tpu.memref_slice %arg3[%add3A_232, %dma_start3A_240] : memref<1000x1024xf32, #tpu.memory_space<hbm>> -> memref<1x1024xf32, #tpu.memory_space<hbm>>
    %dma_start3A_242 = tpu.memref_squeeze %dma_start3A_241 : memref<1x1024xf32, #tpu.memory_space<hbm>> -> memref<1024xf32, #tpu.memory_space<hbm>>
    tpu.enqueue_dma source(%dma_start3A_242 : memref<1024xf32, #tpu.memory_space<hbm>>) target(%dma_start3A_239 : memref<1024xf32, #tpu.memory_space<vmem>>) target_semaphore(%arg15 : memref<!tpu.dma_semaphore, #tpu.memory_space<semaphore_mem>>)
    %add3A_243 = arith.constant 10 : i32
    %add3A_244 = arith.addi %min3A_3, %add3A_243 : i32
    %dma_start3A_245 = arith.constant 10240 : i32
    %dma_start3A_246 = tpu.memref_slice %arg7[%dma_start3A_245] : memref<32768xf32, #tpu.memory_space<vmem>> -> memref<1024xf32, #tpu.memory_space<vmem>>
    %dma_start3A_247 = arith.constant 0 : i32
    %dma_start3A_248 = tpu.memref_slice %arg2[%add3A_244, %dma_start3A_247] : memref<1000x1024xf32, #tpu.memory_space<hbm>> -> memref<1x1024xf32, #tpu.memory_space<hbm>>
    %dma_start3A_249 = tpu.memref_squeeze %dma_start3A_248 : memref<1x1024xf32, #tpu.memory_space<hbm>> -> memref<1024xf32, #tpu.memory_space<hbm>>
    %dma_start3A_250 = arith.constant 10240 : i32
    %dma_start3A_251 = tpu.memref_slice %arg7[%dma_start3A_250] : memref<32768xf32, #tpu.memory_space<vmem>> -> memref<1024xf32, #tpu.memory_space<vmem>>
    %dma_start3A_252 = arith.constant 0 : i32
    %dma_start3A_253 = tpu.memref_slice %arg2[%add3A_244, %dma_start3A_252] : memref<1000x1024xf32, #tpu.memory_space<hbm>> -> memref<1x1024xf32, #tpu.memory_space<hbm>>
    %dma_start3A_254 = tpu.memref_squeeze %dma_start3A_253 : memref<1x1024xf32, #tpu.memory_space<hbm>> -> memref<1024xf32, #tpu.memory_space<hbm>>
    tpu.enqueue_dma source(%dma_start3A_254 : memref<1024xf32, #tpu.memory_space<hbm>>) target(%dma_start3A_251 : memref<1024xf32, #tpu.memory_space<vmem>>) target_semaphore(%arg15 : memref<!tpu.dma_semaphore, #tpu.memory_space<semaphore_mem>>)
    %add3A_255 = arith.constant 10 : i32
    %add3A_256 = arith.addi %min3A_3, %add3A_255 : i32
    %dma_start3A_257 = arith.constant 10240 : i32
    %dma_start3A_258 = tpu.memref_slice %arg8[%dma_start3A_257] : memref<32768xf32, #tpu.memory_space<vmem>> -> memref<1024xf32, #tpu.memory_space<vmem>>
    %dma_start3A_259 = arith.constant 0 : i32
    %dma_start3A_260 = tpu.memref_slice %arg3[%add3A_256, %dma_start3A_259] : memref<1000x1024xf32, #tpu.memory_space<hbm>> -> memref<1x1024xf32, #tpu.memory_space<hbm>>
    %dma_start3A_261 = tpu.memref_squeeze %dma_start3A_260 : memref<1x1024xf32, #tpu.memory_space<hbm>> -> memref<1024xf32, #tpu.memory_space<hbm>>
    %dma_start3A_262 = arith.constant 10240 : i32
    %dma_start3A_263 = tpu.memref_slice %arg8[%dma_start3A_262] : memref<32768xf32, #tpu.memory_space<vmem>> -> memref<1024xf32, #tpu.memory_space<vmem>>
    %dma_start3A_264 = arith.constant 0 : i32
    %dma_start3A_265 = tpu.memref_slice %arg3[%add3A_256, %dma_start3A_264] : memref<1000x1024xf32, #tpu.memory_space<hbm>> -> memref<1x1024xf32, #tpu.memory_space<hbm>>
    %dma_start3A_266 = tpu.memref_squeeze %dma_start3A_265 : memref<1x1024xf32, #tpu.memory_space<hbm>> -> memref<1024xf32, #tpu.memory_space<hbm>>
    tpu.enqueue_dma source(%dma_start3A_266 : memref<1024xf32, #tpu.memory_space<hbm>>) target(%dma_start3A_263 : memref<1024xf32, #tpu.memory_space<vmem>>) target_semaphore(%arg15 : memref<!tpu.dma_semaphore, #tpu.memory_space<semaphore_mem>>)
    %add3A_267 = arith.constant 11 : i32
    %add3A_268 = arith.addi %min3A_3, %add3A_267 : i32
    %dma_start3A_269 = arith.constant 11264 : i32
    %dma_start3A_270 = tpu.memref_slice %arg7[%dma_start3A_269] : memref<32768xf32, #tpu.memory_space<vmem>> -> memref<1024xf32, #tpu.memory_space<vmem>>
    %dma_start3A_271 = arith.constant 0 : i32
    %dma_start3A_272 = tpu.memref_slice %arg2[%add3A_268, %dma_start3A_271] : memref<1000x1024xf32, #tpu.memory_space<hbm>> -> memref<1x1024xf32, #tpu.memory_space<hbm>>
    %dma_start3A_273 = tpu.memref_squeeze %dma_start3A_272 : memref<1x1024xf32, #tpu.memory_space<hbm>> -> memref<1024xf32, #tpu.memory_space<hbm>>
    %dma_start3A_274 = arith.constant 11264 : i32
    %dma_start3A_275 = tpu.memref_slice %arg7[%dma_start3A_274] : memref<32768xf32, #tpu.memory_space<vmem>> -> memref<1024xf32, #tpu.memory_space<vmem>>
    %dma_start3A_276 = arith.constant 0 : i32
    %dma_start3A_277 = tpu.memref_slice %arg2[%add3A_268, %dma_start3A_276] : memref<1000x1024xf32, #tpu.memory_space<hbm>> -> memref<1x1024xf32, #tpu.memory_space<hbm>>
    %dma_start3A_278 = tpu.memref_squeeze %dma_start3A_277 : memref<1x1024xf32, #tpu.memory_space<hbm>> -> memref<1024xf32, #tpu.memory_space<hbm>>
    tpu.enqueue_dma source(%dma_start3A_278 : memref<1024xf32, #tpu.memory_space<hbm>>) target(%dma_start3A_275 : memref<1024xf32, #tpu.memory_space<vmem>>) target_semaphore(%arg15 : memref<!tpu.dma_semaphore, #tpu.memory_space<semaphore_mem>>)
    %add3A_279 = arith.constant 11 : i32
    %add3A_280 = arith.addi %min3A_3, %add3A_279 : i32
    %dma_start3A_281 = arith.constant 11264 : i32
    %dma_start3A_282 = tpu.memref_slice %arg8[%dma_start3A_281] : memref<32768xf32, #tpu.memory_space<vmem>> -> memref<1024xf32, #tpu.memory_space<vmem>>
    %dma_start3A_283 = arith.constant 0 : i32
    %dma_start3A_284 = tpu.memref_slice %arg3[%add3A_280, %dma_start3A_283] : memref<1000x1024xf32, #tpu.memory_space<hbm>> -> memref<1x1024xf32, #tpu.memory_space<hbm>>
    %dma_start3A_285 = tpu.memref_squeeze %dma_start3A_284 : memref<1x1024xf32, #tpu.memory_space<hbm>> -> memref<1024xf32, #tpu.memory_space<hbm>>
    %dma_start3A_286 = arith.constant 11264 : i32
    %dma_start3A_287 = tpu.memref_slice %arg8[%dma_start3A_286] : memref<32768xf32, #tpu.memory_space<vmem>> -> memref<1024xf32, #tpu.memory_space<vmem>>
    %dma_start3A_288 = arith.constant 0 : i32
    %dma_start3A_289 = tpu.memref_slice %arg3[%add3A_280, %dma_start3A_288] : memref<1000x1024xf32, #tpu.memory_space<hbm>> -> memref<1x1024xf32, #tpu.memory_space<hbm>>
    %dma_start3A_290 = tpu.memref_squeeze %dma_start3A_289 : memref<1x1024xf32, #tpu.memory_space<hbm>> -> memref<1024xf32, #tpu.memory_space<hbm>>
    tpu.enqueue_dma source(%dma_start3A_290 : memref<1024xf32, #tpu.memory_space<hbm>>) target(%dma_start3A_287 : memref<1024xf32, #tpu.memory_space<vmem>>) target_semaphore(%arg15 : memref<!tpu.dma_semaphore, #tpu.memory_space<semaphore_mem>>)
    %add3A_291 = arith.constant 12 : i32
    %add3A_292 = arith.addi %min3A_3, %add3A_291 : i32
    %dma_start3A_293 = arith.constant 12288 : i32
    %dma_start3A_294 = tpu.memref_slice %arg7[%dma_start3A_293] : memref<32768xf32, #tpu.memory_space<vmem>> -> memref<1024xf32, #tpu.memory_space<vmem>>
    %dma_start3A_295 = arith.constant 0 : i32
    %dma_start3A_296 = tpu.memref_slice %arg2[%add3A_292, %dma_start3A_295] : memref<1000x1024xf32, #tpu.memory_space<hbm>> -> memref<1x1024xf32, #tpu.memory_space<hbm>>
    %dma_start3A_297 = tpu.memref_squeeze %dma_start3A_296 : memref<1x1024xf32, #tpu.memory_space<hbm>> -> memref<1024xf32, #tpu.memory_space<hbm>>
    %dma_start3A_298 = arith.constant 12288 : i32
    %dma_start3A_299 = tpu.memref_slice %arg7[%dma_start3A_298] : memref<32768xf32, #tpu.memory_space<vmem>> -> memref<1024xf32, #tpu.memory_space<vmem>>
    %dma_start3A_300 = arith.constant 0 : i32
    %dma_start3A_301 = tpu.memref_slice %arg2[%add3A_292, %dma_start3A_300] : memref<1000x1024xf32, #tpu.memory_space<hbm>> -> memref<1x1024xf32, #tpu.memory_space<hbm>>
    %dma_start3A_302 = tpu.memref_squeeze %dma_start3A_301 : memref<1x1024xf32, #tpu.memory_space<hbm>> -> memref<1024xf32, #tpu.memory_space<hbm>>
    tpu.enqueue_dma source(%dma_start3A_302 : memref<1024xf32, #tpu.memory_space<hbm>>) target(%dma_start3A_299 : memref<1024xf32, #tpu.memory_space<vmem>>) target_semaphore(%arg15 : memref<!tpu.dma_semaphore, #tpu.memory_space<semaphore_mem>>)
    %add3A_303 = arith.constant 12 : i32
    %add3A_304 = arith.addi %min3A_3, %add3A_303 : i32
    %dma_start3A_305 = arith.constant 12288 : i32
    %dma_start3A_306 = tpu.memref_slice %arg8[%dma_start3A_305] : memref<32768xf32, #tpu.memory_space<vmem>> -> memref<1024xf32, #tpu.memory_space<vmem>>
    %dma_start3A_307 = arith.constant 0 : i32
    %dma_start3A_308 = tpu.memref_slice %arg3[%add3A_304, %dma_start3A_307] : memref<1000x1024xf32, #tpu.memory_space<hbm>> -> memref<1x1024xf32, #tpu.memory_space<hbm>>
    %dma_start3A_309 = tpu.memref_squeeze %dma_start3A_308 : memref<1x1024xf32, #tpu.memory_space<hbm>> -> memref<1024xf32, #tpu.memory_space<hbm>>
    %dma_start3A_310 = arith.constant 12288 : i32
    %dma_start3A_311 = tpu.memref_slice %arg8[%dma_start3A_310] : memref<32768xf32, #tpu.memory_space<vmem>> -> memref<1024xf32, #tpu.memory_space<vmem>>
    %dma_start3A_312 = arith.constant 0 : i32
    %dma_start3A_313 = tpu.memref_slice %arg3[%add3A_304, %dma_start3A_312] : memref<1000x1024xf32, #tpu.memory_space<hbm>> -> memref<1x1024xf32, #tpu.memory_space<hbm>>
    %dma_start3A_314 = tpu.memref_squeeze %dma_start3A_313 : memref<1x1024xf32, #tpu.memory_space<hbm>> -> memref<1024xf32, #tpu.memory_space<hbm>>
    tpu.enqueue_dma source(%dma_start3A_314 : memref<1024xf32, #tpu.memory_space<hbm>>) target(%dma_start3A_311 : memref<1024xf32, #tpu.memory_space<vmem>>) target_semaphore(%arg15 : memref<!tpu.dma_semaphore, #tpu.memory_space<semaphore_mem>>)
    %add3A_315 = arith.constant 13 : i32
    %add3A_316 = arith.addi %min3A_3, %add3A_315 : i32
    %dma_start3A_317 = arith.constant 13312 : i32
    %dma_start3A_318 = tpu.memref_slice %arg7[%dma_start3A_317] : memref<32768xf32, #tpu.memory_space<vmem>> -> memref<1024xf32, #tpu.memory_space<vmem>>
    %dma_start3A_319 = arith.constant 0 : i32
    %dma_start3A_320 = tpu.memref_slice %arg2[%add3A_316, %dma_start3A_319] : memref<1000x1024xf32, #tpu.memory_space<hbm>> -> memref<1x1024xf32, #tpu.memory_space<hbm>>
    %dma_start3A_321 = tpu.memref_squeeze %dma_start3A_320 : memref<1x1024xf32, #tpu.memory_space<hbm>> -> memref<1024xf32, #tpu.memory_space<hbm>>
    %dma_start3A_322 = arith.constant 13312 : i32
    %dma_start3A_323 = tpu.memref_slice %arg7[%dma_start3A_322] : memref<32768xf32, #tpu.memory_space<vmem>> -> memref<1024xf32, #tpu.memory_space<vmem>>
    %dma_start3A_324 = arith.constant 0 : i32
    %dma_start3A_325 = tpu.memref_slice %arg2[%add3A_316, %dma_start3A_324] : memref<1000x1024xf32, #tpu.memory_space<hbm>> -> memref<1x1024xf32, #tpu.memory_space<hbm>>
    %dma_start3A_326 = tpu.memref_squeeze %dma_start3A_325 : memref<1x1024xf32, #tpu.memory_space<hbm>> -> memref<1024xf32, #tpu.memory_space<hbm>>
    tpu.enqueue_dma source(%dma_start3A_326 : memref<1024xf32, #tpu.memory_space<hbm>>) target(%dma_start3A_323 : memref<1024xf32, #tpu.memory_space<vmem>>) target_semaphore(%arg15 : memref<!tpu.dma_semaphore, #tpu.memory_space<semaphore_mem>>)
    %add3A_327 = arith.constant 13 : i32
    %add3A_328 = arith.addi %min3A_3, %add3A_327 : i32
    %dma_start3A_329 = arith.constant 13312 : i32
    %dma_start3A_330 = tpu.memref_slice %arg8[%dma_start3A_329] : memref<32768xf32, #tpu.memory_space<vmem>> -> memref<1024xf32, #tpu.memory_space<vmem>>
    %dma_start3A_331 = arith.constant 0 : i32
    %dma_start3A_332 = tpu.memref_slice %arg3[%add3A_328, %dma_start3A_331] : memref<1000x1024xf32, #tpu.memory_space<hbm>> -> memref<1x1024xf32, #tpu.memory_space<hbm>>
    %dma_start3A_333 = tpu.memref_squeeze %dma_start3A_332 : memref<1x1024xf32, #tpu.memory_space<hbm>> -> memref<1024xf32, #tpu.memory_space<hbm>>
    %dma_start3A_334 = arith.constant 13312 : i32
    %dma_start3A_335 = tpu.memref_slice %arg8[%dma_start3A_334] : memref<32768xf32, #tpu.memory_space<vmem>> -> memref<1024xf32, #tpu.memory_space<vmem>>
    %dma_start3A_336 = arith.constant 0 : i32
    %dma_start3A_337 = tpu.memref_slice %arg3[%add3A_328, %dma_start3A_336] : memref<1000x1024xf32, #tpu.memory_space<hbm>> -> memref<1x1024xf32, #tpu.memory_space<hbm>>
    %dma_start3A_338 = tpu.memref_squeeze %dma_start3A_337 : memref<1x1024xf32, #tpu.memory_space<hbm>> -> memref<1024xf32, #tpu.memory_space<hbm>>
    tpu.enqueue_dma source(%dma_start3A_338 : memref<1024xf32, #tpu.memory_space<hbm>>) target(%dma_start3A_335 : memref<1024xf32, #tpu.memory_space<vmem>>) target_semaphore(%arg15 : memref<!tpu.dma_semaphore, #tpu.memory_space<semaphore_mem>>)
    %add3A_339 = arith.constant 14 : i32
    %add3A_340 = arith.addi %min3A_3, %add3A_339 : i32
    %dma_start3A_341 = arith.constant 14336 : i32
    %dma_start3A_342 = tpu.memref_slice %arg7[%dma_start3A_341] : memref<32768xf32, #tpu.memory_space<vmem>> -> memref<1024xf32, #tpu.memory_space<vmem>>
    %dma_start3A_343 = arith.constant 0 : i32
    %dma_start3A_344 = tpu.memref_slice %arg2[%add3A_340, %dma_start3A_343] : memref<1000x1024xf32, #tpu.memory_space<hbm>> -> memref<1x1024xf32, #tpu.memory_space<hbm>>
    %dma_start3A_345 = tpu.memref_squeeze %dma_start3A_344 : memref<1x1024xf32, #tpu.memory_space<hbm>> -> memref<1024xf32, #tpu.memory_space<hbm>>
    %dma_start3A_346 = arith.constant 14336 : i32
    %dma_start3A_347 = tpu.memref_slice %arg7[%dma_start3A_346] : memref<32768xf32, #tpu.memory_space<vmem>> -> memref<1024xf32, #tpu.memory_space<vmem>>
    %dma_start3A_348 = arith.constant 0 : i32
    %dma_start3A_349 = tpu.memref_slice %arg2[%add3A_340, %dma_start3A_348] : memref<1000x1024xf32, #tpu.memory_space<hbm>> -> memref<1x1024xf32, #tpu.memory_space<hbm>>
    %dma_start3A_350 = tpu.memref_squeeze %dma_start3A_349 : memref<1x1024xf32, #tpu.memory_space<hbm>> -> memref<1024xf32, #tpu.memory_space<hbm>>
    tpu.enqueue_dma source(%dma_start3A_350 : memref<1024xf32, #tpu.memory_space<hbm>>) target(%dma_start3A_347 : memref<1024xf32, #tpu.memory_space<vmem>>) target_semaphore(%arg15 : memref<!tpu.dma_semaphore, #tpu.memory_space<semaphore_mem>>)
    %add3A_351 = arith.constant 14 : i32
    %add3A_352 = arith.addi %min3A_3, %add3A_351 : i32
    %dma_start3A_353 = arith.constant 14336 : i32
    %dma_start3A_354 = tpu.memref_slice %arg8[%dma_start3A_353] : memref<32768xf32, #tpu.memory_space<vmem>> -> memref<1024xf32, #tpu.memory_space<vmem>>
    %dma_start3A_355 = arith.constant 0 : i32
    %dma_start3A_356 = tpu.memref_slice %arg3[%add3A_352, %dma_start3A_355] : memref<1000x1024xf32, #tpu.memory_space<hbm>> -> memref<1x1024xf32, #tpu.memory_space<hbm>>
    %dma_start3A_357 = tpu.memref_squeeze %dma_start3A_356 : memref<1x1024xf32, #tpu.memory_space<hbm>> -> memref<1024xf32, #tpu.memory_space<hbm>>
    %dma_start3A_358 = arith.constant 14336 : i32
    %dma_start3A_359 = tpu.memref_slice %arg8[%dma_start3A_358] : memref<32768xf32, #tpu.memory_space<vmem>> -> memref<1024xf32, #tpu.memory_space<vmem>>
    %dma_start3A_360 = arith.constant 0 : i32
    %dma_start3A_361 = tpu.memref_slice %arg3[%add3A_352, %dma_start3A_360] : memref<1000x1024xf32, #tpu.memory_space<hbm>> -> memref<1x1024xf32, #tpu.memory_space<hbm>>
    %dma_start3A_362 = tpu.memref_squeeze %dma_start3A_361 : memref<1x1024xf32, #tpu.memory_space<hbm>> -> memref<1024xf32, #tpu.memory_space<hbm>>
    tpu.enqueue_dma source(%dma_start3A_362 : memref<1024xf32, #tpu.memory_space<hbm>>) target(%dma_start3A_359 : memref<1024xf32, #tpu.memory_space<vmem>>) target_semaphore(%arg15 : memref<!tpu.dma_semaphore, #tpu.memory_space<semaphore_mem>>)
    %add3A_363 = arith.constant 15 : i32
    %add3A_364 = arith.addi %min3A_3, %add3A_363 : i32
    %dma_start3A_365 = arith.constant 15360 : i32
    %dma_start3A_366 = tpu.memref_slice %arg7[%dma_start3A_365] : memref<32768xf32, #tpu.memory_space<vmem>> -> memref<1024xf32, #tpu.memory_space<vmem>>
    %dma_start3A_367 = arith.constant 0 : i32
    %dma_start3A_368 = tpu.memref_slice %arg2[%add3A_364, %dma_start3A_367] : memref<1000x1024xf32, #tpu.memory_space<hbm>> -> memref<1x1024xf32, #tpu.memory_space<hbm>>
    %dma_start3A_369 = tpu.memref_squeeze %dma_start3A_368 : memref<1x1024xf32, #tpu.memory_space<hbm>> -> memref<1024xf32, #tpu.memory_space<hbm>>
    %dma_start3A_370 = arith.constant 15360 : i32
    %dma_start3A_371 = tpu.memref_slice %arg7[%dma_start3A_370] : memref<32768xf32, #tpu.memory_space<vmem>> -> memref<1024xf32, #tpu.memory_space<vmem>>
    %dma_start3A_372 = arith.constant 0 : i32
    %dma_start3A_373 = tpu.memref_slice %arg2[%add3A_364, %dma_start3A_372] : memref<1000x1024xf32, #tpu.memory_space<hbm>> -> memref<1x1024xf32, #tpu.memory_space<hbm>>
    %dma_start3A_374 = tpu.memref_squeeze %dma_start3A_373 : memref<1x1024xf32, #tpu.memory_space<hbm>> -> memref<1024xf32, #tpu.memory_space<hbm>>
    tpu.enqueue_dma source(%dma_start3A_374 : memref<1024xf32, #tpu.memory_space<hbm>>) target(%dma_start3A_371 : memref<1024xf32, #tpu.memory_space<vmem>>) target_semaphore(%arg15 : memref<!tpu.dma_semaphore, #tpu.memory_space<semaphore_mem>>)
    %add3A_375 = arith.constant 15 : i32
    %add3A_376 = arith.addi %min3A_3, %add3A_375 : i32
    %dma_start3A_377 = arith.constant 15360 : i32
    %dma_start3A_378 = tpu.memref_slice %arg8[%dma_start3A_377] : memref<32768xf32, #tpu.memory_space<vmem>> -> memref<1024xf32, #tpu.memory_space<vmem>>
    %dma_start3A_379 = arith.constant 0 : i32
    %dma_start3A_380 = tpu.memref_slice %arg3[%add3A_376, %dma_start3A_379] : memref<1000x1024xf32, #tpu.memory_space<hbm>> -> memref<1x1024xf32, #tpu.memory_space<hbm>>
    %dma_start3A_381 = tpu.memref_squeeze %dma_start3A_380 : memref<1x1024xf32, #tpu.memory_space<hbm>> -> memref<1024xf32, #tpu.memory_space<hbm>>
    %dma_start3A_382 = arith.constant 15360 : i32
    %dma_start3A_383 = tpu.memref_slice %arg8[%dma_start3A_382] : memref<32768xf32, #tpu.memory_space<vmem>> -> memref<1024xf32, #tpu.memory_space<vmem>>
    %dma_start3A_384 = arith.constant 0 : i32
    %dma_start3A_385 = tpu.memref_slice %arg3[%add3A_376, %dma_start3A_384] : memref<1000x1024xf32, #tpu.memory_space<hbm>> -> memref<1x1024xf32, #tpu.memory_space<hbm>>
    %dma_start3A_386 = tpu.memref_squeeze %dma_start3A_385 : memref<1x1024xf32, #tpu.memory_space<hbm>> -> memref<1024xf32, #tpu.memory_space<hbm>>
    tpu.enqueue_dma source(%dma_start3A_386 : memref<1024xf32, #tpu.memory_space<hbm>>) target(%dma_start3A_383 : memref<1024xf32, #tpu.memory_space<vmem>>) target_semaphore(%arg15 : memref<!tpu.dma_semaphore, #tpu.memory_space<semaphore_mem>>)
    %add3A_387 = arith.constant 16 : i32
    %add3A_388 = arith.addi %min3A_3, %add3A_387 : i32
    %dma_start3A_389 = arith.constant 16384 : i32
    %dma_start3A_390 = tpu.memref_slice %arg7[%dma_start3A_389] : memref<32768xf32, #tpu.memory_space<vmem>> -> memref<1024xf32, #tpu.memory_space<vmem>>
    %dma_start3A_391 = arith.constant 0 : i32
    %dma_start3A_392 = tpu.memref_slice %arg2[%add3A_388, %dma_start3A_391] : memref<1000x1024xf32, #tpu.memory_space<hbm>> -> memref<1x1024xf32, #tpu.memory_space<hbm>>
    %dma_start3A_393 = tpu.memref_squeeze %dma_start3A_392 : memref<1x1024xf32, #tpu.memory_space<hbm>> -> memref<1024xf32, #tpu.memory_space<hbm>>
    %dma_start3A_394 = arith.constant 16384 : i32
    %dma_start3A_395 = tpu.memref_slice %arg7[%dma_start3A_394] : memref<32768xf32, #tpu.memory_space<vmem>> -> memref<1024xf32, #tpu.memory_space<vmem>>
    %dma_start3A_396 = arith.constant 0 : i32
    %dma_start3A_397 = tpu.memref_slice %arg2[%add3A_388, %dma_start3A_396] : memref<1000x1024xf32, #tpu.memory_space<hbm>> -> memref<1x1024xf32, #tpu.memory_space<hbm>>
    %dma_start3A_398 = tpu.memref_squeeze %dma_start3A_397 : memref<1x1024xf32, #tpu.memory_space<hbm>> -> memref<1024xf32, #tpu.memory_space<hbm>>
    tpu.enqueue_dma source(%dma_start3A_398 : memref<1024xf32, #tpu.memory_space<hbm>>) target(%dma_start3A_395 : memref<1024xf32, #tpu.memory_space<vmem>>) target_semaphore(%arg15 : memref<!tpu.dma_semaphore, #tpu.memory_space<semaphore_mem>>)
    %add3A_399 = arith.constant 16 : i32
    %add3A_400 = arith.addi %min3A_3, %add3A_399 : i32
    %dma_start3A_401 = arith.constant 16384 : i32
    %dma_start3A_402 = tpu.memref_slice %arg8[%dma_start3A_401] : memref<32768xf32, #tpu.memory_space<vmem>> -> memref<1024xf32, #tpu.memory_space<vmem>>
    %dma_start3A_403 = arith.constant 0 : i32
    %dma_start3A_404 = tpu.memref_slice %arg3[%add3A_400, %dma_start3A_403] : memref<1000x1024xf32, #tpu.memory_space<hbm>> -> memref<1x1024xf32, #tpu.memory_space<hbm>>
    %dma_start3A_405 = tpu.memref_squeeze %dma_start3A_404 : memref<1x1024xf32, #tpu.memory_space<hbm>> -> memref<1024xf32, #tpu.memory_space<hbm>>
    %dma_start3A_406 = arith.constant 16384 : i32
    %dma_start3A_407 = tpu.memref_slice %arg8[%dma_start3A_406] : memref<32768xf32, #tpu.memory_space<vmem>> -> memref<1024xf32, #tpu.memory_space<vmem>>
    %dma_start3A_408 = arith.constant 0 : i32
    %dma_start3A_409 = tpu.memref_slice %arg3[%add3A_400, %dma_start3A_408] : memref<1000x1024xf32, #tpu.memory_space<hbm>> -> memref<1x1024xf32, #tpu.memory_space<hbm>>
    %dma_start3A_410 = tpu.memref_squeeze %dma_start3A_409 : memref<1x1024xf32, #tpu.memory_space<hbm>> -> memref<1024xf32, #tpu.memory_space<hbm>>
    tpu.enqueue_dma source(%dma_start3A_410 : memref<1024xf32, #tpu.memory_space<hbm>>) target(%dma_start3A_407 : memref<1024xf32, #tpu.memory_space<vmem>>) target_semaphore(%arg15 : memref<!tpu.dma_semaphore, #tpu.memory_space<semaphore_mem>>)
    %add3A_411 = arith.constant 17 : i32
    %add3A_412 = arith.addi %min3A_3, %add3A_411 : i32
    %dma_start3A_413 = arith.constant 17408 : i32
    %dma_start3A_414 = tpu.memref_slice %arg7[%dma_start3A_413] : memref<32768xf32, #tpu.memory_space<vmem>> -> memref<1024xf32, #tpu.memory_space<vmem>>
    %dma_start3A_415 = arith.constant 0 : i32
    %dma_start3A_416 = tpu.memref_slice %arg2[%add3A_412, %dma_start3A_415] : memref<1000x1024xf32, #tpu.memory_space<hbm>> -> memref<1x1024xf32, #tpu.memory_space<hbm>>
    %dma_start3A_417 = tpu.memref_squeeze %dma_start3A_416 : memref<1x1024xf32, #tpu.memory_space<hbm>> -> memref<1024xf32, #tpu.memory_space<hbm>>
    %dma_start3A_418 = arith.constant 17408 : i32
    %dma_start3A_419 = tpu.memref_slice %arg7[%dma_start3A_418] : memref<32768xf32, #tpu.memory_space<vmem>> -> memref<1024xf32, #tpu.memory_space<vmem>>
    %dma_start3A_420 = arith.constant 0 : i32
    %dma_start3A_421 = tpu.memref_slice %arg2[%add3A_412, %dma_start3A_420] : memref<1000x1024xf32, #tpu.memory_space<hbm>> -> memref<1x1024xf32, #tpu.memory_space<hbm>>
    %dma_start3A_422 = tpu.memref_squeeze %dma_start3A_421 : memref<1x1024xf32, #tpu.memory_space<hbm>> -> memref<1024xf32, #tpu.memory_space<hbm>>
    tpu.enqueue_dma source(%dma_start3A_422 : memref<1024xf32, #tpu.memory_space<hbm>>) target(%dma_start3A_419 : memref<1024xf32, #tpu.memory_space<vmem>>) target_semaphore(%arg15 : memref<!tpu.dma_semaphore, #tpu.memory_space<semaphore_mem>>)
    %add3A_423 = arith.constant 17 : i32
    %add3A_424 = arith.addi %min3A_3, %add3A_423 : i32
    %dma_start3A_425 = arith.constant 17408 : i32
    %dma_start3A_426 = tpu.memref_slice %arg8[%dma_start3A_425] : memref<32768xf32, #tpu.memory_space<vmem>> -> memref<1024xf32, #tpu.memory_space<vmem>>
    %dma_start3A_427 = arith.constant 0 : i32
    %dma_start3A_428 = tpu.memref_slice %arg3[%add3A_424, %dma_start3A_427] : memref<1000x1024xf32, #tpu.memory_space<hbm>> -> memref<1x1024xf32, #tpu.memory_space<hbm>>
    %dma_start3A_429 = tpu.memref_squeeze %dma_start3A_428 : memref<1x1024xf32, #tpu.memory_space<hbm>> -> memref<1024xf32, #tpu.memory_space<hbm>>
    %dma_start3A_430 = arith.constant 17408 : i32
    %dma_start3A_431 = tpu.memref_slice %arg8[%dma_start3A_430] : memref<32768xf32, #tpu.memory_space<vmem>> -> memref<1024xf32, #tpu.memory_space<vmem>>
    %dma_start3A_432 = arith.constant 0 : i32
    %dma_start3A_433 = tpu.memref_slice %arg3[%add3A_424, %dma_start3A_432] : memref<1000x1024xf32, #tpu.memory_space<hbm>> -> memref<1x1024xf32, #tpu.memory_space<hbm>>
    %dma_start3A_434 = tpu.memref_squeeze %dma_start3A_433 : memref<1x1024xf32, #tpu.memory_space<hbm>> -> memref<1024xf32, #tpu.memory_space<hbm>>
    tpu.enqueue_dma source(%dma_start3A_434 : memref<1024xf32, #tpu.memory_space<hbm>>) target(%dma_start3A_431 : memref<1024xf32, #tpu.memory_space<vmem>>) target_semaphore(%arg15 : memref<!tpu.dma_semaphore, #tpu.memory_space<semaphore_mem>>)
    %add3A_435 = arith.constant 18 : i32
    %add3A_436 = arith.addi %min3A_3, %add3A_435 : i32
    %dma_start3A_437 = arith.constant 18432 : i32
    %dma_start3A_438 = tpu.memref_slice %arg7[%dma_start3A_437] : memref<32768xf32, #tpu.memory_space<vmem>> -> memref<1024xf32, #tpu.memory_space<vmem>>
    %dma_start3A_439 = arith.constant 0 : i32
    %dma_start3A_440 = tpu.memref_slice %arg2[%add3A_436, %dma_start3A_439] : memref<1000x1024xf32, #tpu.memory_space<hbm>> -> memref<1x1024xf32, #tpu.memory_space<hbm>>
    %dma_start3A_441 = tpu.memref_squeeze %dma_start3A_440 : memref<1x1024xf32, #tpu.memory_space<hbm>> -> memref<1024xf32, #tpu.memory_space<hbm>>
    %dma_start3A_442 = arith.constant 18432 : i32
    %dma_start3A_443 = tpu.memref_slice %arg7[%dma_start3A_442] : memref<32768xf32, #tpu.memory_space<vmem>> -> memref<1024xf32, #tpu.memory_space<vmem>>
    %dma_start3A_444 = arith.constant 0 : i32
    %dma_start3A_445 = tpu.memref_slice %arg2[%add3A_436, %dma_start3A_444] : memref<1000x1024xf32, #tpu.memory_space<hbm>> -> memref<1x1024xf32, #tpu.memory_space<hbm>>
    %dma_start3A_446 = tpu.memref_squeeze %dma_start3A_445 : memref<1x1024xf32, #tpu.memory_space<hbm>> -> memref<1024xf32, #tpu.memory_space<hbm>>
    tpu.enqueue_dma source(%dma_start3A_446 : memref<1024xf32, #tpu.memory_space<hbm>>) target(%dma_start3A_443 : memref<1024xf32, #tpu.memory_space<vmem>>) target_semaphore(%arg15 : memref<!tpu.dma_semaphore, #tpu.memory_space<semaphore_mem>>)
    %add3A_447 = arith.constant 18 : i32
    %add3A_448 = arith.addi %min3A_3, %add3A_447 : i32
    %dma_start3A_449 = arith.constant 18432 : i32
    %dma_start3A_450 = tpu.memref_slice %arg8[%dma_start3A_449] : memref<32768xf32, #tpu.memory_space<vmem>> -> memref<1024xf32, #tpu.memory_space<vmem>>
    %dma_start3A_451 = arith.constant 0 : i32
    %dma_start3A_452 = tpu.memref_slice %arg3[%add3A_448, %dma_start3A_451] : memref<1000x1024xf32, #tpu.memory_space<hbm>> -> memref<1x1024xf32, #tpu.memory_space<hbm>>
    %dma_start3A_453 = tpu.memref_squeeze %dma_start3A_452 : memref<1x1024xf32, #tpu.memory_space<hbm>> -> memref<1024xf32, #tpu.memory_space<hbm>>
    %dma_start3A_454 = arith.constant 18432 : i32
    %dma_start3A_455 = tpu.memref_slice %arg8[%dma_start3A_454] : memref<32768xf32, #tpu.memory_space<vmem>> -> memref<1024xf32, #tpu.memory_space<vmem>>
    %dma_start3A_456 = arith.constant 0 : i32
    %dma_start3A_457 = tpu.memref_slice %arg3[%add3A_448, %dma_start3A_456] : memref<1000x1024xf32, #tpu.memory_space<hbm>> -> memref<1x1024xf32, #tpu.memory_space<hbm>>
    %dma_start3A_458 = tpu.memref_squeeze %dma_start3A_457 : memref<1x1024xf32, #tpu.memory_space<hbm>> -> memref<1024xf32, #tpu.memory_space<hbm>>
    tpu.enqueue_dma source(%dma_start3A_458 : memref<1024xf32, #tpu.memory_space<hbm>>) target(%dma_start3A_455 : memref<1024xf32, #tpu.memory_space<vmem>>) target_semaphore(%arg15 : memref<!tpu.dma_semaphore, #tpu.memory_space<semaphore_mem>>)
    %add3A_459 = arith.constant 19 : i32
    %add3A_460 = arith.addi %min3A_3, %add3A_459 : i32
    %dma_start3A_461 = arith.constant 19456 : i32
    %dma_start3A_462 = tpu.memref_slice %arg7[%dma_start3A_461] : memref<32768xf32, #tpu.memory_space<vmem>> -> memref<1024xf32, #tpu.memory_space<vmem>>
    %dma_start3A_463 = arith.constant 0 : i32
    %dma_start3A_464 = tpu.memref_slice %arg2[%add3A_460, %dma_start3A_463] : memref<1000x1024xf32, #tpu.memory_space<hbm>> -> memref<1x1024xf32, #tpu.memory_space<hbm>>
    %dma_start3A_465 = tpu.memref_squeeze %dma_start3A_464 : memref<1x1024xf32, #tpu.memory_space<hbm>> -> memref<1024xf32, #tpu.memory_space<hbm>>
    %dma_start3A_466 = arith.constant 19456 : i32
    %dma_start3A_467 = tpu.memref_slice %arg7[%dma_start3A_466] : memref<32768xf32, #tpu.memory_space<vmem>> -> memref<1024xf32, #tpu.memory_space<vmem>>
    %dma_start3A_468 = arith.constant 0 : i32
    %dma_start3A_469 = tpu.memref_slice %arg2[%add3A_460, %dma_start3A_468] : memref<1000x1024xf32, #tpu.memory_space<hbm>> -> memref<1x1024xf32, #tpu.memory_space<hbm>>
    %dma_start3A_470 = tpu.memref_squeeze %dma_start3A_469 : memref<1x1024xf32, #tpu.memory_space<hbm>> -> memref<1024xf32, #tpu.memory_space<hbm>>
    tpu.enqueue_dma source(%dma_start3A_470 : memref<1024xf32, #tpu.memory_space<hbm>>) target(%dma_start3A_467 : memref<1024xf32, #tpu.memory_space<vmem>>) target_semaphore(%arg15 : memref<!tpu.dma_semaphore, #tpu.memory_space<semaphore_mem>>)
    %add3A_471 = arith.constant 19 : i32
    %add3A_472 = arith.addi %min3A_3, %add3A_471 : i32
    %dma_start3A_473 = arith.constant 19456 : i32
    %dma_start3A_474 = tpu.memref_slice %arg8[%dma_start3A_473] : memref<32768xf32, #tpu.memory_space<vmem>> -> memref<1024xf32, #tpu.memory_space<vmem>>
    %dma_start3A_475 = arith.constant 0 : i32
    %dma_start3A_476 = tpu.memref_slice %arg3[%add3A_472, %dma_start3A_475] : memref<1000x1024xf32, #tpu.memory_space<hbm>> -> memref<1x1024xf32, #tpu.memory_space<hbm>>
    %dma_start3A_477 = tpu.memref_squeeze %dma_start3A_476 : memref<1x1024xf32, #tpu.memory_space<hbm>> -> memref<1024xf32, #tpu.memory_space<hbm>>
    %dma_start3A_478 = arith.constant 19456 : i32
    %dma_start3A_479 = tpu.memref_slice %arg8[%dma_start3A_478] : memref<32768xf32, #tpu.memory_space<vmem>> -> memref<1024xf32, #tpu.memory_space<vmem>>
    %dma_start3A_480 = arith.constant 0 : i32
    %dma_start3A_481 = tpu.memref_slice %arg3[%add3A_472, %dma_start3A_480] : memref<1000x1024xf32, #tpu.memory_space<hbm>> -> memref<1x1024xf32, #tpu.memory_space<hbm>>
    %dma_start3A_482 = tpu.memref_squeeze %dma_start3A_481 : memref<1x1024xf32, #tpu.memory_space<hbm>> -> memref<1024xf32, #tpu.memory_space<hbm>>
    tpu.enqueue_dma source(%dma_start3A_482 : memref<1024xf32, #tpu.memory_space<hbm>>) target(%dma_start3A_479 : memref<1024xf32, #tpu.memory_space<vmem>>) target_semaphore(%arg15 : memref<!tpu.dma_semaphore, #tpu.memory_space<semaphore_mem>>)
    %add3A_483 = arith.constant 20 : i32
    %add3A_484 = arith.addi %min3A_3, %add3A_483 : i32
    %dma_start3A_485 = arith.constant 20480 : i32
    %dma_start3A_486 = tpu.memref_slice %arg7[%dma_start3A_485] : memref<32768xf32, #tpu.memory_space<vmem>> -> memref<1024xf32, #tpu.memory_space<vmem>>
    %dma_start3A_487 = arith.constant 0 : i32
    %dma_start3A_488 = tpu.memref_slice %arg2[%add3A_484, %dma_start3A_487] : memref<1000x1024xf32, #tpu.memory_space<hbm>> -> memref<1x1024xf32, #tpu.memory_space<hbm>>
    %dma_start3A_489 = tpu.memref_squeeze %dma_start3A_488 : memref<1x1024xf32, #tpu.memory_space<hbm>> -> memref<1024xf32, #tpu.memory_space<hbm>>
    %dma_start3A_490 = arith.constant 20480 : i32
    %dma_start3A_491 = tpu.memref_slice %arg7[%dma_start3A_490] : memref<32768xf32, #tpu.memory_space<vmem>> -> memref<1024xf32, #tpu.memory_space<vmem>>
    %dma_start3A_492 = arith.constant 0 : i32
    %dma_start3A_493 = tpu.memref_slice %arg2[%add3A_484, %dma_start3A_492] : memref<1000x1024xf32, #tpu.memory_space<hbm>> -> memref<1x1024xf32, #tpu.memory_space<hbm>>
    %dma_start3A_494 = tpu.memref_squeeze %dma_start3A_493 : memref<1x1024xf32, #tpu.memory_space<hbm>> -> memref<1024xf32, #tpu.memory_space<hbm>>
    tpu.enqueue_dma source(%dma_start3A_494 : memref<1024xf32, #tpu.memory_space<hbm>>) target(%dma_start3A_491 : memref<1024xf32, #tpu.memory_space<vmem>>) target_semaphore(%arg15 : memref<!tpu.dma_semaphore, #tpu.memory_space<semaphore_mem>>)
    %add3A_495 = arith.constant 20 : i32
    %add3A_496 = arith.addi %min3A_3, %add3A_495 : i32
    %dma_start3A_497 = arith.constant 20480 : i32
    %dma_start3A_498 = tpu.memref_slice %arg8[%dma_start3A_497] : memref<32768xf32, #tpu.memory_space<vmem>> -> memref<1024xf32, #tpu.memory_space<vmem>>
    %dma_start3A_499 = arith.constant 0 : i32
    %dma_start3A_500 = tpu.memref_slice %arg3[%add3A_496, %dma_start3A_499] : memref<1000x1024xf32, #tpu.memory_space<hbm>> -> memref<1x1024xf32, #tpu.memory_space<hbm>>
    %dma_start3A_501 = tpu.memref_squeeze %dma_start3A_500 : memref<1x1024xf32, #tpu.memory_space<hbm>> -> memref<1024xf32, #tpu.memory_space<hbm>>
    %dma_start3A_502 = arith.constant 20480 : i32
    %dma_start3A_503 = tpu.memref_slice %arg8[%dma_start3A_502] : memref<32768xf32, #tpu.memory_space<vmem>> -> memref<1024xf32, #tpu.memory_space<vmem>>
    %dma_start3A_504 = arith.constant 0 : i32
    %dma_start3A_505 = tpu.memref_slice %arg3[%add3A_496, %dma_start3A_504] : memref<1000x1024xf32, #tpu.memory_space<hbm>> -> memref<1x1024xf32, #tpu.memory_space<hbm>>
    %dma_start3A_506 = tpu.memref_squeeze %dma_start3A_505 : memref<1x1024xf32, #tpu.memory_space<hbm>> -> memref<1024xf32, #tpu.memory_space<hbm>>
    tpu.enqueue_dma source(%dma_start3A_506 : memref<1024xf32, #tpu.memory_space<hbm>>) target(%dma_start3A_503 : memref<1024xf32, #tpu.memory_space<vmem>>) target_semaphore(%arg15 : memref<!tpu.dma_semaphore, #tpu.memory_space<semaphore_mem>>)
    %add3A_507 = arith.constant 21 : i32
    %add3A_508 = arith.addi %min3A_3, %add3A_507 : i32
    %dma_start3A_509 = arith.constant 21504 : i32
    %dma_start3A_510 = tpu.memref_slice %arg7[%dma_start3A_509] : memref<32768xf32, #tpu.memory_space<vmem>> -> memref<1024xf32, #tpu.memory_space<vmem>>
    %dma_start3A_511 = arith.constant 0 : i32
    %dma_start3A_512 = tpu.memref_slice %arg2[%add3A_508, %dma_start3A_511] : memref<1000x1024xf32, #tpu.memory_space<hbm>> -> memref<1x1024xf32, #tpu.memory_space<hbm>>
    %dma_start3A_513 = tpu.memref_squeeze %dma_start3A_512 : memref<1x1024xf32, #tpu.memory_space<hbm>> -> memref<1024xf32, #tpu.memory_space<hbm>>
    %dma_start3A_514 = arith.constant 21504 : i32
    %dma_start3A_515 = tpu.memref_slice %arg7[%dma_start3A_514] : memref<32768xf32, #tpu.memory_space<vmem>> -> memref<1024xf32, #tpu.memory_space<vmem>>
    %dma_start3A_516 = arith.constant 0 : i32
    %dma_start3A_517 = tpu.memref_slice %arg2[%add3A_508, %dma_start3A_516] : memref<1000x1024xf32, #tpu.memory_space<hbm>> -> memref<1x1024xf32, #tpu.memory_space<hbm>>
    %dma_start3A_518 = tpu.memref_squeeze %dma_start3A_517 : memref<1x1024xf32, #tpu.memory_space<hbm>> -> memref<1024xf32, #tpu.memory_space<hbm>>
    tpu.enqueue_dma source(%dma_start3A_518 : memref<1024xf32, #tpu.memory_space<hbm>>) target(%dma_start3A_515 : memref<1024xf32, #tpu.memory_space<vmem>>) target_semaphore(%arg15 : memref<!tpu.dma_semaphore, #tpu.memory_space<semaphore_mem>>)
    %add3A_519 = arith.constant 21 : i32
    %add3A_520 = arith.addi %min3A_3, %add3A_519 : i32
    %dma_start3A_521 = arith.constant 21504 : i32
    %dma_start3A_522 = tpu.memref_slice %arg8[%dma_start3A_521] : memref<32768xf32, #tpu.memory_space<vmem>> -> memref<1024xf32, #tpu.memory_space<vmem>>
    %dma_start3A_523 = arith.constant 0 : i32
    %dma_start3A_524 = tpu.memref_slice %arg3[%add3A_520, %dma_start3A_523] : memref<1000x1024xf32, #tpu.memory_space<hbm>> -> memref<1x1024xf32, #tpu.memory_space<hbm>>
    %dma_start3A_525 = tpu.memref_squeeze %dma_start3A_524 : memref<1x1024xf32, #tpu.memory_space<hbm>> -> memref<1024xf32, #tpu.memory_space<hbm>>
    %dma_start3A_526 = arith.constant 21504 : i32
    %dma_start3A_527 = tpu.memref_slice %arg8[%dma_start3A_526] : memref<32768xf32, #tpu.memory_space<vmem>> -> memref<1024xf32, #tpu.memory_space<vmem>>
    %dma_start3A_528 = arith.constant 0 : i32
    %dma_start3A_529 = tpu.memref_slice %arg3[%add3A_520, %dma_start3A_528] : memref<1000x1024xf32, #tpu.memory_space<hbm>> -> memref<1x1024xf32, #tpu.memory_space<hbm>>
    %dma_start3A_530 = tpu.memref_squeeze %dma_start3A_529 : memref<1x1024xf32, #tpu.memory_space<hbm>> -> memref<1024xf32, #tpu.memory_space<hbm>>
    tpu.enqueue_dma source(%dma_start3A_530 : memref<1024xf32, #tpu.memory_space<hbm>>) target(%dma_start3A_527 : memref<1024xf32, #tpu.memory_space<vmem>>) target_semaphore(%arg15 : memref<!tpu.dma_semaphore, #tpu.memory_space<semaphore_mem>>)
    %add3A_531 = arith.constant 22 : i32
    %add3A_532 = arith.addi %min3A_3, %add3A_531 : i32
    %dma_start3A_533 = arith.constant 22528 : i32
    %dma_start3A_534 = tpu.memref_slice %arg7[%dma_start3A_533] : memref<32768xf32, #tpu.memory_space<vmem>> -> memref<1024xf32, #tpu.memory_space<vmem>>
    %dma_start3A_535 = arith.constant 0 : i32
    %dma_start3A_536 = tpu.memref_slice %arg2[%add3A_532, %dma_start3A_535] : memref<1000x1024xf32, #tpu.memory_space<hbm>> -> memref<1x1024xf32, #tpu.memory_space<hbm>>
    %dma_start3A_537 = tpu.memref_squeeze %dma_start3A_536 : memref<1x1024xf32, #tpu.memory_space<hbm>> -> memref<1024xf32, #tpu.memory_space<hbm>>
    %dma_start3A_538 = arith.constant 22528 : i32
    %dma_start3A_539 = tpu.memref_slice %arg7[%dma_start3A_538] : memref<32768xf32, #tpu.memory_space<vmem>> -> memref<1024xf32, #tpu.memory_space<vmem>>
    %dma_start3A_540 = arith.constant 0 : i32
    %dma_start3A_541 = tpu.memref_slice %arg2[%add3A_532, %dma_start3A_540] : memref<1000x1024xf32, #tpu.memory_space<hbm>> -> memref<1x1024xf32, #tpu.memory_space<hbm>>
    %dma_start3A_542 = tpu.memref_squeeze %dma_start3A_541 : memref<1x1024xf32, #tpu.memory_space<hbm>> -> memref<1024xf32, #tpu.memory_space<hbm>>
    tpu.enqueue_dma source(%dma_start3A_542 : memref<1024xf32, #tpu.memory_space<hbm>>) target(%dma_start3A_539 : memref<1024xf32, #tpu.memory_space<vmem>>) target_semaphore(%arg15 : memref<!tpu.dma_semaphore, #tpu.memory_space<semaphore_mem>>)
    %add3A_543 = arith.constant 22 : i32
    %add3A_544 = arith.addi %min3A_3, %add3A_543 : i32
    %dma_start3A_545 = arith.constant 22528 : i32
    %dma_start3A_546 = tpu.memref_slice %arg8[%dma_start3A_545] : memref<32768xf32, #tpu.memory_space<vmem>> -> memref<1024xf32, #tpu.memory_space<vmem>>
    %dma_start3A_547 = arith.constant 0 : i32
    %dma_start3A_548 = tpu.memref_slice %arg3[%add3A_544, %dma_start3A_547] : memref<1000x1024xf32, #tpu.memory_space<hbm>> -> memref<1x1024xf32, #tpu.memory_space<hbm>>
    %dma_start3A_549 = tpu.memref_squeeze %dma_start3A_548 : memref<1x1024xf32, #tpu.memory_space<hbm>> -> memref<1024xf32, #tpu.memory_space<hbm>>
    %dma_start3A_550 = arith.constant 22528 : i32
    %dma_start3A_551 = tpu.memref_slice %arg8[%dma_start3A_550] : memref<32768xf32, #tpu.memory_space<vmem>> -> memref<1024xf32, #tpu.memory_space<vmem>>
    %dma_start3A_552 = arith.constant 0 : i32
    %dma_start3A_553 = tpu.memref_slice %arg3[%add3A_544, %dma_start3A_552] : memref<1000x1024xf32, #tpu.memory_space<hbm>> -> memref<1x1024xf32, #tpu.memory_space<hbm>>
    %dma_start3A_554 = tpu.memref_squeeze %dma_start3A_553 : memref<1x1024xf32, #tpu.memory_space<hbm>> -> memref<1024xf32, #tpu.memory_space<hbm>>
    tpu.enqueue_dma source(%dma_start3A_554 : memref<1024xf32, #tpu.memory_space<hbm>>) target(%dma_start3A_551 : memref<1024xf32, #tpu.memory_space<vmem>>) target_semaphore(%arg15 : memref<!tpu.dma_semaphore, #tpu.memory_space<semaphore_mem>>)
    %add3A_555 = arith.constant 23 : i32
    %add3A_556 = arith.addi %min3A_3, %add3A_555 : i32
    %dma_start3A_557 = arith.constant 23552 : i32
    %dma_start3A_558 = tpu.memref_slice %arg7[%dma_start3A_557] : memref<32768xf32, #tpu.memory_space<vmem>> -> memref<1024xf32, #tpu.memory_space<vmem>>
    %dma_start3A_559 = arith.constant 0 : i32
    %dma_start3A_560 = tpu.memref_slice %arg2[%add3A_556, %dma_start3A_559] : memref<1000x1024xf32, #tpu.memory_space<hbm>> -> memref<1x1024xf32, #tpu.memory_space<hbm>>
    %dma_start3A_561 = tpu.memref_squeeze %dma_start3A_560 : memref<1x1024xf32, #tpu.memory_space<hbm>> -> memref<1024xf32, #tpu.memory_space<hbm>>
    %dma_start3A_562 = arith.constant 23552 : i32
    %dma_start3A_563 = tpu.memref_slice %arg7[%dma_start3A_562] : memref<32768xf32, #tpu.memory_space<vmem>> -> memref<1024xf32, #tpu.memory_space<vmem>>
    %dma_start3A_564 = arith.constant 0 : i32
    %dma_start3A_565 = tpu.memref_slice %arg2[%add3A_556, %dma_start3A_564] : memref<1000x1024xf32, #tpu.memory_space<hbm>> -> memref<1x1024xf32, #tpu.memory_space<hbm>>
    %dma_start3A_566 = tpu.memref_squeeze %dma_start3A_565 : memref<1x1024xf32, #tpu.memory_space<hbm>> -> memref<1024xf32, #tpu.memory_space<hbm>>
    tpu.enqueue_dma source(%dma_start3A_566 : memref<1024xf32, #tpu.memory_space<hbm>>) target(%dma_start3A_563 : memref<1024xf32, #tpu.memory_space<vmem>>) target_semaphore(%arg15 : memref<!tpu.dma_semaphore, #tpu.memory_space<semaphore_mem>>)
    %add3A_567 = arith.constant 23 : i32
    %add3A_568 = arith.addi %min3A_3, %add3A_567 : i32
    %dma_start3A_569 = arith.constant 23552 : i32
    %dma_start3A_570 = tpu.memref_slice %arg8[%dma_start3A_569] : memref<32768xf32, #tpu.memory_space<vmem>> -> memref<1024xf32, #tpu.memory_space<vmem>>
    %dma_start3A_571 = arith.constant 0 : i32
    %dma_start3A_572 = tpu.memref_slice %arg3[%add3A_568, %dma_start3A_571] : memref<1000x1024xf32, #tpu.memory_space<hbm>> -> memref<1x1024xf32, #tpu.memory_space<hbm>>
    %dma_start3A_573 = tpu.memref_squeeze %dma_start3A_572 : memref<1x1024xf32, #tpu.memory_space<hbm>> -> memref<1024xf32, #tpu.memory_space<hbm>>
    %dma_start3A_574 = arith.constant 23552 : i32
    %dma_start3A_575 = tpu.memref_slice %arg8[%dma_start3A_574] : memref<32768xf32, #tpu.memory_space<vmem>> -> memref<1024xf32, #tpu.memory_space<vmem>>
    %dma_start3A_576 = arith.constant 0 : i32
    %dma_start3A_577 = tpu.memref_slice %arg3[%add3A_568, %dma_start3A_576] : memref<1000x1024xf32, #tpu.memory_space<hbm>> -> memref<1x1024xf32, #tpu.memory_space<hbm>>
    %dma_start3A_578 = tpu.memref_squeeze %dma_start3A_577 : memref<1x1024xf32, #tpu.memory_space<hbm>> -> memref<1024xf32, #tpu.memory_space<hbm>>
    tpu.enqueue_dma source(%dma_start3A_578 : memref<1024xf32, #tpu.memory_space<hbm>>) target(%dma_start3A_575 : memref<1024xf32, #tpu.memory_space<vmem>>) target_semaphore(%arg15 : memref<!tpu.dma_semaphore, #tpu.memory_space<semaphore_mem>>)
    %add3A_579 = arith.constant 24 : i32
    %add3A_580 = arith.addi %min3A_3, %add3A_579 : i32
    %dma_start3A_581 = arith.constant 24576 : i32
    %dma_start3A_582 = tpu.memref_slice %arg7[%dma_start3A_581] : memref<32768xf32, #tpu.memory_space<vmem>> -> memref<1024xf32, #tpu.memory_space<vmem>>
    %dma_start3A_583 = arith.constant 0 : i32
    %dma_start3A_584 = tpu.memref_slice %arg2[%add3A_580, %dma_start3A_583] : memref<1000x1024xf32, #tpu.memory_space<hbm>> -> memref<1x1024xf32, #tpu.memory_space<hbm>>
    %dma_start3A_585 = tpu.memref_squeeze %dma_start3A_584 : memref<1x1024xf32, #tpu.memory_space<hbm>> -> memref<1024xf32, #tpu.memory_space<hbm>>
    %dma_start3A_586 = arith.constant 24576 : i32
    %dma_start3A_587 = tpu.memref_slice %arg7[%dma_start3A_586] : memref<32768xf32, #tpu.memory_space<vmem>> -> memref<1024xf32, #tpu.memory_space<vmem>>
    %dma_start3A_588 = arith.constant 0 : i32
    %dma_start3A_589 = tpu.memref_slice %arg2[%add3A_580, %dma_start3A_588] : memref<1000x1024xf32, #tpu.memory_space<hbm>> -> memref<1x1024xf32, #tpu.memory_space<hbm>>
    %dma_start3A_590 = tpu.memref_squeeze %dma_start3A_589 : memref<1x1024xf32, #tpu.memory_space<hbm>> -> memref<1024xf32, #tpu.memory_space<hbm>>
    tpu.enqueue_dma source(%dma_start3A_590 : memref<1024xf32, #tpu.memory_space<hbm>>) target(%dma_start3A_587 : memref<1024xf32, #tpu.memory_space<vmem>>) target_semaphore(%arg15 : memref<!tpu.dma_semaphore, #tpu.memory_space<semaphore_mem>>)
    %add3A_591 = arith.constant 24 : i32
    %add3A_592 = arith.addi %min3A_3, %add3A_591 : i32
    %dma_start3A_593 = arith.constant 24576 : i32
    %dma_start3A_594 = tpu.memref_slice %arg8[%dma_start3A_593] : memref<32768xf32, #tpu.memory_space<vmem>> -> memref<1024xf32, #tpu.memory_space<vmem>>
    %dma_start3A_595 = arith.constant 0 : i32
    %dma_start3A_596 = tpu.memref_slice %arg3[%add3A_592, %dma_start3A_595] : memref<1000x1024xf32, #tpu.memory_space<hbm>> -> memref<1x1024xf32, #tpu.memory_space<hbm>>
    %dma_start3A_597 = tpu.memref_squeeze %dma_start3A_596 : memref<1x1024xf32, #tpu.memory_space<hbm>> -> memref<1024xf32, #tpu.memory_space<hbm>>
    %dma_start3A_598 = arith.constant 24576 : i32
    %dma_start3A_599 = tpu.memref_slice %arg8[%dma_start3A_598] : memref<32768xf32, #tpu.memory_space<vmem>> -> memref<1024xf32, #tpu.memory_space<vmem>>
    %dma_start3A_600 = arith.constant 0 : i32
    %dma_start3A_601 = tpu.memref_slice %arg3[%add3A_592, %dma_start3A_600] : memref<1000x1024xf32, #tpu.memory_space<hbm>> -> memref<1x1024xf32, #tpu.memory_space<hbm>>
    %dma_start3A_602 = tpu.memref_squeeze %dma_start3A_601 : memref<1x1024xf32, #tpu.memory_space<hbm>> -> memref<1024xf32, #tpu.memory_space<hbm>>
    tpu.enqueue_dma source(%dma_start3A_602 : memref<1024xf32, #tpu.memory_space<hbm>>) target(%dma_start3A_599 : memref<1024xf32, #tpu.memory_space<vmem>>) target_semaphore(%arg15 : memref<!tpu.dma_semaphore, #tpu.memory_space<semaphore_mem>>)
    %add3A_603 = arith.constant 25 : i32
    %add3A_604 = arith.addi %min3A_3, %add3A_603 : i32
    %dma_start3A_605 = arith.constant 25600 : i32
    %dma_start3A_606 = tpu.memref_slice %arg7[%dma_start3A_605] : memref<32768xf32, #tpu.memory_space<vmem>> -> memref<1024xf32, #tpu.memory_space<vmem>>
    %dma_start3A_607 = arith.constant 0 : i32
    %dma_start3A_608 = tpu.memref_slice %arg2[%add3A_604, %dma_start3A_607] : memref<1000x1024xf32, #tpu.memory_space<hbm>> -> memref<1x1024xf32, #tpu.memory_space<hbm>>
    %dma_start3A_609 = tpu.memref_squeeze %dma_start3A_608 : memref<1x1024xf32, #tpu.memory_space<hbm>> -> memref<1024xf32, #tpu.memory_space<hbm>>
    %dma_start3A_610 = arith.constant 25600 : i32
    %dma_start3A_611 = tpu.memref_slice %arg7[%dma_start3A_610] : memref<32768xf32, #tpu.memory_space<vmem>> -> memref<1024xf32, #tpu.memory_space<vmem>>
    %dma_start3A_612 = arith.constant 0 : i32
    %dma_start3A_613 = tpu.memref_slice %arg2[%add3A_604, %dma_start3A_612] : memref<1000x1024xf32, #tpu.memory_space<hbm>> -> memref<1x1024xf32, #tpu.memory_space<hbm>>
    %dma_start3A_614 = tpu.memref_squeeze %dma_start3A_613 : memref<1x1024xf32, #tpu.memory_space<hbm>> -> memref<1024xf32, #tpu.memory_space<hbm>>
    tpu.enqueue_dma source(%dma_start3A_614 : memref<1024xf32, #tpu.memory_space<hbm>>) target(%dma_start3A_611 : memref<1024xf32, #tpu.memory_space<vmem>>) target_semaphore(%arg15 : memref<!tpu.dma_semaphore, #tpu.memory_space<semaphore_mem>>)
    %add3A_615 = arith.constant 25 : i32
    %add3A_616 = arith.addi %min3A_3, %add3A_615 : i32
    %dma_start3A_617 = arith.constant 25600 : i32
    %dma_start3A_618 = tpu.memref_slice %arg8[%dma_start3A_617] : memref<32768xf32, #tpu.memory_space<vmem>> -> memref<1024xf32, #tpu.memory_space<vmem>>
    %dma_start3A_619 = arith.constant 0 : i32
    %dma_start3A_620 = tpu.memref_slice %arg3[%add3A_616, %dma_start3A_619] : memref<1000x1024xf32, #tpu.memory_space<hbm>> -> memref<1x1024xf32, #tpu.memory_space<hbm>>
    %dma_start3A_621 = tpu.memref_squeeze %dma_start3A_620 : memref<1x1024xf32, #tpu.memory_space<hbm>> -> memref<1024xf32, #tpu.memory_space<hbm>>
    %dma_start3A_622 = arith.constant 25600 : i32
    %dma_start3A_623 = tpu.memref_slice %arg8[%dma_start3A_622] : memref<32768xf32, #tpu.memory_space<vmem>> -> memref<1024xf32, #tpu.memory_space<vmem>>
    %dma_start3A_624 = arith.constant 0 : i32
    %dma_start3A_625 = tpu.memref_slice %arg3[%add3A_616, %dma_start3A_624] : memref<1000x1024xf32, #tpu.memory_space<hbm>> -> memref<1x1024xf32, #tpu.memory_space<hbm>>
    %dma_start3A_626 = tpu.memref_squeeze %dma_start3A_625 : memref<1x1024xf32, #tpu.memory_space<hbm>> -> memref<1024xf32, #tpu.memory_space<hbm>>
    tpu.enqueue_dma source(%dma_start3A_626 : memref<1024xf32, #tpu.memory_space<hbm>>) target(%dma_start3A_623 : memref<1024xf32, #tpu.memory_space<vmem>>) target_semaphore(%arg15 : memref<!tpu.dma_semaphore, #tpu.memory_space<semaphore_mem>>)
    %add3A_627 = arith.constant 26 : i32
    %add3A_628 = arith.addi %min3A_3, %add3A_627 : i32
    %dma_start3A_629 = arith.constant 26624 : i32
    %dma_start3A_630 = tpu.memref_slice %arg7[%dma_start3A_629] : memref<32768xf32, #tpu.memory_space<vmem>> -> memref<1024xf32, #tpu.memory_space<vmem>>
    %dma_start3A_631 = arith.constant 0 : i32
    %dma_start3A_632 = tpu.memref_slice %arg2[%add3A_628, %dma_start3A_631] : memref<1000x1024xf32, #tpu.memory_space<hbm>> -> memref<1x1024xf32, #tpu.memory_space<hbm>>
    %dma_start3A_633 = tpu.memref_squeeze %dma_start3A_632 : memref<1x1024xf32, #tpu.memory_space<hbm>> -> memref<1024xf32, #tpu.memory_space<hbm>>
    %dma_start3A_634 = arith.constant 26624 : i32
    %dma_start3A_635 = tpu.memref_slice %arg7[%dma_start3A_634] : memref<32768xf32, #tpu.memory_space<vmem>> -> memref<1024xf32, #tpu.memory_space<vmem>>
    %dma_start3A_636 = arith.constant 0 : i32
    %dma_start3A_637 = tpu.memref_slice %arg2[%add3A_628, %dma_start3A_636] : memref<1000x1024xf32, #tpu.memory_space<hbm>> -> memref<1x1024xf32, #tpu.memory_space<hbm>>
    %dma_start3A_638 = tpu.memref_squeeze %dma_start3A_637 : memref<1x1024xf32, #tpu.memory_space<hbm>> -> memref<1024xf32, #tpu.memory_space<hbm>>
    tpu.enqueue_dma source(%dma_start3A_638 : memref<1024xf32, #tpu.memory_space<hbm>>) target(%dma_start3A_635 : memref<1024xf32, #tpu.memory_space<vmem>>) target_semaphore(%arg15 : memref<!tpu.dma_semaphore, #tpu.memory_space<semaphore_mem>>)
    %add3A_639 = arith.constant 26 : i32
    %add3A_640 = arith.addi %min3A_3, %add3A_639 : i32
    %dma_start3A_641 = arith.constant 26624 : i32
    %dma_start3A_642 = tpu.memref_slice %arg8[%dma_start3A_641] : memref<32768xf32, #tpu.memory_space<vmem>> -> memref<1024xf32, #tpu.memory_space<vmem>>
    %dma_start3A_643 = arith.constant 0 : i32
    %dma_start3A_644 = tpu.memref_slice %arg3[%add3A_640, %dma_start3A_643] : memref<1000x1024xf32, #tpu.memory_space<hbm>> -> memref<1x1024xf32, #tpu.memory_space<hbm>>
    %dma_start3A_645 = tpu.memref_squeeze %dma_start3A_644 : memref<1x1024xf32, #tpu.memory_space<hbm>> -> memref<1024xf32, #tpu.memory_space<hbm>>
    %dma_start3A_646 = arith.constant 26624 : i32
    %dma_start3A_647 = tpu.memref_slice %arg8[%dma_start3A_646] : memref<32768xf32, #tpu.memory_space<vmem>> -> memref<1024xf32, #tpu.memory_space<vmem>>
    %dma_start3A_648 = arith.constant 0 : i32
    %dma_start3A_649 = tpu.memref_slice %arg3[%add3A_640, %dma_start3A_648] : memref<1000x1024xf32, #tpu.memory_space<hbm>> -> memref<1x1024xf32, #tpu.memory_space<hbm>>
    %dma_start3A_650 = tpu.memref_squeeze %dma_start3A_649 : memref<1x1024xf32, #tpu.memory_space<hbm>> -> memref<1024xf32, #tpu.memory_space<hbm>>
    tpu.enqueue_dma source(%dma_start3A_650 : memref<1024xf32, #tpu.memory_space<hbm>>) target(%dma_start3A_647 : memref<1024xf32, #tpu.memory_space<vmem>>) target_semaphore(%arg15 : memref<!tpu.dma_semaphore, #tpu.memory_space<semaphore_mem>>)
    %add3A_651 = arith.constant 27 : i32
    %add3A_652 = arith.addi %min3A_3, %add3A_651 : i32
    %dma_start3A_653 = arith.constant 27648 : i32
    %dma_start3A_654 = tpu.memref_slice %arg7[%dma_start3A_653] : memref<32768xf32, #tpu.memory_space<vmem>> -> memref<1024xf32, #tpu.memory_space<vmem>>
    %dma_start3A_655 = arith.constant 0 : i32
    %dma_start3A_656 = tpu.memref_slice %arg2[%add3A_652, %dma_start3A_655] : memref<1000x1024xf32, #tpu.memory_space<hbm>> -> memref<1x1024xf32, #tpu.memory_space<hbm>>
    %dma_start3A_657 = tpu.memref_squeeze %dma_start3A_656 : memref<1x1024xf32, #tpu.memory_space<hbm>> -> memref<1024xf32, #tpu.memory_space<hbm>>
    %dma_start3A_658 = arith.constant 27648 : i32
    %dma_start3A_659 = tpu.memref_slice %arg7[%dma_start3A_658] : memref<32768xf32, #tpu.memory_space<vmem>> -> memref<1024xf32, #tpu.memory_space<vmem>>
    %dma_start3A_660 = arith.constant 0 : i32
    %dma_start3A_661 = tpu.memref_slice %arg2[%add3A_652, %dma_start3A_660] : memref<1000x1024xf32, #tpu.memory_space<hbm>> -> memref<1x1024xf32, #tpu.memory_space<hbm>>
    %dma_start3A_662 = tpu.memref_squeeze %dma_start3A_661 : memref<1x1024xf32, #tpu.memory_space<hbm>> -> memref<1024xf32, #tpu.memory_space<hbm>>
    tpu.enqueue_dma source(%dma_start3A_662 : memref<1024xf32, #tpu.memory_space<hbm>>) target(%dma_start3A_659 : memref<1024xf32, #tpu.memory_space<vmem>>) target_semaphore(%arg15 : memref<!tpu.dma_semaphore, #tpu.memory_space<semaphore_mem>>)
    %add3A_663 = arith.constant 27 : i32
    %add3A_664 = arith.addi %min3A_3, %add3A_663 : i32
    %dma_start3A_665 = arith.constant 27648 : i32
    %dma_start3A_666 = tpu.memref_slice %arg8[%dma_start3A_665] : memref<32768xf32, #tpu.memory_space<vmem>> -> memref<1024xf32, #tpu.memory_space<vmem>>
    %dma_start3A_667 = arith.constant 0 : i32
    %dma_start3A_668 = tpu.memref_slice %arg3[%add3A_664, %dma_start3A_667] : memref<1000x1024xf32, #tpu.memory_space<hbm>> -> memref<1x1024xf32, #tpu.memory_space<hbm>>
    %dma_start3A_669 = tpu.memref_squeeze %dma_start3A_668 : memref<1x1024xf32, #tpu.memory_space<hbm>> -> memref<1024xf32, #tpu.memory_space<hbm>>
    %dma_start3A_670 = arith.constant 27648 : i32
    %dma_start3A_671 = tpu.memref_slice %arg8[%dma_start3A_670] : memref<32768xf32, #tpu.memory_space<vmem>> -> memref<1024xf32, #tpu.memory_space<vmem>>
    %dma_start3A_672 = arith.constant 0 : i32
    %dma_start3A_673 = tpu.memref_slice %arg3[%add3A_664, %dma_start3A_672] : memref<1000x1024xf32, #tpu.memory_space<hbm>> -> memref<1x1024xf32, #tpu.memory_space<hbm>>
    %dma_start3A_674 = tpu.memref_squeeze %dma_start3A_673 : memref<1x1024xf32, #tpu.memory_space<hbm>> -> memref<1024xf32, #tpu.memory_space<hbm>>
    tpu.enqueue_dma source(%dma_start3A_674 : memref<1024xf32, #tpu.memory_space<hbm>>) target(%dma_start3A_671 : memref<1024xf32, #tpu.memory_space<vmem>>) target_semaphore(%arg15 : memref<!tpu.dma_semaphore, #tpu.memory_space<semaphore_mem>>)
    %add3A_675 = arith.constant 28 : i32
    %add3A_676 = arith.addi %min3A_3, %add3A_675 : i32
    %dma_start3A_677 = arith.constant 28672 : i32
    %dma_start3A_678 = tpu.memref_slice %arg7[%dma_start3A_677] : memref<32768xf32, #tpu.memory_space<vmem>> -> memref<1024xf32, #tpu.memory_space<vmem>>
    %dma_start3A_679 = arith.constant 0 : i32
    %dma_start3A_680 = tpu.memref_slice %arg2[%add3A_676, %dma_start3A_679] : memref<1000x1024xf32, #tpu.memory_space<hbm>> -> memref<1x1024xf32, #tpu.memory_space<hbm>>
    %dma_start3A_681 = tpu.memref_squeeze %dma_start3A_680 : memref<1x1024xf32, #tpu.memory_space<hbm>> -> memref<1024xf32, #tpu.memory_space<hbm>>
    %dma_start3A_682 = arith.constant 28672 : i32
    %dma_start3A_683 = tpu.memref_slice %arg7[%dma_start3A_682] : memref<32768xf32, #tpu.memory_space<vmem>> -> memref<1024xf32, #tpu.memory_space<vmem>>
    %dma_start3A_684 = arith.constant 0 : i32
    %dma_start3A_685 = tpu.memref_slice %arg2[%add3A_676, %dma_start3A_684] : memref<1000x1024xf32, #tpu.memory_space<hbm>> -> memref<1x1024xf32, #tpu.memory_space<hbm>>
    %dma_start3A_686 = tpu.memref_squeeze %dma_start3A_685 : memref<1x1024xf32, #tpu.memory_space<hbm>> -> memref<1024xf32, #tpu.memory_space<hbm>>
    tpu.enqueue_dma source(%dma_start3A_686 : memref<1024xf32, #tpu.memory_space<hbm>>) target(%dma_start3A_683 : memref<1024xf32, #tpu.memory_space<vmem>>) target_semaphore(%arg15 : memref<!tpu.dma_semaphore, #tpu.memory_space<semaphore_mem>>)
    %add3A_687 = arith.constant 28 : i32
    %add3A_688 = arith.addi %min3A_3, %add3A_687 : i32
    %dma_start3A_689 = arith.constant 28672 : i32
    %dma_start3A_690 = tpu.memref_slice %arg8[%dma_start3A_689] : memref<32768xf32, #tpu.memory_space<vmem>> -> memref<1024xf32, #tpu.memory_space<vmem>>
    %dma_start3A_691 = arith.constant 0 : i32
    %dma_start3A_692 = tpu.memref_slice %arg3[%add3A_688, %dma_start3A_691] : memref<1000x1024xf32, #tpu.memory_space<hbm>> -> memref<1x1024xf32, #tpu.memory_space<hbm>>
    %dma_start3A_693 = tpu.memref_squeeze %dma_start3A_692 : memref<1x1024xf32, #tpu.memory_space<hbm>> -> memref<1024xf32, #tpu.memory_space<hbm>>
    %dma_start3A_694 = arith.constant 28672 : i32
    %dma_start3A_695 = tpu.memref_slice %arg8[%dma_start3A_694] : memref<32768xf32, #tpu.memory_space<vmem>> -> memref<1024xf32, #tpu.memory_space<vmem>>
    %dma_start3A_696 = arith.constant 0 : i32
    %dma_start3A_697 = tpu.memref_slice %arg3[%add3A_688, %dma_start3A_696] : memref<1000x1024xf32, #tpu.memory_space<hbm>> -> memref<1x1024xf32, #tpu.memory_space<hbm>>
    %dma_start3A_698 = tpu.memref_squeeze %dma_start3A_697 : memref<1x1024xf32, #tpu.memory_space<hbm>> -> memref<1024xf32, #tpu.memory_space<hbm>>
    tpu.enqueue_dma source(%dma_start3A_698 : memref<1024xf32, #tpu.memory_space<hbm>>) target(%dma_start3A_695 : memref<1024xf32, #tpu.memory_space<vmem>>) target_semaphore(%arg15 : memref<!tpu.dma_semaphore, #tpu.memory_space<semaphore_mem>>)
    %add3A_699 = arith.constant 29 : i32
    %add3A_700 = arith.addi %min3A_3, %add3A_699 : i32
    %dma_start3A_701 = arith.constant 29696 : i32
    %dma_start3A_702 = tpu.memref_slice %arg7[%dma_start3A_701] : memref<32768xf32, #tpu.memory_space<vmem>> -> memref<1024xf32, #tpu.memory_space<vmem>>
    %dma_start3A_703 = arith.constant 0 : i32
    %dma_start3A_704 = tpu.memref_slice %arg2[%add3A_700, %dma_start3A_703] : memref<1000x1024xf32, #tpu.memory_space<hbm>> -> memref<1x1024xf32, #tpu.memory_space<hbm>>
    %dma_start3A_705 = tpu.memref_squeeze %dma_start3A_704 : memref<1x1024xf32, #tpu.memory_space<hbm>> -> memref<1024xf32, #tpu.memory_space<hbm>>
    %dma_start3A_706 = arith.constant 29696 : i32
    %dma_start3A_707 = tpu.memref_slice %arg7[%dma_start3A_706] : memref<32768xf32, #tpu.memory_space<vmem>> -> memref<1024xf32, #tpu.memory_space<vmem>>
    %dma_start3A_708 = arith.constant 0 : i32
    %dma_start3A_709 = tpu.memref_slice %arg2[%add3A_700, %dma_start3A_708] : memref<1000x1024xf32, #tpu.memory_space<hbm>> -> memref<1x1024xf32, #tpu.memory_space<hbm>>
    %dma_start3A_710 = tpu.memref_squeeze %dma_start3A_709 : memref<1x1024xf32, #tpu.memory_space<hbm>> -> memref<1024xf32, #tpu.memory_space<hbm>>
    tpu.enqueue_dma source(%dma_start3A_710 : memref<1024xf32, #tpu.memory_space<hbm>>) target(%dma_start3A_707 : memref<1024xf32, #tpu.memory_space<vmem>>) target_semaphore(%arg15 : memref<!tpu.dma_semaphore, #tpu.memory_space<semaphore_mem>>)
    %add3A_711 = arith.constant 29 : i32
    %add3A_712 = arith.addi %min3A_3, %add3A_711 : i32
    %dma_start3A_713 = arith.constant 29696 : i32
    %dma_start3A_714 = tpu.memref_slice %arg8[%dma_start3A_713] : memref<32768xf32, #tpu.memory_space<vmem>> -> memref<1024xf32, #tpu.memory_space<vmem>>
    %dma_start3A_715 = arith.constant 0 : i32
    %dma_start3A_716 = tpu.memref_slice %arg3[%add3A_712, %dma_start3A_715] : memref<1000x1024xf32, #tpu.memory_space<hbm>> -> memref<1x1024xf32, #tpu.memory_space<hbm>>
    %dma_start3A_717 = tpu.memref_squeeze %dma_start3A_716 : memref<1x1024xf32, #tpu.memory_space<hbm>> -> memref<1024xf32, #tpu.memory_space<hbm>>
    %dma_start3A_718 = arith.constant 29696 : i32
    %dma_start3A_719 = tpu.memref_slice %arg8[%dma_start3A_718] : memref<32768xf32, #tpu.memory_space<vmem>> -> memref<1024xf32, #tpu.memory_space<vmem>>
    %dma_start3A_720 = arith.constant 0 : i32
    %dma_start3A_721 = tpu.memref_slice %arg3[%add3A_712, %dma_start3A_720] : memref<1000x1024xf32, #tpu.memory_space<hbm>> -> memref<1x1024xf32, #tpu.memory_space<hbm>>
    %dma_start3A_722 = tpu.memref_squeeze %dma_start3A_721 : memref<1x1024xf32, #tpu.memory_space<hbm>> -> memref<1024xf32, #tpu.memory_space<hbm>>
    tpu.enqueue_dma source(%dma_start3A_722 : memref<1024xf32, #tpu.memory_space<hbm>>) target(%dma_start3A_719 : memref<1024xf32, #tpu.memory_space<vmem>>) target_semaphore(%arg15 : memref<!tpu.dma_semaphore, #tpu.memory_space<semaphore_mem>>)
    %add3A_723 = arith.constant 30 : i32
    %add3A_724 = arith.addi %min3A_3, %add3A_723 : i32
    %dma_start3A_725 = arith.constant 30720 : i32
    %dma_start3A_726 = tpu.memref_slice %arg7[%dma_start3A_725] : memref<32768xf32, #tpu.memory_space<vmem>> -> memref<1024xf32, #tpu.memory_space<vmem>>
    %dma_start3A_727 = arith.constant 0 : i32
    %dma_start3A_728 = tpu.memref_slice %arg2[%add3A_724, %dma_start3A_727] : memref<1000x1024xf32, #tpu.memory_space<hbm>> -> memref<1x1024xf32, #tpu.memory_space<hbm>>
    %dma_start3A_729 = tpu.memref_squeeze %dma_start3A_728 : memref<1x1024xf32, #tpu.memory_space<hbm>> -> memref<1024xf32, #tpu.memory_space<hbm>>
    %dma_start3A_730 = arith.constant 30720 : i32
    %dma_start3A_731 = tpu.memref_slice %arg7[%dma_start3A_730] : memref<32768xf32, #tpu.memory_space<vmem>> -> memref<1024xf32, #tpu.memory_space<vmem>>
    %dma_start3A_732 = arith.constant 0 : i32
    %dma_start3A_733 = tpu.memref_slice %arg2[%add3A_724, %dma_start3A_732] : memref<1000x1024xf32, #tpu.memory_space<hbm>> -> memref<1x1024xf32, #tpu.memory_space<hbm>>
    %dma_start3A_734 = tpu.memref_squeeze %dma_start3A_733 : memref<1x1024xf32, #tpu.memory_space<hbm>> -> memref<1024xf32, #tpu.memory_space<hbm>>
    tpu.enqueue_dma source(%dma_start3A_734 : memref<1024xf32, #tpu.memory_space<hbm>>) target(%dma_start3A_731 : memref<1024xf32, #tpu.memory_space<vmem>>) target_semaphore(%arg15 : memref<!tpu.dma_semaphore, #tpu.memory_space<semaphore_mem>>)
    %add3A_735 = arith.constant 30 : i32
    %add3A_736 = arith.addi %min3A_3, %add3A_735 : i32
    %dma_start3A_737 = arith.constant 30720 : i32
    %dma_start3A_738 = tpu.memref_slice %arg8[%dma_start3A_737] : memref<32768xf32, #tpu.memory_space<vmem>> -> memref<1024xf32, #tpu.memory_space<vmem>>
    %dma_start3A_739 = arith.constant 0 : i32
    %dma_start3A_740 = tpu.memref_slice %arg3[%add3A_736, %dma_start3A_739] : memref<1000x1024xf32, #tpu.memory_space<hbm>> -> memref<1x1024xf32, #tpu.memory_space<hbm>>
    %dma_start3A_741 = tpu.memref_squeeze %dma_start3A_740 : memref<1x1024xf32, #tpu.memory_space<hbm>> -> memref<1024xf32, #tpu.memory_space<hbm>>
    %dma_start3A_742 = arith.constant 30720 : i32
    %dma_start3A_743 = tpu.memref_slice %arg8[%dma_start3A_742] : memref<32768xf32, #tpu.memory_space<vmem>> -> memref<1024xf32, #tpu.memory_space<vmem>>
    %dma_start3A_744 = arith.constant 0 : i32
    %dma_start3A_745 = tpu.memref_slice %arg3[%add3A_736, %dma_start3A_744] : memref<1000x1024xf32, #tpu.memory_space<hbm>> -> memref<1x1024xf32, #tpu.memory_space<hbm>>
    %dma_start3A_746 = tpu.memref_squeeze %dma_start3A_745 : memref<1x1024xf32, #tpu.memory_space<hbm>> -> memref<1024xf32, #tpu.memory_space<hbm>>
    tpu.enqueue_dma source(%dma_start3A_746 : memref<1024xf32, #tpu.memory_space<hbm>>) target(%dma_start3A_743 : memref<1024xf32, #tpu.memory_space<vmem>>) target_semaphore(%arg15 : memref<!tpu.dma_semaphore, #tpu.memory_space<semaphore_mem>>)
    %add3A_747 = arith.constant 31 : i32
    %add3A_748 = arith.addi %min3A_3, %add3A_747 : i32
    %dma_start3A_749 = arith.constant 31744 : i32
    %dma_start3A_750 = tpu.memref_slice %arg7[%dma_start3A_749] : memref<32768xf32, #tpu.memory_space<vmem>> -> memref<1024xf32, #tpu.memory_space<vmem>>
    %dma_start3A_751 = arith.constant 0 : i32
    %dma_start3A_752 = tpu.memref_slice %arg2[%add3A_748, %dma_start3A_751] : memref<1000x1024xf32, #tpu.memory_space<hbm>> -> memref<1x1024xf32, #tpu.memory_space<hbm>>
    %dma_start3A_753 = tpu.memref_squeeze %dma_start3A_752 : memref<1x1024xf32, #tpu.memory_space<hbm>> -> memref<1024xf32, #tpu.memory_space<hbm>>
    %dma_start3A_754 = arith.constant 31744 : i32
    %dma_start3A_755 = tpu.memref_slice %arg7[%dma_start3A_754] : memref<32768xf32, #tpu.memory_space<vmem>> -> memref<1024xf32, #tpu.memory_space<vmem>>
    %dma_start3A_756 = arith.constant 0 : i32
    %dma_start3A_757 = tpu.memref_slice %arg2[%add3A_748, %dma_start3A_756] : memref<1000x1024xf32, #tpu.memory_space<hbm>> -> memref<1x1024xf32, #tpu.memory_space<hbm>>
    %dma_start3A_758 = tpu.memref_squeeze %dma_start3A_757 : memref<1x1024xf32, #tpu.memory_space<hbm>> -> memref<1024xf32, #tpu.memory_space<hbm>>
    tpu.enqueue_dma source(%dma_start3A_758 : memref<1024xf32, #tpu.memory_space<hbm>>) target(%dma_start3A_755 : memref<1024xf32, #tpu.memory_space<vmem>>) target_semaphore(%arg15 : memref<!tpu.dma_semaphore, #tpu.memory_space<semaphore_mem>>)
    %add3A_759 = arith.constant 31 : i32
    %add3A_760 = arith.addi %min3A_3, %add3A_759 : i32
    %dma_start3A_761 = arith.constant 31744 : i32
    %dma_start3A_762 = tpu.memref_slice %arg8[%dma_start3A_761] : memref<32768xf32, #tpu.memory_space<vmem>> -> memref<1024xf32, #tpu.memory_space<vmem>>
    %dma_start3A_763 = arith.constant 0 : i32
    %dma_start3A_764 = tpu.memref_slice %arg3[%add3A_760, %dma_start3A_763] : memref<1000x1024xf32, #tpu.memory_space<hbm>> -> memref<1x1024xf32, #tpu.memory_space<hbm>>
    %dma_start3A_765 = tpu.memref_squeeze %dma_start3A_764 : memref<1x1024xf32, #tpu.memory_space<hbm>> -> memref<1024xf32, #tpu.memory_space<hbm>>
    %dma_start3A_766 = arith.constant 31744 : i32
    %dma_start3A_767 = tpu.memref_slice %arg8[%dma_start3A_766] : memref<32768xf32, #tpu.memory_space<vmem>> -> memref<1024xf32, #tpu.memory_space<vmem>>
    %dma_start3A_768 = arith.constant 0 : i32
    %dma_start3A_769 = tpu.memref_slice %arg3[%add3A_760, %dma_start3A_768] : memref<1000x1024xf32, #tpu.memory_space<hbm>> -> memref<1x1024xf32, #tpu.memory_space<hbm>>
    %dma_start3A_770 = tpu.memref_squeeze %dma_start3A_769 : memref<1x1024xf32, #tpu.memory_space<hbm>> -> memref<1024xf32, #tpu.memory_space<hbm>>
    tpu.enqueue_dma source(%dma_start3A_770 : memref<1024xf32, #tpu.memory_space<hbm>>) target(%dma_start3A_767 : memref<1024xf32, #tpu.memory_space<vmem>>) target_semaphore(%arg15 : memref<!tpu.dma_semaphore, #tpu.memory_space<semaphore_mem>>)
    "tpu.region"() ({
      %run_scoped3A = tpu.sem_alloc : memref<!tpu.dma_semaphore, #tpu.memory_space<semaphore_mem>>
      tpu.enqueue_dma source(%arg4 : memref<16384xi32, #tpu.memory_space<hbm>>) target(%arg9 : memref<16384xi32, #tpu.memory_space<vmem>>) target_semaphore(%run_scoped3A : memref<!tpu.dma_semaphore, #tpu.memory_space<semaphore_mem>>)
      tpu.wait_dma2 semaphore(%run_scoped3A : memref<!tpu.dma_semaphore, #tpu.memory_space<semaphore_mem>>) src(%arg4 : memref<16384xi32, #tpu.memory_space<hbm>>) dst(%arg9 : memref<16384xi32, #tpu.memory_space<vmem>>)
      tpu.yield
    }) : () -> ()
    "tpu.region"() ({
      %run_scoped3A = tpu.sem_alloc : memref<!tpu.dma_semaphore, #tpu.memory_space<semaphore_mem>>
      tpu.enqueue_dma source(%arg5 : memref<16384xi32, #tpu.memory_space<hbm>>) target(%arg10 : memref<16384xi32, #tpu.memory_space<vmem>>) target_semaphore(%run_scoped3A : memref<!tpu.dma_semaphore, #tpu.memory_space<semaphore_mem>>)
      tpu.wait_dma2 semaphore(%run_scoped3A : memref<!tpu.dma_semaphore, #tpu.memory_space<semaphore_mem>>) src(%arg5 : memref<16384xi32, #tpu.memory_space<hbm>>) dst(%arg10 : memref<16384xi32, #tpu.memory_space<vmem>>)
      tpu.yield
    }) : () -> ()
    %add3A_771 = arith.constant 0 : i32
    %add3A_772 = arith.addi %min3A_3, %add3A_771 : i32
    %dma_wait3A = arith.constant 0 : i32
    %dma_wait3A_773 = tpu.memref_slice %arg7[%dma_wait3A] : memref<32768xf32, #tpu.memory_space<vmem>> -> memref<1024xf32, #tpu.memory_space<vmem>>
    %dma_wait3A_774 = arith.constant 0 : i32
    %dma_wait3A_775 = tpu.memref_slice %arg2[%add3A_772, %dma_wait3A_774] : memref<1000x1024xf32, #tpu.memory_space<hbm>> -> memref<1x1024xf32, #tpu.memory_space<hbm>>
    %dma_wait3A_776 = tpu.memref_squeeze %dma_wait3A_775 : memref<1x1024xf32, #tpu.memory_space<hbm>> -> memref<1024xf32, #tpu.memory_space<hbm>>
    %dma_wait3A_777 = arith.constant 0 : i32
    %dma_wait3A_778 = tpu.memref_slice %arg7[%dma_wait3A_777] : memref<32768xf32, #tpu.memory_space<vmem>> -> memref<1024xf32, #tpu.memory_space<vmem>>
    %dma_wait3A_779 = arith.constant 0 : i32
    %dma_wait3A_780 = tpu.memref_slice %arg2[%add3A_772, %dma_wait3A_779] : memref<1000x1024xf32, #tpu.memory_space<hbm>> -> memref<1x1024xf32, #tpu.memory_space<hbm>>
    %dma_wait3A_781 = tpu.memref_squeeze %dma_wait3A_780 : memref<1x1024xf32, #tpu.memory_space<hbm>> -> memref<1024xf32, #tpu.memory_space<hbm>>
    tpu.wait_dma2 semaphore(%arg15 : memref<!tpu.dma_semaphore, #tpu.memory_space<semaphore_mem>>) src(%dma_wait3A_781 : memref<1024xf32, #tpu.memory_space<hbm>>) dst(%dma_wait3A_778 : memref<1024xf32, #tpu.memory_space<vmem>>)
    %add3A_782 = arith.constant 0 : i32
    %add3A_783 = arith.addi %min3A_3, %add3A_782 : i32
    %dma_wait3A_784 = arith.constant 0 : i32
    %dma_wait3A_785 = tpu.memref_slice %arg8[%dma_wait3A_784] : memref<32768xf32, #tpu.memory_space<vmem>> -> memref<1024xf32, #tpu.memory_space<vmem>>
    %dma_wait3A_786 = arith.constant 0 : i32
    %dma_wait3A_787 = tpu.memref_slice %arg3[%add3A_783, %dma_wait3A_786] : memref<1000x1024xf32, #tpu.memory_space<hbm>> -> memref<1x1024xf32, #tpu.memory_space<hbm>>
    %dma_wait3A_788 = tpu.memref_squeeze %dma_wait3A_787 : memref<1x1024xf32, #tpu.memory_space<hbm>> -> memref<1024xf32, #tpu.memory_space<hbm>>
    %dma_wait3A_789 = arith.constant 0 : i32
    %dma_wait3A_790 = tpu.memref_slice %arg8[%dma_wait3A_789] : memref<32768xf32, #tpu.memory_space<vmem>> -> memref<1024xf32, #tpu.memory_space<vmem>>
    %dma_wait3A_791 = arith.constant 0 : i32
    %dma_wait3A_792 = tpu.memref_slice %arg3[%add3A_783, %dma_wait3A_791] : memref<1000x1024xf32, #tpu.memory_space<hbm>> -> memref<1x1024xf32, #tpu.memory_space<hbm>>
    %dma_wait3A_793 = tpu.memref_squeeze %dma_wait3A_792 : memref<1x1024xf32, #tpu.memory_space<hbm>> -> memref<1024xf32, #tpu.memory_space<hbm>>
    tpu.wait_dma2 semaphore(%arg15 : memref<!tpu.dma_semaphore, #tpu.memory_space<semaphore_mem>>) src(%dma_wait3A_793 : memref<1024xf32, #tpu.memory_space<hbm>>) dst(%dma_wait3A_790 : memref<1024xf32, #tpu.memory_space<vmem>>)
    %add3A_794 = arith.constant 1 : i32
    %add3A_795 = arith.addi %min3A_3, %add3A_794 : i32
    %dma_wait3A_796 = arith.constant 1024 : i32
    %dma_wait3A_797 = tpu.memref_slice %arg7[%dma_wait3A_796] : memref<32768xf32, #tpu.memory_space<vmem>> -> memref<1024xf32, #tpu.memory_space<vmem>>
    %dma_wait3A_798 = arith.constant 0 : i32
    %dma_wait3A_799 = tpu.memref_slice %arg2[%add3A_795, %dma_wait3A_798] : memref<1000x1024xf32, #tpu.memory_space<hbm>> -> memref<1x1024xf32, #tpu.memory_space<hbm>>
    %dma_wait3A_800 = tpu.memref_squeeze %dma_wait3A_799 : memref<1x1024xf32, #tpu.memory_space<hbm>> -> memref<1024xf32, #tpu.memory_space<hbm>>
    %dma_wait3A_801 = arith.constant 1024 : i32
    %dma_wait3A_802 = tpu.memref_slice %arg7[%dma_wait3A_801] : memref<32768xf32, #tpu.memory_space<vmem>> -> memref<1024xf32, #tpu.memory_space<vmem>>
    %dma_wait3A_803 = arith.constant 0 : i32
    %dma_wait3A_804 = tpu.memref_slice %arg2[%add3A_795, %dma_wait3A_803] : memref<1000x1024xf32, #tpu.memory_space<hbm>> -> memref<1x1024xf32, #tpu.memory_space<hbm>>
    %dma_wait3A_805 = tpu.memref_squeeze %dma_wait3A_804 : memref<1x1024xf32, #tpu.memory_space<hbm>> -> memref<1024xf32, #tpu.memory_space<hbm>>
    tpu.wait_dma2 semaphore(%arg15 : memref<!tpu.dma_semaphore, #tpu.memory_space<semaphore_mem>>) src(%dma_wait3A_805 : memref<1024xf32, #tpu.memory_space<hbm>>) dst(%dma_wait3A_802 : memref<1024xf32, #tpu.memory_space<vmem>>)
    %add3A_806 = arith.constant 1 : i32
    %add3A_807 = arith.addi %min3A_3, %add3A_806 : i32
    %dma_wait3A_808 = arith.constant 1024 : i32
    %dma_wait3A_809 = tpu.memref_slice %arg8[%dma_wait3A_808] : memref<32768xf32, #tpu.memory_space<vmem>> -> memref<1024xf32, #tpu.memory_space<vmem>>
    %dma_wait3A_810 = arith.constant 0 : i32
    %dma_wait3A_811 = tpu.memref_slice %arg3[%add3A_807, %dma_wait3A_810] : memref<1000x1024xf32, #tpu.memory_space<hbm>> -> memref<1x1024xf32, #tpu.memory_space<hbm>>
    %dma_wait3A_812 = tpu.memref_squeeze %dma_wait3A_811 : memref<1x1024xf32, #tpu.memory_space<hbm>> -> memref<1024xf32, #tpu.memory_space<hbm>>
    %dma_wait3A_813 = arith.constant 1024 : i32
    %dma_wait3A_814 = tpu.memref_slice %arg8[%dma_wait3A_813] : memref<32768xf32, #tpu.memory_space<vmem>> -> memref<1024xf32, #tpu.memory_space<vmem>>
    %dma_wait3A_815 = arith.constant 0 : i32
    %dma_wait3A_816 = tpu.memref_slice %arg3[%add3A_807, %dma_wait3A_815] : memref<1000x1024xf32, #tpu.memory_space<hbm>> -> memref<1x1024xf32, #tpu.memory_space<hbm>>
    %dma_wait3A_817 = tpu.memref_squeeze %dma_wait3A_816 : memref<1x1024xf32, #tpu.memory_space<hbm>> -> memref<1024xf32, #tpu.memory_space<hbm>>
    tpu.wait_dma2 semaphore(%arg15 : memref<!tpu.dma_semaphore, #tpu.memory_space<semaphore_mem>>) src(%dma_wait3A_817 : memref<1024xf32, #tpu.memory_space<hbm>>) dst(%dma_wait3A_814 : memref<1024xf32, #tpu.memory_space<vmem>>)
    %add3A_818 = arith.constant 2 : i32
    %add3A_819 = arith.addi %min3A_3, %add3A_818 : i32
    %dma_wait3A_820 = arith.constant 2048 : i32
    %dma_wait3A_821 = tpu.memref_slice %arg7[%dma_wait3A_820] : memref<32768xf32, #tpu.memory_space<vmem>> -> memref<1024xf32, #tpu.memory_space<vmem>>
    %dma_wait3A_822 = arith.constant 0 : i32
    %dma_wait3A_823 = tpu.memref_slice %arg2[%add3A_819, %dma_wait3A_822] : memref<1000x1024xf32, #tpu.memory_space<hbm>> -> memref<1x1024xf32, #tpu.memory_space<hbm>>
    %dma_wait3A_824 = tpu.memref_squeeze %dma_wait3A_823 : memref<1x1024xf32, #tpu.memory_space<hbm>> -> memref<1024xf32, #tpu.memory_space<hbm>>
    %dma_wait3A_825 = arith.constant 2048 : i32
    %dma_wait3A_826 = tpu.memref_slice %arg7[%dma_wait3A_825] : memref<32768xf32, #tpu.memory_space<vmem>> -> memref<1024xf32, #tpu.memory_space<vmem>>
    %dma_wait3A_827 = arith.constant 0 : i32
    %dma_wait3A_828 = tpu.memref_slice %arg2[%add3A_819, %dma_wait3A_827] : memref<1000x1024xf32, #tpu.memory_space<hbm>> -> memref<1x1024xf32, #tpu.memory_space<hbm>>
    %dma_wait3A_829 = tpu.memref_squeeze %dma_wait3A_828 : memref<1x1024xf32, #tpu.memory_space<hbm>> -> memref<1024xf32, #tpu.memory_space<hbm>>
    tpu.wait_dma2 semaphore(%arg15 : memref<!tpu.dma_semaphore, #tpu.memory_space<semaphore_mem>>) src(%dma_wait3A_829 : memref<1024xf32, #tpu.memory_space<hbm>>) dst(%dma_wait3A_826 : memref<1024xf32, #tpu.memory_space<vmem>>)
    %add3A_830 = arith.constant 2 : i32
    %add3A_831 = arith.addi %min3A_3, %add3A_830 : i32
    %dma_wait3A_832 = arith.constant 2048 : i32
    %dma_wait3A_833 = tpu.memref_slice %arg8[%dma_wait3A_832] : memref<32768xf32, #tpu.memory_space<vmem>> -> memref<1024xf32, #tpu.memory_space<vmem>>
    %dma_wait3A_834 = arith.constant 0 : i32
    %dma_wait3A_835 = tpu.memref_slice %arg3[%add3A_831, %dma_wait3A_834] : memref<1000x1024xf32, #tpu.memory_space<hbm>> -> memref<1x1024xf32, #tpu.memory_space<hbm>>
    %dma_wait3A_836 = tpu.memref_squeeze %dma_wait3A_835 : memref<1x1024xf32, #tpu.memory_space<hbm>> -> memref<1024xf32, #tpu.memory_space<hbm>>
    %dma_wait3A_837 = arith.constant 2048 : i32
    %dma_wait3A_838 = tpu.memref_slice %arg8[%dma_wait3A_837] : memref<32768xf32, #tpu.memory_space<vmem>> -> memref<1024xf32, #tpu.memory_space<vmem>>
    %dma_wait3A_839 = arith.constant 0 : i32
    %dma_wait3A_840 = tpu.memref_slice %arg3[%add3A_831, %dma_wait3A_839] : memref<1000x1024xf32, #tpu.memory_space<hbm>> -> memref<1x1024xf32, #tpu.memory_space<hbm>>
    %dma_wait3A_841 = tpu.memref_squeeze %dma_wait3A_840 : memref<1x1024xf32, #tpu.memory_space<hbm>> -> memref<1024xf32, #tpu.memory_space<hbm>>
    tpu.wait_dma2 semaphore(%arg15 : memref<!tpu.dma_semaphore, #tpu.memory_space<semaphore_mem>>) src(%dma_wait3A_841 : memref<1024xf32, #tpu.memory_space<hbm>>) dst(%dma_wait3A_838 : memref<1024xf32, #tpu.memory_space<vmem>>)
    %add3A_842 = arith.constant 3 : i32
    %add3A_843 = arith.addi %min3A_3, %add3A_842 : i32
    %dma_wait3A_844 = arith.constant 3072 : i32
    %dma_wait3A_845 = tpu.memref_slice %arg7[%dma_wait3A_844] : memref<32768xf32, #tpu.memory_space<vmem>> -> memref<1024xf32, #tpu.memory_space<vmem>>
    %dma_wait3A_846 = arith.constant 0 : i32
    %dma_wait3A_847 = tpu.memref_slice %arg2[%add3A_843, %dma_wait3A_846] : memref<1000x1024xf32, #tpu.memory_space<hbm>> -> memref<1x1024xf32, #tpu.memory_space<hbm>>
    %dma_wait3A_848 = tpu.memref_squeeze %dma_wait3A_847 : memref<1x1024xf32, #tpu.memory_space<hbm>> -> memref<1024xf32, #tpu.memory_space<hbm>>
    %dma_wait3A_849 = arith.constant 3072 : i32
    %dma_wait3A_850 = tpu.memref_slice %arg7[%dma_wait3A_849] : memref<32768xf32, #tpu.memory_space<vmem>> -> memref<1024xf32, #tpu.memory_space<vmem>>
    %dma_wait3A_851 = arith.constant 0 : i32
    %dma_wait3A_852 = tpu.memref_slice %arg2[%add3A_843, %dma_wait3A_851] : memref<1000x1024xf32, #tpu.memory_space<hbm>> -> memref<1x1024xf32, #tpu.memory_space<hbm>>
    %dma_wait3A_853 = tpu.memref_squeeze %dma_wait3A_852 : memref<1x1024xf32, #tpu.memory_space<hbm>> -> memref<1024xf32, #tpu.memory_space<hbm>>
    tpu.wait_dma2 semaphore(%arg15 : memref<!tpu.dma_semaphore, #tpu.memory_space<semaphore_mem>>) src(%dma_wait3A_853 : memref<1024xf32, #tpu.memory_space<hbm>>) dst(%dma_wait3A_850 : memref<1024xf32, #tpu.memory_space<vmem>>)
    %add3A_854 = arith.constant 3 : i32
    %add3A_855 = arith.addi %min3A_3, %add3A_854 : i32
    %dma_wait3A_856 = arith.constant 3072 : i32
    %dma_wait3A_857 = tpu.memref_slice %arg8[%dma_wait3A_856] : memref<32768xf32, #tpu.memory_space<vmem>> -> memref<1024xf32, #tpu.memory_space<vmem>>
    %dma_wait3A_858 = arith.constant 0 : i32
    %dma_wait3A_859 = tpu.memref_slice %arg3[%add3A_855, %dma_wait3A_858] : memref<1000x1024xf32, #tpu.memory_space<hbm>> -> memref<1x1024xf32, #tpu.memory_space<hbm>>
    %dma_wait3A_860 = tpu.memref_squeeze %dma_wait3A_859 : memref<1x1024xf32, #tpu.memory_space<hbm>> -> memref<1024xf32, #tpu.memory_space<hbm>>
    %dma_wait3A_861 = arith.constant 3072 : i32
    %dma_wait3A_862 = tpu.memref_slice %arg8[%dma_wait3A_861] : memref<32768xf32, #tpu.memory_space<vmem>> -> memref<1024xf32, #tpu.memory_space<vmem>>
    %dma_wait3A_863 = arith.constant 0 : i32
    %dma_wait3A_864 = tpu.memref_slice %arg3[%add3A_855, %dma_wait3A_863] : memref<1000x1024xf32, #tpu.memory_space<hbm>> -> memref<1x1024xf32, #tpu.memory_space<hbm>>
    %dma_wait3A_865 = tpu.memref_squeeze %dma_wait3A_864 : memref<1x1024xf32, #tpu.memory_space<hbm>> -> memref<1024xf32, #tpu.memory_space<hbm>>
    tpu.wait_dma2 semaphore(%arg15 : memref<!tpu.dma_semaphore, #tpu.memory_space<semaphore_mem>>) src(%dma_wait3A_865 : memref<1024xf32, #tpu.memory_space<hbm>>) dst(%dma_wait3A_862 : memref<1024xf32, #tpu.memory_space<vmem>>)
    %add3A_866 = arith.constant 4 : i32
    %add3A_867 = arith.addi %min3A_3, %add3A_866 : i32
    %dma_wait3A_868 = arith.constant 4096 : i32
    %dma_wait3A_869 = tpu.memref_slice %arg7[%dma_wait3A_868] : memref<32768xf32, #tpu.memory_space<vmem>> -> memref<1024xf32, #tpu.memory_space<vmem>>
    %dma_wait3A_870 = arith.constant 0 : i32
    %dma_wait3A_871 = tpu.memref_slice %arg2[%add3A_867, %dma_wait3A_870] : memref<1000x1024xf32, #tpu.memory_space<hbm>> -> memref<1x1024xf32, #tpu.memory_space<hbm>>
    %dma_wait3A_872 = tpu.memref_squeeze %dma_wait3A_871 : memref<1x1024xf32, #tpu.memory_space<hbm>> -> memref<1024xf32, #tpu.memory_space<hbm>>
    %dma_wait3A_873 = arith.constant 4096 : i32
    %dma_wait3A_874 = tpu.memref_slice %arg7[%dma_wait3A_873] : memref<32768xf32, #tpu.memory_space<vmem>> -> memref<1024xf32, #tpu.memory_space<vmem>>
    %dma_wait3A_875 = arith.constant 0 : i32
    %dma_wait3A_876 = tpu.memref_slice %arg2[%add3A_867, %dma_wait3A_875] : memref<1000x1024xf32, #tpu.memory_space<hbm>> -> memref<1x1024xf32, #tpu.memory_space<hbm>>
    %dma_wait3A_877 = tpu.memref_squeeze %dma_wait3A_876 : memref<1x1024xf32, #tpu.memory_space<hbm>> -> memref<1024xf32, #tpu.memory_space<hbm>>
    tpu.wait_dma2 semaphore(%arg15 : memref<!tpu.dma_semaphore, #tpu.memory_space<semaphore_mem>>) src(%dma_wait3A_877 : memref<1024xf32, #tpu.memory_space<hbm>>) dst(%dma_wait3A_874 : memref<1024xf32, #tpu.memory_space<vmem>>)
    %add3A_878 = arith.constant 4 : i32
    %add3A_879 = arith.addi %min3A_3, %add3A_878 : i32
    %dma_wait3A_880 = arith.constant 4096 : i32
    %dma_wait3A_881 = tpu.memref_slice %arg8[%dma_wait3A_880] : memref<32768xf32, #tpu.memory_space<vmem>> -> memref<1024xf32, #tpu.memory_space<vmem>>
    %dma_wait3A_882 = arith.constant 0 : i32
    %dma_wait3A_883 = tpu.memref_slice %arg3[%add3A_879, %dma_wait3A_882] : memref<1000x1024xf32, #tpu.memory_space<hbm>> -> memref<1x1024xf32, #tpu.memory_space<hbm>>
    %dma_wait3A_884 = tpu.memref_squeeze %dma_wait3A_883 : memref<1x1024xf32, #tpu.memory_space<hbm>> -> memref<1024xf32, #tpu.memory_space<hbm>>
    %dma_wait3A_885 = arith.constant 4096 : i32
    %dma_wait3A_886 = tpu.memref_slice %arg8[%dma_wait3A_885] : memref<32768xf32, #tpu.memory_space<vmem>> -> memref<1024xf32, #tpu.memory_space<vmem>>
    %dma_wait3A_887 = arith.constant 0 : i32
    %dma_wait3A_888 = tpu.memref_slice %arg3[%add3A_879, %dma_wait3A_887] : memref<1000x1024xf32, #tpu.memory_space<hbm>> -> memref<1x1024xf32, #tpu.memory_space<hbm>>
    %dma_wait3A_889 = tpu.memref_squeeze %dma_wait3A_888 : memref<1x1024xf32, #tpu.memory_space<hbm>> -> memref<1024xf32, #tpu.memory_space<hbm>>
    tpu.wait_dma2 semaphore(%arg15 : memref<!tpu.dma_semaphore, #tpu.memory_space<semaphore_mem>>) src(%dma_wait3A_889 : memref<1024xf32, #tpu.memory_space<hbm>>) dst(%dma_wait3A_886 : memref<1024xf32, #tpu.memory_space<vmem>>)
    %add3A_890 = arith.constant 5 : i32
    %add3A_891 = arith.addi %min3A_3, %add3A_890 : i32
    %dma_wait3A_892 = arith.constant 5120 : i32
    %dma_wait3A_893 = tpu.memref_slice %arg7[%dma_wait3A_892] : memref<32768xf32, #tpu.memory_space<vmem>> -> memref<1024xf32, #tpu.memory_space<vmem>>
    %dma_wait3A_894 = arith.constant 0 : i32
    %dma_wait3A_895 = tpu.memref_slice %arg2[%add3A_891, %dma_wait3A_894] : memref<1000x1024xf32, #tpu.memory_space<hbm>> -> memref<1x1024xf32, #tpu.memory_space<hbm>>
    %dma_wait3A_896 = tpu.memref_squeeze %dma_wait3A_895 : memref<1x1024xf32, #tpu.memory_space<hbm>> -> memref<1024xf32, #tpu.memory_space<hbm>>
    %dma_wait3A_897 = arith.constant 5120 : i32
    %dma_wait3A_898 = tpu.memref_slice %arg7[%dma_wait3A_897] : memref<32768xf32, #tpu.memory_space<vmem>> -> memref<1024xf32, #tpu.memory_space<vmem>>
    %dma_wait3A_899 = arith.constant 0 : i32
    %dma_wait3A_900 = tpu.memref_slice %arg2[%add3A_891, %dma_wait3A_899] : memref<1000x1024xf32, #tpu.memory_space<hbm>> -> memref<1x1024xf32, #tpu.memory_space<hbm>>
    %dma_wait3A_901 = tpu.memref_squeeze %dma_wait3A_900 : memref<1x1024xf32, #tpu.memory_space<hbm>> -> memref<1024xf32, #tpu.memory_space<hbm>>
    tpu.wait_dma2 semaphore(%arg15 : memref<!tpu.dma_semaphore, #tpu.memory_space<semaphore_mem>>) src(%dma_wait3A_901 : memref<1024xf32, #tpu.memory_space<hbm>>) dst(%dma_wait3A_898 : memref<1024xf32, #tpu.memory_space<vmem>>)
    %add3A_902 = arith.constant 5 : i32
    %add3A_903 = arith.addi %min3A_3, %add3A_902 : i32
    %dma_wait3A_904 = arith.constant 5120 : i32
    %dma_wait3A_905 = tpu.memref_slice %arg8[%dma_wait3A_904] : memref<32768xf32, #tpu.memory_space<vmem>> -> memref<1024xf32, #tpu.memory_space<vmem>>
    %dma_wait3A_906 = arith.constant 0 : i32
    %dma_wait3A_907 = tpu.memref_slice %arg3[%add3A_903, %dma_wait3A_906] : memref<1000x1024xf32, #tpu.memory_space<hbm>> -> memref<1x1024xf32, #tpu.memory_space<hbm>>
    %dma_wait3A_908 = tpu.memref_squeeze %dma_wait3A_907 : memref<1x1024xf32, #tpu.memory_space<hbm>> -> memref<1024xf32, #tpu.memory_space<hbm>>
    %dma_wait3A_909 = arith.constant 5120 : i32
    %dma_wait3A_910 = tpu.memref_slice %arg8[%dma_wait3A_909] : memref<32768xf32, #tpu.memory_space<vmem>> -> memref<1024xf32, #tpu.memory_space<vmem>>
    %dma_wait3A_911 = arith.constant 0 : i32
    %dma_wait3A_912 = tpu.memref_slice %arg3[%add3A_903, %dma_wait3A_911] : memref<1000x1024xf32, #tpu.memory_space<hbm>> -> memref<1x1024xf32, #tpu.memory_space<hbm>>
    %dma_wait3A_913 = tpu.memref_squeeze %dma_wait3A_912 : memref<1x1024xf32, #tpu.memory_space<hbm>> -> memref<1024xf32, #tpu.memory_space<hbm>>
    tpu.wait_dma2 semaphore(%arg15 : memref<!tpu.dma_semaphore, #tpu.memory_space<semaphore_mem>>) src(%dma_wait3A_913 : memref<1024xf32, #tpu.memory_space<hbm>>) dst(%dma_wait3A_910 : memref<1024xf32, #tpu.memory_space<vmem>>)
    %add3A_914 = arith.constant 6 : i32
    %add3A_915 = arith.addi %min3A_3, %add3A_914 : i32
    %dma_wait3A_916 = arith.constant 6144 : i32
    %dma_wait3A_917 = tpu.memref_slice %arg7[%dma_wait3A_916] : memref<32768xf32, #tpu.memory_space<vmem>> -> memref<1024xf32, #tpu.memory_space<vmem>>
    %dma_wait3A_918 = arith.constant 0 : i32
    %dma_wait3A_919 = tpu.memref_slice %arg2[%add3A_915, %dma_wait3A_918] : memref<1000x1024xf32, #tpu.memory_space<hbm>> -> memref<1x1024xf32, #tpu.memory_space<hbm>>
    %dma_wait3A_920 = tpu.memref_squeeze %dma_wait3A_919 : memref<1x1024xf32, #tpu.memory_space<hbm>> -> memref<1024xf32, #tpu.memory_space<hbm>>
    %dma_wait3A_921 = arith.constant 6144 : i32
    %dma_wait3A_922 = tpu.memref_slice %arg7[%dma_wait3A_921] : memref<32768xf32, #tpu.memory_space<vmem>> -> memref<1024xf32, #tpu.memory_space<vmem>>
    %dma_wait3A_923 = arith.constant 0 : i32
    %dma_wait3A_924 = tpu.memref_slice %arg2[%add3A_915, %dma_wait3A_923] : memref<1000x1024xf32, #tpu.memory_space<hbm>> -> memref<1x1024xf32, #tpu.memory_space<hbm>>
    %dma_wait3A_925 = tpu.memref_squeeze %dma_wait3A_924 : memref<1x1024xf32, #tpu.memory_space<hbm>> -> memref<1024xf32, #tpu.memory_space<hbm>>
    tpu.wait_dma2 semaphore(%arg15 : memref<!tpu.dma_semaphore, #tpu.memory_space<semaphore_mem>>) src(%dma_wait3A_925 : memref<1024xf32, #tpu.memory_space<hbm>>) dst(%dma_wait3A_922 : memref<1024xf32, #tpu.memory_space<vmem>>)
    %add3A_926 = arith.constant 6 : i32
    %add3A_927 = arith.addi %min3A_3, %add3A_926 : i32
    %dma_wait3A_928 = arith.constant 6144 : i32
    %dma_wait3A_929 = tpu.memref_slice %arg8[%dma_wait3A_928] : memref<32768xf32, #tpu.memory_space<vmem>> -> memref<1024xf32, #tpu.memory_space<vmem>>
    %dma_wait3A_930 = arith.constant 0 : i32
    %dma_wait3A_931 = tpu.memref_slice %arg3[%add3A_927, %dma_wait3A_930] : memref<1000x1024xf32, #tpu.memory_space<hbm>> -> memref<1x1024xf32, #tpu.memory_space<hbm>>
    %dma_wait3A_932 = tpu.memref_squeeze %dma_wait3A_931 : memref<1x1024xf32, #tpu.memory_space<hbm>> -> memref<1024xf32, #tpu.memory_space<hbm>>
    %dma_wait3A_933 = arith.constant 6144 : i32
    %dma_wait3A_934 = tpu.memref_slice %arg8[%dma_wait3A_933] : memref<32768xf32, #tpu.memory_space<vmem>> -> memref<1024xf32, #tpu.memory_space<vmem>>
    %dma_wait3A_935 = arith.constant 0 : i32
    %dma_wait3A_936 = tpu.memref_slice %arg3[%add3A_927, %dma_wait3A_935] : memref<1000x1024xf32, #tpu.memory_space<hbm>> -> memref<1x1024xf32, #tpu.memory_space<hbm>>
    %dma_wait3A_937 = tpu.memref_squeeze %dma_wait3A_936 : memref<1x1024xf32, #tpu.memory_space<hbm>> -> memref<1024xf32, #tpu.memory_space<hbm>>
    tpu.wait_dma2 semaphore(%arg15 : memref<!tpu.dma_semaphore, #tpu.memory_space<semaphore_mem>>) src(%dma_wait3A_937 : memref<1024xf32, #tpu.memory_space<hbm>>) dst(%dma_wait3A_934 : memref<1024xf32, #tpu.memory_space<vmem>>)
    %add3A_938 = arith.constant 7 : i32
    %add3A_939 = arith.addi %min3A_3, %add3A_938 : i32
    %dma_wait3A_940 = arith.constant 7168 : i32
    %dma_wait3A_941 = tpu.memref_slice %arg7[%dma_wait3A_940] : memref<32768xf32, #tpu.memory_space<vmem>> -> memref<1024xf32, #tpu.memory_space<vmem>>
    %dma_wait3A_942 = arith.constant 0 : i32
    %dma_wait3A_943 = tpu.memref_slice %arg2[%add3A_939, %dma_wait3A_942] : memref<1000x1024xf32, #tpu.memory_space<hbm>> -> memref<1x1024xf32, #tpu.memory_space<hbm>>
    %dma_wait3A_944 = tpu.memref_squeeze %dma_wait3A_943 : memref<1x1024xf32, #tpu.memory_space<hbm>> -> memref<1024xf32, #tpu.memory_space<hbm>>
    %dma_wait3A_945 = arith.constant 7168 : i32
    %dma_wait3A_946 = tpu.memref_slice %arg7[%dma_wait3A_945] : memref<32768xf32, #tpu.memory_space<vmem>> -> memref<1024xf32, #tpu.memory_space<vmem>>
    %dma_wait3A_947 = arith.constant 0 : i32
    %dma_wait3A_948 = tpu.memref_slice %arg2[%add3A_939, %dma_wait3A_947] : memref<1000x1024xf32, #tpu.memory_space<hbm>> -> memref<1x1024xf32, #tpu.memory_space<hbm>>
    %dma_wait3A_949 = tpu.memref_squeeze %dma_wait3A_948 : memref<1x1024xf32, #tpu.memory_space<hbm>> -> memref<1024xf32, #tpu.memory_space<hbm>>
    tpu.wait_dma2 semaphore(%arg15 : memref<!tpu.dma_semaphore, #tpu.memory_space<semaphore_mem>>) src(%dma_wait3A_949 : memref<1024xf32, #tpu.memory_space<hbm>>) dst(%dma_wait3A_946 : memref<1024xf32, #tpu.memory_space<vmem>>)
    %add3A_950 = arith.constant 7 : i32
    %add3A_951 = arith.addi %min3A_3, %add3A_950 : i32
    %dma_wait3A_952 = arith.constant 7168 : i32
    %dma_wait3A_953 = tpu.memref_slice %arg8[%dma_wait3A_952] : memref<32768xf32, #tpu.memory_space<vmem>> -> memref<1024xf32, #tpu.memory_space<vmem>>
    %dma_wait3A_954 = arith.constant 0 : i32
    %dma_wait3A_955 = tpu.memref_slice %arg3[%add3A_951, %dma_wait3A_954] : memref<1000x1024xf32, #tpu.memory_space<hbm>> -> memref<1x1024xf32, #tpu.memory_space<hbm>>
    %dma_wait3A_956 = tpu.memref_squeeze %dma_wait3A_955 : memref<1x1024xf32, #tpu.memory_space<hbm>> -> memref<1024xf32, #tpu.memory_space<hbm>>
    %dma_wait3A_957 = arith.constant 7168 : i32
    %dma_wait3A_958 = tpu.memref_slice %arg8[%dma_wait3A_957] : memref<32768xf32, #tpu.memory_space<vmem>> -> memref<1024xf32, #tpu.memory_space<vmem>>
    %dma_wait3A_959 = arith.constant 0 : i32
    %dma_wait3A_960 = tpu.memref_slice %arg3[%add3A_951, %dma_wait3A_959] : memref<1000x1024xf32, #tpu.memory_space<hbm>> -> memref<1x1024xf32, #tpu.memory_space<hbm>>
    %dma_wait3A_961 = tpu.memref_squeeze %dma_wait3A_960 : memref<1x1024xf32, #tpu.memory_space<hbm>> -> memref<1024xf32, #tpu.memory_space<hbm>>
    tpu.wait_dma2 semaphore(%arg15 : memref<!tpu.dma_semaphore, #tpu.memory_space<semaphore_mem>>) src(%dma_wait3A_961 : memref<1024xf32, #tpu.memory_space<hbm>>) dst(%dma_wait3A_958 : memref<1024xf32, #tpu.memory_space<vmem>>)
    %add3A_962 = arith.constant 8 : i32
    %add3A_963 = arith.addi %min3A_3, %add3A_962 : i32
    %dma_wait3A_964 = arith.constant 8192 : i32
    %dma_wait3A_965 = tpu.memref_slice %arg7[%dma_wait3A_964] : memref<32768xf32, #tpu.memory_space<vmem>> -> memref<1024xf32, #tpu.memory_space<vmem>>
    %dma_wait3A_966 = arith.constant 0 : i32
    %dma_wait3A_967 = tpu.memref_slice %arg2[%add3A_963, %dma_wait3A_966] : memref<1000x1024xf32, #tpu.memory_space<hbm>> -> memref<1x1024xf32, #tpu.memory_space<hbm>>
    %dma_wait3A_968 = tpu.memref_squeeze %dma_wait3A_967 : memref<1x1024xf32, #tpu.memory_space<hbm>> -> memref<1024xf32, #tpu.memory_space<hbm>>
    %dma_wait3A_969 = arith.constant 8192 : i32
    %dma_wait3A_970 = tpu.memref_slice %arg7[%dma_wait3A_969] : memref<32768xf32, #tpu.memory_space<vmem>> -> memref<1024xf32, #tpu.memory_space<vmem>>
    %dma_wait3A_971 = arith.constant 0 : i32
    %dma_wait3A_972 = tpu.memref_slice %arg2[%add3A_963, %dma_wait3A_971] : memref<1000x1024xf32, #tpu.memory_space<hbm>> -> memref<1x1024xf32, #tpu.memory_space<hbm>>
    %dma_wait3A_973 = tpu.memref_squeeze %dma_wait3A_972 : memref<1x1024xf32, #tpu.memory_space<hbm>> -> memref<1024xf32, #tpu.memory_space<hbm>>
    tpu.wait_dma2 semaphore(%arg15 : memref<!tpu.dma_semaphore, #tpu.memory_space<semaphore_mem>>) src(%dma_wait3A_973 : memref<1024xf32, #tpu.memory_space<hbm>>) dst(%dma_wait3A_970 : memref<1024xf32, #tpu.memory_space<vmem>>)
    %add3A_974 = arith.constant 8 : i32
    %add3A_975 = arith.addi %min3A_3, %add3A_974 : i32
    %dma_wait3A_976 = arith.constant 8192 : i32
    %dma_wait3A_977 = tpu.memref_slice %arg8[%dma_wait3A_976] : memref<32768xf32, #tpu.memory_space<vmem>> -> memref<1024xf32, #tpu.memory_space<vmem>>
    %dma_wait3A_978 = arith.constant 0 : i32
    %dma_wait3A_979 = tpu.memref_slice %arg3[%add3A_975, %dma_wait3A_978] : memref<1000x1024xf32, #tpu.memory_space<hbm>> -> memref<1x1024xf32, #tpu.memory_space<hbm>>
    %dma_wait3A_980 = tpu.memref_squeeze %dma_wait3A_979 : memref<1x1024xf32, #tpu.memory_space<hbm>> -> memref<1024xf32, #tpu.memory_space<hbm>>
    %dma_wait3A_981 = arith.constant 8192 : i32
    %dma_wait3A_982 = tpu.memref_slice %arg8[%dma_wait3A_981] : memref<32768xf32, #tpu.memory_space<vmem>> -> memref<1024xf32, #tpu.memory_space<vmem>>
    %dma_wait3A_983 = arith.constant 0 : i32
    %dma_wait3A_984 = tpu.memref_slice %arg3[%add3A_975, %dma_wait3A_983] : memref<1000x1024xf32, #tpu.memory_space<hbm>> -> memref<1x1024xf32, #tpu.memory_space<hbm>>
    %dma_wait3A_985 = tpu.memref_squeeze %dma_wait3A_984 : memref<1x1024xf32, #tpu.memory_space<hbm>> -> memref<1024xf32, #tpu.memory_space<hbm>>
    tpu.wait_dma2 semaphore(%arg15 : memref<!tpu.dma_semaphore, #tpu.memory_space<semaphore_mem>>) src(%dma_wait3A_985 : memref<1024xf32, #tpu.memory_space<hbm>>) dst(%dma_wait3A_982 : memref<1024xf32, #tpu.memory_space<vmem>>)
    %add3A_986 = arith.constant 9 : i32
    %add3A_987 = arith.addi %min3A_3, %add3A_986 : i32
    %dma_wait3A_988 = arith.constant 9216 : i32
    %dma_wait3A_989 = tpu.memref_slice %arg7[%dma_wait3A_988] : memref<32768xf32, #tpu.memory_space<vmem>> -> memref<1024xf32, #tpu.memory_space<vmem>>
    %dma_wait3A_990 = arith.constant 0 : i32
    %dma_wait3A_991 = tpu.memref_slice %arg2[%add3A_987, %dma_wait3A_990] : memref<1000x1024xf32, #tpu.memory_space<hbm>> -> memref<1x1024xf32, #tpu.memory_space<hbm>>
    %dma_wait3A_992 = tpu.memref_squeeze %dma_wait3A_991 : memref<1x1024xf32, #tpu.memory_space<hbm>> -> memref<1024xf32, #tpu.memory_space<hbm>>
    %dma_wait3A_993 = arith.constant 9216 : i32
    %dma_wait3A_994 = tpu.memref_slice %arg7[%dma_wait3A_993] : memref<32768xf32, #tpu.memory_space<vmem>> -> memref<1024xf32, #tpu.memory_space<vmem>>
    %dma_wait3A_995 = arith.constant 0 : i32
    %dma_wait3A_996 = tpu.memref_slice %arg2[%add3A_987, %dma_wait3A_995] : memref<1000x1024xf32, #tpu.memory_space<hbm>> -> memref<1x1024xf32, #tpu.memory_space<hbm>>
    %dma_wait3A_997 = tpu.memref_squeeze %dma_wait3A_996 : memref<1x1024xf32, #tpu.memory_space<hbm>> -> memref<1024xf32, #tpu.memory_space<hbm>>
    tpu.wait_dma2 semaphore(%arg15 : memref<!tpu.dma_semaphore, #tpu.memory_space<semaphore_mem>>) src(%dma_wait3A_997 : memref<1024xf32, #tpu.memory_space<hbm>>) dst(%dma_wait3A_994 : memref<1024xf32, #tpu.memory_space<vmem>>)
    %add3A_998 = arith.constant 9 : i32
    %add3A_999 = arith.addi %min3A_3, %add3A_998 : i32
    %dma_wait3A_1000 = arith.constant 9216 : i32
    %dma_wait3A_1001 = tpu.memref_slice %arg8[%dma_wait3A_1000] : memref<32768xf32, #tpu.memory_space<vmem>> -> memref<1024xf32, #tpu.memory_space<vmem>>
    %dma_wait3A_1002 = arith.constant 0 : i32
    %dma_wait3A_1003 = tpu.memref_slice %arg3[%add3A_999, %dma_wait3A_1002] : memref<1000x1024xf32, #tpu.memory_space<hbm>> -> memref<1x1024xf32, #tpu.memory_space<hbm>>
    %dma_wait3A_1004 = tpu.memref_squeeze %dma_wait3A_1003 : memref<1x1024xf32, #tpu.memory_space<hbm>> -> memref<1024xf32, #tpu.memory_space<hbm>>
    %dma_wait3A_1005 = arith.constant 9216 : i32
    %dma_wait3A_1006 = tpu.memref_slice %arg8[%dma_wait3A_1005] : memref<32768xf32, #tpu.memory_space<vmem>> -> memref<1024xf32, #tpu.memory_space<vmem>>
    %dma_wait3A_1007 = arith.constant 0 : i32
    %dma_wait3A_1008 = tpu.memref_slice %arg3[%add3A_999, %dma_wait3A_1007] : memref<1000x1024xf32, #tpu.memory_space<hbm>> -> memref<1x1024xf32, #tpu.memory_space<hbm>>
    %dma_wait3A_1009 = tpu.memref_squeeze %dma_wait3A_1008 : memref<1x1024xf32, #tpu.memory_space<hbm>> -> memref<1024xf32, #tpu.memory_space<hbm>>
    tpu.wait_dma2 semaphore(%arg15 : memref<!tpu.dma_semaphore, #tpu.memory_space<semaphore_mem>>) src(%dma_wait3A_1009 : memref<1024xf32, #tpu.memory_space<hbm>>) dst(%dma_wait3A_1006 : memref<1024xf32, #tpu.memory_space<vmem>>)
    %add3A_1010 = arith.constant 10 : i32
    %add3A_1011 = arith.addi %min3A_3, %add3A_1010 : i32
    %dma_wait3A_1012 = arith.constant 10240 : i32
    %dma_wait3A_1013 = tpu.memref_slice %arg7[%dma_wait3A_1012] : memref<32768xf32, #tpu.memory_space<vmem>> -> memref<1024xf32, #tpu.memory_space<vmem>>
    %dma_wait3A_1014 = arith.constant 0 : i32
    %dma_wait3A_1015 = tpu.memref_slice %arg2[%add3A_1011, %dma_wait3A_1014] : memref<1000x1024xf32, #tpu.memory_space<hbm>> -> memref<1x1024xf32, #tpu.memory_space<hbm>>
    %dma_wait3A_1016 = tpu.memref_squeeze %dma_wait3A_1015 : memref<1x1024xf32, #tpu.memory_space<hbm>> -> memref<1024xf32, #tpu.memory_space<hbm>>
    %dma_wait3A_1017 = arith.constant 10240 : i32
    %dma_wait3A_1018 = tpu.memref_slice %arg7[%dma_wait3A_1017] : memref<32768xf32, #tpu.memory_space<vmem>> -> memref<1024xf32, #tpu.memory_space<vmem>>
    %dma_wait3A_1019 = arith.constant 0 : i32
    %dma_wait3A_1020 = tpu.memref_slice %arg2[%add3A_1011, %dma_wait3A_1019] : memref<1000x1024xf32, #tpu.memory_space<hbm>> -> memref<1x1024xf32, #tpu.memory_space<hbm>>
    %dma_wait3A_1021 = tpu.memref_squeeze %dma_wait3A_1020 : memref<1x1024xf32, #tpu.memory_space<hbm>> -> memref<1024xf32, #tpu.memory_space<hbm>>
    tpu.wait_dma2 semaphore(%arg15 : memref<!tpu.dma_semaphore, #tpu.memory_space<semaphore_mem>>) src(%dma_wait3A_1021 : memref<1024xf32, #tpu.memory_space<hbm>>) dst(%dma_wait3A_1018 : memref<1024xf32, #tpu.memory_space<vmem>>)
    %add3A_1022 = arith.constant 10 : i32
    %add3A_1023 = arith.addi %min3A_3, %add3A_1022 : i32
    %dma_wait3A_1024 = arith.constant 10240 : i32
    %dma_wait3A_1025 = tpu.memref_slice %arg8[%dma_wait3A_1024] : memref<32768xf32, #tpu.memory_space<vmem>> -> memref<1024xf32, #tpu.memory_space<vmem>>
    %dma_wait3A_1026 = arith.constant 0 : i32
    %dma_wait3A_1027 = tpu.memref_slice %arg3[%add3A_1023, %dma_wait3A_1026] : memref<1000x1024xf32, #tpu.memory_space<hbm>> -> memref<1x1024xf32, #tpu.memory_space<hbm>>
    %dma_wait3A_1028 = tpu.memref_squeeze %dma_wait3A_1027 : memref<1x1024xf32, #tpu.memory_space<hbm>> -> memref<1024xf32, #tpu.memory_space<hbm>>
    %dma_wait3A_1029 = arith.constant 10240 : i32
    %dma_wait3A_1030 = tpu.memref_slice %arg8[%dma_wait3A_1029] : memref<32768xf32, #tpu.memory_space<vmem>> -> memref<1024xf32, #tpu.memory_space<vmem>>
    %dma_wait3A_1031 = arith.constant 0 : i32
    %dma_wait3A_1032 = tpu.memref_slice %arg3[%add3A_1023, %dma_wait3A_1031] : memref<1000x1024xf32, #tpu.memory_space<hbm>> -> memref<1x1024xf32, #tpu.memory_space<hbm>>
    %dma_wait3A_1033 = tpu.memref_squeeze %dma_wait3A_1032 : memref<1x1024xf32, #tpu.memory_space<hbm>> -> memref<1024xf32, #tpu.memory_space<hbm>>
    tpu.wait_dma2 semaphore(%arg15 : memref<!tpu.dma_semaphore, #tpu.memory_space<semaphore_mem>>) src(%dma_wait3A_1033 : memref<1024xf32, #tpu.memory_space<hbm>>) dst(%dma_wait3A_1030 : memref<1024xf32, #tpu.memory_space<vmem>>)
    %add3A_1034 = arith.constant 11 : i32
    %add3A_1035 = arith.addi %min3A_3, %add3A_1034 : i32
    %dma_wait3A_1036 = arith.constant 11264 : i32
    %dma_wait3A_1037 = tpu.memref_slice %arg7[%dma_wait3A_1036] : memref<32768xf32, #tpu.memory_space<vmem>> -> memref<1024xf32, #tpu.memory_space<vmem>>
    %dma_wait3A_1038 = arith.constant 0 : i32
    %dma_wait3A_1039 = tpu.memref_slice %arg2[%add3A_1035, %dma_wait3A_1038] : memref<1000x1024xf32, #tpu.memory_space<hbm>> -> memref<1x1024xf32, #tpu.memory_space<hbm>>
    %dma_wait3A_1040 = tpu.memref_squeeze %dma_wait3A_1039 : memref<1x1024xf32, #tpu.memory_space<hbm>> -> memref<1024xf32, #tpu.memory_space<hbm>>
    %dma_wait3A_1041 = arith.constant 11264 : i32
    %dma_wait3A_1042 = tpu.memref_slice %arg7[%dma_wait3A_1041] : memref<32768xf32, #tpu.memory_space<vmem>> -> memref<1024xf32, #tpu.memory_space<vmem>>
    %dma_wait3A_1043 = arith.constant 0 : i32
    %dma_wait3A_1044 = tpu.memref_slice %arg2[%add3A_1035, %dma_wait3A_1043] : memref<1000x1024xf32, #tpu.memory_space<hbm>> -> memref<1x1024xf32, #tpu.memory_space<hbm>>
    %dma_wait3A_1045 = tpu.memref_squeeze %dma_wait3A_1044 : memref<1x1024xf32, #tpu.memory_space<hbm>> -> memref<1024xf32, #tpu.memory_space<hbm>>
    tpu.wait_dma2 semaphore(%arg15 : memref<!tpu.dma_semaphore, #tpu.memory_space<semaphore_mem>>) src(%dma_wait3A_1045 : memref<1024xf32, #tpu.memory_space<hbm>>) dst(%dma_wait3A_1042 : memref<1024xf32, #tpu.memory_space<vmem>>)
    %add3A_1046 = arith.constant 11 : i32
    %add3A_1047 = arith.addi %min3A_3, %add3A_1046 : i32
    %dma_wait3A_1048 = arith.constant 11264 : i32
    %dma_wait3A_1049 = tpu.memref_slice %arg8[%dma_wait3A_1048] : memref<32768xf32, #tpu.memory_space<vmem>> -> memref<1024xf32, #tpu.memory_space<vmem>>
    %dma_wait3A_1050 = arith.constant 0 : i32
    %dma_wait3A_1051 = tpu.memref_slice %arg3[%add3A_1047, %dma_wait3A_1050] : memref<1000x1024xf32, #tpu.memory_space<hbm>> -> memref<1x1024xf32, #tpu.memory_space<hbm>>
    %dma_wait3A_1052 = tpu.memref_squeeze %dma_wait3A_1051 : memref<1x1024xf32, #tpu.memory_space<hbm>> -> memref<1024xf32, #tpu.memory_space<hbm>>
    %dma_wait3A_1053 = arith.constant 11264 : i32
    %dma_wait3A_1054 = tpu.memref_slice %arg8[%dma_wait3A_1053] : memref<32768xf32, #tpu.memory_space<vmem>> -> memref<1024xf32, #tpu.memory_space<vmem>>
    %dma_wait3A_1055 = arith.constant 0 : i32
    %dma_wait3A_1056 = tpu.memref_slice %arg3[%add3A_1047, %dma_wait3A_1055] : memref<1000x1024xf32, #tpu.memory_space<hbm>> -> memref<1x1024xf32, #tpu.memory_space<hbm>>
    %dma_wait3A_1057 = tpu.memref_squeeze %dma_wait3A_1056 : memref<1x1024xf32, #tpu.memory_space<hbm>> -> memref<1024xf32, #tpu.memory_space<hbm>>
    tpu.wait_dma2 semaphore(%arg15 : memref<!tpu.dma_semaphore, #tpu.memory_space<semaphore_mem>>) src(%dma_wait3A_1057 : memref<1024xf32, #tpu.memory_space<hbm>>) dst(%dma_wait3A_1054 : memref<1024xf32, #tpu.memory_space<vmem>>)
    %add3A_1058 = arith.constant 12 : i32
    %add3A_1059 = arith.addi %min3A_3, %add3A_1058 : i32
    %dma_wait3A_1060 = arith.constant 12288 : i32
    %dma_wait3A_1061 = tpu.memref_slice %arg7[%dma_wait3A_1060] : memref<32768xf32, #tpu.memory_space<vmem>> -> memref<1024xf32, #tpu.memory_space<vmem>>
    %dma_wait3A_1062 = arith.constant 0 : i32
    %dma_wait3A_1063 = tpu.memref_slice %arg2[%add3A_1059, %dma_wait3A_1062] : memref<1000x1024xf32, #tpu.memory_space<hbm>> -> memref<1x1024xf32, #tpu.memory_space<hbm>>
    %dma_wait3A_1064 = tpu.memref_squeeze %dma_wait3A_1063 : memref<1x1024xf32, #tpu.memory_space<hbm>> -> memref<1024xf32, #tpu.memory_space<hbm>>
    %dma_wait3A_1065 = arith.constant 12288 : i32
    %dma_wait3A_1066 = tpu.memref_slice %arg7[%dma_wait3A_1065] : memref<32768xf32, #tpu.memory_space<vmem>> -> memref<1024xf32, #tpu.memory_space<vmem>>
    %dma_wait3A_1067 = arith.constant 0 : i32
    %dma_wait3A_1068 = tpu.memref_slice %arg2[%add3A_1059, %dma_wait3A_1067] : memref<1000x1024xf32, #tpu.memory_space<hbm>> -> memref<1x1024xf32, #tpu.memory_space<hbm>>
    %dma_wait3A_1069 = tpu.memref_squeeze %dma_wait3A_1068 : memref<1x1024xf32, #tpu.memory_space<hbm>> -> memref<1024xf32, #tpu.memory_space<hbm>>
    tpu.wait_dma2 semaphore(%arg15 : memref<!tpu.dma_semaphore, #tpu.memory_space<semaphore_mem>>) src(%dma_wait3A_1069 : memref<1024xf32, #tpu.memory_space<hbm>>) dst(%dma_wait3A_1066 : memref<1024xf32, #tpu.memory_space<vmem>>)
    %add3A_1070 = arith.constant 12 : i32
    %add3A_1071 = arith.addi %min3A_3, %add3A_1070 : i32
    %dma_wait3A_1072 = arith.constant 12288 : i32
    %dma_wait3A_1073 = tpu.memref_slice %arg8[%dma_wait3A_1072] : memref<32768xf32, #tpu.memory_space<vmem>> -> memref<1024xf32, #tpu.memory_space<vmem>>
    %dma_wait3A_1074 = arith.constant 0 : i32
    %dma_wait3A_1075 = tpu.memref_slice %arg3[%add3A_1071, %dma_wait3A_1074] : memref<1000x1024xf32, #tpu.memory_space<hbm>> -> memref<1x1024xf32, #tpu.memory_space<hbm>>
    %dma_wait3A_1076 = tpu.memref_squeeze %dma_wait3A_1075 : memref<1x1024xf32, #tpu.memory_space<hbm>> -> memref<1024xf32, #tpu.memory_space<hbm>>
    %dma_wait3A_1077 = arith.constant 12288 : i32
    %dma_wait3A_1078 = tpu.memref_slice %arg8[%dma_wait3A_1077] : memref<32768xf32, #tpu.memory_space<vmem>> -> memref<1024xf32, #tpu.memory_space<vmem>>
    %dma_wait3A_1079 = arith.constant 0 : i32
    %dma_wait3A_1080 = tpu.memref_slice %arg3[%add3A_1071, %dma_wait3A_1079] : memref<1000x1024xf32, #tpu.memory_space<hbm>> -> memref<1x1024xf32, #tpu.memory_space<hbm>>
    %dma_wait3A_1081 = tpu.memref_squeeze %dma_wait3A_1080 : memref<1x1024xf32, #tpu.memory_space<hbm>> -> memref<1024xf32, #tpu.memory_space<hbm>>
    tpu.wait_dma2 semaphore(%arg15 : memref<!tpu.dma_semaphore, #tpu.memory_space<semaphore_mem>>) src(%dma_wait3A_1081 : memref<1024xf32, #tpu.memory_space<hbm>>) dst(%dma_wait3A_1078 : memref<1024xf32, #tpu.memory_space<vmem>>)
    %add3A_1082 = arith.constant 13 : i32
    %add3A_1083 = arith.addi %min3A_3, %add3A_1082 : i32
    %dma_wait3A_1084 = arith.constant 13312 : i32
    %dma_wait3A_1085 = tpu.memref_slice %arg7[%dma_wait3A_1084] : memref<32768xf32, #tpu.memory_space<vmem>> -> memref<1024xf32, #tpu.memory_space<vmem>>
    %dma_wait3A_1086 = arith.constant 0 : i32
    %dma_wait3A_1087 = tpu.memref_slice %arg2[%add3A_1083, %dma_wait3A_1086] : memref<1000x1024xf32, #tpu.memory_space<hbm>> -> memref<1x1024xf32, #tpu.memory_space<hbm>>
    %dma_wait3A_1088 = tpu.memref_squeeze %dma_wait3A_1087 : memref<1x1024xf32, #tpu.memory_space<hbm>> -> memref<1024xf32, #tpu.memory_space<hbm>>
    %dma_wait3A_1089 = arith.constant 13312 : i32
    %dma_wait3A_1090 = tpu.memref_slice %arg7[%dma_wait3A_1089] : memref<32768xf32, #tpu.memory_space<vmem>> -> memref<1024xf32, #tpu.memory_space<vmem>>
    %dma_wait3A_1091 = arith.constant 0 : i32
    %dma_wait3A_1092 = tpu.memref_slice %arg2[%add3A_1083, %dma_wait3A_1091] : memref<1000x1024xf32, #tpu.memory_space<hbm>> -> memref<1x1024xf32, #tpu.memory_space<hbm>>
    %dma_wait3A_1093 = tpu.memref_squeeze %dma_wait3A_1092 : memref<1x1024xf32, #tpu.memory_space<hbm>> -> memref<1024xf32, #tpu.memory_space<hbm>>
    tpu.wait_dma2 semaphore(%arg15 : memref<!tpu.dma_semaphore, #tpu.memory_space<semaphore_mem>>) src(%dma_wait3A_1093 : memref<1024xf32, #tpu.memory_space<hbm>>) dst(%dma_wait3A_1090 : memref<1024xf32, #tpu.memory_space<vmem>>)
    %add3A_1094 = arith.constant 13 : i32
    %add3A_1095 = arith.addi %min3A_3, %add3A_1094 : i32
    %dma_wait3A_1096 = arith.constant 13312 : i32
    %dma_wait3A_1097 = tpu.memref_slice %arg8[%dma_wait3A_1096] : memref<32768xf32, #tpu.memory_space<vmem>> -> memref<1024xf32, #tpu.memory_space<vmem>>
    %dma_wait3A_1098 = arith.constant 0 : i32
    %dma_wait3A_1099 = tpu.memref_slice %arg3[%add3A_1095, %dma_wait3A_1098] : memref<1000x1024xf32, #tpu.memory_space<hbm>> -> memref<1x1024xf32, #tpu.memory_space<hbm>>
    %dma_wait3A_1100 = tpu.memref_squeeze %dma_wait3A_1099 : memref<1x1024xf32, #tpu.memory_space<hbm>> -> memref<1024xf32, #tpu.memory_space<hbm>>
    %dma_wait3A_1101 = arith.constant 13312 : i32
    %dma_wait3A_1102 = tpu.memref_slice %arg8[%dma_wait3A_1101] : memref<32768xf32, #tpu.memory_space<vmem>> -> memref<1024xf32, #tpu.memory_space<vmem>>
    %dma_wait3A_1103 = arith.constant 0 : i32
    %dma_wait3A_1104 = tpu.memref_slice %arg3[%add3A_1095, %dma_wait3A_1103] : memref<1000x1024xf32, #tpu.memory_space<hbm>> -> memref<1x1024xf32, #tpu.memory_space<hbm>>
    %dma_wait3A_1105 = tpu.memref_squeeze %dma_wait3A_1104 : memref<1x1024xf32, #tpu.memory_space<hbm>> -> memref<1024xf32, #tpu.memory_space<hbm>>
    tpu.wait_dma2 semaphore(%arg15 : memref<!tpu.dma_semaphore, #tpu.memory_space<semaphore_mem>>) src(%dma_wait3A_1105 : memref<1024xf32, #tpu.memory_space<hbm>>) dst(%dma_wait3A_1102 : memref<1024xf32, #tpu.memory_space<vmem>>)
    %add3A_1106 = arith.constant 14 : i32
    %add3A_1107 = arith.addi %min3A_3, %add3A_1106 : i32
    %dma_wait3A_1108 = arith.constant 14336 : i32
    %dma_wait3A_1109 = tpu.memref_slice %arg7[%dma_wait3A_1108] : memref<32768xf32, #tpu.memory_space<vmem>> -> memref<1024xf32, #tpu.memory_space<vmem>>
    %dma_wait3A_1110 = arith.constant 0 : i32
    %dma_wait3A_1111 = tpu.memref_slice %arg2[%add3A_1107, %dma_wait3A_1110] : memref<1000x1024xf32, #tpu.memory_space<hbm>> -> memref<1x1024xf32, #tpu.memory_space<hbm>>
    %dma_wait3A_1112 = tpu.memref_squeeze %dma_wait3A_1111 : memref<1x1024xf32, #tpu.memory_space<hbm>> -> memref<1024xf32, #tpu.memory_space<hbm>>
    %dma_wait3A_1113 = arith.constant 14336 : i32
    %dma_wait3A_1114 = tpu.memref_slice %arg7[%dma_wait3A_1113] : memref<32768xf32, #tpu.memory_space<vmem>> -> memref<1024xf32, #tpu.memory_space<vmem>>
    %dma_wait3A_1115 = arith.constant 0 : i32
    %dma_wait3A_1116 = tpu.memref_slice %arg2[%add3A_1107, %dma_wait3A_1115] : memref<1000x1024xf32, #tpu.memory_space<hbm>> -> memref<1x1024xf32, #tpu.memory_space<hbm>>
    %dma_wait3A_1117 = tpu.memref_squeeze %dma_wait3A_1116 : memref<1x1024xf32, #tpu.memory_space<hbm>> -> memref<1024xf32, #tpu.memory_space<hbm>>
    tpu.wait_dma2 semaphore(%arg15 : memref<!tpu.dma_semaphore, #tpu.memory_space<semaphore_mem>>) src(%dma_wait3A_1117 : memref<1024xf32, #tpu.memory_space<hbm>>) dst(%dma_wait3A_1114 : memref<1024xf32, #tpu.memory_space<vmem>>)
    %add3A_1118 = arith.constant 14 : i32
    %add3A_1119 = arith.addi %min3A_3, %add3A_1118 : i32
    %dma_wait3A_1120 = arith.constant 14336 : i32
    %dma_wait3A_1121 = tpu.memref_slice %arg8[%dma_wait3A_1120] : memref<32768xf32, #tpu.memory_space<vmem>> -> memref<1024xf32, #tpu.memory_space<vmem>>
    %dma_wait3A_1122 = arith.constant 0 : i32
    %dma_wait3A_1123 = tpu.memref_slice %arg3[%add3A_1119, %dma_wait3A_1122] : memref<1000x1024xf32, #tpu.memory_space<hbm>> -> memref<1x1024xf32, #tpu.memory_space<hbm>>
    %dma_wait3A_1124 = tpu.memref_squeeze %dma_wait3A_1123 : memref<1x1024xf32, #tpu.memory_space<hbm>> -> memref<1024xf32, #tpu.memory_space<hbm>>
    %dma_wait3A_1125 = arith.constant 14336 : i32
    %dma_wait3A_1126 = tpu.memref_slice %arg8[%dma_wait3A_1125] : memref<32768xf32, #tpu.memory_space<vmem>> -> memref<1024xf32, #tpu.memory_space<vmem>>
    %dma_wait3A_1127 = arith.constant 0 : i32
    %dma_wait3A_1128 = tpu.memref_slice %arg3[%add3A_1119, %dma_wait3A_1127] : memref<1000x1024xf32, #tpu.memory_space<hbm>> -> memref<1x1024xf32, #tpu.memory_space<hbm>>
    %dma_wait3A_1129 = tpu.memref_squeeze %dma_wait3A_1128 : memref<1x1024xf32, #tpu.memory_space<hbm>> -> memref<1024xf32, #tpu.memory_space<hbm>>
    tpu.wait_dma2 semaphore(%arg15 : memref<!tpu.dma_semaphore, #tpu.memory_space<semaphore_mem>>) src(%dma_wait3A_1129 : memref<1024xf32, #tpu.memory_space<hbm>>) dst(%dma_wait3A_1126 : memref<1024xf32, #tpu.memory_space<vmem>>)
    %add3A_1130 = arith.constant 15 : i32
    %add3A_1131 = arith.addi %min3A_3, %add3A_1130 : i32
    %dma_wait3A_1132 = arith.constant 15360 : i32
    %dma_wait3A_1133 = tpu.memref_slice %arg7[%dma_wait3A_1132] : memref<32768xf32, #tpu.memory_space<vmem>> -> memref<1024xf32, #tpu.memory_space<vmem>>
    %dma_wait3A_1134 = arith.constant 0 : i32
    %dma_wait3A_1135 = tpu.memref_slice %arg2[%add3A_1131, %dma_wait3A_1134] : memref<1000x1024xf32, #tpu.memory_space<hbm>> -> memref<1x1024xf32, #tpu.memory_space<hbm>>
    %dma_wait3A_1136 = tpu.memref_squeeze %dma_wait3A_1135 : memref<1x1024xf32, #tpu.memory_space<hbm>> -> memref<1024xf32, #tpu.memory_space<hbm>>
    %dma_wait3A_1137 = arith.constant 15360 : i32
    %dma_wait3A_1138 = tpu.memref_slice %arg7[%dma_wait3A_1137] : memref<32768xf32, #tpu.memory_space<vmem>> -> memref<1024xf32, #tpu.memory_space<vmem>>
    %dma_wait3A_1139 = arith.constant 0 : i32
    %dma_wait3A_1140 = tpu.memref_slice %arg2[%add3A_1131, %dma_wait3A_1139] : memref<1000x1024xf32, #tpu.memory_space<hbm>> -> memref<1x1024xf32, #tpu.memory_space<hbm>>
    %dma_wait3A_1141 = tpu.memref_squeeze %dma_wait3A_1140 : memref<1x1024xf32, #tpu.memory_space<hbm>> -> memref<1024xf32, #tpu.memory_space<hbm>>
    tpu.wait_dma2 semaphore(%arg15 : memref<!tpu.dma_semaphore, #tpu.memory_space<semaphore_mem>>) src(%dma_wait3A_1141 : memref<1024xf32, #tpu.memory_space<hbm>>) dst(%dma_wait3A_1138 : memref<1024xf32, #tpu.memory_space<vmem>>)
    %add3A_1142 = arith.constant 15 : i32
    %add3A_1143 = arith.addi %min3A_3, %add3A_1142 : i32
    %dma_wait3A_1144 = arith.constant 15360 : i32
    %dma_wait3A_1145 = tpu.memref_slice %arg8[%dma_wait3A_1144] : memref<32768xf32, #tpu.memory_space<vmem>> -> memref<1024xf32, #tpu.memory_space<vmem>>
    %dma_wait3A_1146 = arith.constant 0 : i32
    %dma_wait3A_1147 = tpu.memref_slice %arg3[%add3A_1143, %dma_wait3A_1146] : memref<1000x1024xf32, #tpu.memory_space<hbm>> -> memref<1x1024xf32, #tpu.memory_space<hbm>>
    %dma_wait3A_1148 = tpu.memref_squeeze %dma_wait3A_1147 : memref<1x1024xf32, #tpu.memory_space<hbm>> -> memref<1024xf32, #tpu.memory_space<hbm>>
    %dma_wait3A_1149 = arith.constant 15360 : i32
    %dma_wait3A_1150 = tpu.memref_slice %arg8[%dma_wait3A_1149] : memref<32768xf32, #tpu.memory_space<vmem>> -> memref<1024xf32, #tpu.memory_space<vmem>>
    %dma_wait3A_1151 = arith.constant 0 : i32
    %dma_wait3A_1152 = tpu.memref_slice %arg3[%add3A_1143, %dma_wait3A_1151] : memref<1000x1024xf32, #tpu.memory_space<hbm>> -> memref<1x1024xf32, #tpu.memory_space<hbm>>
    %dma_wait3A_1153 = tpu.memref_squeeze %dma_wait3A_1152 : memref<1x1024xf32, #tpu.memory_space<hbm>> -> memref<1024xf32, #tpu.memory_space<hbm>>
    tpu.wait_dma2 semaphore(%arg15 : memref<!tpu.dma_semaphore, #tpu.memory_space<semaphore_mem>>) src(%dma_wait3A_1153 : memref<1024xf32, #tpu.memory_space<hbm>>) dst(%dma_wait3A_1150 : memref<1024xf32, #tpu.memory_space<vmem>>)
    %add3A_1154 = arith.constant 16 : i32
    %add3A_1155 = arith.addi %min3A_3, %add3A_1154 : i32
    %dma_wait3A_1156 = arith.constant 16384 : i32
    %dma_wait3A_1157 = tpu.memref_slice %arg7[%dma_wait3A_1156] : memref<32768xf32, #tpu.memory_space<vmem>> -> memref<1024xf32, #tpu.memory_space<vmem>>
    %dma_wait3A_1158 = arith.constant 0 : i32
    %dma_wait3A_1159 = tpu.memref_slice %arg2[%add3A_1155, %dma_wait3A_1158] : memref<1000x1024xf32, #tpu.memory_space<hbm>> -> memref<1x1024xf32, #tpu.memory_space<hbm>>
    %dma_wait3A_1160 = tpu.memref_squeeze %dma_wait3A_1159 : memref<1x1024xf32, #tpu.memory_space<hbm>> -> memref<1024xf32, #tpu.memory_space<hbm>>
    %dma_wait3A_1161 = arith.constant 16384 : i32
    %dma_wait3A_1162 = tpu.memref_slice %arg7[%dma_wait3A_1161] : memref<32768xf32, #tpu.memory_space<vmem>> -> memref<1024xf32, #tpu.memory_space<vmem>>
    %dma_wait3A_1163 = arith.constant 0 : i32
    %dma_wait3A_1164 = tpu.memref_slice %arg2[%add3A_1155, %dma_wait3A_1163] : memref<1000x1024xf32, #tpu.memory_space<hbm>> -> memref<1x1024xf32, #tpu.memory_space<hbm>>
    %dma_wait3A_1165 = tpu.memref_squeeze %dma_wait3A_1164 : memref<1x1024xf32, #tpu.memory_space<hbm>> -> memref<1024xf32, #tpu.memory_space<hbm>>
    tpu.wait_dma2 semaphore(%arg15 : memref<!tpu.dma_semaphore, #tpu.memory_space<semaphore_mem>>) src(%dma_wait3A_1165 : memref<1024xf32, #tpu.memory_space<hbm>>) dst(%dma_wait3A_1162 : memref<1024xf32, #tpu.memory_space<vmem>>)
    %add3A_1166 = arith.constant 16 : i32
    %add3A_1167 = arith.addi %min3A_3, %add3A_1166 : i32
    %dma_wait3A_1168 = arith.constant 16384 : i32
    %dma_wait3A_1169 = tpu.memref_slice %arg8[%dma_wait3A_1168] : memref<32768xf32, #tpu.memory_space<vmem>> -> memref<1024xf32, #tpu.memory_space<vmem>>
    %dma_wait3A_1170 = arith.constant 0 : i32
    %dma_wait3A_1171 = tpu.memref_slice %arg3[%add3A_1167, %dma_wait3A_1170] : memref<1000x1024xf32, #tpu.memory_space<hbm>> -> memref<1x1024xf32, #tpu.memory_space<hbm>>
    %dma_wait3A_1172 = tpu.memref_squeeze %dma_wait3A_1171 : memref<1x1024xf32, #tpu.memory_space<hbm>> -> memref<1024xf32, #tpu.memory_space<hbm>>
    %dma_wait3A_1173 = arith.constant 16384 : i32
    %dma_wait3A_1174 = tpu.memref_slice %arg8[%dma_wait3A_1173] : memref<32768xf32, #tpu.memory_space<vmem>> -> memref<1024xf32, #tpu.memory_space<vmem>>
    %dma_wait3A_1175 = arith.constant 0 : i32
    %dma_wait3A_1176 = tpu.memref_slice %arg3[%add3A_1167, %dma_wait3A_1175] : memref<1000x1024xf32, #tpu.memory_space<hbm>> -> memref<1x1024xf32, #tpu.memory_space<hbm>>
    %dma_wait3A_1177 = tpu.memref_squeeze %dma_wait3A_1176 : memref<1x1024xf32, #tpu.memory_space<hbm>> -> memref<1024xf32, #tpu.memory_space<hbm>>
    tpu.wait_dma2 semaphore(%arg15 : memref<!tpu.dma_semaphore, #tpu.memory_space<semaphore_mem>>) src(%dma_wait3A_1177 : memref<1024xf32, #tpu.memory_space<hbm>>) dst(%dma_wait3A_1174 : memref<1024xf32, #tpu.memory_space<vmem>>)
    %add3A_1178 = arith.constant 17 : i32
    %add3A_1179 = arith.addi %min3A_3, %add3A_1178 : i32
    %dma_wait3A_1180 = arith.constant 17408 : i32
    %dma_wait3A_1181 = tpu.memref_slice %arg7[%dma_wait3A_1180] : memref<32768xf32, #tpu.memory_space<vmem>> -> memref<1024xf32, #tpu.memory_space<vmem>>
    %dma_wait3A_1182 = arith.constant 0 : i32
    %dma_wait3A_1183 = tpu.memref_slice %arg2[%add3A_1179, %dma_wait3A_1182] : memref<1000x1024xf32, #tpu.memory_space<hbm>> -> memref<1x1024xf32, #tpu.memory_space<hbm>>
    %dma_wait3A_1184 = tpu.memref_squeeze %dma_wait3A_1183 : memref<1x1024xf32, #tpu.memory_space<hbm>> -> memref<1024xf32, #tpu.memory_space<hbm>>
    %dma_wait3A_1185 = arith.constant 17408 : i32
    %dma_wait3A_1186 = tpu.memref_slice %arg7[%dma_wait3A_1185] : memref<32768xf32, #tpu.memory_space<vmem>> -> memref<1024xf32, #tpu.memory_space<vmem>>
    %dma_wait3A_1187 = arith.constant 0 : i32
    %dma_wait3A_1188 = tpu.memref_slice %arg2[%add3A_1179, %dma_wait3A_1187] : memref<1000x1024xf32, #tpu.memory_space<hbm>> -> memref<1x1024xf32, #tpu.memory_space<hbm>>
    %dma_wait3A_1189 = tpu.memref_squeeze %dma_wait3A_1188 : memref<1x1024xf32, #tpu.memory_space<hbm>> -> memref<1024xf32, #tpu.memory_space<hbm>>
    tpu.wait_dma2 semaphore(%arg15 : memref<!tpu.dma_semaphore, #tpu.memory_space<semaphore_mem>>) src(%dma_wait3A_1189 : memref<1024xf32, #tpu.memory_space<hbm>>) dst(%dma_wait3A_1186 : memref<1024xf32, #tpu.memory_space<vmem>>)
    %add3A_1190 = arith.constant 17 : i32
    %add3A_1191 = arith.addi %min3A_3, %add3A_1190 : i32
    %dma_wait3A_1192 = arith.constant 17408 : i32
    %dma_wait3A_1193 = tpu.memref_slice %arg8[%dma_wait3A_1192] : memref<32768xf32, #tpu.memory_space<vmem>> -> memref<1024xf32, #tpu.memory_space<vmem>>
    %dma_wait3A_1194 = arith.constant 0 : i32
    %dma_wait3A_1195 = tpu.memref_slice %arg3[%add3A_1191, %dma_wait3A_1194] : memref<1000x1024xf32, #tpu.memory_space<hbm>> -> memref<1x1024xf32, #tpu.memory_space<hbm>>
    %dma_wait3A_1196 = tpu.memref_squeeze %dma_wait3A_1195 : memref<1x1024xf32, #tpu.memory_space<hbm>> -> memref<1024xf32, #tpu.memory_space<hbm>>
    %dma_wait3A_1197 = arith.constant 17408 : i32
    %dma_wait3A_1198 = tpu.memref_slice %arg8[%dma_wait3A_1197] : memref<32768xf32, #tpu.memory_space<vmem>> -> memref<1024xf32, #tpu.memory_space<vmem>>
    %dma_wait3A_1199 = arith.constant 0 : i32
    %dma_wait3A_1200 = tpu.memref_slice %arg3[%add3A_1191, %dma_wait3A_1199] : memref<1000x1024xf32, #tpu.memory_space<hbm>> -> memref<1x1024xf32, #tpu.memory_space<hbm>>
    %dma_wait3A_1201 = tpu.memref_squeeze %dma_wait3A_1200 : memref<1x1024xf32, #tpu.memory_space<hbm>> -> memref<1024xf32, #tpu.memory_space<hbm>>
    tpu.wait_dma2 semaphore(%arg15 : memref<!tpu.dma_semaphore, #tpu.memory_space<semaphore_mem>>) src(%dma_wait3A_1201 : memref<1024xf32, #tpu.memory_space<hbm>>) dst(%dma_wait3A_1198 : memref<1024xf32, #tpu.memory_space<vmem>>)
    %add3A_1202 = arith.constant 18 : i32
    %add3A_1203 = arith.addi %min3A_3, %add3A_1202 : i32
    %dma_wait3A_1204 = arith.constant 18432 : i32
    %dma_wait3A_1205 = tpu.memref_slice %arg7[%dma_wait3A_1204] : memref<32768xf32, #tpu.memory_space<vmem>> -> memref<1024xf32, #tpu.memory_space<vmem>>
    %dma_wait3A_1206 = arith.constant 0 : i32
    %dma_wait3A_1207 = tpu.memref_slice %arg2[%add3A_1203, %dma_wait3A_1206] : memref<1000x1024xf32, #tpu.memory_space<hbm>> -> memref<1x1024xf32, #tpu.memory_space<hbm>>
    %dma_wait3A_1208 = tpu.memref_squeeze %dma_wait3A_1207 : memref<1x1024xf32, #tpu.memory_space<hbm>> -> memref<1024xf32, #tpu.memory_space<hbm>>
    %dma_wait3A_1209 = arith.constant 18432 : i32
    %dma_wait3A_1210 = tpu.memref_slice %arg7[%dma_wait3A_1209] : memref<32768xf32, #tpu.memory_space<vmem>> -> memref<1024xf32, #tpu.memory_space<vmem>>
    %dma_wait3A_1211 = arith.constant 0 : i32
    %dma_wait3A_1212 = tpu.memref_slice %arg2[%add3A_1203, %dma_wait3A_1211] : memref<1000x1024xf32, #tpu.memory_space<hbm>> -> memref<1x1024xf32, #tpu.memory_space<hbm>>
    %dma_wait3A_1213 = tpu.memref_squeeze %dma_wait3A_1212 : memref<1x1024xf32, #tpu.memory_space<hbm>> -> memref<1024xf32, #tpu.memory_space<hbm>>
    tpu.wait_dma2 semaphore(%arg15 : memref<!tpu.dma_semaphore, #tpu.memory_space<semaphore_mem>>) src(%dma_wait3A_1213 : memref<1024xf32, #tpu.memory_space<hbm>>) dst(%dma_wait3A_1210 : memref<1024xf32, #tpu.memory_space<vmem>>)
    %add3A_1214 = arith.constant 18 : i32
    %add3A_1215 = arith.addi %min3A_3, %add3A_1214 : i32
    %dma_wait3A_1216 = arith.constant 18432 : i32
    %dma_wait3A_1217 = tpu.memref_slice %arg8[%dma_wait3A_1216] : memref<32768xf32, #tpu.memory_space<vmem>> -> memref<1024xf32, #tpu.memory_space<vmem>>
    %dma_wait3A_1218 = arith.constant 0 : i32
    %dma_wait3A_1219 = tpu.memref_slice %arg3[%add3A_1215, %dma_wait3A_1218] : memref<1000x1024xf32, #tpu.memory_space<hbm>> -> memref<1x1024xf32, #tpu.memory_space<hbm>>
    %dma_wait3A_1220 = tpu.memref_squeeze %dma_wait3A_1219 : memref<1x1024xf32, #tpu.memory_space<hbm>> -> memref<1024xf32, #tpu.memory_space<hbm>>
    %dma_wait3A_1221 = arith.constant 18432 : i32
    %dma_wait3A_1222 = tpu.memref_slice %arg8[%dma_wait3A_1221] : memref<32768xf32, #tpu.memory_space<vmem>> -> memref<1024xf32, #tpu.memory_space<vmem>>
    %dma_wait3A_1223 = arith.constant 0 : i32
    %dma_wait3A_1224 = tpu.memref_slice %arg3[%add3A_1215, %dma_wait3A_1223] : memref<1000x1024xf32, #tpu.memory_space<hbm>> -> memref<1x1024xf32, #tpu.memory_space<hbm>>
    %dma_wait3A_1225 = tpu.memref_squeeze %dma_wait3A_1224 : memref<1x1024xf32, #tpu.memory_space<hbm>> -> memref<1024xf32, #tpu.memory_space<hbm>>
    tpu.wait_dma2 semaphore(%arg15 : memref<!tpu.dma_semaphore, #tpu.memory_space<semaphore_mem>>) src(%dma_wait3A_1225 : memref<1024xf32, #tpu.memory_space<hbm>>) dst(%dma_wait3A_1222 : memref<1024xf32, #tpu.memory_space<vmem>>)
    %add3A_1226 = arith.constant 19 : i32
    %add3A_1227 = arith.addi %min3A_3, %add3A_1226 : i32
    %dma_wait3A_1228 = arith.constant 19456 : i32
    %dma_wait3A_1229 = tpu.memref_slice %arg7[%dma_wait3A_1228] : memref<32768xf32, #tpu.memory_space<vmem>> -> memref<1024xf32, #tpu.memory_space<vmem>>
    %dma_wait3A_1230 = arith.constant 0 : i32
    %dma_wait3A_1231 = tpu.memref_slice %arg2[%add3A_1227, %dma_wait3A_1230] : memref<1000x1024xf32, #tpu.memory_space<hbm>> -> memref<1x1024xf32, #tpu.memory_space<hbm>>
    %dma_wait3A_1232 = tpu.memref_squeeze %dma_wait3A_1231 : memref<1x1024xf32, #tpu.memory_space<hbm>> -> memref<1024xf32, #tpu.memory_space<hbm>>
    %dma_wait3A_1233 = arith.constant 19456 : i32
    %dma_wait3A_1234 = tpu.memref_slice %arg7[%dma_wait3A_1233] : memref<32768xf32, #tpu.memory_space<vmem>> -> memref<1024xf32, #tpu.memory_space<vmem>>
    %dma_wait3A_1235 = arith.constant 0 : i32
    %dma_wait3A_1236 = tpu.memref_slice %arg2[%add3A_1227, %dma_wait3A_1235] : memref<1000x1024xf32, #tpu.memory_space<hbm>> -> memref<1x1024xf32, #tpu.memory_space<hbm>>
    %dma_wait3A_1237 = tpu.memref_squeeze %dma_wait3A_1236 : memref<1x1024xf32, #tpu.memory_space<hbm>> -> memref<1024xf32, #tpu.memory_space<hbm>>
    tpu.wait_dma2 semaphore(%arg15 : memref<!tpu.dma_semaphore, #tpu.memory_space<semaphore_mem>>) src(%dma_wait3A_1237 : memref<1024xf32, #tpu.memory_space<hbm>>) dst(%dma_wait3A_1234 : memref<1024xf32, #tpu.memory_space<vmem>>)
    %add3A_1238 = arith.constant 19 : i32
    %add3A_1239 = arith.addi %min3A_3, %add3A_1238 : i32
    %dma_wait3A_1240 = arith.constant 19456 : i32
    %dma_wait3A_1241 = tpu.memref_slice %arg8[%dma_wait3A_1240] : memref<32768xf32, #tpu.memory_space<vmem>> -> memref<1024xf32, #tpu.memory_space<vmem>>
    %dma_wait3A_1242 = arith.constant 0 : i32
    %dma_wait3A_1243 = tpu.memref_slice %arg3[%add3A_1239, %dma_wait3A_1242] : memref<1000x1024xf32, #tpu.memory_space<hbm>> -> memref<1x1024xf32, #tpu.memory_space<hbm>>
    %dma_wait3A_1244 = tpu.memref_squeeze %dma_wait3A_1243 : memref<1x1024xf32, #tpu.memory_space<hbm>> -> memref<1024xf32, #tpu.memory_space<hbm>>
    %dma_wait3A_1245 = arith.constant 19456 : i32
    %dma_wait3A_1246 = tpu.memref_slice %arg8[%dma_wait3A_1245] : memref<32768xf32, #tpu.memory_space<vmem>> -> memref<1024xf32, #tpu.memory_space<vmem>>
    %dma_wait3A_1247 = arith.constant 0 : i32
    %dma_wait3A_1248 = tpu.memref_slice %arg3[%add3A_1239, %dma_wait3A_1247] : memref<1000x1024xf32, #tpu.memory_space<hbm>> -> memref<1x1024xf32, #tpu.memory_space<hbm>>
    %dma_wait3A_1249 = tpu.memref_squeeze %dma_wait3A_1248 : memref<1x1024xf32, #tpu.memory_space<hbm>> -> memref<1024xf32, #tpu.memory_space<hbm>>
    tpu.wait_dma2 semaphore(%arg15 : memref<!tpu.dma_semaphore, #tpu.memory_space<semaphore_mem>>) src(%dma_wait3A_1249 : memref<1024xf32, #tpu.memory_space<hbm>>) dst(%dma_wait3A_1246 : memref<1024xf32, #tpu.memory_space<vmem>>)
    %add3A_1250 = arith.constant 20 : i32
    %add3A_1251 = arith.addi %min3A_3, %add3A_1250 : i32
    %dma_wait3A_1252 = arith.constant 20480 : i32
    %dma_wait3A_1253 = tpu.memref_slice %arg7[%dma_wait3A_1252] : memref<32768xf32, #tpu.memory_space<vmem>> -> memref<1024xf32, #tpu.memory_space<vmem>>
    %dma_wait3A_1254 = arith.constant 0 : i32
    %dma_wait3A_1255 = tpu.memref_slice %arg2[%add3A_1251, %dma_wait3A_1254] : memref<1000x1024xf32, #tpu.memory_space<hbm>> -> memref<1x1024xf32, #tpu.memory_space<hbm>>
    %dma_wait3A_1256 = tpu.memref_squeeze %dma_wait3A_1255 : memref<1x1024xf32, #tpu.memory_space<hbm>> -> memref<1024xf32, #tpu.memory_space<hbm>>
    %dma_wait3A_1257 = arith.constant 20480 : i32
    %dma_wait3A_1258 = tpu.memref_slice %arg7[%dma_wait3A_1257] : memref<32768xf32, #tpu.memory_space<vmem>> -> memref<1024xf32, #tpu.memory_space<vmem>>
    %dma_wait3A_1259 = arith.constant 0 : i32
    %dma_wait3A_1260 = tpu.memref_slice %arg2[%add3A_1251, %dma_wait3A_1259] : memref<1000x1024xf32, #tpu.memory_space<hbm>> -> memref<1x1024xf32, #tpu.memory_space<hbm>>
    %dma_wait3A_1261 = tpu.memref_squeeze %dma_wait3A_1260 : memref<1x1024xf32, #tpu.memory_space<hbm>> -> memref<1024xf32, #tpu.memory_space<hbm>>
    tpu.wait_dma2 semaphore(%arg15 : memref<!tpu.dma_semaphore, #tpu.memory_space<semaphore_mem>>) src(%dma_wait3A_1261 : memref<1024xf32, #tpu.memory_space<hbm>>) dst(%dma_wait3A_1258 : memref<1024xf32, #tpu.memory_space<vmem>>)
    %add3A_1262 = arith.constant 20 : i32
    %add3A_1263 = arith.addi %min3A_3, %add3A_1262 : i32
    %dma_wait3A_1264 = arith.constant 20480 : i32
    %dma_wait3A_1265 = tpu.memref_slice %arg8[%dma_wait3A_1264] : memref<32768xf32, #tpu.memory_space<vmem>> -> memref<1024xf32, #tpu.memory_space<vmem>>
    %dma_wait3A_1266 = arith.constant 0 : i32
    %dma_wait3A_1267 = tpu.memref_slice %arg3[%add3A_1263, %dma_wait3A_1266] : memref<1000x1024xf32, #tpu.memory_space<hbm>> -> memref<1x1024xf32, #tpu.memory_space<hbm>>
    %dma_wait3A_1268 = tpu.memref_squeeze %dma_wait3A_1267 : memref<1x1024xf32, #tpu.memory_space<hbm>> -> memref<1024xf32, #tpu.memory_space<hbm>>
    %dma_wait3A_1269 = arith.constant 20480 : i32
    %dma_wait3A_1270 = tpu.memref_slice %arg8[%dma_wait3A_1269] : memref<32768xf32, #tpu.memory_space<vmem>> -> memref<1024xf32, #tpu.memory_space<vmem>>
    %dma_wait3A_1271 = arith.constant 0 : i32
    %dma_wait3A_1272 = tpu.memref_slice %arg3[%add3A_1263, %dma_wait3A_1271] : memref<1000x1024xf32, #tpu.memory_space<hbm>> -> memref<1x1024xf32, #tpu.memory_space<hbm>>
    %dma_wait3A_1273 = tpu.memref_squeeze %dma_wait3A_1272 : memref<1x1024xf32, #tpu.memory_space<hbm>> -> memref<1024xf32, #tpu.memory_space<hbm>>
    tpu.wait_dma2 semaphore(%arg15 : memref<!tpu.dma_semaphore, #tpu.memory_space<semaphore_mem>>) src(%dma_wait3A_1273 : memref<1024xf32, #tpu.memory_space<hbm>>) dst(%dma_wait3A_1270 : memref<1024xf32, #tpu.memory_space<vmem>>)
    %add3A_1274 = arith.constant 21 : i32
    %add3A_1275 = arith.addi %min3A_3, %add3A_1274 : i32
    %dma_wait3A_1276 = arith.constant 21504 : i32
    %dma_wait3A_1277 = tpu.memref_slice %arg7[%dma_wait3A_1276] : memref<32768xf32, #tpu.memory_space<vmem>> -> memref<1024xf32, #tpu.memory_space<vmem>>
    %dma_wait3A_1278 = arith.constant 0 : i32
    %dma_wait3A_1279 = tpu.memref_slice %arg2[%add3A_1275, %dma_wait3A_1278] : memref<1000x1024xf32, #tpu.memory_space<hbm>> -> memref<1x1024xf32, #tpu.memory_space<hbm>>
    %dma_wait3A_1280 = tpu.memref_squeeze %dma_wait3A_1279 : memref<1x1024xf32, #tpu.memory_space<hbm>> -> memref<1024xf32, #tpu.memory_space<hbm>>
    %dma_wait3A_1281 = arith.constant 21504 : i32
    %dma_wait3A_1282 = tpu.memref_slice %arg7[%dma_wait3A_1281] : memref<32768xf32, #tpu.memory_space<vmem>> -> memref<1024xf32, #tpu.memory_space<vmem>>
    %dma_wait3A_1283 = arith.constant 0 : i32
    %dma_wait3A_1284 = tpu.memref_slice %arg2[%add3A_1275, %dma_wait3A_1283] : memref<1000x1024xf32, #tpu.memory_space<hbm>> -> memref<1x1024xf32, #tpu.memory_space<hbm>>
    %dma_wait3A_1285 = tpu.memref_squeeze %dma_wait3A_1284 : memref<1x1024xf32, #tpu.memory_space<hbm>> -> memref<1024xf32, #tpu.memory_space<hbm>>
    tpu.wait_dma2 semaphore(%arg15 : memref<!tpu.dma_semaphore, #tpu.memory_space<semaphore_mem>>) src(%dma_wait3A_1285 : memref<1024xf32, #tpu.memory_space<hbm>>) dst(%dma_wait3A_1282 : memref<1024xf32, #tpu.memory_space<vmem>>)
    %add3A_1286 = arith.constant 21 : i32
    %add3A_1287 = arith.addi %min3A_3, %add3A_1286 : i32
    %dma_wait3A_1288 = arith.constant 21504 : i32
    %dma_wait3A_1289 = tpu.memref_slice %arg8[%dma_wait3A_1288] : memref<32768xf32, #tpu.memory_space<vmem>> -> memref<1024xf32, #tpu.memory_space<vmem>>
    %dma_wait3A_1290 = arith.constant 0 : i32
    %dma_wait3A_1291 = tpu.memref_slice %arg3[%add3A_1287, %dma_wait3A_1290] : memref<1000x1024xf32, #tpu.memory_space<hbm>> -> memref<1x1024xf32, #tpu.memory_space<hbm>>
    %dma_wait3A_1292 = tpu.memref_squeeze %dma_wait3A_1291 : memref<1x1024xf32, #tpu.memory_space<hbm>> -> memref<1024xf32, #tpu.memory_space<hbm>>
    %dma_wait3A_1293 = arith.constant 21504 : i32
    %dma_wait3A_1294 = tpu.memref_slice %arg8[%dma_wait3A_1293] : memref<32768xf32, #tpu.memory_space<vmem>> -> memref<1024xf32, #tpu.memory_space<vmem>>
    %dma_wait3A_1295 = arith.constant 0 : i32
    %dma_wait3A_1296 = tpu.memref_slice %arg3[%add3A_1287, %dma_wait3A_1295] : memref<1000x1024xf32, #tpu.memory_space<hbm>> -> memref<1x1024xf32, #tpu.memory_space<hbm>>
    %dma_wait3A_1297 = tpu.memref_squeeze %dma_wait3A_1296 : memref<1x1024xf32, #tpu.memory_space<hbm>> -> memref<1024xf32, #tpu.memory_space<hbm>>
    tpu.wait_dma2 semaphore(%arg15 : memref<!tpu.dma_semaphore, #tpu.memory_space<semaphore_mem>>) src(%dma_wait3A_1297 : memref<1024xf32, #tpu.memory_space<hbm>>) dst(%dma_wait3A_1294 : memref<1024xf32, #tpu.memory_space<vmem>>)
    %add3A_1298 = arith.constant 22 : i32
    %add3A_1299 = arith.addi %min3A_3, %add3A_1298 : i32
    %dma_wait3A_1300 = arith.constant 22528 : i32
    %dma_wait3A_1301 = tpu.memref_slice %arg7[%dma_wait3A_1300] : memref<32768xf32, #tpu.memory_space<vmem>> -> memref<1024xf32, #tpu.memory_space<vmem>>
    %dma_wait3A_1302 = arith.constant 0 : i32
    %dma_wait3A_1303 = tpu.memref_slice %arg2[%add3A_1299, %dma_wait3A_1302] : memref<1000x1024xf32, #tpu.memory_space<hbm>> -> memref<1x1024xf32, #tpu.memory_space<hbm>>
    %dma_wait3A_1304 = tpu.memref_squeeze %dma_wait3A_1303 : memref<1x1024xf32, #tpu.memory_space<hbm>> -> memref<1024xf32, #tpu.memory_space<hbm>>
    %dma_wait3A_1305 = arith.constant 22528 : i32
    %dma_wait3A_1306 = tpu.memref_slice %arg7[%dma_wait3A_1305] : memref<32768xf32, #tpu.memory_space<vmem>> -> memref<1024xf32, #tpu.memory_space<vmem>>
    %dma_wait3A_1307 = arith.constant 0 : i32
    %dma_wait3A_1308 = tpu.memref_slice %arg2[%add3A_1299, %dma_wait3A_1307] : memref<1000x1024xf32, #tpu.memory_space<hbm>> -> memref<1x1024xf32, #tpu.memory_space<hbm>>
    %dma_wait3A_1309 = tpu.memref_squeeze %dma_wait3A_1308 : memref<1x1024xf32, #tpu.memory_space<hbm>> -> memref<1024xf32, #tpu.memory_space<hbm>>
    tpu.wait_dma2 semaphore(%arg15 : memref<!tpu.dma_semaphore, #tpu.memory_space<semaphore_mem>>) src(%dma_wait3A_1309 : memref<1024xf32, #tpu.memory_space<hbm>>) dst(%dma_wait3A_1306 : memref<1024xf32, #tpu.memory_space<vmem>>)
    %add3A_1310 = arith.constant 22 : i32
    %add3A_1311 = arith.addi %min3A_3, %add3A_1310 : i32
    %dma_wait3A_1312 = arith.constant 22528 : i32
    %dma_wait3A_1313 = tpu.memref_slice %arg8[%dma_wait3A_1312] : memref<32768xf32, #tpu.memory_space<vmem>> -> memref<1024xf32, #tpu.memory_space<vmem>>
    %dma_wait3A_1314 = arith.constant 0 : i32
    %dma_wait3A_1315 = tpu.memref_slice %arg3[%add3A_1311, %dma_wait3A_1314] : memref<1000x1024xf32, #tpu.memory_space<hbm>> -> memref<1x1024xf32, #tpu.memory_space<hbm>>
    %dma_wait3A_1316 = tpu.memref_squeeze %dma_wait3A_1315 : memref<1x1024xf32, #tpu.memory_space<hbm>> -> memref<1024xf32, #tpu.memory_space<hbm>>
    %dma_wait3A_1317 = arith.constant 22528 : i32
    %dma_wait3A_1318 = tpu.memref_slice %arg8[%dma_wait3A_1317] : memref<32768xf32, #tpu.memory_space<vmem>> -> memref<1024xf32, #tpu.memory_space<vmem>>
    %dma_wait3A_1319 = arith.constant 0 : i32
    %dma_wait3A_1320 = tpu.memref_slice %arg3[%add3A_1311, %dma_wait3A_1319] : memref<1000x1024xf32, #tpu.memory_space<hbm>> -> memref<1x1024xf32, #tpu.memory_space<hbm>>
    %dma_wait3A_1321 = tpu.memref_squeeze %dma_wait3A_1320 : memref<1x1024xf32, #tpu.memory_space<hbm>> -> memref<1024xf32, #tpu.memory_space<hbm>>
    tpu.wait_dma2 semaphore(%arg15 : memref<!tpu.dma_semaphore, #tpu.memory_space<semaphore_mem>>) src(%dma_wait3A_1321 : memref<1024xf32, #tpu.memory_space<hbm>>) dst(%dma_wait3A_1318 : memref<1024xf32, #tpu.memory_space<vmem>>)
    %add3A_1322 = arith.constant 23 : i32
    %add3A_1323 = arith.addi %min3A_3, %add3A_1322 : i32
    %dma_wait3A_1324 = arith.constant 23552 : i32
    %dma_wait3A_1325 = tpu.memref_slice %arg7[%dma_wait3A_1324] : memref<32768xf32, #tpu.memory_space<vmem>> -> memref<1024xf32, #tpu.memory_space<vmem>>
    %dma_wait3A_1326 = arith.constant 0 : i32
    %dma_wait3A_1327 = tpu.memref_slice %arg2[%add3A_1323, %dma_wait3A_1326] : memref<1000x1024xf32, #tpu.memory_space<hbm>> -> memref<1x1024xf32, #tpu.memory_space<hbm>>
    %dma_wait3A_1328 = tpu.memref_squeeze %dma_wait3A_1327 : memref<1x1024xf32, #tpu.memory_space<hbm>> -> memref<1024xf32, #tpu.memory_space<hbm>>
    %dma_wait3A_1329 = arith.constant 23552 : i32
    %dma_wait3A_1330 = tpu.memref_slice %arg7[%dma_wait3A_1329] : memref<32768xf32, #tpu.memory_space<vmem>> -> memref<1024xf32, #tpu.memory_space<vmem>>
    %dma_wait3A_1331 = arith.constant 0 : i32
    %dma_wait3A_1332 = tpu.memref_slice %arg2[%add3A_1323, %dma_wait3A_1331] : memref<1000x1024xf32, #tpu.memory_space<hbm>> -> memref<1x1024xf32, #tpu.memory_space<hbm>>
    %dma_wait3A_1333 = tpu.memref_squeeze %dma_wait3A_1332 : memref<1x1024xf32, #tpu.memory_space<hbm>> -> memref<1024xf32, #tpu.memory_space<hbm>>
    tpu.wait_dma2 semaphore(%arg15 : memref<!tpu.dma_semaphore, #tpu.memory_space<semaphore_mem>>) src(%dma_wait3A_1333 : memref<1024xf32, #tpu.memory_space<hbm>>) dst(%dma_wait3A_1330 : memref<1024xf32, #tpu.memory_space<vmem>>)
    %add3A_1334 = arith.constant 23 : i32
    %add3A_1335 = arith.addi %min3A_3, %add3A_1334 : i32
    %dma_wait3A_1336 = arith.constant 23552 : i32
    %dma_wait3A_1337 = tpu.memref_slice %arg8[%dma_wait3A_1336] : memref<32768xf32, #tpu.memory_space<vmem>> -> memref<1024xf32, #tpu.memory_space<vmem>>
    %dma_wait3A_1338 = arith.constant 0 : i32
    %dma_wait3A_1339 = tpu.memref_slice %arg3[%add3A_1335, %dma_wait3A_1338] : memref<1000x1024xf32, #tpu.memory_space<hbm>> -> memref<1x1024xf32, #tpu.memory_space<hbm>>
    %dma_wait3A_1340 = tpu.memref_squeeze %dma_wait3A_1339 : memref<1x1024xf32, #tpu.memory_space<hbm>> -> memref<1024xf32, #tpu.memory_space<hbm>>
    %dma_wait3A_1341 = arith.constant 23552 : i32
    %dma_wait3A_1342 = tpu.memref_slice %arg8[%dma_wait3A_1341] : memref<32768xf32, #tpu.memory_space<vmem>> -> memref<1024xf32, #tpu.memory_space<vmem>>
    %dma_wait3A_1343 = arith.constant 0 : i32
    %dma_wait3A_1344 = tpu.memref_slice %arg3[%add3A_1335, %dma_wait3A_1343] : memref<1000x1024xf32, #tpu.memory_space<hbm>> -> memref<1x1024xf32, #tpu.memory_space<hbm>>
    %dma_wait3A_1345 = tpu.memref_squeeze %dma_wait3A_1344 : memref<1x1024xf32, #tpu.memory_space<hbm>> -> memref<1024xf32, #tpu.memory_space<hbm>>
    tpu.wait_dma2 semaphore(%arg15 : memref<!tpu.dma_semaphore, #tpu.memory_space<semaphore_mem>>) src(%dma_wait3A_1345 : memref<1024xf32, #tpu.memory_space<hbm>>) dst(%dma_wait3A_1342 : memref<1024xf32, #tpu.memory_space<vmem>>)
    %add3A_1346 = arith.constant 24 : i32
    %add3A_1347 = arith.addi %min3A_3, %add3A_1346 : i32
    %dma_wait3A_1348 = arith.constant 24576 : i32
    %dma_wait3A_1349 = tpu.memref_slice %arg7[%dma_wait3A_1348] : memref<32768xf32, #tpu.memory_space<vmem>> -> memref<1024xf32, #tpu.memory_space<vmem>>
    %dma_wait3A_1350 = arith.constant 0 : i32
    %dma_wait3A_1351 = tpu.memref_slice %arg2[%add3A_1347, %dma_wait3A_1350] : memref<1000x1024xf32, #tpu.memory_space<hbm>> -> memref<1x1024xf32, #tpu.memory_space<hbm>>
    %dma_wait3A_1352 = tpu.memref_squeeze %dma_wait3A_1351 : memref<1x1024xf32, #tpu.memory_space<hbm>> -> memref<1024xf32, #tpu.memory_space<hbm>>
    %dma_wait3A_1353 = arith.constant 24576 : i32
    %dma_wait3A_1354 = tpu.memref_slice %arg7[%dma_wait3A_1353] : memref<32768xf32, #tpu.memory_space<vmem>> -> memref<1024xf32, #tpu.memory_space<vmem>>
    %dma_wait3A_1355 = arith.constant 0 : i32
    %dma_wait3A_1356 = tpu.memref_slice %arg2[%add3A_1347, %dma_wait3A_1355] : memref<1000x1024xf32, #tpu.memory_space<hbm>> -> memref<1x1024xf32, #tpu.memory_space<hbm>>
    %dma_wait3A_1357 = tpu.memref_squeeze %dma_wait3A_1356 : memref<1x1024xf32, #tpu.memory_space<hbm>> -> memref<1024xf32, #tpu.memory_space<hbm>>
    tpu.wait_dma2 semaphore(%arg15 : memref<!tpu.dma_semaphore, #tpu.memory_space<semaphore_mem>>) src(%dma_wait3A_1357 : memref<1024xf32, #tpu.memory_space<hbm>>) dst(%dma_wait3A_1354 : memref<1024xf32, #tpu.memory_space<vmem>>)
    %add3A_1358 = arith.constant 24 : i32
    %add3A_1359 = arith.addi %min3A_3, %add3A_1358 : i32
    %dma_wait3A_1360 = arith.constant 24576 : i32
    %dma_wait3A_1361 = tpu.memref_slice %arg8[%dma_wait3A_1360] : memref<32768xf32, #tpu.memory_space<vmem>> -> memref<1024xf32, #tpu.memory_space<vmem>>
    %dma_wait3A_1362 = arith.constant 0 : i32
    %dma_wait3A_1363 = tpu.memref_slice %arg3[%add3A_1359, %dma_wait3A_1362] : memref<1000x1024xf32, #tpu.memory_space<hbm>> -> memref<1x1024xf32, #tpu.memory_space<hbm>>
    %dma_wait3A_1364 = tpu.memref_squeeze %dma_wait3A_1363 : memref<1x1024xf32, #tpu.memory_space<hbm>> -> memref<1024xf32, #tpu.memory_space<hbm>>
    %dma_wait3A_1365 = arith.constant 24576 : i32
    %dma_wait3A_1366 = tpu.memref_slice %arg8[%dma_wait3A_1365] : memref<32768xf32, #tpu.memory_space<vmem>> -> memref<1024xf32, #tpu.memory_space<vmem>>
    %dma_wait3A_1367 = arith.constant 0 : i32
    %dma_wait3A_1368 = tpu.memref_slice %arg3[%add3A_1359, %dma_wait3A_1367] : memref<1000x1024xf32, #tpu.memory_space<hbm>> -> memref<1x1024xf32, #tpu.memory_space<hbm>>
    %dma_wait3A_1369 = tpu.memref_squeeze %dma_wait3A_1368 : memref<1x1024xf32, #tpu.memory_space<hbm>> -> memref<1024xf32, #tpu.memory_space<hbm>>
    tpu.wait_dma2 semaphore(%arg15 : memref<!tpu.dma_semaphore, #tpu.memory_space<semaphore_mem>>) src(%dma_wait3A_1369 : memref<1024xf32, #tpu.memory_space<hbm>>) dst(%dma_wait3A_1366 : memref<1024xf32, #tpu.memory_space<vmem>>)
    %add3A_1370 = arith.constant 25 : i32
    %add3A_1371 = arith.addi %min3A_3, %add3A_1370 : i32
    %dma_wait3A_1372 = arith.constant 25600 : i32
    %dma_wait3A_1373 = tpu.memref_slice %arg7[%dma_wait3A_1372] : memref<32768xf32, #tpu.memory_space<vmem>> -> memref<1024xf32, #tpu.memory_space<vmem>>
    %dma_wait3A_1374 = arith.constant 0 : i32
    %dma_wait3A_1375 = tpu.memref_slice %arg2[%add3A_1371, %dma_wait3A_1374] : memref<1000x1024xf32, #tpu.memory_space<hbm>> -> memref<1x1024xf32, #tpu.memory_space<hbm>>
    %dma_wait3A_1376 = tpu.memref_squeeze %dma_wait3A_1375 : memref<1x1024xf32, #tpu.memory_space<hbm>> -> memref<1024xf32, #tpu.memory_space<hbm>>
    %dma_wait3A_1377 = arith.constant 25600 : i32
    %dma_wait3A_1378 = tpu.memref_slice %arg7[%dma_wait3A_1377] : memref<32768xf32, #tpu.memory_space<vmem>> -> memref<1024xf32, #tpu.memory_space<vmem>>
    %dma_wait3A_1379 = arith.constant 0 : i32
    %dma_wait3A_1380 = tpu.memref_slice %arg2[%add3A_1371, %dma_wait3A_1379] : memref<1000x1024xf32, #tpu.memory_space<hbm>> -> memref<1x1024xf32, #tpu.memory_space<hbm>>
    %dma_wait3A_1381 = tpu.memref_squeeze %dma_wait3A_1380 : memref<1x1024xf32, #tpu.memory_space<hbm>> -> memref<1024xf32, #tpu.memory_space<hbm>>
    tpu.wait_dma2 semaphore(%arg15 : memref<!tpu.dma_semaphore, #tpu.memory_space<semaphore_mem>>) src(%dma_wait3A_1381 : memref<1024xf32, #tpu.memory_space<hbm>>) dst(%dma_wait3A_1378 : memref<1024xf32, #tpu.memory_space<vmem>>)
    %add3A_1382 = arith.constant 25 : i32
    %add3A_1383 = arith.addi %min3A_3, %add3A_1382 : i32
    %dma_wait3A_1384 = arith.constant 25600 : i32
    %dma_wait3A_1385 = tpu.memref_slice %arg8[%dma_wait3A_1384] : memref<32768xf32, #tpu.memory_space<vmem>> -> memref<1024xf32, #tpu.memory_space<vmem>>
    %dma_wait3A_1386 = arith.constant 0 : i32
    %dma_wait3A_1387 = tpu.memref_slice %arg3[%add3A_1383, %dma_wait3A_1386] : memref<1000x1024xf32, #tpu.memory_space<hbm>> -> memref<1x1024xf32, #tpu.memory_space<hbm>>
    %dma_wait3A_1388 = tpu.memref_squeeze %dma_wait3A_1387 : memref<1x1024xf32, #tpu.memory_space<hbm>> -> memref<1024xf32, #tpu.memory_space<hbm>>
    %dma_wait3A_1389 = arith.constant 25600 : i32
    %dma_wait3A_1390 = tpu.memref_slice %arg8[%dma_wait3A_1389] : memref<32768xf32, #tpu.memory_space<vmem>> -> memref<1024xf32, #tpu.memory_space<vmem>>
    %dma_wait3A_1391 = arith.constant 0 : i32
    %dma_wait3A_1392 = tpu.memref_slice %arg3[%add3A_1383, %dma_wait3A_1391] : memref<1000x1024xf32, #tpu.memory_space<hbm>> -> memref<1x1024xf32, #tpu.memory_space<hbm>>
    %dma_wait3A_1393 = tpu.memref_squeeze %dma_wait3A_1392 : memref<1x1024xf32, #tpu.memory_space<hbm>> -> memref<1024xf32, #tpu.memory_space<hbm>>
    tpu.wait_dma2 semaphore(%arg15 : memref<!tpu.dma_semaphore, #tpu.memory_space<semaphore_mem>>) src(%dma_wait3A_1393 : memref<1024xf32, #tpu.memory_space<hbm>>) dst(%dma_wait3A_1390 : memref<1024xf32, #tpu.memory_space<vmem>>)
    %add3A_1394 = arith.constant 26 : i32
    %add3A_1395 = arith.addi %min3A_3, %add3A_1394 : i32
    %dma_wait3A_1396 = arith.constant 26624 : i32
    %dma_wait3A_1397 = tpu.memref_slice %arg7[%dma_wait3A_1396] : memref<32768xf32, #tpu.memory_space<vmem>> -> memref<1024xf32, #tpu.memory_space<vmem>>
    %dma_wait3A_1398 = arith.constant 0 : i32
    %dma_wait3A_1399 = tpu.memref_slice %arg2[%add3A_1395, %dma_wait3A_1398] : memref<1000x1024xf32, #tpu.memory_space<hbm>> -> memref<1x1024xf32, #tpu.memory_space<hbm>>
    %dma_wait3A_1400 = tpu.memref_squeeze %dma_wait3A_1399 : memref<1x1024xf32, #tpu.memory_space<hbm>> -> memref<1024xf32, #tpu.memory_space<hbm>>
    %dma_wait3A_1401 = arith.constant 26624 : i32
    %dma_wait3A_1402 = tpu.memref_slice %arg7[%dma_wait3A_1401] : memref<32768xf32, #tpu.memory_space<vmem>> -> memref<1024xf32, #tpu.memory_space<vmem>>
    %dma_wait3A_1403 = arith.constant 0 : i32
    %dma_wait3A_1404 = tpu.memref_slice %arg2[%add3A_1395, %dma_wait3A_1403] : memref<1000x1024xf32, #tpu.memory_space<hbm>> -> memref<1x1024xf32, #tpu.memory_space<hbm>>
    %dma_wait3A_1405 = tpu.memref_squeeze %dma_wait3A_1404 : memref<1x1024xf32, #tpu.memory_space<hbm>> -> memref<1024xf32, #tpu.memory_space<hbm>>
    tpu.wait_dma2 semaphore(%arg15 : memref<!tpu.dma_semaphore, #tpu.memory_space<semaphore_mem>>) src(%dma_wait3A_1405 : memref<1024xf32, #tpu.memory_space<hbm>>) dst(%dma_wait3A_1402 : memref<1024xf32, #tpu.memory_space<vmem>>)
    %add3A_1406 = arith.constant 26 : i32
    %add3A_1407 = arith.addi %min3A_3, %add3A_1406 : i32
    %dma_wait3A_1408 = arith.constant 26624 : i32
    %dma_wait3A_1409 = tpu.memref_slice %arg8[%dma_wait3A_1408] : memref<32768xf32, #tpu.memory_space<vmem>> -> memref<1024xf32, #tpu.memory_space<vmem>>
    %dma_wait3A_1410 = arith.constant 0 : i32
    %dma_wait3A_1411 = tpu.memref_slice %arg3[%add3A_1407, %dma_wait3A_1410] : memref<1000x1024xf32, #tpu.memory_space<hbm>> -> memref<1x1024xf32, #tpu.memory_space<hbm>>
    %dma_wait3A_1412 = tpu.memref_squeeze %dma_wait3A_1411 : memref<1x1024xf32, #tpu.memory_space<hbm>> -> memref<1024xf32, #tpu.memory_space<hbm>>
    %dma_wait3A_1413 = arith.constant 26624 : i32
    %dma_wait3A_1414 = tpu.memref_slice %arg8[%dma_wait3A_1413] : memref<32768xf32, #tpu.memory_space<vmem>> -> memref<1024xf32, #tpu.memory_space<vmem>>
    %dma_wait3A_1415 = arith.constant 0 : i32
    %dma_wait3A_1416 = tpu.memref_slice %arg3[%add3A_1407, %dma_wait3A_1415] : memref<1000x1024xf32, #tpu.memory_space<hbm>> -> memref<1x1024xf32, #tpu.memory_space<hbm>>
    %dma_wait3A_1417 = tpu.memref_squeeze %dma_wait3A_1416 : memref<1x1024xf32, #tpu.memory_space<hbm>> -> memref<1024xf32, #tpu.memory_space<hbm>>
    tpu.wait_dma2 semaphore(%arg15 : memref<!tpu.dma_semaphore, #tpu.memory_space<semaphore_mem>>) src(%dma_wait3A_1417 : memref<1024xf32, #tpu.memory_space<hbm>>) dst(%dma_wait3A_1414 : memref<1024xf32, #tpu.memory_space<vmem>>)
    %add3A_1418 = arith.constant 27 : i32
    %add3A_1419 = arith.addi %min3A_3, %add3A_1418 : i32
    %dma_wait3A_1420 = arith.constant 27648 : i32
    %dma_wait3A_1421 = tpu.memref_slice %arg7[%dma_wait3A_1420] : memref<32768xf32, #tpu.memory_space<vmem>> -> memref<1024xf32, #tpu.memory_space<vmem>>
    %dma_wait3A_1422 = arith.constant 0 : i32
    %dma_wait3A_1423 = tpu.memref_slice %arg2[%add3A_1419, %dma_wait3A_1422] : memref<1000x1024xf32, #tpu.memory_space<hbm>> -> memref<1x1024xf32, #tpu.memory_space<hbm>>
    %dma_wait3A_1424 = tpu.memref_squeeze %dma_wait3A_1423 : memref<1x1024xf32, #tpu.memory_space<hbm>> -> memref<1024xf32, #tpu.memory_space<hbm>>
    %dma_wait3A_1425 = arith.constant 27648 : i32
    %dma_wait3A_1426 = tpu.memref_slice %arg7[%dma_wait3A_1425] : memref<32768xf32, #tpu.memory_space<vmem>> -> memref<1024xf32, #tpu.memory_space<vmem>>
    %dma_wait3A_1427 = arith.constant 0 : i32
    %dma_wait3A_1428 = tpu.memref_slice %arg2[%add3A_1419, %dma_wait3A_1427] : memref<1000x1024xf32, #tpu.memory_space<hbm>> -> memref<1x1024xf32, #tpu.memory_space<hbm>>
    %dma_wait3A_1429 = tpu.memref_squeeze %dma_wait3A_1428 : memref<1x1024xf32, #tpu.memory_space<hbm>> -> memref<1024xf32, #tpu.memory_space<hbm>>
    tpu.wait_dma2 semaphore(%arg15 : memref<!tpu.dma_semaphore, #tpu.memory_space<semaphore_mem>>) src(%dma_wait3A_1429 : memref<1024xf32, #tpu.memory_space<hbm>>) dst(%dma_wait3A_1426 : memref<1024xf32, #tpu.memory_space<vmem>>)
    %add3A_1430 = arith.constant 27 : i32
    %add3A_1431 = arith.addi %min3A_3, %add3A_1430 : i32
    %dma_wait3A_1432 = arith.constant 27648 : i32
    %dma_wait3A_1433 = tpu.memref_slice %arg8[%dma_wait3A_1432] : memref<32768xf32, #tpu.memory_space<vmem>> -> memref<1024xf32, #tpu.memory_space<vmem>>
    %dma_wait3A_1434 = arith.constant 0 : i32
    %dma_wait3A_1435 = tpu.memref_slice %arg3[%add3A_1431, %dma_wait3A_1434] : memref<1000x1024xf32, #tpu.memory_space<hbm>> -> memref<1x1024xf32, #tpu.memory_space<hbm>>
    %dma_wait3A_1436 = tpu.memref_squeeze %dma_wait3A_1435 : memref<1x1024xf32, #tpu.memory_space<hbm>> -> memref<1024xf32, #tpu.memory_space<hbm>>
    %dma_wait3A_1437 = arith.constant 27648 : i32
    %dma_wait3A_1438 = tpu.memref_slice %arg8[%dma_wait3A_1437] : memref<32768xf32, #tpu.memory_space<vmem>> -> memref<1024xf32, #tpu.memory_space<vmem>>
    %dma_wait3A_1439 = arith.constant 0 : i32
    %dma_wait3A_1440 = tpu.memref_slice %arg3[%add3A_1431, %dma_wait3A_1439] : memref<1000x1024xf32, #tpu.memory_space<hbm>> -> memref<1x1024xf32, #tpu.memory_space<hbm>>
    %dma_wait3A_1441 = tpu.memref_squeeze %dma_wait3A_1440 : memref<1x1024xf32, #tpu.memory_space<hbm>> -> memref<1024xf32, #tpu.memory_space<hbm>>
    tpu.wait_dma2 semaphore(%arg15 : memref<!tpu.dma_semaphore, #tpu.memory_space<semaphore_mem>>) src(%dma_wait3A_1441 : memref<1024xf32, #tpu.memory_space<hbm>>) dst(%dma_wait3A_1438 : memref<1024xf32, #tpu.memory_space<vmem>>)
    %add3A_1442 = arith.constant 28 : i32
    %add3A_1443 = arith.addi %min3A_3, %add3A_1442 : i32
    %dma_wait3A_1444 = arith.constant 28672 : i32
    %dma_wait3A_1445 = tpu.memref_slice %arg7[%dma_wait3A_1444] : memref<32768xf32, #tpu.memory_space<vmem>> -> memref<1024xf32, #tpu.memory_space<vmem>>
    %dma_wait3A_1446 = arith.constant 0 : i32
    %dma_wait3A_1447 = tpu.memref_slice %arg2[%add3A_1443, %dma_wait3A_1446] : memref<1000x1024xf32, #tpu.memory_space<hbm>> -> memref<1x1024xf32, #tpu.memory_space<hbm>>
    %dma_wait3A_1448 = tpu.memref_squeeze %dma_wait3A_1447 : memref<1x1024xf32, #tpu.memory_space<hbm>> -> memref<1024xf32, #tpu.memory_space<hbm>>
    %dma_wait3A_1449 = arith.constant 28672 : i32
    %dma_wait3A_1450 = tpu.memref_slice %arg7[%dma_wait3A_1449] : memref<32768xf32, #tpu.memory_space<vmem>> -> memref<1024xf32, #tpu.memory_space<vmem>>
    %dma_wait3A_1451 = arith.constant 0 : i32
    %dma_wait3A_1452 = tpu.memref_slice %arg2[%add3A_1443, %dma_wait3A_1451] : memref<1000x1024xf32, #tpu.memory_space<hbm>> -> memref<1x1024xf32, #tpu.memory_space<hbm>>
    %dma_wait3A_1453 = tpu.memref_squeeze %dma_wait3A_1452 : memref<1x1024xf32, #tpu.memory_space<hbm>> -> memref<1024xf32, #tpu.memory_space<hbm>>
    tpu.wait_dma2 semaphore(%arg15 : memref<!tpu.dma_semaphore, #tpu.memory_space<semaphore_mem>>) src(%dma_wait3A_1453 : memref<1024xf32, #tpu.memory_space<hbm>>) dst(%dma_wait3A_1450 : memref<1024xf32, #tpu.memory_space<vmem>>)
    %add3A_1454 = arith.constant 28 : i32
    %add3A_1455 = arith.addi %min3A_3, %add3A_1454 : i32
    %dma_wait3A_1456 = arith.constant 28672 : i32
    %dma_wait3A_1457 = tpu.memref_slice %arg8[%dma_wait3A_1456] : memref<32768xf32, #tpu.memory_space<vmem>> -> memref<1024xf32, #tpu.memory_space<vmem>>
    %dma_wait3A_1458 = arith.constant 0 : i32
    %dma_wait3A_1459 = tpu.memref_slice %arg3[%add3A_1455, %dma_wait3A_1458] : memref<1000x1024xf32, #tpu.memory_space<hbm>> -> memref<1x1024xf32, #tpu.memory_space<hbm>>
    %dma_wait3A_1460 = tpu.memref_squeeze %dma_wait3A_1459 : memref<1x1024xf32, #tpu.memory_space<hbm>> -> memref<1024xf32, #tpu.memory_space<hbm>>
    %dma_wait3A_1461 = arith.constant 28672 : i32
    %dma_wait3A_1462 = tpu.memref_slice %arg8[%dma_wait3A_1461] : memref<32768xf32, #tpu.memory_space<vmem>> -> memref<1024xf32, #tpu.memory_space<vmem>>
    %dma_wait3A_1463 = arith.constant 0 : i32
    %dma_wait3A_1464 = tpu.memref_slice %arg3[%add3A_1455, %dma_wait3A_1463] : memref<1000x1024xf32, #tpu.memory_space<hbm>> -> memref<1x1024xf32, #tpu.memory_space<hbm>>
    %dma_wait3A_1465 = tpu.memref_squeeze %dma_wait3A_1464 : memref<1x1024xf32, #tpu.memory_space<hbm>> -> memref<1024xf32, #tpu.memory_space<hbm>>
    tpu.wait_dma2 semaphore(%arg15 : memref<!tpu.dma_semaphore, #tpu.memory_space<semaphore_mem>>) src(%dma_wait3A_1465 : memref<1024xf32, #tpu.memory_space<hbm>>) dst(%dma_wait3A_1462 : memref<1024xf32, #tpu.memory_space<vmem>>)
    %add3A_1466 = arith.constant 29 : i32
    %add3A_1467 = arith.addi %min3A_3, %add3A_1466 : i32
    %dma_wait3A_1468 = arith.constant 29696 : i32
    %dma_wait3A_1469 = tpu.memref_slice %arg7[%dma_wait3A_1468] : memref<32768xf32, #tpu.memory_space<vmem>> -> memref<1024xf32, #tpu.memory_space<vmem>>
    %dma_wait3A_1470 = arith.constant 0 : i32
    %dma_wait3A_1471 = tpu.memref_slice %arg2[%add3A_1467, %dma_wait3A_1470] : memref<1000x1024xf32, #tpu.memory_space<hbm>> -> memref<1x1024xf32, #tpu.memory_space<hbm>>
    %dma_wait3A_1472 = tpu.memref_squeeze %dma_wait3A_1471 : memref<1x1024xf32, #tpu.memory_space<hbm>> -> memref<1024xf32, #tpu.memory_space<hbm>>
    %dma_wait3A_1473 = arith.constant 29696 : i32
    %dma_wait3A_1474 = tpu.memref_slice %arg7[%dma_wait3A_1473] : memref<32768xf32, #tpu.memory_space<vmem>> -> memref<1024xf32, #tpu.memory_space<vmem>>
    %dma_wait3A_1475 = arith.constant 0 : i32
    %dma_wait3A_1476 = tpu.memref_slice %arg2[%add3A_1467, %dma_wait3A_1475] : memref<1000x1024xf32, #tpu.memory_space<hbm>> -> memref<1x1024xf32, #tpu.memory_space<hbm>>
    %dma_wait3A_1477 = tpu.memref_squeeze %dma_wait3A_1476 : memref<1x1024xf32, #tpu.memory_space<hbm>> -> memref<1024xf32, #tpu.memory_space<hbm>>
    tpu.wait_dma2 semaphore(%arg15 : memref<!tpu.dma_semaphore, #tpu.memory_space<semaphore_mem>>) src(%dma_wait3A_1477 : memref<1024xf32, #tpu.memory_space<hbm>>) dst(%dma_wait3A_1474 : memref<1024xf32, #tpu.memory_space<vmem>>)
    %add3A_1478 = arith.constant 29 : i32
    %add3A_1479 = arith.addi %min3A_3, %add3A_1478 : i32
    %dma_wait3A_1480 = arith.constant 29696 : i32
    %dma_wait3A_1481 = tpu.memref_slice %arg8[%dma_wait3A_1480] : memref<32768xf32, #tpu.memory_space<vmem>> -> memref<1024xf32, #tpu.memory_space<vmem>>
    %dma_wait3A_1482 = arith.constant 0 : i32
    %dma_wait3A_1483 = tpu.memref_slice %arg3[%add3A_1479, %dma_wait3A_1482] : memref<1000x1024xf32, #tpu.memory_space<hbm>> -> memref<1x1024xf32, #tpu.memory_space<hbm>>
    %dma_wait3A_1484 = tpu.memref_squeeze %dma_wait3A_1483 : memref<1x1024xf32, #tpu.memory_space<hbm>> -> memref<1024xf32, #tpu.memory_space<hbm>>
    %dma_wait3A_1485 = arith.constant 29696 : i32
    %dma_wait3A_1486 = tpu.memref_slice %arg8[%dma_wait3A_1485] : memref<32768xf32, #tpu.memory_space<vmem>> -> memref<1024xf32, #tpu.memory_space<vmem>>
    %dma_wait3A_1487 = arith.constant 0 : i32
    %dma_wait3A_1488 = tpu.memref_slice %arg3[%add3A_1479, %dma_wait3A_1487] : memref<1000x1024xf32, #tpu.memory_space<hbm>> -> memref<1x1024xf32, #tpu.memory_space<hbm>>
    %dma_wait3A_1489 = tpu.memref_squeeze %dma_wait3A_1488 : memref<1x1024xf32, #tpu.memory_space<hbm>> -> memref<1024xf32, #tpu.memory_space<hbm>>
    tpu.wait_dma2 semaphore(%arg15 : memref<!tpu.dma_semaphore, #tpu.memory_space<semaphore_mem>>) src(%dma_wait3A_1489 : memref<1024xf32, #tpu.memory_space<hbm>>) dst(%dma_wait3A_1486 : memref<1024xf32, #tpu.memory_space<vmem>>)
    %add3A_1490 = arith.constant 30 : i32
    %add3A_1491 = arith.addi %min3A_3, %add3A_1490 : i32
    %dma_wait3A_1492 = arith.constant 30720 : i32
    %dma_wait3A_1493 = tpu.memref_slice %arg7[%dma_wait3A_1492] : memref<32768xf32, #tpu.memory_space<vmem>> -> memref<1024xf32, #tpu.memory_space<vmem>>
    %dma_wait3A_1494 = arith.constant 0 : i32
    %dma_wait3A_1495 = tpu.memref_slice %arg2[%add3A_1491, %dma_wait3A_1494] : memref<1000x1024xf32, #tpu.memory_space<hbm>> -> memref<1x1024xf32, #tpu.memory_space<hbm>>
    %dma_wait3A_1496 = tpu.memref_squeeze %dma_wait3A_1495 : memref<1x1024xf32, #tpu.memory_space<hbm>> -> memref<1024xf32, #tpu.memory_space<hbm>>
    %dma_wait3A_1497 = arith.constant 30720 : i32
    %dma_wait3A_1498 = tpu.memref_slice %arg7[%dma_wait3A_1497] : memref<32768xf32, #tpu.memory_space<vmem>> -> memref<1024xf32, #tpu.memory_space<vmem>>
    %dma_wait3A_1499 = arith.constant 0 : i32
    %dma_wait3A_1500 = tpu.memref_slice %arg2[%add3A_1491, %dma_wait3A_1499] : memref<1000x1024xf32, #tpu.memory_space<hbm>> -> memref<1x1024xf32, #tpu.memory_space<hbm>>
    %dma_wait3A_1501 = tpu.memref_squeeze %dma_wait3A_1500 : memref<1x1024xf32, #tpu.memory_space<hbm>> -> memref<1024xf32, #tpu.memory_space<hbm>>
    tpu.wait_dma2 semaphore(%arg15 : memref<!tpu.dma_semaphore, #tpu.memory_space<semaphore_mem>>) src(%dma_wait3A_1501 : memref<1024xf32, #tpu.memory_space<hbm>>) dst(%dma_wait3A_1498 : memref<1024xf32, #tpu.memory_space<vmem>>)
    %add3A_1502 = arith.constant 30 : i32
    %add3A_1503 = arith.addi %min3A_3, %add3A_1502 : i32
    %dma_wait3A_1504 = arith.constant 30720 : i32
    %dma_wait3A_1505 = tpu.memref_slice %arg8[%dma_wait3A_1504] : memref<32768xf32, #tpu.memory_space<vmem>> -> memref<1024xf32, #tpu.memory_space<vmem>>
    %dma_wait3A_1506 = arith.constant 0 : i32
    %dma_wait3A_1507 = tpu.memref_slice %arg3[%add3A_1503, %dma_wait3A_1506] : memref<1000x1024xf32, #tpu.memory_space<hbm>> -> memref<1x1024xf32, #tpu.memory_space<hbm>>
    %dma_wait3A_1508 = tpu.memref_squeeze %dma_wait3A_1507 : memref<1x1024xf32, #tpu.memory_space<hbm>> -> memref<1024xf32, #tpu.memory_space<hbm>>
    %dma_wait3A_1509 = arith.constant 30720 : i32
    %dma_wait3A_1510 = tpu.memref_slice %arg8[%dma_wait3A_1509] : memref<32768xf32, #tpu.memory_space<vmem>> -> memref<1024xf32, #tpu.memory_space<vmem>>
    %dma_wait3A_1511 = arith.constant 0 : i32
    %dma_wait3A_1512 = tpu.memref_slice %arg3[%add3A_1503, %dma_wait3A_1511] : memref<1000x1024xf32, #tpu.memory_space<hbm>> -> memref<1x1024xf32, #tpu.memory_space<hbm>>
    %dma_wait3A_1513 = tpu.memref_squeeze %dma_wait3A_1512 : memref<1x1024xf32, #tpu.memory_space<hbm>> -> memref<1024xf32, #tpu.memory_space<hbm>>
    tpu.wait_dma2 semaphore(%arg15 : memref<!tpu.dma_semaphore, #tpu.memory_space<semaphore_mem>>) src(%dma_wait3A_1513 : memref<1024xf32, #tpu.memory_space<hbm>>) dst(%dma_wait3A_1510 : memref<1024xf32, #tpu.memory_space<vmem>>)
    %add3A_1514 = arith.constant 31 : i32
    %add3A_1515 = arith.addi %min3A_3, %add3A_1514 : i32
    %dma_wait3A_1516 = arith.constant 31744 : i32
    %dma_wait3A_1517 = tpu.memref_slice %arg7[%dma_wait3A_1516] : memref<32768xf32, #tpu.memory_space<vmem>> -> memref<1024xf32, #tpu.memory_space<vmem>>
    %dma_wait3A_1518 = arith.constant 0 : i32
    %dma_wait3A_1519 = tpu.memref_slice %arg2[%add3A_1515, %dma_wait3A_1518] : memref<1000x1024xf32, #tpu.memory_space<hbm>> -> memref<1x1024xf32, #tpu.memory_space<hbm>>
    %dma_wait3A_1520 = tpu.memref_squeeze %dma_wait3A_1519 : memref<1x1024xf32, #tpu.memory_space<hbm>> -> memref<1024xf32, #tpu.memory_space<hbm>>
    %dma_wait3A_1521 = arith.constant 31744 : i32
    %dma_wait3A_1522 = tpu.memref_slice %arg7[%dma_wait3A_1521] : memref<32768xf32, #tpu.memory_space<vmem>> -> memref<1024xf32, #tpu.memory_space<vmem>>
    %dma_wait3A_1523 = arith.constant 0 : i32
    %dma_wait3A_1524 = tpu.memref_slice %arg2[%add3A_1515, %dma_wait3A_1523] : memref<1000x1024xf32, #tpu.memory_space<hbm>> -> memref<1x1024xf32, #tpu.memory_space<hbm>>
    %dma_wait3A_1525 = tpu.memref_squeeze %dma_wait3A_1524 : memref<1x1024xf32, #tpu.memory_space<hbm>> -> memref<1024xf32, #tpu.memory_space<hbm>>
    tpu.wait_dma2 semaphore(%arg15 : memref<!tpu.dma_semaphore, #tpu.memory_space<semaphore_mem>>) src(%dma_wait3A_1525 : memref<1024xf32, #tpu.memory_space<hbm>>) dst(%dma_wait3A_1522 : memref<1024xf32, #tpu.memory_space<vmem>>)
    %add3A_1526 = arith.constant 31 : i32
    %add3A_1527 = arith.addi %min3A_3, %add3A_1526 : i32
    %dma_wait3A_1528 = arith.constant 31744 : i32
    %dma_wait3A_1529 = tpu.memref_slice %arg8[%dma_wait3A_1528] : memref<32768xf32, #tpu.memory_space<vmem>> -> memref<1024xf32, #tpu.memory_space<vmem>>
    %dma_wait3A_1530 = arith.constant 0 : i32
    %dma_wait3A_1531 = tpu.memref_slice %arg3[%add3A_1527, %dma_wait3A_1530] : memref<1000x1024xf32, #tpu.memory_space<hbm>> -> memref<1x1024xf32, #tpu.memory_space<hbm>>
    %dma_wait3A_1532 = tpu.memref_squeeze %dma_wait3A_1531 : memref<1x1024xf32, #tpu.memory_space<hbm>> -> memref<1024xf32, #tpu.memory_space<hbm>>
    %dma_wait3A_1533 = arith.constant 31744 : i32
    %dma_wait3A_1534 = tpu.memref_slice %arg8[%dma_wait3A_1533] : memref<32768xf32, #tpu.memory_space<vmem>> -> memref<1024xf32, #tpu.memory_space<vmem>>
    %dma_wait3A_1535 = arith.constant 0 : i32
    %dma_wait3A_1536 = tpu.memref_slice %arg3[%add3A_1527, %dma_wait3A_1535] : memref<1000x1024xf32, #tpu.memory_space<hbm>> -> memref<1x1024xf32, #tpu.memory_space<hbm>>
    %dma_wait3A_1537 = tpu.memref_squeeze %dma_wait3A_1536 : memref<1x1024xf32, #tpu.memory_space<hbm>> -> memref<1024xf32, #tpu.memory_space<hbm>>
    tpu.wait_dma2 semaphore(%arg15 : memref<!tpu.dma_semaphore, #tpu.memory_space<semaphore_mem>>) src(%dma_wait3A_1537 : memref<1024xf32, #tpu.memory_space<hbm>>) dst(%dma_wait3A_1534 : memref<1024xf32, #tpu.memory_space<vmem>>)
    %scan3A = arith.constant 0 : i32
    %scan3A_1538 = arith.constant 0 : i32
    %scan3A_1539 = arith.constant 32 : i32
    %scan3A_1540 = arith.addi %scan3A_1538, %scan3A_1539 : i32
    %scan3A_1541 = arith.constant 1 : i32
    scf.for %scan3A_1551 = %scan3A_1538 to %scan3A_1540 step %scan3A_1541  : i32 {
      %mul3A_1552 = arith.constant 2 : i32
      %mul3A_1553 = arith.muli %mul3A_1552, %scan3A_1551 : i32
      %mul3A_1554 = arith.constant 2 : i32
      %mul3A_1555 = arith.muli %mul3A_1554, %scan3A_1551 : i32
      %add3A_1556 = arith.constant 1 : i32
      %add3A_1557 = arith.addi %mul3A_1555, %add3A_1556 : i32
      %gt3A = arith.constant 0 : i32
      %gt3A_1558 = arith.cmpi sgt, %scan3A_1551, %gt3A : i32
      %convert_element_type3A = arith.extui %gt3A_1558 : i1 to i32
      %cond3A = arith.constant 0 : i32
      %cond3A_1559 = arith.cmpi ne, %convert_element_type3A, %cond3A : i32
      scf.if %cond3A_1559 {
        %mul3A_1589 = arith.constant 256 : i32
        %mul3A_1590 = arith.muli %mul3A_1553, %mul3A_1589 : i32
        %dma_wait3A_1591 = tpu.memref_slice %arg6[%min3A_3, %mul3A_1590] : memref<1000x16384xf32, #tpu.memory_space<hbm>> -> memref<32x256xf32, #tpu.memory_space<hbm>>
        %dma_wait3A_1592 = tpu.memref_slice %arg6[%min3A_3, %mul3A_1590] : memref<1000x16384xf32, #tpu.memory_space<hbm>> -> memref<32x256xf32, #tpu.memory_space<hbm>>
        tpu.wait_dma2 semaphore(%arg13 : memref<!tpu.dma_semaphore, #tpu.memory_space<semaphore_mem>>) src(%arg11 : memref<32x256xf32, #tpu.memory_space<vmem>>) dst(%dma_wait3A_1592 : memref<32x256xf32, #tpu.memory_space<hbm>>)
      } else {
      }
      %mul3A_1560 = arith.constant 256 : i32
      %mul3A_1561 = arith.muli %mul3A_1553, %mul3A_1560 : i32
      %scan3A_1562 = arith.constant 0 : i32
      %scan3A_1563 = arith.constant 0 : i32
      %scan3A_1564 = arith.constant 8 : i32
      %scan3A_1565 = arith.addi %scan3A_1563, %scan3A_1564 : i32
      %scan3A_1566 = arith.constant 1 : i32
      scf.for %scan3A_1589 = %scan3A_1563 to %scan3A_1565 step %scan3A_1566  : i32 {
        %mul3A_1590 = arith.constant 2 : i32
        %mul3A_1591 = arith.muli %mul3A_1590, %scan3A_1589 : i32
        %mul3A_1592 = arith.constant 16 : i32
        %mul3A_1593 = arith.muli %mul3A_1591, %mul3A_1592 : i32
        %add3A_1594 = arith.constant 16 : i32
        %add3A_1595 = arith.addi %mul3A_1593, %add3A_1594 : i32
        %add3A_1596 = arith.addi %mul3A_1561, %mul3A_1593 : i32
        %get3A = arith.index_cast %add3A_1596 : i32 to index
        %get3A_1597 = tpu.vector_load %arg9[%get3A] {strides = array<i32>} : memref<16384xi32, #tpu.memory_space<vmem>>, vector<16xi32>,
        %add3A_1598 = arith.addi %mul3A_1561, %mul3A_1593 : i32
        %get3A_1599 = arith.index_cast %add3A_1598 : i32 to index
        %get3A_1600 = tpu.vector_load %arg10[%get3A_1599] {strides = array<i32>} : memref<16384xi32, #tpu.memory_space<vmem>>, vector<16xi32>,
        %add3A_1601 = arith.addi %mul3A_1561, %add3A_1595 : i32
        %get3A_1602 = arith.index_cast %add3A_1601 : i32 to index
        %get3A_1603 = tpu.vector_load %arg9[%get3A_1602] {strides = array<i32>} : memref<16384xi32, #tpu.memory_space<vmem>>, vector<16xi32>,
        %add3A_1604 = arith.addi %mul3A_1561, %add3A_1595 : i32
        %get3A_1605 = arith.index_cast %add3A_1604 : i32 to index
        %get3A_1606 = tpu.vector_load %arg10[%get3A_1605] {strides = array<i32>} : memref<16384xi32, #tpu.memory_space<vmem>>, vector<16xi32>,
        %gather3A = tpu.vector_load_idx %arg7[%get3A_1597] : memref<32768xf32, #tpu.memory_space<vmem>>[vector<16xi32>], vector<16xf32>,
        %gather3A_1607 = tpu.vector_load_idx %arg8[%get3A_1600] : memref<32768xf32, #tpu.memory_space<vmem>>[vector<16xi32>], vector<16xf32>,
        %gather3A_1608 = tpu.vector_load_idx %arg7[%get3A_1603] : memref<32768xf32, #tpu.memory_space<vmem>>[vector<16xi32>], vector<16xf32>,
        %gather3A_1609 = tpu.vector_load_idx %arg8[%get3A_1606] : memref<32768xf32, #tpu.memory_space<vmem>>[vector<16xi32>], vector<16xf32>,
        %add3A_1610 = arith.constant 1024 : i32
        %add3A_1611 = vector.broadcast %add3A_1610 : i32 to vector<16xi32>
        %add3A_1612 = arith.addi %get3A_1597, %add3A_1611 : vector<16xi32>
        %add3A_1613 = arith.constant 1024 : i32
        %add3A_1614 = vector.broadcast %add3A_1613 : i32 to vector<16xi32>
        %add3A_1615 = arith.addi %get3A_1600, %add3A_1614 : vector<16xi32>
        %add3A_1616 = arith.constant 1024 : i32
        %add3A_1617 = vector.broadcast %add3A_1616 : i32 to vector<16xi32>
        %add3A_1618 = arith.addi %get3A_1603, %add3A_1617 : vector<16xi32>
        %add3A_1619 = arith.constant 1024 : i32
        %add3A_1620 = vector.broadcast %add3A_1619 : i32 to vector<16xi32>
        %add3A_1621 = arith.addi %get3A_1606, %add3A_1620 : vector<16xi32>
        %gather3A_1622 = tpu.vector_load_idx %arg7[%add3A_1612] : memref<32768xf32, #tpu.memory_space<vmem>>[vector<16xi32>], vector<16xf32>,
        %gather3A_1623 = tpu.vector_load_idx %arg8[%add3A_1615] : memref<32768xf32, #tpu.memory_space<vmem>>[vector<16xi32>], vector<16xf32>,
        %gather3A_1624 = tpu.vector_load_idx %arg7[%add3A_1618] : memref<32768xf32, #tpu.memory_space<vmem>>[vector<16xi32>], vector<16xf32>,
        %gather3A_1625 = tpu.vector_load_idx %arg8[%add3A_1621] : memref<32768xf32, #tpu.memory_space<vmem>>[vector<16xi32>], vector<16xf32>,
        %add3A_1626 = arith.constant 1024 : i32
        %add3A_1627 = vector.broadcast %add3A_1626 : i32 to vector<16xi32>
        %add3A_1628 = arith.addi %add3A_1612, %add3A_1627 : vector<16xi32>
        %add3A_1629 = arith.constant 1024 : i32
        %add3A_1630 = vector.broadcast %add3A_1629 : i32 to vector<16xi32>
        %add3A_1631 = arith.addi %add3A_1615, %add3A_1630 : vector<16xi32>
        %add3A_1632 = arith.constant 1024 : i32
        %add3A_1633 = vector.broadcast %add3A_1632 : i32 to vector<16xi32>
        %add3A_1634 = arith.addi %add3A_1618, %add3A_1633 : vector<16xi32>
        %add3A_1635 = arith.constant 1024 : i32
        %add3A_1636 = vector.broadcast %add3A_1635 : i32 to vector<16xi32>
        %add3A_1637 = arith.addi %add3A_1621, %add3A_1636 : vector<16xi32>
        %gather3A_1638 = tpu.vector_load_idx %arg7[%add3A_1628] : memref<32768xf32, #tpu.memory_space<vmem>>[vector<16xi32>], vector<16xf32>,
        %gather3A_1639 = tpu.vector_load_idx %arg8[%add3A_1631] : memref<32768xf32, #tpu.memory_space<vmem>>[vector<16xi32>], vector<16xf32>,
        %gather3A_1640 = tpu.vector_load_idx %arg7[%add3A_1634] : memref<32768xf32, #tpu.memory_space<vmem>>[vector<16xi32>], vector<16xf32>,
        %gather3A_1641 = tpu.vector_load_idx %arg8[%add3A_1637] : memref<32768xf32, #tpu.memory_space<vmem>>[vector<16xi32>], vector<16xf32>,
        %add3A_1642 = arith.addf %gather3A, %gather3A_1607 : vector<16xf32>
        %swap3A = arith.constant 0 : i32
        %swap3A_1643 = arith.index_cast %swap3A : i32 to index
        %swap3A_1644 = arith.index_cast %mul3A_1593 : i32 to index
        %swap3A_1645 = tpu.vector_load %arg11[%swap3A_1643, %swap3A_1644] {strides = array<i32>} : memref<32x256xf32, #tpu.memory_space<vmem>>, vector<16xf32>,
        tpu.vector_store %arg11[%swap3A_1643, %swap3A_1644], %add3A_1642 {strides = array<i32>} : memref<32x256xf32, #tpu.memory_space<vmem>>, vector<16xf32>,
        %add3A_1646 = arith.addf %gather3A_1608, %gather3A_1609 : vector<16xf32>
        %swap3A_1647 = arith.constant 0 : i32
        %swap3A_1648 = arith.index_cast %swap3A_1647 : i32 to index
        %swap3A_1649 = arith.index_cast %add3A_1595 : i32 to index
        %swap3A_1650 = tpu.vector_load %arg11[%swap3A_1648, %swap3A_1649] {strides = array<i32>} : memref<32x256xf32, #tpu.memory_space<vmem>>, vector<16xf32>,
        tpu.vector_store %arg11[%swap3A_1648, %swap3A_1649], %add3A_1646 {strides = array<i32>} : memref<32x256xf32, #tpu.memory_space<vmem>>, vector<16xf32>,
        %add3A_1651 = arith.constant 1024 : i32
        %add3A_1652 = vector.broadcast %add3A_1651 : i32 to vector<16xi32>
        %add3A_1653 = arith.addi %add3A_1628, %add3A_1652 : vector<16xi32>
        %add3A_1654 = arith.constant 1024 : i32
        %add3A_1655 = vector.broadcast %add3A_1654 : i32 to vector<16xi32>
        %add3A_1656 = arith.addi %add3A_1631, %add3A_1655 : vector<16xi32>
        %add3A_1657 = arith.constant 1024 : i32
        %add3A_1658 = vector.broadcast %add3A_1657 : i32 to vector<16xi32>
        %add3A_1659 = arith.addi %add3A_1634, %add3A_1658 : vector<16xi32>
        %add3A_1660 = arith.constant 1024 : i32
        %add3A_1661 = vector.broadcast %add3A_1660 : i32 to vector<16xi32>
        %add3A_1662 = arith.addi %add3A_1637, %add3A_1661 : vector<16xi32>
        %gather3A_1663 = tpu.vector_load_idx %arg7[%add3A_1653] : memref<32768xf32, #tpu.memory_space<vmem>>[vector<16xi32>], vector<16xf32>,
        %gather3A_1664 = tpu.vector_load_idx %arg8[%add3A_1656] : memref<32768xf32, #tpu.memory_space<vmem>>[vector<16xi32>], vector<16xf32>,
        %gather3A_1665 = tpu.vector_load_idx %arg7[%add3A_1659] : memref<32768xf32, #tpu.memory_space<vmem>>[vector<16xi32>], vector<16xf32>,
        %gather3A_1666 = tpu.vector_load_idx %arg8[%add3A_1662] : memref<32768xf32, #tpu.memory_space<vmem>>[vector<16xi32>], vector<16xf32>,
        %add3A_1667 = arith.addf %gather3A_1622, %gather3A_1623 : vector<16xf32>
        %swap3A_1668 = arith.constant 1 : i32
        %swap3A_1669 = arith.index_cast %swap3A_1668 : i32 to index
        %swap3A_1670 = arith.index_cast %mul3A_1593 : i32 to index
        %swap3A_1671 = tpu.vector_load %arg11[%swap3A_1669, %swap3A_1670] {strides = array<i32>} : memref<32x256xf32, #tpu.memory_space<vmem>>, vector<16xf32>,
        tpu.vector_store %arg11[%swap3A_1669, %swap3A_1670], %add3A_1667 {strides = array<i32>} : memref<32x256xf32, #tpu.memory_space<vmem>>, vector<16xf32>,
        %add3A_1672 = arith.addf %gather3A_1624, %gather3A_1625 : vector<16xf32>
        %swap3A_1673 = arith.constant 1 : i32
        %swap3A_1674 = arith.index_cast %swap3A_1673 : i32 to index
        %swap3A_1675 = arith.index_cast %add3A_1595 : i32 to index
        %swap3A_1676 = tpu.vector_load %arg11[%swap3A_1674, %swap3A_1675] {strides = array<i32>} : memref<32x256xf32, #tpu.memory_space<vmem>>, vector<16xf32>,
        tpu.vector_store %arg11[%swap3A_1674, %swap3A_1675], %add3A_1672 {strides = array<i32>} : memref<32x256xf32, #tpu.memory_space<vmem>>, vector<16xf32>,
        %add3A_1677 = arith.constant 1024 : i32
        %add3A_1678 = vector.broadcast %add3A_1677 : i32 to vector<16xi32>
        %add3A_1679 = arith.addi %add3A_1653, %add3A_1678 : vector<16xi32>
        %add3A_1680 = arith.constant 1024 : i32
        %add3A_1681 = vector.broadcast %add3A_1680 : i32 to vector<16xi32>
        %add3A_1682 = arith.addi %add3A_1656, %add3A_1681 : vector<16xi32>
        %add3A_1683 = arith.constant 1024 : i32
        %add3A_1684 = vector.broadcast %add3A_1683 : i32 to vector<16xi32>
        %add3A_1685 = arith.addi %add3A_1659, %add3A_1684 : vector<16xi32>
        %add3A_1686 = arith.constant 1024 : i32
        %add3A_1687 = vector.broadcast %add3A_1686 : i32 to vector<16xi32>
        %add3A_1688 = arith.addi %add3A_1662, %add3A_1687 : vector<16xi32>
        %gather3A_1689 = tpu.vector_load_idx %arg7[%add3A_1679] : memref<32768xf32, #tpu.memory_space<vmem>>[vector<16xi32>], vector<16xf32>,
        %gather3A_1690 = tpu.vector_load_idx %arg8[%add3A_1682] : memref<32768xf32, #tpu.memory_space<vmem>>[vector<16xi32>], vector<16xf32>,
        %gather3A_1691 = tpu.vector_load_idx %arg7[%add3A_1685] : memref<32768xf32, #tpu.memory_space<vmem>>[vector<16xi32>], vector<16xf32>,
        %gather3A_1692 = tpu.vector_load_idx %arg8[%add3A_1688] : memref<32768xf32, #tpu.memory_space<vmem>>[vector<16xi32>], vector<16xf32>,
        %add3A_1693 = arith.addf %gather3A_1638, %gather3A_1639 : vector<16xf32>
        %swap3A_1694 = arith.constant 2 : i32
        %swap3A_1695 = arith.index_cast %swap3A_1694 : i32 to index
        %swap3A_1696 = arith.index_cast %mul3A_1593 : i32 to index
        %swap3A_1697 = tpu.vector_load %arg11[%swap3A_1695, %swap3A_1696] {strides = array<i32>} : memref<32x256xf32, #tpu.memory_space<vmem>>, vector<16xf32>,
        tpu.vector_store %arg11[%swap3A_1695, %swap3A_1696], %add3A_1693 {strides = array<i32>} : memref<32x256xf32, #tpu.memory_space<vmem>>, vector<16xf32>,
        %add3A_1698 = arith.addf %gather3A_1640, %gather3A_1641 : vector<16xf32>
        %swap3A_1699 = arith.constant 2 : i32
        %swap3A_1700 = arith.index_cast %swap3A_1699 : i32 to index
        %swap3A_1701 = arith.index_cast %add3A_1595 : i32 to index
        %swap3A_1702 = tpu.vector_load %arg11[%swap3A_1700, %swap3A_1701] {strides = array<i32>} : memref<32x256xf32, #tpu.memory_space<vmem>>, vector<16xf32>,
        tpu.vector_store %arg11[%swap3A_1700, %swap3A_1701], %add3A_1698 {strides = array<i32>} : memref<32x256xf32, #tpu.memory_space<vmem>>, vector<16xf32>,
        %add3A_1703 = arith.constant 1024 : i32
        %add3A_1704 = vector.broadcast %add3A_1703 : i32 to vector<16xi32>
        %add3A_1705 = arith.addi %add3A_1679, %add3A_1704 : vector<16xi32>
        %add3A_1706 = arith.constant 1024 : i32
        %add3A_1707 = vector.broadcast %add3A_1706 : i32 to vector<16xi32>
        %add3A_1708 = arith.addi %add3A_1682, %add3A_1707 : vector<16xi32>
        %add3A_1709 = arith.constant 1024 : i32
        %add3A_1710 = vector.broadcast %add3A_1709 : i32 to vector<16xi32>
        %add3A_1711 = arith.addi %add3A_1685, %add3A_1710 : vector<16xi32>
        %add3A_1712 = arith.constant 1024 : i32
        %add3A_1713 = vector.broadcast %add3A_1712 : i32 to vector<16xi32>
        %add3A_1714 = arith.addi %add3A_1688, %add3A_1713 : vector<16xi32>
        %gather3A_1715 = tpu.vector_load_idx %arg7[%add3A_1705] : memref<32768xf32, #tpu.memory_space<vmem>>[vector<16xi32>], vector<16xf32>,
        %gather3A_1716 = tpu.vector_load_idx %arg8[%add3A_1708] : memref<32768xf32, #tpu.memory_space<vmem>>[vector<16xi32>], vector<16xf32>,
        %gather3A_1717 = tpu.vector_load_idx %arg7[%add3A_1711] : memref<32768xf32, #tpu.memory_space<vmem>>[vector<16xi32>], vector<16xf32>,
        %gather3A_1718 = tpu.vector_load_idx %arg8[%add3A_1714] : memref<32768xf32, #tpu.memory_space<vmem>>[vector<16xi32>], vector<16xf32>,
        %add3A_1719 = arith.addf %gather3A_1663, %gather3A_1664 : vector<16xf32>
        %swap3A_1720 = arith.constant 3 : i32
        %swap3A_1721 = arith.index_cast %swap3A_1720 : i32 to index
        %swap3A_1722 = arith.index_cast %mul3A_1593 : i32 to index
        %swap3A_1723 = tpu.vector_load %arg11[%swap3A_1721, %swap3A_1722] {strides = array<i32>} : memref<32x256xf32, #tpu.memory_space<vmem>>, vector<16xf32>,
        tpu.vector_store %arg11[%swap3A_1721, %swap3A_1722], %add3A_1719 {strides = array<i32>} : memref<32x256xf32, #tpu.memory_space<vmem>>, vector<16xf32>,
        %add3A_1724 = arith.addf %gather3A_1665, %gather3A_1666 : vector<16xf32>
        %swap3A_1725 = arith.constant 3 : i32
        %swap3A_1726 = arith.index_cast %swap3A_1725 : i32 to index
        %swap3A_1727 = arith.index_cast %add3A_1595 : i32 to index
        %swap3A_1728 = tpu.vector_load %arg11[%swap3A_1726, %swap3A_1727] {strides = array<i32>} : memref<32x256xf32, #tpu.memory_space<vmem>>, vector<16xf32>,
        tpu.vector_store %arg11[%swap3A_1726, %swap3A_1727], %add3A_1724 {strides = array<i32>} : memref<32x256xf32, #tpu.memory_space<vmem>>, vector<16xf32>,
        %add3A_1729 = arith.constant 1024 : i32
        %add3A_1730 = vector.broadcast %add3A_1729 : i32 to vector<16xi32>
        %add3A_1731 = arith.addi %add3A_1705, %add3A_1730 : vector<16xi32>
        %add3A_1732 = arith.constant 1024 : i32
        %add3A_1733 = vector.broadcast %add3A_1732 : i32 to vector<16xi32>
        %add3A_1734 = arith.addi %add3A_1708, %add3A_1733 : vector<16xi32>
        %add3A_1735 = arith.constant 1024 : i32
        %add3A_1736 = vector.broadcast %add3A_1735 : i32 to vector<16xi32>
        %add3A_1737 = arith.addi %add3A_1711, %add3A_1736 : vector<16xi32>
        %add3A_1738 = arith.constant 1024 : i32
        %add3A_1739 = vector.broadcast %add3A_1738 : i32 to vector<16xi32>
        %add3A_1740 = arith.addi %add3A_1714, %add3A_1739 : vector<16xi32>
        %gather3A_1741 = tpu.vector_load_idx %arg7[%add3A_1731] : memref<32768xf32, #tpu.memory_space<vmem>>[vector<16xi32>], vector<16xf32>,
        %gather3A_1742 = tpu.vector_load_idx %arg8[%add3A_1734] : memref<32768xf32, #tpu.memory_space<vmem>>[vector<16xi32>], vector<16xf32>,
        %gather3A_1743 = tpu.vector_load_idx %arg7[%add3A_1737] : memref<32768xf32, #tpu.memory_space<vmem>>[vector<16xi32>], vector<16xf32>,
        %gather3A_1744 = tpu.vector_load_idx %arg8[%add3A_1740] : memref<32768xf32, #tpu.memory_space<vmem>>[vector<16xi32>], vector<16xf32>,
        %add3A_1745 = arith.addf %gather3A_1689, %gather3A_1690 : vector<16xf32>
        %swap3A_1746 = arith.constant 4 : i32
        %swap3A_1747 = arith.index_cast %swap3A_1746 : i32 to index
        %swap3A_1748 = arith.index_cast %mul3A_1593 : i32 to index
        %swap3A_1749 = tpu.vector_load %arg11[%swap3A_1747, %swap3A_1748] {strides = array<i32>} : memref<32x256xf32, #tpu.memory_space<vmem>>, vector<16xf32>,
        tpu.vector_store %arg11[%swap3A_1747, %swap3A_1748], %add3A_1745 {strides = array<i32>} : memref<32x256xf32, #tpu.memory_space<vmem>>, vector<16xf32>,
        %add3A_1750 = arith.addf %gather3A_1691, %gather3A_1692 : vector<16xf32>
        %swap3A_1751 = arith.constant 4 : i32
        %swap3A_1752 = arith.index_cast %swap3A_1751 : i32 to index
        %swap3A_1753 = arith.index_cast %add3A_1595 : i32 to index
        %swap3A_1754 = tpu.vector_load %arg11[%swap3A_1752, %swap3A_1753] {strides = array<i32>} : memref<32x256xf32, #tpu.memory_space<vmem>>, vector<16xf32>,
        tpu.vector_store %arg11[%swap3A_1752, %swap3A_1753], %add3A_1750 {strides = array<i32>} : memref<32x256xf32, #tpu.memory_space<vmem>>, vector<16xf32>,
        %add3A_1755 = arith.constant 1024 : i32
        %add3A_1756 = vector.broadcast %add3A_1755 : i32 to vector<16xi32>
        %add3A_1757 = arith.addi %add3A_1731, %add3A_1756 : vector<16xi32>
        %add3A_1758 = arith.constant 1024 : i32
        %add3A_1759 = vector.broadcast %add3A_1758 : i32 to vector<16xi32>
        %add3A_1760 = arith.addi %add3A_1734, %add3A_1759 : vector<16xi32>
        %add3A_1761 = arith.constant 1024 : i32
        %add3A_1762 = vector.broadcast %add3A_1761 : i32 to vector<16xi32>
        %add3A_1763 = arith.addi %add3A_1737, %add3A_1762 : vector<16xi32>
        %add3A_1764 = arith.constant 1024 : i32
        %add3A_1765 = vector.broadcast %add3A_1764 : i32 to vector<16xi32>
        %add3A_1766 = arith.addi %add3A_1740, %add3A_1765 : vector<16xi32>
        %gather3A_1767 = tpu.vector_load_idx %arg7[%add3A_1757] : memref<32768xf32, #tpu.memory_space<vmem>>[vector<16xi32>], vector<16xf32>,
        %gather3A_1768 = tpu.vector_load_idx %arg8[%add3A_1760] : memref<32768xf32, #tpu.memory_space<vmem>>[vector<16xi32>], vector<16xf32>,
        %gather3A_1769 = tpu.vector_load_idx %arg7[%add3A_1763] : memref<32768xf32, #tpu.memory_space<vmem>>[vector<16xi32>], vector<16xf32>,
        %gather3A_1770 = tpu.vector_load_idx %arg8[%add3A_1766] : memref<32768xf32, #tpu.memory_space<vmem>>[vector<16xi32>], vector<16xf32>,
        %add3A_1771 = arith.addf %gather3A_1715, %gather3A_1716 : vector<16xf32>
        %swap3A_1772 = arith.constant 5 : i32
        %swap3A_1773 = arith.index_cast %swap3A_1772 : i32 to index
        %swap3A_1774 = arith.index_cast %mul3A_1593 : i32 to index
        %swap3A_1775 = tpu.vector_load %arg11[%swap3A_1773, %swap3A_1774] {strides = array<i32>} : memref<32x256xf32, #tpu.memory_space<vmem>>, vector<16xf32>,
        tpu.vector_store %arg11[%swap3A_1773, %swap3A_1774], %add3A_1771 {strides = array<i32>} : memref<32x256xf32, #tpu.memory_space<vmem>>, vector<16xf32>,
        %add3A_1776 = arith.addf %gather3A_1717, %gather3A_1718 : vector<16xf32>
        %swap3A_1777 = arith.constant 5 : i32
        %swap3A_1778 = arith.index_cast %swap3A_1777 : i32 to index
        %swap3A_1779 = arith.index_cast %add3A_1595 : i32 to index
        %swap3A_1780 = tpu.vector_load %arg11[%swap3A_1778, %swap3A_1779] {strides = array<i32>} : memref<32x256xf32, #tpu.memory_space<vmem>>, vector<16xf32>,
        tpu.vector_store %arg11[%swap3A_1778, %swap3A_1779], %add3A_1776 {strides = array<i32>} : memref<32x256xf32, #tpu.memory_space<vmem>>, vector<16xf32>,
        %add3A_1781 = arith.constant 1024 : i32
        %add3A_1782 = vector.broadcast %add3A_1781 : i32 to vector<16xi32>
        %add3A_1783 = arith.addi %add3A_1757, %add3A_1782 : vector<16xi32>
        %add3A_1784 = arith.constant 1024 : i32
        %add3A_1785 = vector.broadcast %add3A_1784 : i32 to vector<16xi32>
        %add3A_1786 = arith.addi %add3A_1760, %add3A_1785 : vector<16xi32>
        %add3A_1787 = arith.constant 1024 : i32
        %add3A_1788 = vector.broadcast %add3A_1787 : i32 to vector<16xi32>
        %add3A_1789 = arith.addi %add3A_1763, %add3A_1788 : vector<16xi32>
        %add3A_1790 = arith.constant 1024 : i32
        %add3A_1791 = vector.broadcast %add3A_1790 : i32 to vector<16xi32>
        %add3A_1792 = arith.addi %add3A_1766, %add3A_1791 : vector<16xi32>
        %gather3A_1793 = tpu.vector_load_idx %arg7[%add3A_1783] : memref<32768xf32, #tpu.memory_space<vmem>>[vector<16xi32>], vector<16xf32>,
        %gather3A_1794 = tpu.vector_load_idx %arg8[%add3A_1786] : memref<32768xf32, #tpu.memory_space<vmem>>[vector<16xi32>], vector<16xf32>,
        %gather3A_1795 = tpu.vector_load_idx %arg7[%add3A_1789] : memref<32768xf32, #tpu.memory_space<vmem>>[vector<16xi32>], vector<16xf32>,
        %gather3A_1796 = tpu.vector_load_idx %arg8[%add3A_1792] : memref<32768xf32, #tpu.memory_space<vmem>>[vector<16xi32>], vector<16xf32>,
        %add3A_1797 = arith.addf %gather3A_1741, %gather3A_1742 : vector<16xf32>
        %swap3A_1798 = arith.constant 6 : i32
        %swap3A_1799 = arith.index_cast %swap3A_1798 : i32 to index
        %swap3A_1800 = arith.index_cast %mul3A_1593 : i32 to index
        %swap3A_1801 = tpu.vector_load %arg11[%swap3A_1799, %swap3A_1800] {strides = array<i32>} : memref<32x256xf32, #tpu.memory_space<vmem>>, vector<16xf32>,
        tpu.vector_store %arg11[%swap3A_1799, %swap3A_1800], %add3A_1797 {strides = array<i32>} : memref<32x256xf32, #tpu.memory_space<vmem>>, vector<16xf32>,
        %add3A_1802 = arith.addf %gather3A_1743, %gather3A_1744 : vector<16xf32>
        %swap3A_1803 = arith.constant 6 : i32
        %swap3A_1804 = arith.index_cast %swap3A_1803 : i32 to index
        %swap3A_1805 = arith.index_cast %add3A_1595 : i32 to index
        %swap3A_1806 = tpu.vector_load %arg11[%swap3A_1804, %swap3A_1805] {strides = array<i32>} : memref<32x256xf32, #tpu.memory_space<vmem>>, vector<16xf32>,
        tpu.vector_store %arg11[%swap3A_1804, %swap3A_1805], %add3A_1802 {strides = array<i32>} : memref<32x256xf32, #tpu.memory_space<vmem>>, vector<16xf32>,
        %add3A_1807 = arith.constant 1024 : i32
        %add3A_1808 = vector.broadcast %add3A_1807 : i32 to vector<16xi32>
        %add3A_1809 = arith.addi %add3A_1783, %add3A_1808 : vector<16xi32>
        %add3A_1810 = arith.constant 1024 : i32
        %add3A_1811 = vector.broadcast %add3A_1810 : i32 to vector<16xi32>
        %add3A_1812 = arith.addi %add3A_1786, %add3A_1811 : vector<16xi32>
        %add3A_1813 = arith.constant 1024 : i32
        %add3A_1814 = vector.broadcast %add3A_1813 : i32 to vector<16xi32>
        %add3A_1815 = arith.addi %add3A_1789, %add3A_1814 : vector<16xi32>
        %add3A_1816 = arith.constant 1024 : i32
        %add3A_1817 = vector.broadcast %add3A_1816 : i32 to vector<16xi32>
        %add3A_1818 = arith.addi %add3A_1792, %add3A_1817 : vector<16xi32>
        %gather3A_1819 = tpu.vector_load_idx %arg7[%add3A_1809] : memref<32768xf32, #tpu.memory_space<vmem>>[vector<16xi32>], vector<16xf32>,
        %gather3A_1820 = tpu.vector_load_idx %arg8[%add3A_1812] : memref<32768xf32, #tpu.memory_space<vmem>>[vector<16xi32>], vector<16xf32>,
        %gather3A_1821 = tpu.vector_load_idx %arg7[%add3A_1815] : memref<32768xf32, #tpu.memory_space<vmem>>[vector<16xi32>], vector<16xf32>,
        %gather3A_1822 = tpu.vector_load_idx %arg8[%add3A_1818] : memref<32768xf32, #tpu.memory_space<vmem>>[vector<16xi32>], vector<16xf32>,
        %add3A_1823 = arith.addf %gather3A_1767, %gather3A_1768 : vector<16xf32>
        %swap3A_1824 = arith.constant 7 : i32
        %swap3A_1825 = arith.index_cast %swap3A_1824 : i32 to index
        %swap3A_1826 = arith.index_cast %mul3A_1593 : i32 to index
        %swap3A_1827 = tpu.vector_load %arg11[%swap3A_1825, %swap3A_1826] {strides = array<i32>} : memref<32x256xf32, #tpu.memory_space<vmem>>, vector<16xf32>,
        tpu.vector_store %arg11[%swap3A_1825, %swap3A_1826], %add3A_1823 {strides = array<i32>} : memref<32x256xf32, #tpu.memory_space<vmem>>, vector<16xf32>,
        %add3A_1828 = arith.addf %gather3A_1769, %gather3A_1770 : vector<16xf32>
        %swap3A_1829 = arith.constant 7 : i32
        %swap3A_1830 = arith.index_cast %swap3A_1829 : i32 to index
        %swap3A_1831 = arith.index_cast %add3A_1595 : i32 to index
        %swap3A_1832 = tpu.vector_load %arg11[%swap3A_1830, %swap3A_1831] {strides = array<i32>} : memref<32x256xf32, #tpu.memory_space<vmem>>, vector<16xf32>,
        tpu.vector_store %arg11[%swap3A_1830, %swap3A_1831], %add3A_1828 {strides = array<i32>} : memref<32x256xf32, #tpu.memory_space<vmem>>, vector<16xf32>,
        %add3A_1833 = arith.constant 1024 : i32
        %add3A_1834 = vector.broadcast %add3A_1833 : i32 to vector<16xi32>
        %add3A_1835 = arith.addi %add3A_1809, %add3A_1834 : vector<16xi32>
        %add3A_1836 = arith.constant 1024 : i32
        %add3A_1837 = vector.broadcast %add3A_1836 : i32 to vector<16xi32>
        %add3A_1838 = arith.addi %add3A_1812, %add3A_1837 : vector<16xi32>
        %add3A_1839 = arith.constant 1024 : i32
        %add3A_1840 = vector.broadcast %add3A_1839 : i32 to vector<16xi32>
        %add3A_1841 = arith.addi %add3A_1815, %add3A_1840 : vector<16xi32>
        %add3A_1842 = arith.constant 1024 : i32
        %add3A_1843 = vector.broadcast %add3A_1842 : i32 to vector<16xi32>
        %add3A_1844 = arith.addi %add3A_1818, %add3A_1843 : vector<16xi32>
        %gather3A_1845 = tpu.vector_load_idx %arg7[%add3A_1835] : memref<32768xf32, #tpu.memory_space<vmem>>[vector<16xi32>], vector<16xf32>,
        %gather3A_1846 = tpu.vector_load_idx %arg8[%add3A_1838] : memref<32768xf32, #tpu.memory_space<vmem>>[vector<16xi32>], vector<16xf32>,
        %gather3A_1847 = tpu.vector_load_idx %arg7[%add3A_1841] : memref<32768xf32, #tpu.memory_space<vmem>>[vector<16xi32>], vector<16xf32>,
        %gather3A_1848 = tpu.vector_load_idx %arg8[%add3A_1844] : memref<32768xf32, #tpu.memory_space<vmem>>[vector<16xi32>], vector<16xf32>,
        %add3A_1849 = arith.addf %gather3A_1793, %gather3A_1794 : vector<16xf32>
        %swap3A_1850 = arith.constant 8 : i32
        %swap3A_1851 = arith.index_cast %swap3A_1850 : i32 to index
        %swap3A_1852 = arith.index_cast %mul3A_1593 : i32 to index
        %swap3A_1853 = tpu.vector_load %arg11[%swap3A_1851, %swap3A_1852] {strides = array<i32>} : memref<32x256xf32, #tpu.memory_space<vmem>>, vector<16xf32>,
        tpu.vector_store %arg11[%swap3A_1851, %swap3A_1852], %add3A_1849 {strides = array<i32>} : memref<32x256xf32, #tpu.memory_space<vmem>>, vector<16xf32>,
        %add3A_1854 = arith.addf %gather3A_1795, %gather3A_1796 : vector<16xf32>
        %swap3A_1855 = arith.constant 8 : i32
        %swap3A_1856 = arith.index_cast %swap3A_1855 : i32 to index
        %swap3A_1857 = arith.index_cast %add3A_1595 : i32 to index
        %swap3A_1858 = tpu.vector_load %arg11[%swap3A_1856, %swap3A_1857] {strides = array<i32>} : memref<32x256xf32, #tpu.memory_space<vmem>>, vector<16xf32>,
        tpu.vector_store %arg11[%swap3A_1856, %swap3A_1857], %add3A_1854 {strides = array<i32>} : memref<32x256xf32, #tpu.memory_space<vmem>>, vector<16xf32>,
        %add3A_1859 = arith.constant 1024 : i32
        %add3A_1860 = vector.broadcast %add3A_1859 : i32 to vector<16xi32>
        %add3A_1861 = arith.addi %add3A_1835, %add3A_1860 : vector<16xi32>
        %add3A_1862 = arith.constant 1024 : i32
        %add3A_1863 = vector.broadcast %add3A_1862 : i32 to vector<16xi32>
        %add3A_1864 = arith.addi %add3A_1838, %add3A_1863 : vector<16xi32>
        %add3A_1865 = arith.constant 1024 : i32
        %add3A_1866 = vector.broadcast %add3A_1865 : i32 to vector<16xi32>
        %add3A_1867 = arith.addi %add3A_1841, %add3A_1866 : vector<16xi32>
        %add3A_1868 = arith.constant 1024 : i32
        %add3A_1869 = vector.broadcast %add3A_1868 : i32 to vector<16xi32>
        %add3A_1870 = arith.addi %add3A_1844, %add3A_1869 : vector<16xi32>
        %gather3A_1871 = tpu.vector_load_idx %arg7[%add3A_1861] : memref<32768xf32, #tpu.memory_space<vmem>>[vector<16xi32>], vector<16xf32>,
        %gather3A_1872 = tpu.vector_load_idx %arg8[%add3A_1864] : memref<32768xf32, #tpu.memory_space<vmem>>[vector<16xi32>], vector<16xf32>,
        %gather3A_1873 = tpu.vector_load_idx %arg7[%add3A_1867] : memref<32768xf32, #tpu.memory_space<vmem>>[vector<16xi32>], vector<16xf32>,
        %gather3A_1874 = tpu.vector_load_idx %arg8[%add3A_1870] : memref<32768xf32, #tpu.memory_space<vmem>>[vector<16xi32>], vector<16xf32>,
        %add3A_1875 = arith.addf %gather3A_1819, %gather3A_1820 : vector<16xf32>
        %swap3A_1876 = arith.constant 9 : i32
        %swap3A_1877 = arith.index_cast %swap3A_1876 : i32 to index
        %swap3A_1878 = arith.index_cast %mul3A_1593 : i32 to index
        %swap3A_1879 = tpu.vector_load %arg11[%swap3A_1877, %swap3A_1878] {strides = array<i32>} : memref<32x256xf32, #tpu.memory_space<vmem>>, vector<16xf32>,
        tpu.vector_store %arg11[%swap3A_1877, %swap3A_1878], %add3A_1875 {strides = array<i32>} : memref<32x256xf32, #tpu.memory_space<vmem>>, vector<16xf32>,
        %add3A_1880 = arith.addf %gather3A_1821, %gather3A_1822 : vector<16xf32>
        %swap3A_1881 = arith.constant 9 : i32
        %swap3A_1882 = arith.index_cast %swap3A_1881 : i32 to index
        %swap3A_1883 = arith.index_cast %add3A_1595 : i32 to index
        %swap3A_1884 = tpu.vector_load %arg11[%swap3A_1882, %swap3A_1883] {strides = array<i32>} : memref<32x256xf32, #tpu.memory_space<vmem>>, vector<16xf32>,
        tpu.vector_store %arg11[%swap3A_1882, %swap3A_1883], %add3A_1880 {strides = array<i32>} : memref<32x256xf32, #tpu.memory_space<vmem>>, vector<16xf32>,
        %add3A_1885 = arith.constant 1024 : i32
        %add3A_1886 = vector.broadcast %add3A_1885 : i32 to vector<16xi32>
        %add3A_1887 = arith.addi %add3A_1861, %add3A_1886 : vector<16xi32>
        %add3A_1888 = arith.constant 1024 : i32
        %add3A_1889 = vector.broadcast %add3A_1888 : i32 to vector<16xi32>
        %add3A_1890 = arith.addi %add3A_1864, %add3A_1889 : vector<16xi32>
        %add3A_1891 = arith.constant 1024 : i32
        %add3A_1892 = vector.broadcast %add3A_1891 : i32 to vector<16xi32>
        %add3A_1893 = arith.addi %add3A_1867, %add3A_1892 : vector<16xi32>
        %add3A_1894 = arith.constant 1024 : i32
        %add3A_1895 = vector.broadcast %add3A_1894 : i32 to vector<16xi32>
        %add3A_1896 = arith.addi %add3A_1870, %add3A_1895 : vector<16xi32>
        %gather3A_1897 = tpu.vector_load_idx %arg7[%add3A_1887] : memref<32768xf32, #tpu.memory_space<vmem>>[vector<16xi32>], vector<16xf32>,
        %gather3A_1898 = tpu.vector_load_idx %arg8[%add3A_1890] : memref<32768xf32, #tpu.memory_space<vmem>>[vector<16xi32>], vector<16xf32>,
        %gather3A_1899 = tpu.vector_load_idx %arg7[%add3A_1893] : memref<32768xf32, #tpu.memory_space<vmem>>[vector<16xi32>], vector<16xf32>,
        %gather3A_1900 = tpu.vector_load_idx %arg8[%add3A_1896] : memref<32768xf32, #tpu.memory_space<vmem>>[vector<16xi32>], vector<16xf32>,
        %add3A_1901 = arith.addf %gather3A_1845, %gather3A_1846 : vector<16xf32>
        %swap3A_1902 = arith.constant 10 : i32
        %swap3A_1903 = arith.index_cast %swap3A_1902 : i32 to index
        %swap3A_1904 = arith.index_cast %mul3A_1593 : i32 to index
        %swap3A_1905 = tpu.vector_load %arg11[%swap3A_1903, %swap3A_1904] {strides = array<i32>} : memref<32x256xf32, #tpu.memory_space<vmem>>, vector<16xf32>,
        tpu.vector_store %arg11[%swap3A_1903, %swap3A_1904], %add3A_1901 {strides = array<i32>} : memref<32x256xf32, #tpu.memory_space<vmem>>, vector<16xf32>,
        %add3A_1906 = arith.addf %gather3A_1847, %gather3A_1848 : vector<16xf32>
        %swap3A_1907 = arith.constant 10 : i32
        %swap3A_1908 = arith.index_cast %swap3A_1907 : i32 to index
        %swap3A_1909 = arith.index_cast %add3A_1595 : i32 to index
        %swap3A_1910 = tpu.vector_load %arg11[%swap3A_1908, %swap3A_1909] {strides = array<i32>} : memref<32x256xf32, #tpu.memory_space<vmem>>, vector<16xf32>,
        tpu.vector_store %arg11[%swap3A_1908, %swap3A_1909], %add3A_1906 {strides = array<i32>} : memref<32x256xf32, #tpu.memory_space<vmem>>, vector<16xf32>,
        %add3A_1911 = arith.constant 1024 : i32
        %add3A_1912 = vector.broadcast %add3A_1911 : i32 to vector<16xi32>
        %add3A_1913 = arith.addi %add3A_1887, %add3A_1912 : vector<16xi32>
        %add3A_1914 = arith.constant 1024 : i32
        %add3A_1915 = vector.broadcast %add3A_1914 : i32 to vector<16xi32>
        %add3A_1916 = arith.addi %add3A_1890, %add3A_1915 : vector<16xi32>
        %add3A_1917 = arith.constant 1024 : i32
        %add3A_1918 = vector.broadcast %add3A_1917 : i32 to vector<16xi32>
        %add3A_1919 = arith.addi %add3A_1893, %add3A_1918 : vector<16xi32>
        %add3A_1920 = arith.constant 1024 : i32
        %add3A_1921 = vector.broadcast %add3A_1920 : i32 to vector<16xi32>
        %add3A_1922 = arith.addi %add3A_1896, %add3A_1921 : vector<16xi32>
        %gather3A_1923 = tpu.vector_load_idx %arg7[%add3A_1913] : memref<32768xf32, #tpu.memory_space<vmem>>[vector<16xi32>], vector<16xf32>,
        %gather3A_1924 = tpu.vector_load_idx %arg8[%add3A_1916] : memref<32768xf32, #tpu.memory_space<vmem>>[vector<16xi32>], vector<16xf32>,
        %gather3A_1925 = tpu.vector_load_idx %arg7[%add3A_1919] : memref<32768xf32, #tpu.memory_space<vmem>>[vector<16xi32>], vector<16xf32>,
        %gather3A_1926 = tpu.vector_load_idx %arg8[%add3A_1922] : memref<32768xf32, #tpu.memory_space<vmem>>[vector<16xi32>], vector<16xf32>,
        %add3A_1927 = arith.addf %gather3A_1871, %gather3A_1872 : vector<16xf32>
        %swap3A_1928 = arith.constant 11 : i32
        %swap3A_1929 = arith.index_cast %swap3A_1928 : i32 to index
        %swap3A_1930 = arith.index_cast %mul3A_1593 : i32 to index
        %swap3A_1931 = tpu.vector_load %arg11[%swap3A_1929, %swap3A_1930] {strides = array<i32>} : memref<32x256xf32, #tpu.memory_space<vmem>>, vector<16xf32>,
        tpu.vector_store %arg11[%swap3A_1929, %swap3A_1930], %add3A_1927 {strides = array<i32>} : memref<32x256xf32, #tpu.memory_space<vmem>>, vector<16xf32>,
        %add3A_1932 = arith.addf %gather3A_1873, %gather3A_1874 : vector<16xf32>
        %swap3A_1933 = arith.constant 11 : i32
        %swap3A_1934 = arith.index_cast %swap3A_1933 : i32 to index
        %swap3A_1935 = arith.index_cast %add3A_1595 : i32 to index
        %swap3A_1936 = tpu.vector_load %arg11[%swap3A_1934, %swap3A_1935] {strides = array<i32>} : memref<32x256xf32, #tpu.memory_space<vmem>>, vector<16xf32>,
        tpu.vector_store %arg11[%swap3A_1934, %swap3A_1935], %add3A_1932 {strides = array<i32>} : memref<32x256xf32, #tpu.memory_space<vmem>>, vector<16xf32>,
        %add3A_1937 = arith.constant 1024 : i32
        %add3A_1938 = vector.broadcast %add3A_1937 : i32 to vector<16xi32>
        %add3A_1939 = arith.addi %add3A_1913, %add3A_1938 : vector<16xi32>
        %add3A_1940 = arith.constant 1024 : i32
        %add3A_1941 = vector.broadcast %add3A_1940 : i32 to vector<16xi32>
        %add3A_1942 = arith.addi %add3A_1916, %add3A_1941 : vector<16xi32>
        %add3A_1943 = arith.constant 1024 : i32
        %add3A_1944 = vector.broadcast %add3A_1943 : i32 to vector<16xi32>
        %add3A_1945 = arith.addi %add3A_1919, %add3A_1944 : vector<16xi32>
        %add3A_1946 = arith.constant 1024 : i32
        %add3A_1947 = vector.broadcast %add3A_1946 : i32 to vector<16xi32>
        %add3A_1948 = arith.addi %add3A_1922, %add3A_1947 : vector<16xi32>
        %gather3A_1949 = tpu.vector_load_idx %arg7[%add3A_1939] : memref<32768xf32, #tpu.memory_space<vmem>>[vector<16xi32>], vector<16xf32>,
        %gather3A_1950 = tpu.vector_load_idx %arg8[%add3A_1942] : memref<32768xf32, #tpu.memory_space<vmem>>[vector<16xi32>], vector<16xf32>,
        %gather3A_1951 = tpu.vector_load_idx %arg7[%add3A_1945] : memref<32768xf32, #tpu.memory_space<vmem>>[vector<16xi32>], vector<16xf32>,
        %gather3A_1952 = tpu.vector_load_idx %arg8[%add3A_1948] : memref<32768xf32, #tpu.memory_space<vmem>>[vector<16xi32>], vector<16xf32>,
        %add3A_1953 = arith.addf %gather3A_1897, %gather3A_1898 : vector<16xf32>
        %swap3A_1954 = arith.constant 12 : i32
        %swap3A_1955 = arith.index_cast %swap3A_1954 : i32 to index
        %swap3A_1956 = arith.index_cast %mul3A_1593 : i32 to index
        %swap3A_1957 = tpu.vector_load %arg11[%swap3A_1955, %swap3A_1956] {strides = array<i32>} : memref<32x256xf32, #tpu.memory_space<vmem>>, vector<16xf32>,
        tpu.vector_store %arg11[%swap3A_1955, %swap3A_1956], %add3A_1953 {strides = array<i32>} : memref<32x256xf32, #tpu.memory_space<vmem>>, vector<16xf32>,
        %add3A_1958 = arith.addf %gather3A_1899, %gather3A_1900 : vector<16xf32>
        %swap3A_1959 = arith.constant 12 : i32
        %swap3A_1960 = arith.index_cast %swap3A_1959 : i32 to index
        %swap3A_1961 = arith.index_cast %add3A_1595 : i32 to index
        %swap3A_1962 = tpu.vector_load %arg11[%swap3A_1960, %swap3A_1961] {strides = array<i32>} : memref<32x256xf32, #tpu.memory_space<vmem>>, vector<16xf32>,
        tpu.vector_store %arg11[%swap3A_1960, %swap3A_1961], %add3A_1958 {strides = array<i32>} : memref<32x256xf32, #tpu.memory_space<vmem>>, vector<16xf32>,
        %add3A_1963 = arith.constant 1024 : i32
        %add3A_1964 = vector.broadcast %add3A_1963 : i32 to vector<16xi32>
        %add3A_1965 = arith.addi %add3A_1939, %add3A_1964 : vector<16xi32>
        %add3A_1966 = arith.constant 1024 : i32
        %add3A_1967 = vector.broadcast %add3A_1966 : i32 to vector<16xi32>
        %add3A_1968 = arith.addi %add3A_1942, %add3A_1967 : vector<16xi32>
        %add3A_1969 = arith.constant 1024 : i32
        %add3A_1970 = vector.broadcast %add3A_1969 : i32 to vector<16xi32>
        %add3A_1971 = arith.addi %add3A_1945, %add3A_1970 : vector<16xi32>
        %add3A_1972 = arith.constant 1024 : i32
        %add3A_1973 = vector.broadcast %add3A_1972 : i32 to vector<16xi32>
        %add3A_1974 = arith.addi %add3A_1948, %add3A_1973 : vector<16xi32>
        %gather3A_1975 = tpu.vector_load_idx %arg7[%add3A_1965] : memref<32768xf32, #tpu.memory_space<vmem>>[vector<16xi32>], vector<16xf32>,
        %gather3A_1976 = tpu.vector_load_idx %arg8[%add3A_1968] : memref<32768xf32, #tpu.memory_space<vmem>>[vector<16xi32>], vector<16xf32>,
        %gather3A_1977 = tpu.vector_load_idx %arg7[%add3A_1971] : memref<32768xf32, #tpu.memory_space<vmem>>[vector<16xi32>], vector<16xf32>,
        %gather3A_1978 = tpu.vector_load_idx %arg8[%add3A_1974] : memref<32768xf32, #tpu.memory_space<vmem>>[vector<16xi32>], vector<16xf32>,
        %add3A_1979 = arith.addf %gather3A_1923, %gather3A_1924 : vector<16xf32>
        %swap3A_1980 = arith.constant 13 : i32
        %swap3A_1981 = arith.index_cast %swap3A_1980 : i32 to index
        %swap3A_1982 = arith.index_cast %mul3A_1593 : i32 to index
        %swap3A_1983 = tpu.vector_load %arg11[%swap3A_1981, %swap3A_1982] {strides = array<i32>} : memref<32x256xf32, #tpu.memory_space<vmem>>, vector<16xf32>,
        tpu.vector_store %arg11[%swap3A_1981, %swap3A_1982], %add3A_1979 {strides = array<i32>} : memref<32x256xf32, #tpu.memory_space<vmem>>, vector<16xf32>,
        %add3A_1984 = arith.addf %gather3A_1925, %gather3A_1926 : vector<16xf32>
        %swap3A_1985 = arith.constant 13 : i32
        %swap3A_1986 = arith.index_cast %swap3A_1985 : i32 to index
        %swap3A_1987 = arith.index_cast %add3A_1595 : i32 to index
        %swap3A_1988 = tpu.vector_load %arg11[%swap3A_1986, %swap3A_1987] {strides = array<i32>} : memref<32x256xf32, #tpu.memory_space<vmem>>, vector<16xf32>,
        tpu.vector_store %arg11[%swap3A_1986, %swap3A_1987], %add3A_1984 {strides = array<i32>} : memref<32x256xf32, #tpu.memory_space<vmem>>, vector<16xf32>,
        %add3A_1989 = arith.constant 1024 : i32
        %add3A_1990 = vector.broadcast %add3A_1989 : i32 to vector<16xi32>
        %add3A_1991 = arith.addi %add3A_1965, %add3A_1990 : vector<16xi32>
        %add3A_1992 = arith.constant 1024 : i32
        %add3A_1993 = vector.broadcast %add3A_1992 : i32 to vector<16xi32>
        %add3A_1994 = arith.addi %add3A_1968, %add3A_1993 : vector<16xi32>
        %add3A_1995 = arith.constant 1024 : i32
        %add3A_1996 = vector.broadcast %add3A_1995 : i32 to vector<16xi32>
        %add3A_1997 = arith.addi %add3A_1971, %add3A_1996 : vector<16xi32>
        %add3A_1998 = arith.constant 1024 : i32
        %add3A_1999 = vector.broadcast %add3A_1998 : i32 to vector<16xi32>
        %add3A_2000 = arith.addi %add3A_1974, %add3A_1999 : vector<16xi32>
        %gather3A_2001 = tpu.vector_load_idx %arg7[%add3A_1991] : memref<32768xf32, #tpu.memory_space<vmem>>[vector<16xi32>], vector<16xf32>,
        %gather3A_2002 = tpu.vector_load_idx %arg8[%add3A_1994] : memref<32768xf32, #tpu.memory_space<vmem>>[vector<16xi32>], vector<16xf32>,
        %gather3A_2003 = tpu.vector_load_idx %arg7[%add3A_1997] : memref<32768xf32, #tpu.memory_space<vmem>>[vector<16xi32>], vector<16xf32>,
        %gather3A_2004 = tpu.vector_load_idx %arg8[%add3A_2000] : memref<32768xf32, #tpu.memory_space<vmem>>[vector<16xi32>], vector<16xf32>,
        %add3A_2005 = arith.addf %gather3A_1949, %gather3A_1950 : vector<16xf32>
        %swap3A_2006 = arith.constant 14 : i32
        %swap3A_2007 = arith.index_cast %swap3A_2006 : i32 to index
        %swap3A_2008 = arith.index_cast %mul3A_1593 : i32 to index
        %swap3A_2009 = tpu.vector_load %arg11[%swap3A_2007, %swap3A_2008] {strides = array<i32>} : memref<32x256xf32, #tpu.memory_space<vmem>>, vector<16xf32>,
        tpu.vector_store %arg11[%swap3A_2007, %swap3A_2008], %add3A_2005 {strides = array<i32>} : memref<32x256xf32, #tpu.memory_space<vmem>>, vector<16xf32>,
        %add3A_2010 = arith.addf %gather3A_1951, %gather3A_1952 : vector<16xf32>
        %swap3A_2011 = arith.constant 14 : i32
        %swap3A_2012 = arith.index_cast %swap3A_2011 : i32 to index
        %swap3A_2013 = arith.index_cast %add3A_1595 : i32 to index
        %swap3A_2014 = tpu.vector_load %arg11[%swap3A_2012, %swap3A_2013] {strides = array<i32>} : memref<32x256xf32, #tpu.memory_space<vmem>>, vector<16xf32>,
        tpu.vector_store %arg11[%swap3A_2012, %swap3A_2013], %add3A_2010 {strides = array<i32>} : memref<32x256xf32, #tpu.memory_space<vmem>>, vector<16xf32>,
        %add3A_2015 = arith.constant 1024 : i32
        %add3A_2016 = vector.broadcast %add3A_2015 : i32 to vector<16xi32>
        %add3A_2017 = arith.addi %add3A_1991, %add3A_2016 : vector<16xi32>
        %add3A_2018 = arith.constant 1024 : i32
        %add3A_2019 = vector.broadcast %add3A_2018 : i32 to vector<16xi32>
        %add3A_2020 = arith.addi %add3A_1994, %add3A_2019 : vector<16xi32>
        %add3A_2021 = arith.constant 1024 : i32
        %add3A_2022 = vector.broadcast %add3A_2021 : i32 to vector<16xi32>
        %add3A_2023 = arith.addi %add3A_1997, %add3A_2022 : vector<16xi32>
        %add3A_2024 = arith.constant 1024 : i32
        %add3A_2025 = vector.broadcast %add3A_2024 : i32 to vector<16xi32>
        %add3A_2026 = arith.addi %add3A_2000, %add3A_2025 : vector<16xi32>
        %gather3A_2027 = tpu.vector_load_idx %arg7[%add3A_2017] : memref<32768xf32, #tpu.memory_space<vmem>>[vector<16xi32>], vector<16xf32>,
        %gather3A_2028 = tpu.vector_load_idx %arg8[%add3A_2020] : memref<32768xf32, #tpu.memory_space<vmem>>[vector<16xi32>], vector<16xf32>,
        %gather3A_2029 = tpu.vector_load_idx %arg7[%add3A_2023] : memref<32768xf32, #tpu.memory_space<vmem>>[vector<16xi32>], vector<16xf32>,
        %gather3A_2030 = tpu.vector_load_idx %arg8[%add3A_2026] : memref<32768xf32, #tpu.memory_space<vmem>>[vector<16xi32>], vector<16xf32>,
        %add3A_2031 = arith.addf %gather3A_1975, %gather3A_1976 : vector<16xf32>
        %swap3A_2032 = arith.constant 15 : i32
        %swap3A_2033 = arith.index_cast %swap3A_2032 : i32 to index
        %swap3A_2034 = arith.index_cast %mul3A_1593 : i32 to index
        %swap3A_2035 = tpu.vector_load %arg11[%swap3A_2033, %swap3A_2034] {strides = array<i32>} : memref<32x256xf32, #tpu.memory_space<vmem>>, vector<16xf32>,
        tpu.vector_store %arg11[%swap3A_2033, %swap3A_2034], %add3A_2031 {strides = array<i32>} : memref<32x256xf32, #tpu.memory_space<vmem>>, vector<16xf32>,
        %add3A_2036 = arith.addf %gather3A_1977, %gather3A_1978 : vector<16xf32>
        %swap3A_2037 = arith.constant 15 : i32
        %swap3A_2038 = arith.index_cast %swap3A_2037 : i32 to index
        %swap3A_2039 = arith.index_cast %add3A_1595 : i32 to index
        %swap3A_2040 = tpu.vector_load %arg11[%swap3A_2038, %swap3A_2039] {strides = array<i32>} : memref<32x256xf32, #tpu.memory_space<vmem>>, vector<16xf32>,
        tpu.vector_store %arg11[%swap3A_2038, %swap3A_2039], %add3A_2036 {strides = array<i32>} : memref<32x256xf32, #tpu.memory_space<vmem>>, vector<16xf32>,
        %add3A_2041 = arith.constant 1024 : i32
        %add3A_2042 = vector.broadcast %add3A_2041 : i32 to vector<16xi32>
        %add3A_2043 = arith.addi %add3A_2017, %add3A_2042 : vector<16xi32>
        %add3A_2044 = arith.constant 1024 : i32
        %add3A_2045 = vector.broadcast %add3A_2044 : i32 to vector<16xi32>
        %add3A_2046 = arith.addi %add3A_2020, %add3A_2045 : vector<16xi32>
        %add3A_2047 = arith.constant 1024 : i32
        %add3A_2048 = vector.broadcast %add3A_2047 : i32 to vector<16xi32>
        %add3A_2049 = arith.addi %add3A_2023, %add3A_2048 : vector<16xi32>
        %add3A_2050 = arith.constant 1024 : i32
        %add3A_2051 = vector.broadcast %add3A_2050 : i32 to vector<16xi32>
        %add3A_2052 = arith.addi %add3A_2026, %add3A_2051 : vector<16xi32>
        %gather3A_2053 = tpu.vector_load_idx %arg7[%add3A_2043] : memref<32768xf32, #tpu.memory_space<vmem>>[vector<16xi32>], vector<16xf32>,
        %gather3A_2054 = tpu.vector_load_idx %arg8[%add3A_2046] : memref<32768xf32, #tpu.memory_space<vmem>>[vector<16xi32>], vector<16xf32>,
        %gather3A_2055 = tpu.vector_load_idx %arg7[%add3A_2049] : memref<32768xf32, #tpu.memory_space<vmem>>[vector<16xi32>], vector<16xf32>,
        %gather3A_2056 = tpu.vector_load_idx %arg8[%add3A_2052] : memref<32768xf32, #tpu.memory_space<vmem>>[vector<16xi32>], vector<16xf32>,
        %add3A_2057 = arith.addf %gather3A_2001, %gather3A_2002 : vector<16xf32>
        %swap3A_2058 = arith.constant 16 : i32
        %swap3A_2059 = arith.index_cast %swap3A_2058 : i32 to index
        %swap3A_2060 = arith.index_cast %mul3A_1593 : i32 to index
        %swap3A_2061 = tpu.vector_load %arg11[%swap3A_2059, %swap3A_2060] {strides = array<i32>} : memref<32x256xf32, #tpu.memory_space<vmem>>, vector<16xf32>,
        tpu.vector_store %arg11[%swap3A_2059, %swap3A_2060], %add3A_2057 {strides = array<i32>} : memref<32x256xf32, #tpu.memory_space<vmem>>, vector<16xf32>,
        %add3A_2062 = arith.addf %gather3A_2003, %gather3A_2004 : vector<16xf32>
        %swap3A_2063 = arith.constant 16 : i32
        %swap3A_2064 = arith.index_cast %swap3A_2063 : i32 to index
        %swap3A_2065 = arith.index_cast %add3A_1595 : i32 to index
        %swap3A_2066 = tpu.vector_load %arg11[%swap3A_2064, %swap3A_2065] {strides = array<i32>} : memref<32x256xf32, #tpu.memory_space<vmem>>, vector<16xf32>,
        tpu.vector_store %arg11[%swap3A_2064, %swap3A_2065], %add3A_2062 {strides = array<i32>} : memref<32x256xf32, #tpu.memory_space<vmem>>, vector<16xf32>,
        %add3A_2067 = arith.constant 1024 : i32
        %add3A_2068 = vector.broadcast %add3A_2067 : i32 to vector<16xi32>
        %add3A_2069 = arith.addi %add3A_2043, %add3A_2068 : vector<16xi32>
        %add3A_2070 = arith.constant 1024 : i32
        %add3A_2071 = vector.broadcast %add3A_2070 : i32 to vector<16xi32>
        %add3A_2072 = arith.addi %add3A_2046, %add3A_2071 : vector<16xi32>
        %add3A_2073 = arith.constant 1024 : i32
        %add3A_2074 = vector.broadcast %add3A_2073 : i32 to vector<16xi32>
        %add3A_2075 = arith.addi %add3A_2049, %add3A_2074 : vector<16xi32>
        %add3A_2076 = arith.constant 1024 : i32
        %add3A_2077 = vector.broadcast %add3A_2076 : i32 to vector<16xi32>
        %add3A_2078 = arith.addi %add3A_2052, %add3A_2077 : vector<16xi32>
        %gather3A_2079 = tpu.vector_load_idx %arg7[%add3A_2069] : memref<32768xf32, #tpu.memory_space<vmem>>[vector<16xi32>], vector<16xf32>,
        %gather3A_2080 = tpu.vector_load_idx %arg8[%add3A_2072] : memref<32768xf32, #tpu.memory_space<vmem>>[vector<16xi32>], vector<16xf32>,
        %gather3A_2081 = tpu.vector_load_idx %arg7[%add3A_2075] : memref<32768xf32, #tpu.memory_space<vmem>>[vector<16xi32>], vector<16xf32>,
        %gather3A_2082 = tpu.vector_load_idx %arg8[%add3A_2078] : memref<32768xf32, #tpu.memory_space<vmem>>[vector<16xi32>], vector<16xf32>,
        %add3A_2083 = arith.addf %gather3A_2027, %gather3A_2028 : vector<16xf32>
        %swap3A_2084 = arith.constant 17 : i32
        %swap3A_2085 = arith.index_cast %swap3A_2084 : i32 to index
        %swap3A_2086 = arith.index_cast %mul3A_1593 : i32 to index
        %swap3A_2087 = tpu.vector_load %arg11[%swap3A_2085, %swap3A_2086] {strides = array<i32>} : memref<32x256xf32, #tpu.memory_space<vmem>>, vector<16xf32>,
        tpu.vector_store %arg11[%swap3A_2085, %swap3A_2086], %add3A_2083 {strides = array<i32>} : memref<32x256xf32, #tpu.memory_space<vmem>>, vector<16xf32>,
        %add3A_2088 = arith.addf %gather3A_2029, %gather3A_2030 : vector<16xf32>
        %swap3A_2089 = arith.constant 17 : i32
        %swap3A_2090 = arith.index_cast %swap3A_2089 : i32 to index
        %swap3A_2091 = arith.index_cast %add3A_1595 : i32 to index
        %swap3A_2092 = tpu.vector_load %arg11[%swap3A_2090, %swap3A_2091] {strides = array<i32>} : memref<32x256xf32, #tpu.memory_space<vmem>>, vector<16xf32>,
        tpu.vector_store %arg11[%swap3A_2090, %swap3A_2091], %add3A_2088 {strides = array<i32>} : memref<32x256xf32, #tpu.memory_space<vmem>>, vector<16xf32>,
        %add3A_2093 = arith.constant 1024 : i32
        %add3A_2094 = vector.broadcast %add3A_2093 : i32 to vector<16xi32>
        %add3A_2095 = arith.addi %add3A_2069, %add3A_2094 : vector<16xi32>
        %add3A_2096 = arith.constant 1024 : i32
        %add3A_2097 = vector.broadcast %add3A_2096 : i32 to vector<16xi32>
        %add3A_2098 = arith.addi %add3A_2072, %add3A_2097 : vector<16xi32>
        %add3A_2099 = arith.constant 1024 : i32
        %add3A_2100 = vector.broadcast %add3A_2099 : i32 to vector<16xi32>
        %add3A_2101 = arith.addi %add3A_2075, %add3A_2100 : vector<16xi32>
        %add3A_2102 = arith.constant 1024 : i32
        %add3A_2103 = vector.broadcast %add3A_2102 : i32 to vector<16xi32>
        %add3A_2104 = arith.addi %add3A_2078, %add3A_2103 : vector<16xi32>
        %gather3A_2105 = tpu.vector_load_idx %arg7[%add3A_2095] : memref<32768xf32, #tpu.memory_space<vmem>>[vector<16xi32>], vector<16xf32>,
        %gather3A_2106 = tpu.vector_load_idx %arg8[%add3A_2098] : memref<32768xf32, #tpu.memory_space<vmem>>[vector<16xi32>], vector<16xf32>,
        %gather3A_2107 = tpu.vector_load_idx %arg7[%add3A_2101] : memref<32768xf32, #tpu.memory_space<vmem>>[vector<16xi32>], vector<16xf32>,
        %gather3A_2108 = tpu.vector_load_idx %arg8[%add3A_2104] : memref<32768xf32, #tpu.memory_space<vmem>>[vector<16xi32>], vector<16xf32>,
        %add3A_2109 = arith.addf %gather3A_2053, %gather3A_2054 : vector<16xf32>
        %swap3A_2110 = arith.constant 18 : i32
        %swap3A_2111 = arith.index_cast %swap3A_2110 : i32 to index
        %swap3A_2112 = arith.index_cast %mul3A_1593 : i32 to index
        %swap3A_2113 = tpu.vector_load %arg11[%swap3A_2111, %swap3A_2112] {strides = array<i32>} : memref<32x256xf32, #tpu.memory_space<vmem>>, vector<16xf32>,
        tpu.vector_store %arg11[%swap3A_2111, %swap3A_2112], %add3A_2109 {strides = array<i32>} : memref<32x256xf32, #tpu.memory_space<vmem>>, vector<16xf32>,
        %add3A_2114 = arith.addf %gather3A_2055, %gather3A_2056 : vector<16xf32>
        %swap3A_2115 = arith.constant 18 : i32
        %swap3A_2116 = arith.index_cast %swap3A_2115 : i32 to index
        %swap3A_2117 = arith.index_cast %add3A_1595 : i32 to index
        %swap3A_2118 = tpu.vector_load %arg11[%swap3A_2116, %swap3A_2117] {strides = array<i32>} : memref<32x256xf32, #tpu.memory_space<vmem>>, vector<16xf32>,
        tpu.vector_store %arg11[%swap3A_2116, %swap3A_2117], %add3A_2114 {strides = array<i32>} : memref<32x256xf32, #tpu.memory_space<vmem>>, vector<16xf32>,
        %add3A_2119 = arith.constant 1024 : i32
        %add3A_2120 = vector.broadcast %add3A_2119 : i32 to vector<16xi32>
        %add3A_2121 = arith.addi %add3A_2095, %add3A_2120 : vector<16xi32>
        %add3A_2122 = arith.constant 1024 : i32
        %add3A_2123 = vector.broadcast %add3A_2122 : i32 to vector<16xi32>
        %add3A_2124 = arith.addi %add3A_2098, %add3A_2123 : vector<16xi32>
        %add3A_2125 = arith.constant 1024 : i32
        %add3A_2126 = vector.broadcast %add3A_2125 : i32 to vector<16xi32>
        %add3A_2127 = arith.addi %add3A_2101, %add3A_2126 : vector<16xi32>
        %add3A_2128 = arith.constant 1024 : i32
        %add3A_2129 = vector.broadcast %add3A_2128 : i32 to vector<16xi32>
        %add3A_2130 = arith.addi %add3A_2104, %add3A_2129 : vector<16xi32>
        %gather3A_2131 = tpu.vector_load_idx %arg7[%add3A_2121] : memref<32768xf32, #tpu.memory_space<vmem>>[vector<16xi32>], vector<16xf32>,
        %gather3A_2132 = tpu.vector_load_idx %arg8[%add3A_2124] : memref<32768xf32, #tpu.memory_space<vmem>>[vector<16xi32>], vector<16xf32>,
        %gather3A_2133 = tpu.vector_load_idx %arg7[%add3A_2127] : memref<32768xf32, #tpu.memory_space<vmem>>[vector<16xi32>], vector<16xf32>,
        %gather3A_2134 = tpu.vector_load_idx %arg8[%add3A_2130] : memref<32768xf32, #tpu.memory_space<vmem>>[vector<16xi32>], vector<16xf32>,
        %add3A_2135 = arith.addf %gather3A_2079, %gather3A_2080 : vector<16xf32>
        %swap3A_2136 = arith.constant 19 : i32
        %swap3A_2137 = arith.index_cast %swap3A_2136 : i32 to index
        %swap3A_2138 = arith.index_cast %mul3A_1593 : i32 to index
        %swap3A_2139 = tpu.vector_load %arg11[%swap3A_2137, %swap3A_2138] {strides = array<i32>} : memref<32x256xf32, #tpu.memory_space<vmem>>, vector<16xf32>,
        tpu.vector_store %arg11[%swap3A_2137, %swap3A_2138], %add3A_2135 {strides = array<i32>} : memref<32x256xf32, #tpu.memory_space<vmem>>, vector<16xf32>,
        %add3A_2140 = arith.addf %gather3A_2081, %gather3A_2082 : vector<16xf32>
        %swap3A_2141 = arith.constant 19 : i32
        %swap3A_2142 = arith.index_cast %swap3A_2141 : i32 to index
        %swap3A_2143 = arith.index_cast %add3A_1595 : i32 to index
        %swap3A_2144 = tpu.vector_load %arg11[%swap3A_2142, %swap3A_2143] {strides = array<i32>} : memref<32x256xf32, #tpu.memory_space<vmem>>, vector<16xf32>,
        tpu.vector_store %arg11[%swap3A_2142, %swap3A_2143], %add3A_2140 {strides = array<i32>} : memref<32x256xf32, #tpu.memory_space<vmem>>, vector<16xf32>,
        %add3A_2145 = arith.constant 1024 : i32
        %add3A_2146 = vector.broadcast %add3A_2145 : i32 to vector<16xi32>
        %add3A_2147 = arith.addi %add3A_2121, %add3A_2146 : vector<16xi32>
        %add3A_2148 = arith.constant 1024 : i32
        %add3A_2149 = vector.broadcast %add3A_2148 : i32 to vector<16xi32>
        %add3A_2150 = arith.addi %add3A_2124, %add3A_2149 : vector<16xi32>
        %add3A_2151 = arith.constant 1024 : i32
        %add3A_2152 = vector.broadcast %add3A_2151 : i32 to vector<16xi32>
        %add3A_2153 = arith.addi %add3A_2127, %add3A_2152 : vector<16xi32>
        %add3A_2154 = arith.constant 1024 : i32
        %add3A_2155 = vector.broadcast %add3A_2154 : i32 to vector<16xi32>
        %add3A_2156 = arith.addi %add3A_2130, %add3A_2155 : vector<16xi32>
        %gather3A_2157 = tpu.vector_load_idx %arg7[%add3A_2147] : memref<32768xf32, #tpu.memory_space<vmem>>[vector<16xi32>], vector<16xf32>,
        %gather3A_2158 = tpu.vector_load_idx %arg8[%add3A_2150] : memref<32768xf32, #tpu.memory_space<vmem>>[vector<16xi32>], vector<16xf32>,
        %gather3A_2159 = tpu.vector_load_idx %arg7[%add3A_2153] : memref<32768xf32, #tpu.memory_space<vmem>>[vector<16xi32>], vector<16xf32>,
        %gather3A_2160 = tpu.vector_load_idx %arg8[%add3A_2156] : memref<32768xf32, #tpu.memory_space<vmem>>[vector<16xi32>], vector<16xf32>,
        %add3A_2161 = arith.addf %gather3A_2105, %gather3A_2106 : vector<16xf32>
        %swap3A_2162 = arith.constant 20 : i32
        %swap3A_2163 = arith.index_cast %swap3A_2162 : i32 to index
        %swap3A_2164 = arith.index_cast %mul3A_1593 : i32 to index
        %swap3A_2165 = tpu.vector_load %arg11[%swap3A_2163, %swap3A_2164] {strides = array<i32>} : memref<32x256xf32, #tpu.memory_space<vmem>>, vector<16xf32>,
        tpu.vector_store %arg11[%swap3A_2163, %swap3A_2164], %add3A_2161 {strides = array<i32>} : memref<32x256xf32, #tpu.memory_space<vmem>>, vector<16xf32>,
        %add3A_2166 = arith.addf %gather3A_2107, %gather3A_2108 : vector<16xf32>
        %swap3A_2167 = arith.constant 20 : i32
        %swap3A_2168 = arith.index_cast %swap3A_2167 : i32 to index
        %swap3A_2169 = arith.index_cast %add3A_1595 : i32 to index
        %swap3A_2170 = tpu.vector_load %arg11[%swap3A_2168, %swap3A_2169] {strides = array<i32>} : memref<32x256xf32, #tpu.memory_space<vmem>>, vector<16xf32>,
        tpu.vector_store %arg11[%swap3A_2168, %swap3A_2169], %add3A_2166 {strides = array<i32>} : memref<32x256xf32, #tpu.memory_space<vmem>>, vector<16xf32>,
        %add3A_2171 = arith.constant 1024 : i32
        %add3A_2172 = vector.broadcast %add3A_2171 : i32 to vector<16xi32>
        %add3A_2173 = arith.addi %add3A_2147, %add3A_2172 : vector<16xi32>
        %add3A_2174 = arith.constant 1024 : i32
        %add3A_2175 = vector.broadcast %add3A_2174 : i32 to vector<16xi32>
        %add3A_2176 = arith.addi %add3A_2150, %add3A_2175 : vector<16xi32>
        %add3A_2177 = arith.constant 1024 : i32
        %add3A_2178 = vector.broadcast %add3A_2177 : i32 to vector<16xi32>
        %add3A_2179 = arith.addi %add3A_2153, %add3A_2178 : vector<16xi32>
        %add3A_2180 = arith.constant 1024 : i32
        %add3A_2181 = vector.broadcast %add3A_2180 : i32 to vector<16xi32>
        %add3A_2182 = arith.addi %add3A_2156, %add3A_2181 : vector<16xi32>
        %gather3A_2183 = tpu.vector_load_idx %arg7[%add3A_2173] : memref<32768xf32, #tpu.memory_space<vmem>>[vector<16xi32>], vector<16xf32>,
        %gather3A_2184 = tpu.vector_load_idx %arg8[%add3A_2176] : memref<32768xf32, #tpu.memory_space<vmem>>[vector<16xi32>], vector<16xf32>,
        %gather3A_2185 = tpu.vector_load_idx %arg7[%add3A_2179] : memref<32768xf32, #tpu.memory_space<vmem>>[vector<16xi32>], vector<16xf32>,
        %gather3A_2186 = tpu.vector_load_idx %arg8[%add3A_2182] : memref<32768xf32, #tpu.memory_space<vmem>>[vector<16xi32>], vector<16xf32>,
        %add3A_2187 = arith.addf %gather3A_2131, %gather3A_2132 : vector<16xf32>
        %swap3A_2188 = arith.constant 21 : i32
        %swap3A_2189 = arith.index_cast %swap3A_2188 : i32 to index
        %swap3A_2190 = arith.index_cast %mul3A_1593 : i32 to index
        %swap3A_2191 = tpu.vector_load %arg11[%swap3A_2189, %swap3A_2190] {strides = array<i32>} : memref<32x256xf32, #tpu.memory_space<vmem>>, vector<16xf32>,
        tpu.vector_store %arg11[%swap3A_2189, %swap3A_2190], %add3A_2187 {strides = array<i32>} : memref<32x256xf32, #tpu.memory_space<vmem>>, vector<16xf32>,
        %add3A_2192 = arith.addf %gather3A_2133, %gather3A_2134 : vector<16xf32>
        %swap3A_2193 = arith.constant 21 : i32
        %swap3A_2194 = arith.index_cast %swap3A_2193 : i32 to index
        %swap3A_2195 = arith.index_cast %add3A_1595 : i32 to index
        %swap3A_2196 = tpu.vector_load %arg11[%swap3A_2194, %swap3A_2195] {strides = array<i32>} : memref<32x256xf32, #tpu.memory_space<vmem>>, vector<16xf32>,
        tpu.vector_store %arg11[%swap3A_2194, %swap3A_2195], %add3A_2192 {strides = array<i32>} : memref<32x256xf32, #tpu.memory_space<vmem>>, vector<16xf32>,
        %add3A_2197 = arith.constant 1024 : i32
        %add3A_2198 = vector.broadcast %add3A_2197 : i32 to vector<16xi32>
        %add3A_2199 = arith.addi %add3A_2173, %add3A_2198 : vector<16xi32>
        %add3A_2200 = arith.constant 1024 : i32
        %add3A_2201 = vector.broadcast %add3A_2200 : i32 to vector<16xi32>
        %add3A_2202 = arith.addi %add3A_2176, %add3A_2201 : vector<16xi32>
        %add3A_2203 = arith.constant 1024 : i32
        %add3A_2204 = vector.broadcast %add3A_2203 : i32 to vector<16xi32>
        %add3A_2205 = arith.addi %add3A_2179, %add3A_2204 : vector<16xi32>
        %add3A_2206 = arith.constant 1024 : i32
        %add3A_2207 = vector.broadcast %add3A_2206 : i32 to vector<16xi32>
        %add3A_2208 = arith.addi %add3A_2182, %add3A_2207 : vector<16xi32>
        %gather3A_2209 = tpu.vector_load_idx %arg7[%add3A_2199] : memref<32768xf32, #tpu.memory_space<vmem>>[vector<16xi32>], vector<16xf32>,
        %gather3A_2210 = tpu.vector_load_idx %arg8[%add3A_2202] : memref<32768xf32, #tpu.memory_space<vmem>>[vector<16xi32>], vector<16xf32>,
        %gather3A_2211 = tpu.vector_load_idx %arg7[%add3A_2205] : memref<32768xf32, #tpu.memory_space<vmem>>[vector<16xi32>], vector<16xf32>,
        %gather3A_2212 = tpu.vector_load_idx %arg8[%add3A_2208] : memref<32768xf32, #tpu.memory_space<vmem>>[vector<16xi32>], vector<16xf32>,
        %add3A_2213 = arith.addf %gather3A_2157, %gather3A_2158 : vector<16xf32>
        %swap3A_2214 = arith.constant 22 : i32
        %swap3A_2215 = arith.index_cast %swap3A_2214 : i32 to index
        %swap3A_2216 = arith.index_cast %mul3A_1593 : i32 to index
        %swap3A_2217 = tpu.vector_load %arg11[%swap3A_2215, %swap3A_2216] {strides = array<i32>} : memref<32x256xf32, #tpu.memory_space<vmem>>, vector<16xf32>,
        tpu.vector_store %arg11[%swap3A_2215, %swap3A_2216], %add3A_2213 {strides = array<i32>} : memref<32x256xf32, #tpu.memory_space<vmem>>, vector<16xf32>,
        %add3A_2218 = arith.addf %gather3A_2159, %gather3A_2160 : vector<16xf32>
        %swap3A_2219 = arith.constant 22 : i32
        %swap3A_2220 = arith.index_cast %swap3A_2219 : i32 to index
        %swap3A_2221 = arith.index_cast %add3A_1595 : i32 to index
        %swap3A_2222 = tpu.vector_load %arg11[%swap3A_2220, %swap3A_2221] {strides = array<i32>} : memref<32x256xf32, #tpu.memory_space<vmem>>, vector<16xf32>,
        tpu.vector_store %arg11[%swap3A_2220, %swap3A_2221], %add3A_2218 {strides = array<i32>} : memref<32x256xf32, #tpu.memory_space<vmem>>, vector<16xf32>,
        %add3A_2223 = arith.constant 1024 : i32
        %add3A_2224 = vector.broadcast %add3A_2223 : i32 to vector<16xi32>
        %add3A_2225 = arith.addi %add3A_2199, %add3A_2224 : vector<16xi32>
        %add3A_2226 = arith.constant 1024 : i32
        %add3A_2227 = vector.broadcast %add3A_2226 : i32 to vector<16xi32>
        %add3A_2228 = arith.addi %add3A_2202, %add3A_2227 : vector<16xi32>
        %add3A_2229 = arith.constant 1024 : i32
        %add3A_2230 = vector.broadcast %add3A_2229 : i32 to vector<16xi32>
        %add3A_2231 = arith.addi %add3A_2205, %add3A_2230 : vector<16xi32>
        %add3A_2232 = arith.constant 1024 : i32
        %add3A_2233 = vector.broadcast %add3A_2232 : i32 to vector<16xi32>
        %add3A_2234 = arith.addi %add3A_2208, %add3A_2233 : vector<16xi32>
        %gather3A_2235 = tpu.vector_load_idx %arg7[%add3A_2225] : memref<32768xf32, #tpu.memory_space<vmem>>[vector<16xi32>], vector<16xf32>,
        %gather3A_2236 = tpu.vector_load_idx %arg8[%add3A_2228] : memref<32768xf32, #tpu.memory_space<vmem>>[vector<16xi32>], vector<16xf32>,
        %gather3A_2237 = tpu.vector_load_idx %arg7[%add3A_2231] : memref<32768xf32, #tpu.memory_space<vmem>>[vector<16xi32>], vector<16xf32>,
        %gather3A_2238 = tpu.vector_load_idx %arg8[%add3A_2234] : memref<32768xf32, #tpu.memory_space<vmem>>[vector<16xi32>], vector<16xf32>,
        %add3A_2239 = arith.addf %gather3A_2183, %gather3A_2184 : vector<16xf32>
        %swap3A_2240 = arith.constant 23 : i32
        %swap3A_2241 = arith.index_cast %swap3A_2240 : i32 to index
        %swap3A_2242 = arith.index_cast %mul3A_1593 : i32 to index
        %swap3A_2243 = tpu.vector_load %arg11[%swap3A_2241, %swap3A_2242] {strides = array<i32>} : memref<32x256xf32, #tpu.memory_space<vmem>>, vector<16xf32>,
        tpu.vector_store %arg11[%swap3A_2241, %swap3A_2242], %add3A_2239 {strides = array<i32>} : memref<32x256xf32, #tpu.memory_space<vmem>>, vector<16xf32>,
        %add3A_2244 = arith.addf %gather3A_2185, %gather3A_2186 : vector<16xf32>
        %swap3A_2245 = arith.constant 23 : i32
        %swap3A_2246 = arith.index_cast %swap3A_2245 : i32 to index
        %swap3A_2247 = arith.index_cast %add3A_1595 : i32 to index
        %swap3A_2248 = tpu.vector_load %arg11[%swap3A_2246, %swap3A_2247] {strides = array<i32>} : memref<32x256xf32, #tpu.memory_space<vmem>>, vector<16xf32>,
        tpu.vector_store %arg11[%swap3A_2246, %swap3A_2247], %add3A_2244 {strides = array<i32>} : memref<32x256xf32, #tpu.memory_space<vmem>>, vector<16xf32>,
        %add3A_2249 = arith.constant 1024 : i32
        %add3A_2250 = vector.broadcast %add3A_2249 : i32 to vector<16xi32>
        %add3A_2251 = arith.addi %add3A_2225, %add3A_2250 : vector<16xi32>
        %add3A_2252 = arith.constant 1024 : i32
        %add3A_2253 = vector.broadcast %add3A_2252 : i32 to vector<16xi32>
        %add3A_2254 = arith.addi %add3A_2228, %add3A_2253 : vector<16xi32>
        %add3A_2255 = arith.constant 1024 : i32
        %add3A_2256 = vector.broadcast %add3A_2255 : i32 to vector<16xi32>
        %add3A_2257 = arith.addi %add3A_2231, %add3A_2256 : vector<16xi32>
        %add3A_2258 = arith.constant 1024 : i32
        %add3A_2259 = vector.broadcast %add3A_2258 : i32 to vector<16xi32>
        %add3A_2260 = arith.addi %add3A_2234, %add3A_2259 : vector<16xi32>
        %gather3A_2261 = tpu.vector_load_idx %arg7[%add3A_2251] : memref<32768xf32, #tpu.memory_space<vmem>>[vector<16xi32>], vector<16xf32>,
        %gather3A_2262 = tpu.vector_load_idx %arg8[%add3A_2254] : memref<32768xf32, #tpu.memory_space<vmem>>[vector<16xi32>], vector<16xf32>,
        %gather3A_2263 = tpu.vector_load_idx %arg7[%add3A_2257] : memref<32768xf32, #tpu.memory_space<vmem>>[vector<16xi32>], vector<16xf32>,
        %gather3A_2264 = tpu.vector_load_idx %arg8[%add3A_2260] : memref<32768xf32, #tpu.memory_space<vmem>>[vector<16xi32>], vector<16xf32>,
        %add3A_2265 = arith.addf %gather3A_2209, %gather3A_2210 : vector<16xf32>
        %swap3A_2266 = arith.constant 24 : i32
        %swap3A_2267 = arith.index_cast %swap3A_2266 : i32 to index
        %swap3A_2268 = arith.index_cast %mul3A_1593 : i32 to index
        %swap3A_2269 = tpu.vector_load %arg11[%swap3A_2267, %swap3A_2268] {strides = array<i32>} : memref<32x256xf32, #tpu.memory_space<vmem>>, vector<16xf32>,
        tpu.vector_store %arg11[%swap3A_2267, %swap3A_2268], %add3A_2265 {strides = array<i32>} : memref<32x256xf32, #tpu.memory_space<vmem>>, vector<16xf32>,
        %add3A_2270 = arith.addf %gather3A_2211, %gather3A_2212 : vector<16xf32>
        %swap3A_2271 = arith.constant 24 : i32
        %swap3A_2272 = arith.index_cast %swap3A_2271 : i32 to index
        %swap3A_2273 = arith.index_cast %add3A_1595 : i32 to index
        %swap3A_2274 = tpu.vector_load %arg11[%swap3A_2272, %swap3A_2273] {strides = array<i32>} : memref<32x256xf32, #tpu.memory_space<vmem>>, vector<16xf32>,
        tpu.vector_store %arg11[%swap3A_2272, %swap3A_2273], %add3A_2270 {strides = array<i32>} : memref<32x256xf32, #tpu.memory_space<vmem>>, vector<16xf32>,
        %add3A_2275 = arith.constant 1024 : i32
        %add3A_2276 = vector.broadcast %add3A_2275 : i32 to vector<16xi32>
        %add3A_2277 = arith.addi %add3A_2251, %add3A_2276 : vector<16xi32>
        %add3A_2278 = arith.constant 1024 : i32
        %add3A_2279 = vector.broadcast %add3A_2278 : i32 to vector<16xi32>
        %add3A_2280 = arith.addi %add3A_2254, %add3A_2279 : vector<16xi32>
        %add3A_2281 = arith.constant 1024 : i32
        %add3A_2282 = vector.broadcast %add3A_2281 : i32 to vector<16xi32>
        %add3A_2283 = arith.addi %add3A_2257, %add3A_2282 : vector<16xi32>
        %add3A_2284 = arith.constant 1024 : i32
        %add3A_2285 = vector.broadcast %add3A_2284 : i32 to vector<16xi32>
        %add3A_2286 = arith.addi %add3A_2260, %add3A_2285 : vector<16xi32>
        %gather3A_2287 = tpu.vector_load_idx %arg7[%add3A_2277] : memref<32768xf32, #tpu.memory_space<vmem>>[vector<16xi32>], vector<16xf32>,
        %gather3A_2288 = tpu.vector_load_idx %arg8[%add3A_2280] : memref<32768xf32, #tpu.memory_space<vmem>>[vector<16xi32>], vector<16xf32>,
        %gather3A_2289 = tpu.vector_load_idx %arg7[%add3A_2283] : memref<32768xf32, #tpu.memory_space<vmem>>[vector<16xi32>], vector<16xf32>,
        %gather3A_2290 = tpu.vector_load_idx %arg8[%add3A_2286] : memref<32768xf32, #tpu.memory_space<vmem>>[vector<16xi32>], vector<16xf32>,
        %add3A_2291 = arith.addf %gather3A_2235, %gather3A_2236 : vector<16xf32>
        %swap3A_2292 = arith.constant 25 : i32
        %swap3A_2293 = arith.index_cast %swap3A_2292 : i32 to index
        %swap3A_2294 = arith.index_cast %mul3A_1593 : i32 to index
        %swap3A_2295 = tpu.vector_load %arg11[%swap3A_2293, %swap3A_2294] {strides = array<i32>} : memref<32x256xf32, #tpu.memory_space<vmem>>, vector<16xf32>,
        tpu.vector_store %arg11[%swap3A_2293, %swap3A_2294], %add3A_2291 {strides = array<i32>} : memref<32x256xf32, #tpu.memory_space<vmem>>, vector<16xf32>,
        %add3A_2296 = arith.addf %gather3A_2237, %gather3A_2238 : vector<16xf32>
        %swap3A_2297 = arith.constant 25 : i32
        %swap3A_2298 = arith.index_cast %swap3A_2297 : i32 to index
        %swap3A_2299 = arith.index_cast %add3A_1595 : i32 to index
        %swap3A_2300 = tpu.vector_load %arg11[%swap3A_2298, %swap3A_2299] {strides = array<i32>} : memref<32x256xf32, #tpu.memory_space<vmem>>, vector<16xf32>,
        tpu.vector_store %arg11[%swap3A_2298, %swap3A_2299], %add3A_2296 {strides = array<i32>} : memref<32x256xf32, #tpu.memory_space<vmem>>, vector<16xf32>,
        %add3A_2301 = arith.constant 1024 : i32
        %add3A_2302 = vector.broadcast %add3A_2301 : i32 to vector<16xi32>
        %add3A_2303 = arith.addi %add3A_2277, %add3A_2302 : vector<16xi32>
        %add3A_2304 = arith.constant 1024 : i32
        %add3A_2305 = vector.broadcast %add3A_2304 : i32 to vector<16xi32>
        %add3A_2306 = arith.addi %add3A_2280, %add3A_2305 : vector<16xi32>
        %add3A_2307 = arith.constant 1024 : i32
        %add3A_2308 = vector.broadcast %add3A_2307 : i32 to vector<16xi32>
        %add3A_2309 = arith.addi %add3A_2283, %add3A_2308 : vector<16xi32>
        %add3A_2310 = arith.constant 1024 : i32
        %add3A_2311 = vector.broadcast %add3A_2310 : i32 to vector<16xi32>
        %add3A_2312 = arith.addi %add3A_2286, %add3A_2311 : vector<16xi32>
        %gather3A_2313 = tpu.vector_load_idx %arg7[%add3A_2303] : memref<32768xf32, #tpu.memory_space<vmem>>[vector<16xi32>], vector<16xf32>,
        %gather3A_2314 = tpu.vector_load_idx %arg8[%add3A_2306] : memref<32768xf32, #tpu.memory_space<vmem>>[vector<16xi32>], vector<16xf32>,
        %gather3A_2315 = tpu.vector_load_idx %arg7[%add3A_2309] : memref<32768xf32, #tpu.memory_space<vmem>>[vector<16xi32>], vector<16xf32>,
        %gather3A_2316 = tpu.vector_load_idx %arg8[%add3A_2312] : memref<32768xf32, #tpu.memory_space<vmem>>[vector<16xi32>], vector<16xf32>,
        %add3A_2317 = arith.addf %gather3A_2261, %gather3A_2262 : vector<16xf32>
        %swap3A_2318 = arith.constant 26 : i32
        %swap3A_2319 = arith.index_cast %swap3A_2318 : i32 to index
        %swap3A_2320 = arith.index_cast %mul3A_1593 : i32 to index
        %swap3A_2321 = tpu.vector_load %arg11[%swap3A_2319, %swap3A_2320] {strides = array<i32>} : memref<32x256xf32, #tpu.memory_space<vmem>>, vector<16xf32>,
        tpu.vector_store %arg11[%swap3A_2319, %swap3A_2320], %add3A_2317 {strides = array<i32>} : memref<32x256xf32, #tpu.memory_space<vmem>>, vector<16xf32>,
        %add3A_2322 = arith.addf %gather3A_2263, %gather3A_2264 : vector<16xf32>
        %swap3A_2323 = arith.constant 26 : i32
        %swap3A_2324 = arith.index_cast %swap3A_2323 : i32 to index
        %swap3A_2325 = arith.index_cast %add3A_1595 : i32 to index
        %swap3A_2326 = tpu.vector_load %arg11[%swap3A_2324, %swap3A_2325] {strides = array<i32>} : memref<32x256xf32, #tpu.memory_space<vmem>>, vector<16xf32>,
        tpu.vector_store %arg11[%swap3A_2324, %swap3A_2325], %add3A_2322 {strides = array<i32>} : memref<32x256xf32, #tpu.memory_space<vmem>>, vector<16xf32>,
        %add3A_2327 = arith.constant 1024 : i32
        %add3A_2328 = vector.broadcast %add3A_2327 : i32 to vector<16xi32>
        %add3A_2329 = arith.addi %add3A_2303, %add3A_2328 : vector<16xi32>
        %add3A_2330 = arith.constant 1024 : i32
        %add3A_2331 = vector.broadcast %add3A_2330 : i32 to vector<16xi32>
        %add3A_2332 = arith.addi %add3A_2306, %add3A_2331 : vector<16xi32>
        %add3A_2333 = arith.constant 1024 : i32
        %add3A_2334 = vector.broadcast %add3A_2333 : i32 to vector<16xi32>
        %add3A_2335 = arith.addi %add3A_2309, %add3A_2334 : vector<16xi32>
        %add3A_2336 = arith.constant 1024 : i32
        %add3A_2337 = vector.broadcast %add3A_2336 : i32 to vector<16xi32>
        %add3A_2338 = arith.addi %add3A_2312, %add3A_2337 : vector<16xi32>
        %gather3A_2339 = tpu.vector_load_idx %arg7[%add3A_2329] : memref<32768xf32, #tpu.memory_space<vmem>>[vector<16xi32>], vector<16xf32>,
        %gather3A_2340 = tpu.vector_load_idx %arg8[%add3A_2332] : memref<32768xf32, #tpu.memory_space<vmem>>[vector<16xi32>], vector<16xf32>,
        %gather3A_2341 = tpu.vector_load_idx %arg7[%add3A_2335] : memref<32768xf32, #tpu.memory_space<vmem>>[vector<16xi32>], vector<16xf32>,
        %gather3A_2342 = tpu.vector_load_idx %arg8[%add3A_2338] : memref<32768xf32, #tpu.memory_space<vmem>>[vector<16xi32>], vector<16xf32>,
        %add3A_2343 = arith.addf %gather3A_2287, %gather3A_2288 : vector<16xf32>
        %swap3A_2344 = arith.constant 27 : i32
        %swap3A_2345 = arith.index_cast %swap3A_2344 : i32 to index
        %swap3A_2346 = arith.index_cast %mul3A_1593 : i32 to index
        %swap3A_2347 = tpu.vector_load %arg11[%swap3A_2345, %swap3A_2346] {strides = array<i32>} : memref<32x256xf32, #tpu.memory_space<vmem>>, vector<16xf32>,
        tpu.vector_store %arg11[%swap3A_2345, %swap3A_2346], %add3A_2343 {strides = array<i32>} : memref<32x256xf32, #tpu.memory_space<vmem>>, vector<16xf32>,
        %add3A_2348 = arith.addf %gather3A_2289, %gather3A_2290 : vector<16xf32>
        %swap3A_2349 = arith.constant 27 : i32
        %swap3A_2350 = arith.index_cast %swap3A_2349 : i32 to index
        %swap3A_2351 = arith.index_cast %add3A_1595 : i32 to index
        %swap3A_2352 = tpu.vector_load %arg11[%swap3A_2350, %swap3A_2351] {strides = array<i32>} : memref<32x256xf32, #tpu.memory_space<vmem>>, vector<16xf32>,
        tpu.vector_store %arg11[%swap3A_2350, %swap3A_2351], %add3A_2348 {strides = array<i32>} : memref<32x256xf32, #tpu.memory_space<vmem>>, vector<16xf32>,
        %add3A_2353 = arith.constant 1024 : i32
        %add3A_2354 = vector.broadcast %add3A_2353 : i32 to vector<16xi32>
        %add3A_2355 = arith.addi %add3A_2329, %add3A_2354 : vector<16xi32>
        %add3A_2356 = arith.constant 1024 : i32
        %add3A_2357 = vector.broadcast %add3A_2356 : i32 to vector<16xi32>
        %add3A_2358 = arith.addi %add3A_2332, %add3A_2357 : vector<16xi32>
        %add3A_2359 = arith.constant 1024 : i32
        %add3A_2360 = vector.broadcast %add3A_2359 : i32 to vector<16xi32>
        %add3A_2361 = arith.addi %add3A_2335, %add3A_2360 : vector<16xi32>
        %add3A_2362 = arith.constant 1024 : i32
        %add3A_2363 = vector.broadcast %add3A_2362 : i32 to vector<16xi32>
        %add3A_2364 = arith.addi %add3A_2338, %add3A_2363 : vector<16xi32>
        %gather3A_2365 = tpu.vector_load_idx %arg7[%add3A_2355] : memref<32768xf32, #tpu.memory_space<vmem>>[vector<16xi32>], vector<16xf32>,
        %gather3A_2366 = tpu.vector_load_idx %arg8[%add3A_2358] : memref<32768xf32, #tpu.memory_space<vmem>>[vector<16xi32>], vector<16xf32>,
        %gather3A_2367 = tpu.vector_load_idx %arg7[%add3A_2361] : memref<32768xf32, #tpu.memory_space<vmem>>[vector<16xi32>], vector<16xf32>,
        %gather3A_2368 = tpu.vector_load_idx %arg8[%add3A_2364] : memref<32768xf32, #tpu.memory_space<vmem>>[vector<16xi32>], vector<16xf32>,
        %add3A_2369 = arith.addf %gather3A_2313, %gather3A_2314 : vector<16xf32>
        %swap3A_2370 = arith.constant 28 : i32
        %swap3A_2371 = arith.index_cast %swap3A_2370 : i32 to index
        %swap3A_2372 = arith.index_cast %mul3A_1593 : i32 to index
        %swap3A_2373 = tpu.vector_load %arg11[%swap3A_2371, %swap3A_2372] {strides = array<i32>} : memref<32x256xf32, #tpu.memory_space<vmem>>, vector<16xf32>,
        tpu.vector_store %arg11[%swap3A_2371, %swap3A_2372], %add3A_2369 {strides = array<i32>} : memref<32x256xf32, #tpu.memory_space<vmem>>, vector<16xf32>,
        %add3A_2374 = arith.addf %gather3A_2315, %gather3A_2316 : vector<16xf32>
        %swap3A_2375 = arith.constant 28 : i32
        %swap3A_2376 = arith.index_cast %swap3A_2375 : i32 to index
        %swap3A_2377 = arith.index_cast %add3A_1595 : i32 to index
        %swap3A_2378 = tpu.vector_load %arg11[%swap3A_2376, %swap3A_2377] {strides = array<i32>} : memref<32x256xf32, #tpu.memory_space<vmem>>, vector<16xf32>,
        tpu.vector_store %arg11[%swap3A_2376, %swap3A_2377], %add3A_2374 {strides = array<i32>} : memref<32x256xf32, #tpu.memory_space<vmem>>, vector<16xf32>,
        %add3A_2379 = arith.constant 1024 : i32
        %add3A_2380 = vector.broadcast %add3A_2379 : i32 to vector<16xi32>
        %add3A_2381 = arith.addi %add3A_2355, %add3A_2380 : vector<16xi32>
        %add3A_2382 = arith.constant 1024 : i32
        %add3A_2383 = vector.broadcast %add3A_2382 : i32 to vector<16xi32>
        %add3A_2384 = arith.addi %add3A_2358, %add3A_2383 : vector<16xi32>
        %add3A_2385 = arith.constant 1024 : i32
        %add3A_2386 = vector.broadcast %add3A_2385 : i32 to vector<16xi32>
        %add3A_2387 = arith.addi %add3A_2361, %add3A_2386 : vector<16xi32>
        %add3A_2388 = arith.constant 1024 : i32
        %add3A_2389 = vector.broadcast %add3A_2388 : i32 to vector<16xi32>
        %add3A_2390 = arith.addi %add3A_2364, %add3A_2389 : vector<16xi32>
        %gather3A_2391 = tpu.vector_load_idx %arg7[%add3A_2381] : memref<32768xf32, #tpu.memory_space<vmem>>[vector<16xi32>], vector<16xf32>,
        %gather3A_2392 = tpu.vector_load_idx %arg8[%add3A_2384] : memref<32768xf32, #tpu.memory_space<vmem>>[vector<16xi32>], vector<16xf32>,
        %gather3A_2393 = tpu.vector_load_idx %arg7[%add3A_2387] : memref<32768xf32, #tpu.memory_space<vmem>>[vector<16xi32>], vector<16xf32>,
        %gather3A_2394 = tpu.vector_load_idx %arg8[%add3A_2390] : memref<32768xf32, #tpu.memory_space<vmem>>[vector<16xi32>], vector<16xf32>,
        %add3A_2395 = arith.addf %gather3A_2339, %gather3A_2340 : vector<16xf32>
        %swap3A_2396 = arith.constant 29 : i32
        %swap3A_2397 = arith.index_cast %swap3A_2396 : i32 to index
        %swap3A_2398 = arith.index_cast %mul3A_1593 : i32 to index
        %swap3A_2399 = tpu.vector_load %arg11[%swap3A_2397, %swap3A_2398] {strides = array<i32>} : memref<32x256xf32, #tpu.memory_space<vmem>>, vector<16xf32>,
        tpu.vector_store %arg11[%swap3A_2397, %swap3A_2398], %add3A_2395 {strides = array<i32>} : memref<32x256xf32, #tpu.memory_space<vmem>>, vector<16xf32>,
        %add3A_2400 = arith.addf %gather3A_2341, %gather3A_2342 : vector<16xf32>
        %swap3A_2401 = arith.constant 29 : i32
        %swap3A_2402 = arith.index_cast %swap3A_2401 : i32 to index
        %swap3A_2403 = arith.index_cast %add3A_1595 : i32 to index
        %swap3A_2404 = tpu.vector_load %arg11[%swap3A_2402, %swap3A_2403] {strides = array<i32>} : memref<32x256xf32, #tpu.memory_space<vmem>>, vector<16xf32>,
        tpu.vector_store %arg11[%swap3A_2402, %swap3A_2403], %add3A_2400 {strides = array<i32>} : memref<32x256xf32, #tpu.memory_space<vmem>>, vector<16xf32>,
        %add3A_2405 = arith.addf %gather3A_2365, %gather3A_2366 : vector<16xf32>
        %swap3A_2406 = arith.constant 30 : i32
        %swap3A_2407 = arith.index_cast %swap3A_2406 : i32 to index
        %swap3A_2408 = arith.index_cast %mul3A_1593 : i32 to index
        %swap3A_2409 = tpu.vector_load %arg11[%swap3A_2407, %swap3A_2408] {strides = array<i32>} : memref<32x256xf32, #tpu.memory_space<vmem>>, vector<16xf32>,
        tpu.vector_store %arg11[%swap3A_2407, %swap3A_2408], %add3A_2405 {strides = array<i32>} : memref<32x256xf32, #tpu.memory_space<vmem>>, vector<16xf32>,
        %add3A_2410 = arith.addf %gather3A_2367, %gather3A_2368 : vector<16xf32>
        %swap3A_2411 = arith.constant 30 : i32
        %swap3A_2412 = arith.index_cast %swap3A_2411 : i32 to index
        %swap3A_2413 = arith.index_cast %add3A_1595 : i32 to index
        %swap3A_2414 = tpu.vector_load %arg11[%swap3A_2412, %swap3A_2413] {strides = array<i32>} : memref<32x256xf32, #tpu.memory_space<vmem>>, vector<16xf32>,
        tpu.vector_store %arg11[%swap3A_2412, %swap3A_2413], %add3A_2410 {strides = array<i32>} : memref<32x256xf32, #tpu.memory_space<vmem>>, vector<16xf32>,
        %add3A_2415 = arith.addf %gather3A_2391, %gather3A_2392 : vector<16xf32>
        %swap3A_2416 = arith.constant 31 : i32
        %swap3A_2417 = arith.index_cast %swap3A_2416 : i32 to index
        %swap3A_2418 = arith.index_cast %mul3A_1593 : i32 to index
        %swap3A_2419 = tpu.vector_load %arg11[%swap3A_2417, %swap3A_2418] {strides = array<i32>} : memref<32x256xf32, #tpu.memory_space<vmem>>, vector<16xf32>,
        tpu.vector_store %arg11[%swap3A_2417, %swap3A_2418], %add3A_2415 {strides = array<i32>} : memref<32x256xf32, #tpu.memory_space<vmem>>, vector<16xf32>,
        %add3A_2420 = arith.addf %gather3A_2393, %gather3A_2394 : vector<16xf32>
        %swap3A_2421 = arith.constant 31 : i32
        %swap3A_2422 = arith.index_cast %swap3A_2421 : i32 to index
        %swap3A_2423 = arith.index_cast %add3A_1595 : i32 to index
        %swap3A_2424 = tpu.vector_load %arg11[%swap3A_2422, %swap3A_2423] {strides = array<i32>} : memref<32x256xf32, #tpu.memory_space<vmem>>, vector<16xf32>,
        tpu.vector_store %arg11[%swap3A_2422, %swap3A_2423], %add3A_2420 {strides = array<i32>} : memref<32x256xf32, #tpu.memory_space<vmem>>, vector<16xf32>,
      }
      %scan3A_1567 = arith.constant 8 : i32
      %mul3A_1568 = arith.constant 256 : i32
      %mul3A_1569 = arith.muli %mul3A_1553, %mul3A_1568 : i32
      %dma_start3A_1570 = tpu.memref_slice %arg6[%min3A_3, %mul3A_1569] : memref<1000x16384xf32, #tpu.memory_space<hbm>> -> memref<32x256xf32, #tpu.memory_space<hbm>>
      %dma_start3A_1571 = tpu.memref_slice %arg6[%min3A_3, %mul3A_1569] : memref<1000x16384xf32, #tpu.memory_space<hbm>> -> memref<32x256xf32, #tpu.memory_space<hbm>>
      tpu.enqueue_dma source(%arg11 : memref<32x256xf32, #tpu.memory_space<vmem>>) target(%dma_start3A_1571 : memref<32x256xf32, #tpu.memory_space<hbm>>) target_semaphore(%arg13 : memref<!tpu.dma_semaphore, #tpu.memory_space<semaphore_mem>>)
      %gt3A_1572 = arith.constant 0 : i32
      %gt3A_1573 = arith.cmpi sgt, %scan3A_1551, %gt3A_1572 : i32
      %convert_element_type3A_1574 = arith.extui %gt3A_1573 : i1 to i32
      %cond3A_1575 = arith.constant 0 : i32
      %cond3A_1576 = arith.cmpi ne, %convert_element_type3A_1574, %cond3A_1575 : i32
      scf.if %cond3A_1576 {
        %mul3A_1589 = arith.constant 256 : i32
        %mul3A_1590 = arith.muli %add3A_1557, %mul3A_1589 : i32
        %dma_wait3A_1591 = tpu.memref_slice %arg6[%min3A_3, %mul3A_1590] : memref<1000x16384xf32, #tpu.memory_space<hbm>> -> memref<32x256xf32, #tpu.memory_space<hbm>>
        %dma_wait3A_1592 = tpu.memref_slice %arg6[%min3A_3, %mul3A_1590] : memref<1000x16384xf32, #tpu.memory_space<hbm>> -> memref<32x256xf32, #tpu.memory_space<hbm>>
        tpu.wait_dma2 semaphore(%arg14 : memref<!tpu.dma_semaphore, #tpu.memory_space<semaphore_mem>>) src(%arg12 : memref<32x256xf32, #tpu.memory_space<vmem>>) dst(%dma_wait3A_1592 : memref<32x256xf32, #tpu.memory_space<hbm>>)
      } else {
      }
      %mul3A_1577 = arith.constant 256 : i32
      %mul3A_1578 = arith.muli %add3A_1557, %mul3A_1577 : i32
      %scan3A_1579 = arith.constant 0 : i32
      %scan3A_1580 = arith.constant 0 : i32
      %scan3A_1581 = arith.constant 8 : i32
      %scan3A_1582 = arith.addi %scan3A_1580, %scan3A_1581 : i32
      %scan3A_1583 = arith.constant 1 : i32
      scf.for %scan3A_1589 = %scan3A_1580 to %scan3A_1582 step %scan3A_1583  : i32 {
        %mul3A_1590 = arith.constant 2 : i32
        %mul3A_1591 = arith.muli %mul3A_1590, %scan3A_1589 : i32
        %mul3A_1592 = arith.constant 16 : i32
        %mul3A_1593 = arith.muli %mul3A_1591, %mul3A_1592 : i32
        %add3A_1594 = arith.constant 16 : i32
        %add3A_1595 = arith.addi %mul3A_1593, %add3A_1594 : i32
        %add3A_1596 = arith.addi %mul3A_1578, %mul3A_1593 : i32
        %get3A = arith.index_cast %add3A_1596 : i32 to index
        %get3A_1597 = tpu.vector_load %arg9[%get3A] {strides = array<i32>} : memref<16384xi32, #tpu.memory_space<vmem>>, vector<16xi32>,
        %add3A_1598 = arith.addi %mul3A_1578, %mul3A_1593 : i32
        %get3A_1599 = arith.index_cast %add3A_1598 : i32 to index
        %get3A_1600 = tpu.vector_load %arg10[%get3A_1599] {strides = array<i32>} : memref<16384xi32, #tpu.memory_space<vmem>>, vector<16xi32>,
        %add3A_1601 = arith.addi %mul3A_1578, %add3A_1595 : i32
        %get3A_1602 = arith.index_cast %add3A_1601 : i32 to index
        %get3A_1603 = tpu.vector_load %arg9[%get3A_1602] {strides = array<i32>} : memref<16384xi32, #tpu.memory_space<vmem>>, vector<16xi32>,
        %add3A_1604 = arith.addi %mul3A_1578, %add3A_1595 : i32
        %get3A_1605 = arith.index_cast %add3A_1604 : i32 to index
        %get3A_1606 = tpu.vector_load %arg10[%get3A_1605] {strides = array<i32>} : memref<16384xi32, #tpu.memory_space<vmem>>, vector<16xi32>,
        %gather3A = tpu.vector_load_idx %arg7[%get3A_1597] : memref<32768xf32, #tpu.memory_space<vmem>>[vector<16xi32>], vector<16xf32>,
        %gather3A_1607 = tpu.vector_load_idx %arg8[%get3A_1600] : memref<32768xf32, #tpu.memory_space<vmem>>[vector<16xi32>], vector<16xf32>,
        %gather3A_1608 = tpu.vector_load_idx %arg7[%get3A_1603] : memref<32768xf32, #tpu.memory_space<vmem>>[vector<16xi32>], vector<16xf32>,
        %gather3A_1609 = tpu.vector_load_idx %arg8[%get3A_1606] : memref<32768xf32, #tpu.memory_space<vmem>>[vector<16xi32>], vector<16xf32>,
        %add3A_1610 = arith.constant 1024 : i32
        %add3A_1611 = vector.broadcast %add3A_1610 : i32 to vector<16xi32>
        %add3A_1612 = arith.addi %get3A_1597, %add3A_1611 : vector<16xi32>
        %add3A_1613 = arith.constant 1024 : i32
        %add3A_1614 = vector.broadcast %add3A_1613 : i32 to vector<16xi32>
        %add3A_1615 = arith.addi %get3A_1600, %add3A_1614 : vector<16xi32>
        %add3A_1616 = arith.constant 1024 : i32
        %add3A_1617 = vector.broadcast %add3A_1616 : i32 to vector<16xi32>
        %add3A_1618 = arith.addi %get3A_1603, %add3A_1617 : vector<16xi32>
        %add3A_1619 = arith.constant 1024 : i32
        %add3A_1620 = vector.broadcast %add3A_1619 : i32 to vector<16xi32>
        %add3A_1621 = arith.addi %get3A_1606, %add3A_1620 : vector<16xi32>
        %gather3A_1622 = tpu.vector_load_idx %arg7[%add3A_1612] : memref<32768xf32, #tpu.memory_space<vmem>>[vector<16xi32>], vector<16xf32>,
        %gather3A_1623 = tpu.vector_load_idx %arg8[%add3A_1615] : memref<32768xf32, #tpu.memory_space<vmem>>[vector<16xi32>], vector<16xf32>,
        %gather3A_1624 = tpu.vector_load_idx %arg7[%add3A_1618] : memref<32768xf32, #tpu.memory_space<vmem>>[vector<16xi32>], vector<16xf32>,
        %gather3A_1625 = tpu.vector_load_idx %arg8[%add3A_1621] : memref<32768xf32, #tpu.memory_space<vmem>>[vector<16xi32>], vector<16xf32>,
        %add3A_1626 = arith.constant 1024 : i32
        %add3A_1627 = vector.broadcast %add3A_1626 : i32 to vector<16xi32>
        %add3A_1628 = arith.addi %add3A_1612, %add3A_1627 : vector<16xi32>
        %add3A_1629 = arith.constant 1024 : i32
        %add3A_1630 = vector.broadcast %add3A_1629 : i32 to vector<16xi32>
        %add3A_1631 = arith.addi %add3A_1615, %add3A_1630 : vector<16xi32>
        %add3A_1632 = arith.constant 1024 : i32
        %add3A_1633 = vector.broadcast %add3A_1632 : i32 to vector<16xi32>
        %add3A_1634 = arith.addi %add3A_1618, %add3A_1633 : vector<16xi32>
        %add3A_1635 = arith.constant 1024 : i32
        %add3A_1636 = vector.broadcast %add3A_1635 : i32 to vector<16xi32>
        %add3A_1637 = arith.addi %add3A_1621, %add3A_1636 : vector<16xi32>
        %gather3A_1638 = tpu.vector_load_idx %arg7[%add3A_1628] : memref<32768xf32, #tpu.memory_space<vmem>>[vector<16xi32>], vector<16xf32>,
        %gather3A_1639 = tpu.vector_load_idx %arg8[%add3A_1631] : memref<32768xf32, #tpu.memory_space<vmem>>[vector<16xi32>], vector<16xf32>,
        %gather3A_1640 = tpu.vector_load_idx %arg7[%add3A_1634] : memref<32768xf32, #tpu.memory_space<vmem>>[vector<16xi32>], vector<16xf32>,
        %gather3A_1641 = tpu.vector_load_idx %arg8[%add3A_1637] : memref<32768xf32, #tpu.memory_space<vmem>>[vector<16xi32>], vector<16xf32>,
        %add3A_1642 = arith.addf %gather3A, %gather3A_1607 : vector<16xf32>
        %swap3A = arith.constant 0 : i32
        %swap3A_1643 = arith.index_cast %swap3A : i32 to index
        %swap3A_1644 = arith.index_cast %mul3A_1593 : i32 to index
        %swap3A_1645 = tpu.vector_load %arg12[%swap3A_1643, %swap3A_1644] {strides = array<i32>} : memref<32x256xf32, #tpu.memory_space<vmem>>, vector<16xf32>,
        tpu.vector_store %arg12[%swap3A_1643, %swap3A_1644], %add3A_1642 {strides = array<i32>} : memref<32x256xf32, #tpu.memory_space<vmem>>, vector<16xf32>,
        %add3A_1646 = arith.addf %gather3A_1608, %gather3A_1609 : vector<16xf32>
        %swap3A_1647 = arith.constant 0 : i32
        %swap3A_1648 = arith.index_cast %swap3A_1647 : i32 to index
        %swap3A_1649 = arith.index_cast %add3A_1595 : i32 to index
        %swap3A_1650 = tpu.vector_load %arg12[%swap3A_1648, %swap3A_1649] {strides = array<i32>} : memref<32x256xf32, #tpu.memory_space<vmem>>, vector<16xf32>,
        tpu.vector_store %arg12[%swap3A_1648, %swap3A_1649], %add3A_1646 {strides = array<i32>} : memref<32x256xf32, #tpu.memory_space<vmem>>, vector<16xf32>,
        %add3A_1651 = arith.constant 1024 : i32
        %add3A_1652 = vector.broadcast %add3A_1651 : i32 to vector<16xi32>
        %add3A_1653 = arith.addi %add3A_1628, %add3A_1652 : vector<16xi32>
        %add3A_1654 = arith.constant 1024 : i32
        %add3A_1655 = vector.broadcast %add3A_1654 : i32 to vector<16xi32>
        %add3A_1656 = arith.addi %add3A_1631, %add3A_1655 : vector<16xi32>
        %add3A_1657 = arith.constant 1024 : i32
        %add3A_1658 = vector.broadcast %add3A_1657 : i32 to vector<16xi32>
        %add3A_1659 = arith.addi %add3A_1634, %add3A_1658 : vector<16xi32>
        %add3A_1660 = arith.constant 1024 : i32
        %add3A_1661 = vector.broadcast %add3A_1660 : i32 to vector<16xi32>
        %add3A_1662 = arith.addi %add3A_1637, %add3A_1661 : vector<16xi32>
        %gather3A_1663 = tpu.vector_load_idx %arg7[%add3A_1653] : memref<32768xf32, #tpu.memory_space<vmem>>[vector<16xi32>], vector<16xf32>,
        %gather3A_1664 = tpu.vector_load_idx %arg8[%add3A_1656] : memref<32768xf32, #tpu.memory_space<vmem>>[vector<16xi32>], vector<16xf32>,
        %gather3A_1665 = tpu.vector_load_idx %arg7[%add3A_1659] : memref<32768xf32, #tpu.memory_space<vmem>>[vector<16xi32>], vector<16xf32>,
        %gather3A_1666 = tpu.vector_load_idx %arg8[%add3A_1662] : memref<32768xf32, #tpu.memory_space<vmem>>[vector<16xi32>], vector<16xf32>,
        %add3A_1667 = arith.addf %gather3A_1622, %gather3A_1623 : vector<16xf32>
        %swap3A_1668 = arith.constant 1 : i32
        %swap3A_1669 = arith.index_cast %swap3A_1668 : i32 to index
        %swap3A_1670 = arith.index_cast %mul3A_1593 : i32 to index
        %swap3A_1671 = tpu.vector_load %arg12[%swap3A_1669, %swap3A_1670] {strides = array<i32>} : memref<32x256xf32, #tpu.memory_space<vmem>>, vector<16xf32>,
        tpu.vector_store %arg12[%swap3A_1669, %swap3A_1670], %add3A_1667 {strides = array<i32>} : memref<32x256xf32, #tpu.memory_space<vmem>>, vector<16xf32>,
        %add3A_1672 = arith.addf %gather3A_1624, %gather3A_1625 : vector<16xf32>
        %swap3A_1673 = arith.constant 1 : i32
        %swap3A_1674 = arith.index_cast %swap3A_1673 : i32 to index
        %swap3A_1675 = arith.index_cast %add3A_1595 : i32 to index
        %swap3A_1676 = tpu.vector_load %arg12[%swap3A_1674, %swap3A_1675] {strides = array<i32>} : memref<32x256xf32, #tpu.memory_space<vmem>>, vector<16xf32>,
        tpu.vector_store %arg12[%swap3A_1674, %swap3A_1675], %add3A_1672 {strides = array<i32>} : memref<32x256xf32, #tpu.memory_space<vmem>>, vector<16xf32>,
        %add3A_1677 = arith.constant 1024 : i32
        %add3A_1678 = vector.broadcast %add3A_1677 : i32 to vector<16xi32>
        %add3A_1679 = arith.addi %add3A_1653, %add3A_1678 : vector<16xi32>
        %add3A_1680 = arith.constant 1024 : i32
        %add3A_1681 = vector.broadcast %add3A_1680 : i32 to vector<16xi32>
        %add3A_1682 = arith.addi %add3A_1656, %add3A_1681 : vector<16xi32>
        %add3A_1683 = arith.constant 1024 : i32
        %add3A_1684 = vector.broadcast %add3A_1683 : i32 to vector<16xi32>
        %add3A_1685 = arith.addi %add3A_1659, %add3A_1684 : vector<16xi32>
        %add3A_1686 = arith.constant 1024 : i32
        %add3A_1687 = vector.broadcast %add3A_1686 : i32 to vector<16xi32>
        %add3A_1688 = arith.addi %add3A_1662, %add3A_1687 : vector<16xi32>
        %gather3A_1689 = tpu.vector_load_idx %arg7[%add3A_1679] : memref<32768xf32, #tpu.memory_space<vmem>>[vector<16xi32>], vector<16xf32>,
        %gather3A_1690 = tpu.vector_load_idx %arg8[%add3A_1682] : memref<32768xf32, #tpu.memory_space<vmem>>[vector<16xi32>], vector<16xf32>,
        %gather3A_1691 = tpu.vector_load_idx %arg7[%add3A_1685] : memref<32768xf32, #tpu.memory_space<vmem>>[vector<16xi32>], vector<16xf32>,
        %gather3A_1692 = tpu.vector_load_idx %arg8[%add3A_1688] : memref<32768xf32, #tpu.memory_space<vmem>>[vector<16xi32>], vector<16xf32>,
        %add3A_1693 = arith.addf %gather3A_1638, %gather3A_1639 : vector<16xf32>
        %swap3A_1694 = arith.constant 2 : i32
        %swap3A_1695 = arith.index_cast %swap3A_1694 : i32 to index
        %swap3A_1696 = arith.index_cast %mul3A_1593 : i32 to index
        %swap3A_1697 = tpu.vector_load %arg12[%swap3A_1695, %swap3A_1696] {strides = array<i32>} : memref<32x256xf32, #tpu.memory_space<vmem>>, vector<16xf32>,
        tpu.vector_store %arg12[%swap3A_1695, %swap3A_1696], %add3A_1693 {strides = array<i32>} : memref<32x256xf32, #tpu.memory_space<vmem>>, vector<16xf32>,
        %add3A_1698 = arith.addf %gather3A_1640, %gather3A_1641 : vector<16xf32>
        %swap3A_1699 = arith.constant 2 : i32
        %swap3A_1700 = arith.index_cast %swap3A_1699 : i32 to index
        %swap3A_1701 = arith.index_cast %add3A_1595 : i32 to index
        %swap3A_1702 = tpu.vector_load %arg12[%swap3A_1700, %swap3A_1701] {strides = array<i32>} : memref<32x256xf32, #tpu.memory_space<vmem>>, vector<16xf32>,
        tpu.vector_store %arg12[%swap3A_1700, %swap3A_1701], %add3A_1698 {strides = array<i32>} : memref<32x256xf32, #tpu.memory_space<vmem>>, vector<16xf32>,
        %add3A_1703 = arith.constant 1024 : i32
        %add3A_1704 = vector.broadcast %add3A_1703 : i32 to vector<16xi32>
        %add3A_1705 = arith.addi %add3A_1679, %add3A_1704 : vector<16xi32>
        %add3A_1706 = arith.constant 1024 : i32
        %add3A_1707 = vector.broadcast %add3A_1706 : i32 to vector<16xi32>
        %add3A_1708 = arith.addi %add3A_1682, %add3A_1707 : vector<16xi32>
        %add3A_1709 = arith.constant 1024 : i32
        %add3A_1710 = vector.broadcast %add3A_1709 : i32 to vector<16xi32>
        %add3A_1711 = arith.addi %add3A_1685, %add3A_1710 : vector<16xi32>
        %add3A_1712 = arith.constant 1024 : i32
        %add3A_1713 = vector.broadcast %add3A_1712 : i32 to vector<16xi32>
        %add3A_1714 = arith.addi %add3A_1688, %add3A_1713 : vector<16xi32>
        %gather3A_1715 = tpu.vector_load_idx %arg7[%add3A_1705] : memref<32768xf32, #tpu.memory_space<vmem>>[vector<16xi32>], vector<16xf32>,
        %gather3A_1716 = tpu.vector_load_idx %arg8[%add3A_1708] : memref<32768xf32, #tpu.memory_space<vmem>>[vector<16xi32>], vector<16xf32>,
        %gather3A_1717 = tpu.vector_load_idx %arg7[%add3A_1711] : memref<32768xf32, #tpu.memory_space<vmem>>[vector<16xi32>], vector<16xf32>,
        %gather3A_1718 = tpu.vector_load_idx %arg8[%add3A_1714] : memref<32768xf32, #tpu.memory_space<vmem>>[vector<16xi32>], vector<16xf32>,
        %add3A_1719 = arith.addf %gather3A_1663, %gather3A_1664 : vector<16xf32>
        %swap3A_1720 = arith.constant 3 : i32
        %swap3A_1721 = arith.index_cast %swap3A_1720 : i32 to index
        %swap3A_1722 = arith.index_cast %mul3A_1593 : i32 to index
        %swap3A_1723 = tpu.vector_load %arg12[%swap3A_1721, %swap3A_1722] {strides = array<i32>} : memref<32x256xf32, #tpu.memory_space<vmem>>, vector<16xf32>,
        tpu.vector_store %arg12[%swap3A_1721, %swap3A_1722], %add3A_1719 {strides = array<i32>} : memref<32x256xf32, #tpu.memory_space<vmem>>, vector<16xf32>,
        %add3A_1724 = arith.addf %gather3A_1665, %gather3A_1666 : vector<16xf32>
        %swap3A_1725 = arith.constant 3 : i32
        %swap3A_1726 = arith.index_cast %swap3A_1725 : i32 to index
        %swap3A_1727 = arith.index_cast %add3A_1595 : i32 to index
        %swap3A_1728 = tpu.vector_load %arg12[%swap3A_1726, %swap3A_1727] {strides = array<i32>} : memref<32x256xf32, #tpu.memory_space<vmem>>, vector<16xf32>,
        tpu.vector_store %arg12[%swap3A_1726, %swap3A_1727], %add3A_1724 {strides = array<i32>} : memref<32x256xf32, #tpu.memory_space<vmem>>, vector<16xf32>,
        %add3A_1729 = arith.constant 1024 : i32
        %add3A_1730 = vector.broadcast %add3A_1729 : i32 to vector<16xi32>
        %add3A_1731 = arith.addi %add3A_1705, %add3A_1730 : vector<16xi32>
        %add3A_1732 = arith.constant 1024 : i32
        %add3A_1733 = vector.broadcast %add3A_1732 : i32 to vector<16xi32>
        %add3A_1734 = arith.addi %add3A_1708, %add3A_1733 : vector<16xi32>
        %add3A_1735 = arith.constant 1024 : i32
        %add3A_1736 = vector.broadcast %add3A_1735 : i32 to vector<16xi32>
        %add3A_1737 = arith.addi %add3A_1711, %add3A_1736 : vector<16xi32>
        %add3A_1738 = arith.constant 1024 : i32
        %add3A_1739 = vector.broadcast %add3A_1738 : i32 to vector<16xi32>
        %add3A_1740 = arith.addi %add3A_1714, %add3A_1739 : vector<16xi32>
        %gather3A_1741 = tpu.vector_load_idx %arg7[%add3A_1731] : memref<32768xf32, #tpu.memory_space<vmem>>[vector<16xi32>], vector<16xf32>,
        %gather3A_1742 = tpu.vector_load_idx %arg8[%add3A_1734] : memref<32768xf32, #tpu.memory_space<vmem>>[vector<16xi32>], vector<16xf32>,
        %gather3A_1743 = tpu.vector_load_idx %arg7[%add3A_1737] : memref<32768xf32, #tpu.memory_space<vmem>>[vector<16xi32>], vector<16xf32>,
        %gather3A_1744 = tpu.vector_load_idx %arg8[%add3A_1740] : memref<32768xf32, #tpu.memory_space<vmem>>[vector<16xi32>], vector<16xf32>,
        %add3A_1745 = arith.addf %gather3A_1689, %gather3A_1690 : vector<16xf32>
        %swap3A_1746 = arith.constant 4 : i32
        %swap3A_1747 = arith.index_cast %swap3A_1746 : i32 to index
        %swap3A_1748 = arith.index_cast %mul3A_1593 : i32 to index
        %swap3A_1749 = tpu.vector_load %arg12[%swap3A_1747, %swap3A_1748] {strides = array<i32>} : memref<32x256xf32, #tpu.memory_space<vmem>>, vector<16xf32>,
        tpu.vector_store %arg12[%swap3A_1747, %swap3A_1748], %add3A_1745 {strides = array<i32>} : memref<32x256xf32, #tpu.memory_space<vmem>>, vector<16xf32>,
        %add3A_1750 = arith.addf %gather3A_1691, %gather3A_1692 : vector<16xf32>
        %swap3A_1751 = arith.constant 4 : i32
        %swap3A_1752 = arith.index_cast %swap3A_1751 : i32 to index
        %swap3A_1753 = arith.index_cast %add3A_1595 : i32 to index
        %swap3A_1754 = tpu.vector_load %arg12[%swap3A_1752, %swap3A_1753] {strides = array<i32>} : memref<32x256xf32, #tpu.memory_space<vmem>>, vector<16xf32>,
        tpu.vector_store %arg12[%swap3A_1752, %swap3A_1753], %add3A_1750 {strides = array<i32>} : memref<32x256xf32, #tpu.memory_space<vmem>>, vector<16xf32>,
        %add3A_1755 = arith.constant 1024 : i32
        %add3A_1756 = vector.broadcast %add3A_1755 : i32 to vector<16xi32>
        %add3A_1757 = arith.addi %add3A_1731, %add3A_1756 : vector<16xi32>
        %add3A_1758 = arith.constant 1024 : i32
        %add3A_1759 = vector.broadcast %add3A_1758 : i32 to vector<16xi32>
        %add3A_1760 = arith.addi %add3A_1734, %add3A_1759 : vector<16xi32>
        %add3A_1761 = arith.constant 1024 : i32
        %add3A_1762 = vector.broadcast %add3A_1761 : i32 to vector<16xi32>
        %add3A_1763 = arith.addi %add3A_1737, %add3A_1762 : vector<16xi32>
        %add3A_1764 = arith.constant 1024 : i32
        %add3A_1765 = vector.broadcast %add3A_1764 : i32 to vector<16xi32>
        %add3A_1766 = arith.addi %add3A_1740, %add3A_1765 : vector<16xi32>
        %gather3A_1767 = tpu.vector_load_idx %arg7[%add3A_1757] : memref<32768xf32, #tpu.memory_space<vmem>>[vector<16xi32>], vector<16xf32>,
        %gather3A_1768 = tpu.vector_load_idx %arg8[%add3A_1760] : memref<32768xf32, #tpu.memory_space<vmem>>[vector<16xi32>], vector<16xf32>,
        %gather3A_1769 = tpu.vector_load_idx %arg7[%add3A_1763] : memref<32768xf32, #tpu.memory_space<vmem>>[vector<16xi32>], vector<16xf32>,
        %gather3A_1770 = tpu.vector_load_idx %arg8[%add3A_1766] : memref<32768xf32, #tpu.memory_space<vmem>>[vector<16xi32>], vector<16xf32>,
        %add3A_1771 = arith.addf %gather3A_1715, %gather3A_1716 : vector<16xf32>
        %swap3A_1772 = arith.constant 5 : i32
        %swap3A_1773 = arith.index_cast %swap3A_1772 : i32 to index
        %swap3A_1774 = arith.index_cast %mul3A_1593 : i32 to index
        %swap3A_1775 = tpu.vector_load %arg12[%swap3A_1773, %swap3A_1774] {strides = array<i32>} : memref<32x256xf32, #tpu.memory_space<vmem>>, vector<16xf32>,
        tpu.vector_store %arg12[%swap3A_1773, %swap3A_1774], %add3A_1771 {strides = array<i32>} : memref<32x256xf32, #tpu.memory_space<vmem>>, vector<16xf32>,
        %add3A_1776 = arith.addf %gather3A_1717, %gather3A_1718 : vector<16xf32>
        %swap3A_1777 = arith.constant 5 : i32
        %swap3A_1778 = arith.index_cast %swap3A_1777 : i32 to index
        %swap3A_1779 = arith.index_cast %add3A_1595 : i32 to index
        %swap3A_1780 = tpu.vector_load %arg12[%swap3A_1778, %swap3A_1779] {strides = array<i32>} : memref<32x256xf32, #tpu.memory_space<vmem>>, vector<16xf32>,
        tpu.vector_store %arg12[%swap3A_1778, %swap3A_1779], %add3A_1776 {strides = array<i32>} : memref<32x256xf32, #tpu.memory_space<vmem>>, vector<16xf32>,
        %add3A_1781 = arith.constant 1024 : i32
        %add3A_1782 = vector.broadcast %add3A_1781 : i32 to vector<16xi32>
        %add3A_1783 = arith.addi %add3A_1757, %add3A_1782 : vector<16xi32>
        %add3A_1784 = arith.constant 1024 : i32
        %add3A_1785 = vector.broadcast %add3A_1784 : i32 to vector<16xi32>
        %add3A_1786 = arith.addi %add3A_1760, %add3A_1785 : vector<16xi32>
        %add3A_1787 = arith.constant 1024 : i32
        %add3A_1788 = vector.broadcast %add3A_1787 : i32 to vector<16xi32>
        %add3A_1789 = arith.addi %add3A_1763, %add3A_1788 : vector<16xi32>
        %add3A_1790 = arith.constant 1024 : i32
        %add3A_1791 = vector.broadcast %add3A_1790 : i32 to vector<16xi32>
        %add3A_1792 = arith.addi %add3A_1766, %add3A_1791 : vector<16xi32>
        %gather3A_1793 = tpu.vector_load_idx %arg7[%add3A_1783] : memref<32768xf32, #tpu.memory_space<vmem>>[vector<16xi32>], vector<16xf32>,
        %gather3A_1794 = tpu.vector_load_idx %arg8[%add3A_1786] : memref<32768xf32, #tpu.memory_space<vmem>>[vector<16xi32>], vector<16xf32>,
        %gather3A_1795 = tpu.vector_load_idx %arg7[%add3A_1789] : memref<32768xf32, #tpu.memory_space<vmem>>[vector<16xi32>], vector<16xf32>,
        %gather3A_1796 = tpu.vector_load_idx %arg8[%add3A_1792] : memref<32768xf32, #tpu.memory_space<vmem>>[vector<16xi32>], vector<16xf32>,
        %add3A_1797 = arith.addf %gather3A_1741, %gather3A_1742 : vector<16xf32>
        %swap3A_1798 = arith.constant 6 : i32
        %swap3A_1799 = arith.index_cast %swap3A_1798 : i32 to index
        %swap3A_1800 = arith.index_cast %mul3A_1593 : i32 to index
        %swap3A_1801 = tpu.vector_load %arg12[%swap3A_1799, %swap3A_1800] {strides = array<i32>} : memref<32x256xf32, #tpu.memory_space<vmem>>, vector<16xf32>,
        tpu.vector_store %arg12[%swap3A_1799, %swap3A_1800], %add3A_1797 {strides = array<i32>} : memref<32x256xf32, #tpu.memory_space<vmem>>, vector<16xf32>,
        %add3A_1802 = arith.addf %gather3A_1743, %gather3A_1744 : vector<16xf32>
        %swap3A_1803 = arith.constant 6 : i32
        %swap3A_1804 = arith.index_cast %swap3A_1803 : i32 to index
        %swap3A_1805 = arith.index_cast %add3A_1595 : i32 to index
        %swap3A_1806 = tpu.vector_load %arg12[%swap3A_1804, %swap3A_1805] {strides = array<i32>} : memref<32x256xf32, #tpu.memory_space<vmem>>, vector<16xf32>,
        tpu.vector_store %arg12[%swap3A_1804, %swap3A_1805], %add3A_1802 {strides = array<i32>} : memref<32x256xf32, #tpu.memory_space<vmem>>, vector<16xf32>,
        %add3A_1807 = arith.constant 1024 : i32
        %add3A_1808 = vector.broadcast %add3A_1807 : i32 to vector<16xi32>
        %add3A_1809 = arith.addi %add3A_1783, %add3A_1808 : vector<16xi32>
        %add3A_1810 = arith.constant 1024 : i32
        %add3A_1811 = vector.broadcast %add3A_1810 : i32 to vector<16xi32>
        %add3A_1812 = arith.addi %add3A_1786, %add3A_1811 : vector<16xi32>
        %add3A_1813 = arith.constant 1024 : i32
        %add3A_1814 = vector.broadcast %add3A_1813 : i32 to vector<16xi32>
        %add3A_1815 = arith.addi %add3A_1789, %add3A_1814 : vector<16xi32>
        %add3A_1816 = arith.constant 1024 : i32
        %add3A_1817 = vector.broadcast %add3A_1816 : i32 to vector<16xi32>
        %add3A_1818 = arith.addi %add3A_1792, %add3A_1817 : vector<16xi32>
        %gather3A_1819 = tpu.vector_load_idx %arg7[%add3A_1809] : memref<32768xf32, #tpu.memory_space<vmem>>[vector<16xi32>], vector<16xf32>,
        %gather3A_1820 = tpu.vector_load_idx %arg8[%add3A_1812] : memref<32768xf32, #tpu.memory_space<vmem>>[vector<16xi32>], vector<16xf32>,
        %gather3A_1821 = tpu.vector_load_idx %arg7[%add3A_1815] : memref<32768xf32, #tpu.memory_space<vmem>>[vector<16xi32>], vector<16xf32>,
        %gather3A_1822 = tpu.vector_load_idx %arg8[%add3A_1818] : memref<32768xf32, #tpu.memory_space<vmem>>[vector<16xi32>], vector<16xf32>,
        %add3A_1823 = arith.addf %gather3A_1767, %gather3A_1768 : vector<16xf32>
        %swap3A_1824 = arith.constant 7 : i32
        %swap3A_1825 = arith.index_cast %swap3A_1824 : i32 to index
        %swap3A_1826 = arith.index_cast %mul3A_1593 : i32 to index
        %swap3A_1827 = tpu.vector_load %arg12[%swap3A_1825, %swap3A_1826] {strides = array<i32>} : memref<32x256xf32, #tpu.memory_space<vmem>>, vector<16xf32>,
        tpu.vector_store %arg12[%swap3A_1825, %swap3A_1826], %add3A_1823 {strides = array<i32>} : memref<32x256xf32, #tpu.memory_space<vmem>>, vector<16xf32>,
        %add3A_1828 = arith.addf %gather3A_1769, %gather3A_1770 : vector<16xf32>
        %swap3A_1829 = arith.constant 7 : i32
        %swap3A_1830 = arith.index_cast %swap3A_1829 : i32 to index
        %swap3A_1831 = arith.index_cast %add3A_1595 : i32 to index
        %swap3A_1832 = tpu.vector_load %arg12[%swap3A_1830, %swap3A_1831] {strides = array<i32>} : memref<32x256xf32, #tpu.memory_space<vmem>>, vector<16xf32>,
        tpu.vector_store %arg12[%swap3A_1830, %swap3A_1831], %add3A_1828 {strides = array<i32>} : memref<32x256xf32, #tpu.memory_space<vmem>>, vector<16xf32>,
        %add3A_1833 = arith.constant 1024 : i32
        %add3A_1834 = vector.broadcast %add3A_1833 : i32 to vector<16xi32>
        %add3A_1835 = arith.addi %add3A_1809, %add3A_1834 : vector<16xi32>
        %add3A_1836 = arith.constant 1024 : i32
        %add3A_1837 = vector.broadcast %add3A_1836 : i32 to vector<16xi32>
        %add3A_1838 = arith.addi %add3A_1812, %add3A_1837 : vector<16xi32>
        %add3A_1839 = arith.constant 1024 : i32
        %add3A_1840 = vector.broadcast %add3A_1839 : i32 to vector<16xi32>
        %add3A_1841 = arith.addi %add3A_1815, %add3A_1840 : vector<16xi32>
        %add3A_1842 = arith.constant 1024 : i32
        %add3A_1843 = vector.broadcast %add3A_1842 : i32 to vector<16xi32>
        %add3A_1844 = arith.addi %add3A_1818, %add3A_1843 : vector<16xi32>
        %gather3A_1845 = tpu.vector_load_idx %arg7[%add3A_1835] : memref<32768xf32, #tpu.memory_space<vmem>>[vector<16xi32>], vector<16xf32>,
        %gather3A_1846 = tpu.vector_load_idx %arg8[%add3A_1838] : memref<32768xf32, #tpu.memory_space<vmem>>[vector<16xi32>], vector<16xf32>,
        %gather3A_1847 = tpu.vector_load_idx %arg7[%add3A_1841] : memref<32768xf32, #tpu.memory_space<vmem>>[vector<16xi32>], vector<16xf32>,
        %gather3A_1848 = tpu.vector_load_idx %arg8[%add3A_1844] : memref<32768xf32, #tpu.memory_space<vmem>>[vector<16xi32>], vector<16xf32>,
        %add3A_1849 = arith.addf %gather3A_1793, %gather3A_1794 : vector<16xf32>
        %swap3A_1850 = arith.constant 8 : i32
        %swap3A_1851 = arith.index_cast %swap3A_1850 : i32 to index
        %swap3A_1852 = arith.index_cast %mul3A_1593 : i32 to index
        %swap3A_1853 = tpu.vector_load %arg12[%swap3A_1851, %swap3A_1852] {strides = array<i32>} : memref<32x256xf32, #tpu.memory_space<vmem>>, vector<16xf32>,
        tpu.vector_store %arg12[%swap3A_1851, %swap3A_1852], %add3A_1849 {strides = array<i32>} : memref<32x256xf32, #tpu.memory_space<vmem>>, vector<16xf32>,
        %add3A_1854 = arith.addf %gather3A_1795, %gather3A_1796 : vector<16xf32>
        %swap3A_1855 = arith.constant 8 : i32
        %swap3A_1856 = arith.index_cast %swap3A_1855 : i32 to index
        %swap3A_1857 = arith.index_cast %add3A_1595 : i32 to index
        %swap3A_1858 = tpu.vector_load %arg12[%swap3A_1856, %swap3A_1857] {strides = array<i32>} : memref<32x256xf32, #tpu.memory_space<vmem>>, vector<16xf32>,
        tpu.vector_store %arg12[%swap3A_1856, %swap3A_1857], %add3A_1854 {strides = array<i32>} : memref<32x256xf32, #tpu.memory_space<vmem>>, vector<16xf32>,
        %add3A_1859 = arith.constant 1024 : i32
        %add3A_1860 = vector.broadcast %add3A_1859 : i32 to vector<16xi32>
        %add3A_1861 = arith.addi %add3A_1835, %add3A_1860 : vector<16xi32>
        %add3A_1862 = arith.constant 1024 : i32
        %add3A_1863 = vector.broadcast %add3A_1862 : i32 to vector<16xi32>
        %add3A_1864 = arith.addi %add3A_1838, %add3A_1863 : vector<16xi32>
        %add3A_1865 = arith.constant 1024 : i32
        %add3A_1866 = vector.broadcast %add3A_1865 : i32 to vector<16xi32>
        %add3A_1867 = arith.addi %add3A_1841, %add3A_1866 : vector<16xi32>
        %add3A_1868 = arith.constant 1024 : i32
        %add3A_1869 = vector.broadcast %add3A_1868 : i32 to vector<16xi32>
        %add3A_1870 = arith.addi %add3A_1844, %add3A_1869 : vector<16xi32>
        %gather3A_1871 = tpu.vector_load_idx %arg7[%add3A_1861] : memref<32768xf32, #tpu.memory_space<vmem>>[vector<16xi32>], vector<16xf32>,
        %gather3A_1872 = tpu.vector_load_idx %arg8[%add3A_1864] : memref<32768xf32, #tpu.memory_space<vmem>>[vector<16xi32>], vector<16xf32>,
        %gather3A_1873 = tpu.vector_load_idx %arg7[%add3A_1867] : memref<32768xf32, #tpu.memory_space<vmem>>[vector<16xi32>], vector<16xf32>,
        %gather3A_1874 = tpu.vector_load_idx %arg8[%add3A_1870] : memref<32768xf32, #tpu.memory_space<vmem>>[vector<16xi32>], vector<16xf32>,
        %add3A_1875 = arith.addf %gather3A_1819, %gather3A_1820 : vector<16xf32>
        %swap3A_1876 = arith.constant 9 : i32
        %swap3A_1877 = arith.index_cast %swap3A_1876 : i32 to index
        %swap3A_1878 = arith.index_cast %mul3A_1593 : i32 to index
        %swap3A_1879 = tpu.vector_load %arg12[%swap3A_1877, %swap3A_1878] {strides = array<i32>} : memref<32x256xf32, #tpu.memory_space<vmem>>, vector<16xf32>,
        tpu.vector_store %arg12[%swap3A_1877, %swap3A_1878], %add3A_1875 {strides = array<i32>} : memref<32x256xf32, #tpu.memory_space<vmem>>, vector<16xf32>,
        %add3A_1880 = arith.addf %gather3A_1821, %gather3A_1822 : vector<16xf32>
        %swap3A_1881 = arith.constant 9 : i32
        %swap3A_1882 = arith.index_cast %swap3A_1881 : i32 to index
        %swap3A_1883 = arith.index_cast %add3A_1595 : i32 to index
        %swap3A_1884 = tpu.vector_load %arg12[%swap3A_1882, %swap3A_1883] {strides = array<i32>} : memref<32x256xf32, #tpu.memory_space<vmem>>, vector<16xf32>,
        tpu.vector_store %arg12[%swap3A_1882, %swap3A_1883], %add3A_1880 {strides = array<i32>} : memref<32x256xf32, #tpu.memory_space<vmem>>, vector<16xf32>,
        %add3A_1885 = arith.constant 1024 : i32
        %add3A_1886 = vector.broadcast %add3A_1885 : i32 to vector<16xi32>
        %add3A_1887 = arith.addi %add3A_1861, %add3A_1886 : vector<16xi32>
        %add3A_1888 = arith.constant 1024 : i32
        %add3A_1889 = vector.broadcast %add3A_1888 : i32 to vector<16xi32>
        %add3A_1890 = arith.addi %add3A_1864, %add3A_1889 : vector<16xi32>
        %add3A_1891 = arith.constant 1024 : i32
        %add3A_1892 = vector.broadcast %add3A_1891 : i32 to vector<16xi32>
        %add3A_1893 = arith.addi %add3A_1867, %add3A_1892 : vector<16xi32>
        %add3A_1894 = arith.constant 1024 : i32
        %add3A_1895 = vector.broadcast %add3A_1894 : i32 to vector<16xi32>
        %add3A_1896 = arith.addi %add3A_1870, %add3A_1895 : vector<16xi32>
        %gather3A_1897 = tpu.vector_load_idx %arg7[%add3A_1887] : memref<32768xf32, #tpu.memory_space<vmem>>[vector<16xi32>], vector<16xf32>,
        %gather3A_1898 = tpu.vector_load_idx %arg8[%add3A_1890] : memref<32768xf32, #tpu.memory_space<vmem>>[vector<16xi32>], vector<16xf32>,
        %gather3A_1899 = tpu.vector_load_idx %arg7[%add3A_1893] : memref<32768xf32, #tpu.memory_space<vmem>>[vector<16xi32>], vector<16xf32>,
        %gather3A_1900 = tpu.vector_load_idx %arg8[%add3A_1896] : memref<32768xf32, #tpu.memory_space<vmem>>[vector<16xi32>], vector<16xf32>,
        %add3A_1901 = arith.addf %gather3A_1845, %gather3A_1846 : vector<16xf32>
        %swap3A_1902 = arith.constant 10 : i32
        %swap3A_1903 = arith.index_cast %swap3A_1902 : i32 to index
        %swap3A_1904 = arith.index_cast %mul3A_1593 : i32 to index
        %swap3A_1905 = tpu.vector_load %arg12[%swap3A_1903, %swap3A_1904] {strides = array<i32>} : memref<32x256xf32, #tpu.memory_space<vmem>>, vector<16xf32>,
        tpu.vector_store %arg12[%swap3A_1903, %swap3A_1904], %add3A_1901 {strides = array<i32>} : memref<32x256xf32, #tpu.memory_space<vmem>>, vector<16xf32>,
        %add3A_1906 = arith.addf %gather3A_1847, %gather3A_1848 : vector<16xf32>
        %swap3A_1907 = arith.constant 10 : i32
        %swap3A_1908 = arith.index_cast %swap3A_1907 : i32 to index
        %swap3A_1909 = arith.index_cast %add3A_1595 : i32 to index
        %swap3A_1910 = tpu.vector_load %arg12[%swap3A_1908, %swap3A_1909] {strides = array<i32>} : memref<32x256xf32, #tpu.memory_space<vmem>>, vector<16xf32>,
        tpu.vector_store %arg12[%swap3A_1908, %swap3A_1909], %add3A_1906 {strides = array<i32>} : memref<32x256xf32, #tpu.memory_space<vmem>>, vector<16xf32>,
        %add3A_1911 = arith.constant 1024 : i32
        %add3A_1912 = vector.broadcast %add3A_1911 : i32 to vector<16xi32>
        %add3A_1913 = arith.addi %add3A_1887, %add3A_1912 : vector<16xi32>
        %add3A_1914 = arith.constant 1024 : i32
        %add3A_1915 = vector.broadcast %add3A_1914 : i32 to vector<16xi32>
        %add3A_1916 = arith.addi %add3A_1890, %add3A_1915 : vector<16xi32>
        %add3A_1917 = arith.constant 1024 : i32
        %add3A_1918 = vector.broadcast %add3A_1917 : i32 to vector<16xi32>
        %add3A_1919 = arith.addi %add3A_1893, %add3A_1918 : vector<16xi32>
        %add3A_1920 = arith.constant 1024 : i32
        %add3A_1921 = vector.broadcast %add3A_1920 : i32 to vector<16xi32>
        %add3A_1922 = arith.addi %add3A_1896, %add3A_1921 : vector<16xi32>
        %gather3A_1923 = tpu.vector_load_idx %arg7[%add3A_1913] : memref<32768xf32, #tpu.memory_space<vmem>>[vector<16xi32>], vector<16xf32>,
        %gather3A_1924 = tpu.vector_load_idx %arg8[%add3A_1916] : memref<32768xf32, #tpu.memory_space<vmem>>[vector<16xi32>], vector<16xf32>,
        %gather3A_1925 = tpu.vector_load_idx %arg7[%add3A_1919] : memref<32768xf32, #tpu.memory_space<vmem>>[vector<16xi32>], vector<16xf32>,
        %gather3A_1926 = tpu.vector_load_idx %arg8[%add3A_1922] : memref<32768xf32, #tpu.memory_space<vmem>>[vector<16xi32>], vector<16xf32>,
        %add3A_1927 = arith.addf %gather3A_1871, %gather3A_1872 : vector<16xf32>
        %swap3A_1928 = arith.constant 11 : i32
        %swap3A_1929 = arith.index_cast %swap3A_1928 : i32 to index
        %swap3A_1930 = arith.index_cast %mul3A_1593 : i32 to index
        %swap3A_1931 = tpu.vector_load %arg12[%swap3A_1929, %swap3A_1930] {strides = array<i32>} : memref<32x256xf32, #tpu.memory_space<vmem>>, vector<16xf32>,
        tpu.vector_store %arg12[%swap3A_1929, %swap3A_1930], %add3A_1927 {strides = array<i32>} : memref<32x256xf32, #tpu.memory_space<vmem>>, vector<16xf32>,
        %add3A_1932 = arith.addf %gather3A_1873, %gather3A_1874 : vector<16xf32>
        %swap3A_1933 = arith.constant 11 : i32
        %swap3A_1934 = arith.index_cast %swap3A_1933 : i32 to index
        %swap3A_1935 = arith.index_cast %add3A_1595 : i32 to index
        %swap3A_1936 = tpu.vector_load %arg12[%swap3A_1934, %swap3A_1935] {strides = array<i32>} : memref<32x256xf32, #tpu.memory_space<vmem>>, vector<16xf32>,
        tpu.vector_store %arg12[%swap3A_1934, %swap3A_1935], %add3A_1932 {strides = array<i32>} : memref<32x256xf32, #tpu.memory_space<vmem>>, vector<16xf32>,
        %add3A_1937 = arith.constant 1024 : i32
        %add3A_1938 = vector.broadcast %add3A_1937 : i32 to vector<16xi32>
        %add3A_1939 = arith.addi %add3A_1913, %add3A_1938 : vector<16xi32>
        %add3A_1940 = arith.constant 1024 : i32
        %add3A_1941 = vector.broadcast %add3A_1940 : i32 to vector<16xi32>
        %add3A_1942 = arith.addi %add3A_1916, %add3A_1941 : vector<16xi32>
        %add3A_1943 = arith.constant 1024 : i32
        %add3A_1944 = vector.broadcast %add3A_1943 : i32 to vector<16xi32>
        %add3A_1945 = arith.addi %add3A_1919, %add3A_1944 : vector<16xi32>
        %add3A_1946 = arith.constant 1024 : i32
        %add3A_1947 = vector.broadcast %add3A_1946 : i32 to vector<16xi32>
        %add3A_1948 = arith.addi %add3A_1922, %add3A_1947 : vector<16xi32>
        %gather3A_1949 = tpu.vector_load_idx %arg7[%add3A_1939] : memref<32768xf32, #tpu.memory_space<vmem>>[vector<16xi32>], vector<16xf32>,
        %gather3A_1950 = tpu.vector_load_idx %arg8[%add3A_1942] : memref<32768xf32, #tpu.memory_space<vmem>>[vector<16xi32>], vector<16xf32>,
        %gather3A_1951 = tpu.vector_load_idx %arg7[%add3A_1945] : memref<32768xf32, #tpu.memory_space<vmem>>[vector<16xi32>], vector<16xf32>,
        %gather3A_1952 = tpu.vector_load_idx %arg8[%add3A_1948] : memref<32768xf32, #tpu.memory_space<vmem>>[vector<16xi32>], vector<16xf32>,
        %add3A_1953 = arith.addf %gather3A_1897, %gather3A_1898 : vector<16xf32>
        %swap3A_1954 = arith.constant 12 : i32
        %swap3A_1955 = arith.index_cast %swap3A_1954 : i32 to index
        %swap3A_1956 = arith.index_cast %mul3A_1593 : i32 to index
        %swap3A_1957 = tpu.vector_load %arg12[%swap3A_1955, %swap3A_1956] {strides = array<i32>} : memref<32x256xf32, #tpu.memory_space<vmem>>, vector<16xf32>,
        tpu.vector_store %arg12[%swap3A_1955, %swap3A_1956], %add3A_1953 {strides = array<i32>} : memref<32x256xf32, #tpu.memory_space<vmem>>, vector<16xf32>,
        %add3A_1958 = arith.addf %gather3A_1899, %gather3A_1900 : vector<16xf32>
        %swap3A_1959 = arith.constant 12 : i32
        %swap3A_1960 = arith.index_cast %swap3A_1959 : i32 to index
        %swap3A_1961 = arith.index_cast %add3A_1595 : i32 to index
        %swap3A_1962 = tpu.vector_load %arg12[%swap3A_1960, %swap3A_1961] {strides = array<i32>} : memref<32x256xf32, #tpu.memory_space<vmem>>, vector<16xf32>,
        tpu.vector_store %arg12[%swap3A_1960, %swap3A_1961], %add3A_1958 {strides = array<i32>} : memref<32x256xf32, #tpu.memory_space<vmem>>, vector<16xf32>,
        %add3A_1963 = arith.constant 1024 : i32
        %add3A_1964 = vector.broadcast %add3A_1963 : i32 to vector<16xi32>
        %add3A_1965 = arith.addi %add3A_1939, %add3A_1964 : vector<16xi32>
        %add3A_1966 = arith.constant 1024 : i32
        %add3A_1967 = vector.broadcast %add3A_1966 : i32 to vector<16xi32>
        %add3A_1968 = arith.addi %add3A_1942, %add3A_1967 : vector<16xi32>
        %add3A_1969 = arith.constant 1024 : i32
        %add3A_1970 = vector.broadcast %add3A_1969 : i32 to vector<16xi32>
        %add3A_1971 = arith.addi %add3A_1945, %add3A_1970 : vector<16xi32>
        %add3A_1972 = arith.constant 1024 : i32
        %add3A_1973 = vector.broadcast %add3A_1972 : i32 to vector<16xi32>
        %add3A_1974 = arith.addi %add3A_1948, %add3A_1973 : vector<16xi32>
        %gather3A_1975 = tpu.vector_load_idx %arg7[%add3A_1965] : memref<32768xf32, #tpu.memory_space<vmem>>[vector<16xi32>], vector<16xf32>,
        %gather3A_1976 = tpu.vector_load_idx %arg8[%add3A_1968] : memref<32768xf32, #tpu.memory_space<vmem>>[vector<16xi32>], vector<16xf32>,
        %gather3A_1977 = tpu.vector_load_idx %arg7[%add3A_1971] : memref<32768xf32, #tpu.memory_space<vmem>>[vector<16xi32>], vector<16xf32>,
        %gather3A_1978 = tpu.vector_load_idx %arg8[%add3A_1974] : memref<32768xf32, #tpu.memory_space<vmem>>[vector<16xi32>], vector<16xf32>,
        %add3A_1979 = arith.addf %gather3A_1923, %gather3A_1924 : vector<16xf32>
        %swap3A_1980 = arith.constant 13 : i32
        %swap3A_1981 = arith.index_cast %swap3A_1980 : i32 to index
        %swap3A_1982 = arith.index_cast %mul3A_1593 : i32 to index
        %swap3A_1983 = tpu.vector_load %arg12[%swap3A_1981, %swap3A_1982] {strides = array<i32>} : memref<32x256xf32, #tpu.memory_space<vmem>>, vector<16xf32>,
        tpu.vector_store %arg12[%swap3A_1981, %swap3A_1982], %add3A_1979 {strides = array<i32>} : memref<32x256xf32, #tpu.memory_space<vmem>>, vector<16xf32>,
        %add3A_1984 = arith.addf %gather3A_1925, %gather3A_1926 : vector<16xf32>
        %swap3A_1985 = arith.constant 13 : i32
        %swap3A_1986 = arith.index_cast %swap3A_1985 : i32 to index
        %swap3A_1987 = arith.index_cast %add3A_1595 : i32 to index
        %swap3A_1988 = tpu.vector_load %arg12[%swap3A_1986, %swap3A_1987] {strides = array<i32>} : memref<32x256xf32, #tpu.memory_space<vmem>>, vector<16xf32>,
        tpu.vector_store %arg12[%swap3A_1986, %swap3A_1987], %add3A_1984 {strides = array<i32>} : memref<32x256xf32, #tpu.memory_space<vmem>>, vector<16xf32>,
        %add3A_1989 = arith.constant 1024 : i32
        %add3A_1990 = vector.broadcast %add3A_1989 : i32 to vector<16xi32>
        %add3A_1991 = arith.addi %add3A_1965, %add3A_1990 : vector<16xi32>
        %add3A_1992 = arith.constant 1024 : i32
        %add3A_1993 = vector.broadcast %add3A_1992 : i32 to vector<16xi32>
        %add3A_1994 = arith.addi %add3A_1968, %add3A_1993 : vector<16xi32>
        %add3A_1995 = arith.constant 1024 : i32
        %add3A_1996 = vector.broadcast %add3A_1995 : i32 to vector<16xi32>
        %add3A_1997 = arith.addi %add3A_1971, %add3A_1996 : vector<16xi32>
        %add3A_1998 = arith.constant 1024 : i32
        %add3A_1999 = vector.broadcast %add3A_1998 : i32 to vector<16xi32>
        %add3A_2000 = arith.addi %add3A_1974, %add3A_1999 : vector<16xi32>
        %gather3A_2001 = tpu.vector_load_idx %arg7[%add3A_1991] : memref<32768xf32, #tpu.memory_space<vmem>>[vector<16xi32>], vector<16xf32>,
        %gather3A_2002 = tpu.vector_load_idx %arg8[%add3A_1994] : memref<32768xf32, #tpu.memory_space<vmem>>[vector<16xi32>], vector<16xf32>,
        %gather3A_2003 = tpu.vector_load_idx %arg7[%add3A_1997] : memref<32768xf32, #tpu.memory_space<vmem>>[vector<16xi32>], vector<16xf32>,
        %gather3A_2004 = tpu.vector_load_idx %arg8[%add3A_2000] : memref<32768xf32, #tpu.memory_space<vmem>>[vector<16xi32>], vector<16xf32>,
        %add3A_2005 = arith.addf %gather3A_1949, %gather3A_1950 : vector<16xf32>
        %swap3A_2006 = arith.constant 14 : i32
        %swap3A_2007 = arith.index_cast %swap3A_2006 : i32 to index
        %swap3A_2008 = arith.index_cast %mul3A_1593 : i32 to index
        %swap3A_2009 = tpu.vector_load %arg12[%swap3A_2007, %swap3A_2008] {strides = array<i32>} : memref<32x256xf32, #tpu.memory_space<vmem>>, vector<16xf32>,
        tpu.vector_store %arg12[%swap3A_2007, %swap3A_2008], %add3A_2005 {strides = array<i32>} : memref<32x256xf32, #tpu.memory_space<vmem>>, vector<16xf32>,
        %add3A_2010 = arith.addf %gather3A_1951, %gather3A_1952 : vector<16xf32>
        %swap3A_2011 = arith.constant 14 : i32
        %swap3A_2012 = arith.index_cast %swap3A_2011 : i32 to index
        %swap3A_2013 = arith.index_cast %add3A_1595 : i32 to index
        %swap3A_2014 = tpu.vector_load %arg12[%swap3A_2012, %swap3A_2013] {strides = array<i32>} : memref<32x256xf32, #tpu.memory_space<vmem>>, vector<16xf32>,
        tpu.vector_store %arg12[%swap3A_2012, %swap3A_2013], %add3A_2010 {strides = array<i32>} : memref<32x256xf32, #tpu.memory_space<vmem>>, vector<16xf32>,
        %add3A_2015 = arith.constant 1024 : i32
        %add3A_2016 = vector.broadcast %add3A_2015 : i32 to vector<16xi32>
        %add3A_2017 = arith.addi %add3A_1991, %add3A_2016 : vector<16xi32>
        %add3A_2018 = arith.constant 1024 : i32
        %add3A_2019 = vector.broadcast %add3A_2018 : i32 to vector<16xi32>
        %add3A_2020 = arith.addi %add3A_1994, %add3A_2019 : vector<16xi32>
        %add3A_2021 = arith.constant 1024 : i32
        %add3A_2022 = vector.broadcast %add3A_2021 : i32 to vector<16xi32>
        %add3A_2023 = arith.addi %add3A_1997, %add3A_2022 : vector<16xi32>
        %add3A_2024 = arith.constant 1024 : i32
        %add3A_2025 = vector.broadcast %add3A_2024 : i32 to vector<16xi32>
        %add3A_2026 = arith.addi %add3A_2000, %add3A_2025 : vector<16xi32>
        %gather3A_2027 = tpu.vector_load_idx %arg7[%add3A_2017] : memref<32768xf32, #tpu.memory_space<vmem>>[vector<16xi32>], vector<16xf32>,
        %gather3A_2028 = tpu.vector_load_idx %arg8[%add3A_2020] : memref<32768xf32, #tpu.memory_space<vmem>>[vector<16xi32>], vector<16xf32>,
        %gather3A_2029 = tpu.vector_load_idx %arg7[%add3A_2023] : memref<32768xf32, #tpu.memory_space<vmem>>[vector<16xi32>], vector<16xf32>,
        %gather3A_2030 = tpu.vector_load_idx %arg8[%add3A_2026] : memref<32768xf32, #tpu.memory_space<vmem>>[vector<16xi32>], vector<16xf32>,
        %add3A_2031 = arith.addf %gather3A_1975, %gather3A_1976 : vector<16xf32>
        %swap3A_2032 = arith.constant 15 : i32
        %swap3A_2033 = arith.index_cast %swap3A_2032 : i32 to index
        %swap3A_2034 = arith.index_cast %mul3A_1593 : i32 to index
        %swap3A_2035 = tpu.vector_load %arg12[%swap3A_2033, %swap3A_2034] {strides = array<i32>} : memref<32x256xf32, #tpu.memory_space<vmem>>, vector<16xf32>,
        tpu.vector_store %arg12[%swap3A_2033, %swap3A_2034], %add3A_2031 {strides = array<i32>} : memref<32x256xf32, #tpu.memory_space<vmem>>, vector<16xf32>,
        %add3A_2036 = arith.addf %gather3A_1977, %gather3A_1978 : vector<16xf32>
        %swap3A_2037 = arith.constant 15 : i32
        %swap3A_2038 = arith.index_cast %swap3A_2037 : i32 to index
        %swap3A_2039 = arith.index_cast %add3A_1595 : i32 to index
        %swap3A_2040 = tpu.vector_load %arg12[%swap3A_2038, %swap3A_2039] {strides = array<i32>} : memref<32x256xf32, #tpu.memory_space<vmem>>, vector<16xf32>,
        tpu.vector_store %arg12[%swap3A_2038, %swap3A_2039], %add3A_2036 {strides = array<i32>} : memref<32x256xf32, #tpu.memory_space<vmem>>, vector<16xf32>,
        %add3A_2041 = arith.constant 1024 : i32
        %add3A_2042 = vector.broadcast %add3A_2041 : i32 to vector<16xi32>
        %add3A_2043 = arith.addi %add3A_2017, %add3A_2042 : vector<16xi32>
        %add3A_2044 = arith.constant 1024 : i32
        %add3A_2045 = vector.broadcast %add3A_2044 : i32 to vector<16xi32>
        %add3A_2046 = arith.addi %add3A_2020, %add3A_2045 : vector<16xi32>
        %add3A_2047 = arith.constant 1024 : i32
        %add3A_2048 = vector.broadcast %add3A_2047 : i32 to vector<16xi32>
        %add3A_2049 = arith.addi %add3A_2023, %add3A_2048 : vector<16xi32>
        %add3A_2050 = arith.constant 1024 : i32
        %add3A_2051 = vector.broadcast %add3A_2050 : i32 to vector<16xi32>
        %add3A_2052 = arith.addi %add3A_2026, %add3A_2051 : vector<16xi32>
        %gather3A_2053 = tpu.vector_load_idx %arg7[%add3A_2043] : memref<32768xf32, #tpu.memory_space<vmem>>[vector<16xi32>], vector<16xf32>,
        %gather3A_2054 = tpu.vector_load_idx %arg8[%add3A_2046] : memref<32768xf32, #tpu.memory_space<vmem>>[vector<16xi32>], vector<16xf32>,
        %gather3A_2055 = tpu.vector_load_idx %arg7[%add3A_2049] : memref<32768xf32, #tpu.memory_space<vmem>>[vector<16xi32>], vector<16xf32>,
        %gather3A_2056 = tpu.vector_load_idx %arg8[%add3A_2052] : memref<32768xf32, #tpu.memory_space<vmem>>[vector<16xi32>], vector<16xf32>,
        %add3A_2057 = arith.addf %gather3A_2001, %gather3A_2002 : vector<16xf32>
        %swap3A_2058 = arith.constant 16 : i32
        %swap3A_2059 = arith.index_cast %swap3A_2058 : i32 to index
        %swap3A_2060 = arith.index_cast %mul3A_1593 : i32 to index
        %swap3A_2061 = tpu.vector_load %arg12[%swap3A_2059, %swap3A_2060] {strides = array<i32>} : memref<32x256xf32, #tpu.memory_space<vmem>>, vector<16xf32>,
        tpu.vector_store %arg12[%swap3A_2059, %swap3A_2060], %add3A_2057 {strides = array<i32>} : memref<32x256xf32, #tpu.memory_space<vmem>>, vector<16xf32>,
        %add3A_2062 = arith.addf %gather3A_2003, %gather3A_2004 : vector<16xf32>
        %swap3A_2063 = arith.constant 16 : i32
        %swap3A_2064 = arith.index_cast %swap3A_2063 : i32 to index
        %swap3A_2065 = arith.index_cast %add3A_1595 : i32 to index
        %swap3A_2066 = tpu.vector_load %arg12[%swap3A_2064, %swap3A_2065] {strides = array<i32>} : memref<32x256xf32, #tpu.memory_space<vmem>>, vector<16xf32>,
        tpu.vector_store %arg12[%swap3A_2064, %swap3A_2065], %add3A_2062 {strides = array<i32>} : memref<32x256xf32, #tpu.memory_space<vmem>>, vector<16xf32>,
        %add3A_2067 = arith.constant 1024 : i32
        %add3A_2068 = vector.broadcast %add3A_2067 : i32 to vector<16xi32>
        %add3A_2069 = arith.addi %add3A_2043, %add3A_2068 : vector<16xi32>
        %add3A_2070 = arith.constant 1024 : i32
        %add3A_2071 = vector.broadcast %add3A_2070 : i32 to vector<16xi32>
        %add3A_2072 = arith.addi %add3A_2046, %add3A_2071 : vector<16xi32>
        %add3A_2073 = arith.constant 1024 : i32
        %add3A_2074 = vector.broadcast %add3A_2073 : i32 to vector<16xi32>
        %add3A_2075 = arith.addi %add3A_2049, %add3A_2074 : vector<16xi32>
        %add3A_2076 = arith.constant 1024 : i32
        %add3A_2077 = vector.broadcast %add3A_2076 : i32 to vector<16xi32>
        %add3A_2078 = arith.addi %add3A_2052, %add3A_2077 : vector<16xi32>
        %gather3A_2079 = tpu.vector_load_idx %arg7[%add3A_2069] : memref<32768xf32, #tpu.memory_space<vmem>>[vector<16xi32>], vector<16xf32>,
        %gather3A_2080 = tpu.vector_load_idx %arg8[%add3A_2072] : memref<32768xf32, #tpu.memory_space<vmem>>[vector<16xi32>], vector<16xf32>,
        %gather3A_2081 = tpu.vector_load_idx %arg7[%add3A_2075] : memref<32768xf32, #tpu.memory_space<vmem>>[vector<16xi32>], vector<16xf32>,
        %gather3A_2082 = tpu.vector_load_idx %arg8[%add3A_2078] : memref<32768xf32, #tpu.memory_space<vmem>>[vector<16xi32>], vector<16xf32>,
        %add3A_2083 = arith.addf %gather3A_2027, %gather3A_2028 : vector<16xf32>
        %swap3A_2084 = arith.constant 17 : i32
        %swap3A_2085 = arith.index_cast %swap3A_2084 : i32 to index
        %swap3A_2086 = arith.index_cast %mul3A_1593 : i32 to index
        %swap3A_2087 = tpu.vector_load %arg12[%swap3A_2085, %swap3A_2086] {strides = array<i32>} : memref<32x256xf32, #tpu.memory_space<vmem>>, vector<16xf32>,
        tpu.vector_store %arg12[%swap3A_2085, %swap3A_2086], %add3A_2083 {strides = array<i32>} : memref<32x256xf32, #tpu.memory_space<vmem>>, vector<16xf32>,
        %add3A_2088 = arith.addf %gather3A_2029, %gather3A_2030 : vector<16xf32>
        %swap3A_2089 = arith.constant 17 : i32
        %swap3A_2090 = arith.index_cast %swap3A_2089 : i32 to index
        %swap3A_2091 = arith.index_cast %add3A_1595 : i32 to index
        %swap3A_2092 = tpu.vector_load %arg12[%swap3A_2090, %swap3A_2091] {strides = array<i32>} : memref<32x256xf32, #tpu.memory_space<vmem>>, vector<16xf32>,
        tpu.vector_store %arg12[%swap3A_2090, %swap3A_2091], %add3A_2088 {strides = array<i32>} : memref<32x256xf32, #tpu.memory_space<vmem>>, vector<16xf32>,
        %add3A_2093 = arith.constant 1024 : i32
        %add3A_2094 = vector.broadcast %add3A_2093 : i32 to vector<16xi32>
        %add3A_2095 = arith.addi %add3A_2069, %add3A_2094 : vector<16xi32>
        %add3A_2096 = arith.constant 1024 : i32
        %add3A_2097 = vector.broadcast %add3A_2096 : i32 to vector<16xi32>
        %add3A_2098 = arith.addi %add3A_2072, %add3A_2097 : vector<16xi32>
        %add3A_2099 = arith.constant 1024 : i32
        %add3A_2100 = vector.broadcast %add3A_2099 : i32 to vector<16xi32>
        %add3A_2101 = arith.addi %add3A_2075, %add3A_2100 : vector<16xi32>
        %add3A_2102 = arith.constant 1024 : i32
        %add3A_2103 = vector.broadcast %add3A_2102 : i32 to vector<16xi32>
        %add3A_2104 = arith.addi %add3A_2078, %add3A_2103 : vector<16xi32>
        %gather3A_2105 = tpu.vector_load_idx %arg7[%add3A_2095] : memref<32768xf32, #tpu.memory_space<vmem>>[vector<16xi32>], vector<16xf32>,
        %gather3A_2106 = tpu.vector_load_idx %arg8[%add3A_2098] : memref<32768xf32, #tpu.memory_space<vmem>>[vector<16xi32>], vector<16xf32>,
        %gather3A_2107 = tpu.vector_load_idx %arg7[%add3A_2101] : memref<32768xf32, #tpu.memory_space<vmem>>[vector<16xi32>], vector<16xf32>,
        %gather3A_2108 = tpu.vector_load_idx %arg8[%add3A_2104] : memref<32768xf32, #tpu.memory_space<vmem>>[vector<16xi32>], vector<16xf32>,
        %add3A_2109 = arith.addf %gather3A_2053, %gather3A_2054 : vector<16xf32>
        %swap3A_2110 = arith.constant 18 : i32
        %swap3A_2111 = arith.index_cast %swap3A_2110 : i32 to index
        %swap3A_2112 = arith.index_cast %mul3A_1593 : i32 to index
        %swap3A_2113 = tpu.vector_load %arg12[%swap3A_2111, %swap3A_2112] {strides = array<i32>} : memref<32x256xf32, #tpu.memory_space<vmem>>, vector<16xf32>,
        tpu.vector_store %arg12[%swap3A_2111, %swap3A_2112], %add3A_2109 {strides = array<i32>} : memref<32x256xf32, #tpu.memory_space<vmem>>, vector<16xf32>,
        %add3A_2114 = arith.addf %gather3A_2055, %gather3A_2056 : vector<16xf32>
        %swap3A_2115 = arith.constant 18 : i32
        %swap3A_2116 = arith.index_cast %swap3A_2115 : i32 to index
        %swap3A_2117 = arith.index_cast %add3A_1595 : i32 to index
        %swap3A_2118 = tpu.vector_load %arg12[%swap3A_2116, %swap3A_2117] {strides = array<i32>} : memref<32x256xf32, #tpu.memory_space<vmem>>, vector<16xf32>,
        tpu.vector_store %arg12[%swap3A_2116, %swap3A_2117], %add3A_2114 {strides = array<i32>} : memref<32x256xf32, #tpu.memory_space<vmem>>, vector<16xf32>,
        %add3A_2119 = arith.constant 1024 : i32
        %add3A_2120 = vector.broadcast %add3A_2119 : i32 to vector<16xi32>
        %add3A_2121 = arith.addi %add3A_2095, %add3A_2120 : vector<16xi32>
        %add3A_2122 = arith.constant 1024 : i32
        %add3A_2123 = vector.broadcast %add3A_2122 : i32 to vector<16xi32>
        %add3A_2124 = arith.addi %add3A_2098, %add3A_2123 : vector<16xi32>
        %add3A_2125 = arith.constant 1024 : i32
        %add3A_2126 = vector.broadcast %add3A_2125 : i32 to vector<16xi32>
        %add3A_2127 = arith.addi %add3A_2101, %add3A_2126 : vector<16xi32>
        %add3A_2128 = arith.constant 1024 : i32
        %add3A_2129 = vector.broadcast %add3A_2128 : i32 to vector<16xi32>
        %add3A_2130 = arith.addi %add3A_2104, %add3A_2129 : vector<16xi32>
        %gather3A_2131 = tpu.vector_load_idx %arg7[%add3A_2121] : memref<32768xf32, #tpu.memory_space<vmem>>[vector<16xi32>], vector<16xf32>,
        %gather3A_2132 = tpu.vector_load_idx %arg8[%add3A_2124] : memref<32768xf32, #tpu.memory_space<vmem>>[vector<16xi32>], vector<16xf32>,
        %gather3A_2133 = tpu.vector_load_idx %arg7[%add3A_2127] : memref<32768xf32, #tpu.memory_space<vmem>>[vector<16xi32>], vector<16xf32>,
        %gather3A_2134 = tpu.vector_load_idx %arg8[%add3A_2130] : memref<32768xf32, #tpu.memory_space<vmem>>[vector<16xi32>], vector<16xf32>,
        %add3A_2135 = arith.addf %gather3A_2079, %gather3A_2080 : vector<16xf32>
        %swap3A_2136 = arith.constant 19 : i32
        %swap3A_2137 = arith.index_cast %swap3A_2136 : i32 to index
        %swap3A_2138 = arith.index_cast %mul3A_1593 : i32 to index
        %swap3A_2139 = tpu.vector_load %arg12[%swap3A_2137, %swap3A_2138] {strides = array<i32>} : memref<32x256xf32, #tpu.memory_space<vmem>>, vector<16xf32>,
        tpu.vector_store %arg12[%swap3A_2137, %swap3A_2138], %add3A_2135 {strides = array<i32>} : memref<32x256xf32, #tpu.memory_space<vmem>>, vector<16xf32>,
        %add3A_2140 = arith.addf %gather3A_2081, %gather3A_2082 : vector<16xf32>
        %swap3A_2141 = arith.constant 19 : i32
        %swap3A_2142 = arith.index_cast %swap3A_2141 : i32 to index
        %swap3A_2143 = arith.index_cast %add3A_1595 : i32 to index
        %swap3A_2144 = tpu.vector_load %arg12[%swap3A_2142, %swap3A_2143] {strides = array<i32>} : memref<32x256xf32, #tpu.memory_space<vmem>>, vector<16xf32>,
        tpu.vector_store %arg12[%swap3A_2142, %swap3A_2143], %add3A_2140 {strides = array<i32>} : memref<32x256xf32, #tpu.memory_space<vmem>>, vector<16xf32>,
        %add3A_2145 = arith.constant 1024 : i32
        %add3A_2146 = vector.broadcast %add3A_2145 : i32 to vector<16xi32>
        %add3A_2147 = arith.addi %add3A_2121, %add3A_2146 : vector<16xi32>
        %add3A_2148 = arith.constant 1024 : i32
        %add3A_2149 = vector.broadcast %add3A_2148 : i32 to vector<16xi32>
        %add3A_2150 = arith.addi %add3A_2124, %add3A_2149 : vector<16xi32>
        %add3A_2151 = arith.constant 1024 : i32
        %add3A_2152 = vector.broadcast %add3A_2151 : i32 to vector<16xi32>
        %add3A_2153 = arith.addi %add3A_2127, %add3A_2152 : vector<16xi32>
        %add3A_2154 = arith.constant 1024 : i32
        %add3A_2155 = vector.broadcast %add3A_2154 : i32 to vector<16xi32>
        %add3A_2156 = arith.addi %add3A_2130, %add3A_2155 : vector<16xi32>
        %gather3A_2157 = tpu.vector_load_idx %arg7[%add3A_2147] : memref<32768xf32, #tpu.memory_space<vmem>>[vector<16xi32>], vector<16xf32>,
        %gather3A_2158 = tpu.vector_load_idx %arg8[%add3A_2150] : memref<32768xf32, #tpu.memory_space<vmem>>[vector<16xi32>], vector<16xf32>,
        %gather3A_2159 = tpu.vector_load_idx %arg7[%add3A_2153] : memref<32768xf32, #tpu.memory_space<vmem>>[vector<16xi32>], vector<16xf32>,
        %gather3A_2160 = tpu.vector_load_idx %arg8[%add3A_2156] : memref<32768xf32, #tpu.memory_space<vmem>>[vector<16xi32>], vector<16xf32>,
        %add3A_2161 = arith.addf %gather3A_2105, %gather3A_2106 : vector<16xf32>
        %swap3A_2162 = arith.constant 20 : i32
        %swap3A_2163 = arith.index_cast %swap3A_2162 : i32 to index
        %swap3A_2164 = arith.index_cast %mul3A_1593 : i32 to index
        %swap3A_2165 = tpu.vector_load %arg12[%swap3A_2163, %swap3A_2164] {strides = array<i32>} : memref<32x256xf32, #tpu.memory_space<vmem>>, vector<16xf32>,
        tpu.vector_store %arg12[%swap3A_2163, %swap3A_2164], %add3A_2161 {strides = array<i32>} : memref<32x256xf32, #tpu.memory_space<vmem>>, vector<16xf32>,
        %add3A_2166 = arith.addf %gather3A_2107, %gather3A_2108 : vector<16xf32>
        %swap3A_2167 = arith.constant 20 : i32
        %swap3A_2168 = arith.index_cast %swap3A_2167 : i32 to index
        %swap3A_2169 = arith.index_cast %add3A_1595 : i32 to index
        %swap3A_2170 = tpu.vector_load %arg12[%swap3A_2168, %swap3A_2169] {strides = array<i32>} : memref<32x256xf32, #tpu.memory_space<vmem>>, vector<16xf32>,
        tpu.vector_store %arg12[%swap3A_2168, %swap3A_2169], %add3A_2166 {strides = array<i32>} : memref<32x256xf32, #tpu.memory_space<vmem>>, vector<16xf32>,
        %add3A_2171 = arith.constant 1024 : i32
        %add3A_2172 = vector.broadcast %add3A_2171 : i32 to vector<16xi32>
        %add3A_2173 = arith.addi %add3A_2147, %add3A_2172 : vector<16xi32>
        %add3A_2174 = arith.constant 1024 : i32
        %add3A_2175 = vector.broadcast %add3A_2174 : i32 to vector<16xi32>
        %add3A_2176 = arith.addi %add3A_2150, %add3A_2175 : vector<16xi32>
        %add3A_2177 = arith.constant 1024 : i32
        %add3A_2178 = vector.broadcast %add3A_2177 : i32 to vector<16xi32>
        %add3A_2179 = arith.addi %add3A_2153, %add3A_2178 : vector<16xi32>
        %add3A_2180 = arith.constant 1024 : i32
        %add3A_2181 = vector.broadcast %add3A_2180 : i32 to vector<16xi32>
        %add3A_2182 = arith.addi %add3A_2156, %add3A_2181 : vector<16xi32>
        %gather3A_2183 = tpu.vector_load_idx %arg7[%add3A_2173] : memref<32768xf32, #tpu.memory_space<vmem>>[vector<16xi32>], vector<16xf32>,
        %gather3A_2184 = tpu.vector_load_idx %arg8[%add3A_2176] : memref<32768xf32, #tpu.memory_space<vmem>>[vector<16xi32>], vector<16xf32>,
        %gather3A_2185 = tpu.vector_load_idx %arg7[%add3A_2179] : memref<32768xf32, #tpu.memory_space<vmem>>[vector<16xi32>], vector<16xf32>,
        %gather3A_2186 = tpu.vector_load_idx %arg8[%add3A_2182] : memref<32768xf32, #tpu.memory_space<vmem>>[vector<16xi32>], vector<16xf32>,
        %add3A_2187 = arith.addf %gather3A_2131, %gather3A_2132 : vector<16xf32>
        %swap3A_2188 = arith.constant 21 : i32
        %swap3A_2189 = arith.index_cast %swap3A_2188 : i32 to index
        %swap3A_2190 = arith.index_cast %mul3A_1593 : i32 to index
        %swap3A_2191 = tpu.vector_load %arg12[%swap3A_2189, %swap3A_2190] {strides = array<i32>} : memref<32x256xf32, #tpu.memory_space<vmem>>, vector<16xf32>,
        tpu.vector_store %arg12[%swap3A_2189, %swap3A_2190], %add3A_2187 {strides = array<i32>} : memref<32x256xf32, #tpu.memory_space<vmem>>, vector<16xf32>,
        %add3A_2192 = arith.addf %gather3A_2133, %gather3A_2134 : vector<16xf32>
        %swap3A_2193 = arith.constant 21 : i32
        %swap3A_2194 = arith.index_cast %swap3A_2193 : i32 to index
        %swap3A_2195 = arith.index_cast %add3A_1595 : i32 to index
        %swap3A_2196 = tpu.vector_load %arg12[%swap3A_2194, %swap3A_2195] {strides = array<i32>} : memref<32x256xf32, #tpu.memory_space<vmem>>, vector<16xf32>,
        tpu.vector_store %arg12[%swap3A_2194, %swap3A_2195], %add3A_2192 {strides = array<i32>} : memref<32x256xf32, #tpu.memory_space<vmem>>, vector<16xf32>,
        %add3A_2197 = arith.constant 1024 : i32
        %add3A_2198 = vector.broadcast %add3A_2197 : i32 to vector<16xi32>
        %add3A_2199 = arith.addi %add3A_2173, %add3A_2198 : vector<16xi32>
        %add3A_2200 = arith.constant 1024 : i32
        %add3A_2201 = vector.broadcast %add3A_2200 : i32 to vector<16xi32>
        %add3A_2202 = arith.addi %add3A_2176, %add3A_2201 : vector<16xi32>
        %add3A_2203 = arith.constant 1024 : i32
        %add3A_2204 = vector.broadcast %add3A_2203 : i32 to vector<16xi32>
        %add3A_2205 = arith.addi %add3A_2179, %add3A_2204 : vector<16xi32>
        %add3A_2206 = arith.constant 1024 : i32
        %add3A_2207 = vector.broadcast %add3A_2206 : i32 to vector<16xi32>
        %add3A_2208 = arith.addi %add3A_2182, %add3A_2207 : vector<16xi32>
        %gather3A_2209 = tpu.vector_load_idx %arg7[%add3A_2199] : memref<32768xf32, #tpu.memory_space<vmem>>[vector<16xi32>], vector<16xf32>,
        %gather3A_2210 = tpu.vector_load_idx %arg8[%add3A_2202] : memref<32768xf32, #tpu.memory_space<vmem>>[vector<16xi32>], vector<16xf32>,
        %gather3A_2211 = tpu.vector_load_idx %arg7[%add3A_2205] : memref<32768xf32, #tpu.memory_space<vmem>>[vector<16xi32>], vector<16xf32>,
        %gather3A_2212 = tpu.vector_load_idx %arg8[%add3A_2208] : memref<32768xf32, #tpu.memory_space<vmem>>[vector<16xi32>], vector<16xf32>,
        %add3A_2213 = arith.addf %gather3A_2157, %gather3A_2158 : vector<16xf32>
        %swap3A_2214 = arith.constant 22 : i32
        %swap3A_2215 = arith.index_cast %swap3A_2214 : i32 to index
        %swap3A_2216 = arith.index_cast %mul3A_1593 : i32 to index
        %swap3A_2217 = tpu.vector_load %arg12[%swap3A_2215, %swap3A_2216] {strides = array<i32>} : memref<32x256xf32, #tpu.memory_space<vmem>>, vector<16xf32>,
        tpu.vector_store %arg12[%swap3A_2215, %swap3A_2216], %add3A_2213 {strides = array<i32>} : memref<32x256xf32, #tpu.memory_space<vmem>>, vector<16xf32>,
        %add3A_2218 = arith.addf %gather3A_2159, %gather3A_2160 : vector<16xf32>
        %swap3A_2219 = arith.constant 22 : i32
        %swap3A_2220 = arith.index_cast %swap3A_2219 : i32 to index
        %swap3A_2221 = arith.index_cast %add3A_1595 : i32 to index
        %swap3A_2222 = tpu.vector_load %arg12[%swap3A_2220, %swap3A_2221] {strides = array<i32>} : memref<32x256xf32, #tpu.memory_space<vmem>>, vector<16xf32>,
        tpu.vector_store %arg12[%swap3A_2220, %swap3A_2221], %add3A_2218 {strides = array<i32>} : memref<32x256xf32, #tpu.memory_space<vmem>>, vector<16xf32>,
        %add3A_2223 = arith.constant 1024 : i32
        %add3A_2224 = vector.broadcast %add3A_2223 : i32 to vector<16xi32>
        %add3A_2225 = arith.addi %add3A_2199, %add3A_2224 : vector<16xi32>
        %add3A_2226 = arith.constant 1024 : i32
        %add3A_2227 = vector.broadcast %add3A_2226 : i32 to vector<16xi32>
        %add3A_2228 = arith.addi %add3A_2202, %add3A_2227 : vector<16xi32>
        %add3A_2229 = arith.constant 1024 : i32
        %add3A_2230 = vector.broadcast %add3A_2229 : i32 to vector<16xi32>
        %add3A_2231 = arith.addi %add3A_2205, %add3A_2230 : vector<16xi32>
        %add3A_2232 = arith.constant 1024 : i32
        %add3A_2233 = vector.broadcast %add3A_2232 : i32 to vector<16xi32>
        %add3A_2234 = arith.addi %add3A_2208, %add3A_2233 : vector<16xi32>
        %gather3A_2235 = tpu.vector_load_idx %arg7[%add3A_2225] : memref<32768xf32, #tpu.memory_space<vmem>>[vector<16xi32>], vector<16xf32>,
        %gather3A_2236 = tpu.vector_load_idx %arg8[%add3A_2228] : memref<32768xf32, #tpu.memory_space<vmem>>[vector<16xi32>], vector<16xf32>,
        %gather3A_2237 = tpu.vector_load_idx %arg7[%add3A_2231] : memref<32768xf32, #tpu.memory_space<vmem>>[vector<16xi32>], vector<16xf32>,
        %gather3A_2238 = tpu.vector_load_idx %arg8[%add3A_2234] : memref<32768xf32, #tpu.memory_space<vmem>>[vector<16xi32>], vector<16xf32>,
        %add3A_2239 = arith.addf %gather3A_2183, %gather3A_2184 : vector<16xf32>
        %swap3A_2240 = arith.constant 23 : i32
        %swap3A_2241 = arith.index_cast %swap3A_2240 : i32 to index
        %swap3A_2242 = arith.index_cast %mul3A_1593 : i32 to index
        %swap3A_2243 = tpu.vector_load %arg12[%swap3A_2241, %swap3A_2242] {strides = array<i32>} : memref<32x256xf32, #tpu.memory_space<vmem>>, vector<16xf32>,
        tpu.vector_store %arg12[%swap3A_2241, %swap3A_2242], %add3A_2239 {strides = array<i32>} : memref<32x256xf32, #tpu.memory_space<vmem>>, vector<16xf32>,
        %add3A_2244 = arith.addf %gather3A_2185, %gather3A_2186 : vector<16xf32>
        %swap3A_2245 = arith.constant 23 : i32
        %swap3A_2246 = arith.index_cast %swap3A_2245 : i32 to index
        %swap3A_2247 = arith.index_cast %add3A_1595 : i32 to index
        %swap3A_2248 = tpu.vector_load %arg12[%swap3A_2246, %swap3A_2247] {strides = array<i32>} : memref<32x256xf32, #tpu.memory_space<vmem>>, vector<16xf32>,
        tpu.vector_store %arg12[%swap3A_2246, %swap3A_2247], %add3A_2244 {strides = array<i32>} : memref<32x256xf32, #tpu.memory_space<vmem>>, vector<16xf32>,
        %add3A_2249 = arith.constant 1024 : i32
        %add3A_2250 = vector.broadcast %add3A_2249 : i32 to vector<16xi32>
        %add3A_2251 = arith.addi %add3A_2225, %add3A_2250 : vector<16xi32>
        %add3A_2252 = arith.constant 1024 : i32
        %add3A_2253 = vector.broadcast %add3A_2252 : i32 to vector<16xi32>
        %add3A_2254 = arith.addi %add3A_2228, %add3A_2253 : vector<16xi32>
        %add3A_2255 = arith.constant 1024 : i32
        %add3A_2256 = vector.broadcast %add3A_2255 : i32 to vector<16xi32>
        %add3A_2257 = arith.addi %add3A_2231, %add3A_2256 : vector<16xi32>
        %add3A_2258 = arith.constant 1024 : i32
        %add3A_2259 = vector.broadcast %add3A_2258 : i32 to vector<16xi32>
        %add3A_2260 = arith.addi %add3A_2234, %add3A_2259 : vector<16xi32>
        %gather3A_2261 = tpu.vector_load_idx %arg7[%add3A_2251] : memref<32768xf32, #tpu.memory_space<vmem>>[vector<16xi32>], vector<16xf32>,
        %gather3A_2262 = tpu.vector_load_idx %arg8[%add3A_2254] : memref<32768xf32, #tpu.memory_space<vmem>>[vector<16xi32>], vector<16xf32>,
        %gather3A_2263 = tpu.vector_load_idx %arg7[%add3A_2257] : memref<32768xf32, #tpu.memory_space<vmem>>[vector<16xi32>], vector<16xf32>,
        %gather3A_2264 = tpu.vector_load_idx %arg8[%add3A_2260] : memref<32768xf32, #tpu.memory_space<vmem>>[vector<16xi32>], vector<16xf32>,
        %add3A_2265 = arith.addf %gather3A_2209, %gather3A_2210 : vector<16xf32>
        %swap3A_2266 = arith.constant 24 : i32
        %swap3A_2267 = arith.index_cast %swap3A_2266 : i32 to index
        %swap3A_2268 = arith.index_cast %mul3A_1593 : i32 to index
        %swap3A_2269 = tpu.vector_load %arg12[%swap3A_2267, %swap3A_2268] {strides = array<i32>} : memref<32x256xf32, #tpu.memory_space<vmem>>, vector<16xf32>,
        tpu.vector_store %arg12[%swap3A_2267, %swap3A_2268], %add3A_2265 {strides = array<i32>} : memref<32x256xf32, #tpu.memory_space<vmem>>, vector<16xf32>,
        %add3A_2270 = arith.addf %gather3A_2211, %gather3A_2212 : vector<16xf32>
        %swap3A_2271 = arith.constant 24 : i32
        %swap3A_2272 = arith.index_cast %swap3A_2271 : i32 to index
        %swap3A_2273 = arith.index_cast %add3A_1595 : i32 to index
        %swap3A_2274 = tpu.vector_load %arg12[%swap3A_2272, %swap3A_2273] {strides = array<i32>} : memref<32x256xf32, #tpu.memory_space<vmem>>, vector<16xf32>,
        tpu.vector_store %arg12[%swap3A_2272, %swap3A_2273], %add3A_2270 {strides = array<i32>} : memref<32x256xf32, #tpu.memory_space<vmem>>, vector<16xf32>,
        %add3A_2275 = arith.constant 1024 : i32
        %add3A_2276 = vector.broadcast %add3A_2275 : i32 to vector<16xi32>
        %add3A_2277 = arith.addi %add3A_2251, %add3A_2276 : vector<16xi32>
        %add3A_2278 = arith.constant 1024 : i32
        %add3A_2279 = vector.broadcast %add3A_2278 : i32 to vector<16xi32>
        %add3A_2280 = arith.addi %add3A_2254, %add3A_2279 : vector<16xi32>
        %add3A_2281 = arith.constant 1024 : i32
        %add3A_2282 = vector.broadcast %add3A_2281 : i32 to vector<16xi32>
        %add3A_2283 = arith.addi %add3A_2257, %add3A_2282 : vector<16xi32>
        %add3A_2284 = arith.constant 1024 : i32
        %add3A_2285 = vector.broadcast %add3A_2284 : i32 to vector<16xi32>
        %add3A_2286 = arith.addi %add3A_2260, %add3A_2285 : vector<16xi32>
        %gather3A_2287 = tpu.vector_load_idx %arg7[%add3A_2277] : memref<32768xf32, #tpu.memory_space<vmem>>[vector<16xi32>], vector<16xf32>,
        %gather3A_2288 = tpu.vector_load_idx %arg8[%add3A_2280] : memref<32768xf32, #tpu.memory_space<vmem>>[vector<16xi32>], vector<16xf32>,
        %gather3A_2289 = tpu.vector_load_idx %arg7[%add3A_2283] : memref<32768xf32, #tpu.memory_space<vmem>>[vector<16xi32>], vector<16xf32>,
        %gather3A_2290 = tpu.vector_load_idx %arg8[%add3A_2286] : memref<32768xf32, #tpu.memory_space<vmem>>[vector<16xi32>], vector<16xf32>,
        %add3A_2291 = arith.addf %gather3A_2235, %gather3A_2236 : vector<16xf32>
        %swap3A_2292 = arith.constant 25 : i32
        %swap3A_2293 = arith.index_cast %swap3A_2292 : i32 to index
        %swap3A_2294 = arith.index_cast %mul3A_1593 : i32 to index
        %swap3A_2295 = tpu.vector_load %arg12[%swap3A_2293, %swap3A_2294] {strides = array<i32>} : memref<32x256xf32, #tpu.memory_space<vmem>>, vector<16xf32>,
        tpu.vector_store %arg12[%swap3A_2293, %swap3A_2294], %add3A_2291 {strides = array<i32>} : memref<32x256xf32, #tpu.memory_space<vmem>>, vector<16xf32>,
        %add3A_2296 = arith.addf %gather3A_2237, %gather3A_2238 : vector<16xf32>
        %swap3A_2297 = arith.constant 25 : i32
        %swap3A_2298 = arith.index_cast %swap3A_2297 : i32 to index
        %swap3A_2299 = arith.index_cast %add3A_1595 : i32 to index
        %swap3A_2300 = tpu.vector_load %arg12[%swap3A_2298, %swap3A_2299] {strides = array<i32>} : memref<32x256xf32, #tpu.memory_space<vmem>>, vector<16xf32>,
        tpu.vector_store %arg12[%swap3A_2298, %swap3A_2299], %add3A_2296 {strides = array<i32>} : memref<32x256xf32, #tpu.memory_space<vmem>>, vector<16xf32>,
        %add3A_2301 = arith.constant 1024 : i32
        %add3A_2302 = vector.broadcast %add3A_2301 : i32 to vector<16xi32>
        %add3A_2303 = arith.addi %add3A_2277, %add3A_2302 : vector<16xi32>
        %add3A_2304 = arith.constant 1024 : i32
        %add3A_2305 = vector.broadcast %add3A_2304 : i32 to vector<16xi32>
        %add3A_2306 = arith.addi %add3A_2280, %add3A_2305 : vector<16xi32>
        %add3A_2307 = arith.constant 1024 : i32
        %add3A_2308 = vector.broadcast %add3A_2307 : i32 to vector<16xi32>
        %add3A_2309 = arith.addi %add3A_2283, %add3A_2308 : vector<16xi32>
        %add3A_2310 = arith.constant 1024 : i32
        %add3A_2311 = vector.broadcast %add3A_2310 : i32 to vector<16xi32>
        %add3A_2312 = arith.addi %add3A_2286, %add3A_2311 : vector<16xi32>
        %gather3A_2313 = tpu.vector_load_idx %arg7[%add3A_2303] : memref<32768xf32, #tpu.memory_space<vmem>>[vector<16xi32>], vector<16xf32>,
        %gather3A_2314 = tpu.vector_load_idx %arg8[%add3A_2306] : memref<32768xf32, #tpu.memory_space<vmem>>[vector<16xi32>], vector<16xf32>,
        %gather3A_2315 = tpu.vector_load_idx %arg7[%add3A_2309] : memref<32768xf32, #tpu.memory_space<vmem>>[vector<16xi32>], vector<16xf32>,
        %gather3A_2316 = tpu.vector_load_idx %arg8[%add3A_2312] : memref<32768xf32, #tpu.memory_space<vmem>>[vector<16xi32>], vector<16xf32>,
        %add3A_2317 = arith.addf %gather3A_2261, %gather3A_2262 : vector<16xf32>
        %swap3A_2318 = arith.constant 26 : i32
        %swap3A_2319 = arith.index_cast %swap3A_2318 : i32 to index
        %swap3A_2320 = arith.index_cast %mul3A_1593 : i32 to index
        %swap3A_2321 = tpu.vector_load %arg12[%swap3A_2319, %swap3A_2320] {strides = array<i32>} : memref<32x256xf32, #tpu.memory_space<vmem>>, vector<16xf32>,
        tpu.vector_store %arg12[%swap3A_2319, %swap3A_2320], %add3A_2317 {strides = array<i32>} : memref<32x256xf32, #tpu.memory_space<vmem>>, vector<16xf32>,
        %add3A_2322 = arith.addf %gather3A_2263, %gather3A_2264 : vector<16xf32>
        %swap3A_2323 = arith.constant 26 : i32
        %swap3A_2324 = arith.index_cast %swap3A_2323 : i32 to index
        %swap3A_2325 = arith.index_cast %add3A_1595 : i32 to index
        %swap3A_2326 = tpu.vector_load %arg12[%swap3A_2324, %swap3A_2325] {strides = array<i32>} : memref<32x256xf32, #tpu.memory_space<vmem>>, vector<16xf32>,
        tpu.vector_store %arg12[%swap3A_2324, %swap3A_2325], %add3A_2322 {strides = array<i32>} : memref<32x256xf32, #tpu.memory_space<vmem>>, vector<16xf32>,
        %add3A_2327 = arith.constant 1024 : i32
        %add3A_2328 = vector.broadcast %add3A_2327 : i32 to vector<16xi32>
        %add3A_2329 = arith.addi %add3A_2303, %add3A_2328 : vector<16xi32>
        %add3A_2330 = arith.constant 1024 : i32
        %add3A_2331 = vector.broadcast %add3A_2330 : i32 to vector<16xi32>
        %add3A_2332 = arith.addi %add3A_2306, %add3A_2331 : vector<16xi32>
        %add3A_2333 = arith.constant 1024 : i32
        %add3A_2334 = vector.broadcast %add3A_2333 : i32 to vector<16xi32>
        %add3A_2335 = arith.addi %add3A_2309, %add3A_2334 : vector<16xi32>
        %add3A_2336 = arith.constant 1024 : i32
        %add3A_2337 = vector.broadcast %add3A_2336 : i32 to vector<16xi32>
        %add3A_2338 = arith.addi %add3A_2312, %add3A_2337 : vector<16xi32>
        %gather3A_2339 = tpu.vector_load_idx %arg7[%add3A_2329] : memref<32768xf32, #tpu.memory_space<vmem>>[vector<16xi32>], vector<16xf32>,
        %gather3A_2340 = tpu.vector_load_idx %arg8[%add3A_2332] : memref<32768xf32, #tpu.memory_space<vmem>>[vector<16xi32>], vector<16xf32>,
        %gather3A_2341 = tpu.vector_load_idx %arg7[%add3A_2335] : memref<32768xf32, #tpu.memory_space<vmem>>[vector<16xi32>], vector<16xf32>,
        %gather3A_2342 = tpu.vector_load_idx %arg8[%add3A_2338] : memref<32768xf32, #tpu.memory_space<vmem>>[vector<16xi32>], vector<16xf32>,
        %add3A_2343 = arith.addf %gather3A_2287, %gather3A_2288 : vector<16xf32>
        %swap3A_2344 = arith.constant 27 : i32
        %swap3A_2345 = arith.index_cast %swap3A_2344 : i32 to index
        %swap3A_2346 = arith.index_cast %mul3A_1593 : i32 to index
        %swap3A_2347 = tpu.vector_load %arg12[%swap3A_2345, %swap3A_2346] {strides = array<i32>} : memref<32x256xf32, #tpu.memory_space<vmem>>, vector<16xf32>,
        tpu.vector_store %arg12[%swap3A_2345, %swap3A_2346], %add3A_2343 {strides = array<i32>} : memref<32x256xf32, #tpu.memory_space<vmem>>, vector<16xf32>,
        %add3A_2348 = arith.addf %gather3A_2289, %gather3A_2290 : vector<16xf32>
        %swap3A_2349 = arith.constant 27 : i32
        %swap3A_2350 = arith.index_cast %swap3A_2349 : i32 to index
        %swap3A_2351 = arith.index_cast %add3A_1595 : i32 to index
        %swap3A_2352 = tpu.vector_load %arg12[%swap3A_2350, %swap3A_2351] {strides = array<i32>} : memref<32x256xf32, #tpu.memory_space<vmem>>, vector<16xf32>,
        tpu.vector_store %arg12[%swap3A_2350, %swap3A_2351], %add3A_2348 {strides = array<i32>} : memref<32x256xf32, #tpu.memory_space<vmem>>, vector<16xf32>,
        %add3A_2353 = arith.constant 1024 : i32
        %add3A_2354 = vector.broadcast %add3A_2353 : i32 to vector<16xi32>
        %add3A_2355 = arith.addi %add3A_2329, %add3A_2354 : vector<16xi32>
        %add3A_2356 = arith.constant 1024 : i32
        %add3A_2357 = vector.broadcast %add3A_2356 : i32 to vector<16xi32>
        %add3A_2358 = arith.addi %add3A_2332, %add3A_2357 : vector<16xi32>
        %add3A_2359 = arith.constant 1024 : i32
        %add3A_2360 = vector.broadcast %add3A_2359 : i32 to vector<16xi32>
        %add3A_2361 = arith.addi %add3A_2335, %add3A_2360 : vector<16xi32>
        %add3A_2362 = arith.constant 1024 : i32
        %add3A_2363 = vector.broadcast %add3A_2362 : i32 to vector<16xi32>
        %add3A_2364 = arith.addi %add3A_2338, %add3A_2363 : vector<16xi32>
        %gather3A_2365 = tpu.vector_load_idx %arg7[%add3A_2355] : memref<32768xf32, #tpu.memory_space<vmem>>[vector<16xi32>], vector<16xf32>,
        %gather3A_2366 = tpu.vector_load_idx %arg8[%add3A_2358] : memref<32768xf32, #tpu.memory_space<vmem>>[vector<16xi32>], vector<16xf32>,
        %gather3A_2367 = tpu.vector_load_idx %arg7[%add3A_2361] : memref<32768xf32, #tpu.memory_space<vmem>>[vector<16xi32>], vector<16xf32>,
        %gather3A_2368 = tpu.vector_load_idx %arg8[%add3A_2364] : memref<32768xf32, #tpu.memory_space<vmem>>[vector<16xi32>], vector<16xf32>,
        %add3A_2369 = arith.addf %gather3A_2313, %gather3A_2314 : vector<16xf32>
        %swap3A_2370 = arith.constant 28 : i32
        %swap3A_2371 = arith.index_cast %swap3A_2370 : i32 to index
        %swap3A_2372 = arith.index_cast %mul3A_1593 : i32 to index
        %swap3A_2373 = tpu.vector_load %arg12[%swap3A_2371, %swap3A_2372] {strides = array<i32>} : memref<32x256xf32, #tpu.memory_space<vmem>>, vector<16xf32>,
        tpu.vector_store %arg12[%swap3A_2371, %swap3A_2372], %add3A_2369 {strides = array<i32>} : memref<32x256xf32, #tpu.memory_space<vmem>>, vector<16xf32>,
        %add3A_2374 = arith.addf %gather3A_2315, %gather3A_2316 : vector<16xf32>
        %swap3A_2375 = arith.constant 28 : i32
        %swap3A_2376 = arith.index_cast %swap3A_2375 : i32 to index
        %swap3A_2377 = arith.index_cast %add3A_1595 : i32 to index
        %swap3A_2378 = tpu.vector_load %arg12[%swap3A_2376, %swap3A_2377] {strides = array<i32>} : memref<32x256xf32, #tpu.memory_space<vmem>>, vector<16xf32>,
        tpu.vector_store %arg12[%swap3A_2376, %swap3A_2377], %add3A_2374 {strides = array<i32>} : memref<32x256xf32, #tpu.memory_space<vmem>>, vector<16xf32>,
        %add3A_2379 = arith.constant 1024 : i32
        %add3A_2380 = vector.broadcast %add3A_2379 : i32 to vector<16xi32>
        %add3A_2381 = arith.addi %add3A_2355, %add3A_2380 : vector<16xi32>
        %add3A_2382 = arith.constant 1024 : i32
        %add3A_2383 = vector.broadcast %add3A_2382 : i32 to vector<16xi32>
        %add3A_2384 = arith.addi %add3A_2358, %add3A_2383 : vector<16xi32>
        %add3A_2385 = arith.constant 1024 : i32
        %add3A_2386 = vector.broadcast %add3A_2385 : i32 to vector<16xi32>
        %add3A_2387 = arith.addi %add3A_2361, %add3A_2386 : vector<16xi32>
        %add3A_2388 = arith.constant 1024 : i32
        %add3A_2389 = vector.broadcast %add3A_2388 : i32 to vector<16xi32>
        %add3A_2390 = arith.addi %add3A_2364, %add3A_2389 : vector<16xi32>
        %gather3A_2391 = tpu.vector_load_idx %arg7[%add3A_2381] : memref<32768xf32, #tpu.memory_space<vmem>>[vector<16xi32>], vector<16xf32>,
        %gather3A_2392 = tpu.vector_load_idx %arg8[%add3A_2384] : memref<32768xf32, #tpu.memory_space<vmem>>[vector<16xi32>], vector<16xf32>,
        %gather3A_2393 = tpu.vector_load_idx %arg7[%add3A_2387] : memref<32768xf32, #tpu.memory_space<vmem>>[vector<16xi32>], vector<16xf32>,
        %gather3A_2394 = tpu.vector_load_idx %arg8[%add3A_2390] : memref<32768xf32, #tpu.memory_space<vmem>>[vector<16xi32>], vector<16xf32>,
        %add3A_2395 = arith.addf %gather3A_2339, %gather3A_2340 : vector<16xf32>
        %swap3A_2396 = arith.constant 29 : i32
        %swap3A_2397 = arith.index_cast %swap3A_2396 : i32 to index
        %swap3A_2398 = arith.index_cast %mul3A_1593 : i32 to index
        %swap3A_2399 = tpu.vector_load %arg12[%swap3A_2397, %swap3A_2398] {strides = array<i32>} : memref<32x256xf32, #tpu.memory_space<vmem>>, vector<16xf32>,
        tpu.vector_store %arg12[%swap3A_2397, %swap3A_2398], %add3A_2395 {strides = array<i32>} : memref<32x256xf32, #tpu.memory_space<vmem>>, vector<16xf32>,
        %add3A_2400 = arith.addf %gather3A_2341, %gather3A_2342 : vector<16xf32>
        %swap3A_2401 = arith.constant 29 : i32
        %swap3A_2402 = arith.index_cast %swap3A_2401 : i32 to index
        %swap3A_2403 = arith.index_cast %add3A_1595 : i32 to index
        %swap3A_2404 = tpu.vector_load %arg12[%swap3A_2402, %swap3A_2403] {strides = array<i32>} : memref<32x256xf32, #tpu.memory_space<vmem>>, vector<16xf32>,
        tpu.vector_store %arg12[%swap3A_2402, %swap3A_2403], %add3A_2400 {strides = array<i32>} : memref<32x256xf32, #tpu.memory_space<vmem>>, vector<16xf32>,
        %add3A_2405 = arith.addf %gather3A_2365, %gather3A_2366 : vector<16xf32>
        %swap3A_2406 = arith.constant 30 : i32
        %swap3A_2407 = arith.index_cast %swap3A_2406 : i32 to index
        %swap3A_2408 = arith.index_cast %mul3A_1593 : i32 to index
        %swap3A_2409 = tpu.vector_load %arg12[%swap3A_2407, %swap3A_2408] {strides = array<i32>} : memref<32x256xf32, #tpu.memory_space<vmem>>, vector<16xf32>,
        tpu.vector_store %arg12[%swap3A_2407, %swap3A_2408], %add3A_2405 {strides = array<i32>} : memref<32x256xf32, #tpu.memory_space<vmem>>, vector<16xf32>,
        %add3A_2410 = arith.addf %gather3A_2367, %gather3A_2368 : vector<16xf32>
        %swap3A_2411 = arith.constant 30 : i32
        %swap3A_2412 = arith.index_cast %swap3A_2411 : i32 to index
        %swap3A_2413 = arith.index_cast %add3A_1595 : i32 to index
        %swap3A_2414 = tpu.vector_load %arg12[%swap3A_2412, %swap3A_2413] {strides = array<i32>} : memref<32x256xf32, #tpu.memory_space<vmem>>, vector<16xf32>,
        tpu.vector_store %arg12[%swap3A_2412, %swap3A_2413], %add3A_2410 {strides = array<i32>} : memref<32x256xf32, #tpu.memory_space<vmem>>, vector<16xf32>,
        %add3A_2415 = arith.addf %gather3A_2391, %gather3A_2392 : vector<16xf32>
        %swap3A_2416 = arith.constant 31 : i32
        %swap3A_2417 = arith.index_cast %swap3A_2416 : i32 to index
        %swap3A_2418 = arith.index_cast %mul3A_1593 : i32 to index
        %swap3A_2419 = tpu.vector_load %arg12[%swap3A_2417, %swap3A_2418] {strides = array<i32>} : memref<32x256xf32, #tpu.memory_space<vmem>>, vector<16xf32>,
        tpu.vector_store %arg12[%swap3A_2417, %swap3A_2418], %add3A_2415 {strides = array<i32>} : memref<32x256xf32, #tpu.memory_space<vmem>>, vector<16xf32>,
        %add3A_2420 = arith.addf %gather3A_2393, %gather3A_2394 : vector<16xf32>
        %swap3A_2421 = arith.constant 31 : i32
        %swap3A_2422 = arith.index_cast %swap3A_2421 : i32 to index
        %swap3A_2423 = arith.index_cast %add3A_1595 : i32 to index
        %swap3A_2424 = tpu.vector_load %arg12[%swap3A_2422, %swap3A_2423] {strides = array<i32>} : memref<32x256xf32, #tpu.memory_space<vmem>>, vector<16xf32>,
        tpu.vector_store %arg12[%swap3A_2422, %swap3A_2423], %add3A_2420 {strides = array<i32>} : memref<32x256xf32, #tpu.memory_space<vmem>>, vector<16xf32>,
      }
      %scan3A_1584 = arith.constant 8 : i32
      %mul3A_1585 = arith.constant 256 : i32
      %mul3A_1586 = arith.muli %add3A_1557, %mul3A_1585 : i32
      %dma_start3A_1587 = tpu.memref_slice %arg6[%min3A_3, %mul3A_1586] : memref<1000x16384xf32, #tpu.memory_space<hbm>> -> memref<32x256xf32, #tpu.memory_space<hbm>>
      %dma_start3A_1588 = tpu.memref_slice %arg6[%min3A_3, %mul3A_1586] : memref<1000x16384xf32, #tpu.memory_space<hbm>> -> memref<32x256xf32, #tpu.memory_space<hbm>>
      tpu.enqueue_dma source(%arg12 : memref<32x256xf32, #tpu.memory_space<vmem>>) target(%dma_start3A_1588 : memref<32x256xf32, #tpu.memory_space<hbm>>) target_semaphore(%arg14 : memref<!tpu.dma_semaphore, #tpu.memory_space<semaphore_mem>>)
    }
    %scan3A_1542 = arith.constant 32 : i32
    %dma_wait3A_1543 = arith.constant 15872 : i32
    %dma_wait3A_1544 = tpu.memref_slice %arg6[%min3A_3, %dma_wait3A_1543] : memref<1000x16384xf32, #tpu.memory_space<hbm>> -> memref<32x256xf32, #tpu.memory_space<hbm>>
    %dma_wait3A_1545 = arith.constant 15872 : i32
    %dma_wait3A_1546 = tpu.memref_slice %arg6[%min3A_3, %dma_wait3A_1545] : memref<1000x16384xf32, #tpu.memory_space<hbm>> -> memref<32x256xf32, #tpu.memory_space<hbm>>
    tpu.wait_dma2 semaphore(%arg13 : memref<!tpu.dma_semaphore, #tpu.memory_space<semaphore_mem>>) src(%arg11 : memref<32x256xf32, #tpu.memory_space<vmem>>) dst(%dma_wait3A_1546 : memref<32x256xf32, #tpu.memory_space<hbm>>)
    %dma_wait3A_1547 = arith.constant 16128 : i32
    %dma_wait3A_1548 = tpu.memref_slice %arg6[%min3A_3, %dma_wait3A_1547] : memref<1000x16384xf32, #tpu.memory_space<hbm>> -> memref<32x256xf32, #tpu.memory_space<hbm>>
    %dma_wait3A_1549 = arith.constant 16128 : i32
    %dma_wait3A_1550 = tpu.memref_slice %arg6[%min3A_3, %dma_wait3A_1549] : memref<1000x16384xf32, #tpu.memory_space<hbm>> -> memref<32x256xf32, #tpu.memory_space<hbm>>
    tpu.wait_dma2 semaphore(%arg14 : memref<!tpu.dma_semaphore, #tpu.memory_space<semaphore_mem>>) src(%arg12 : memref<32x256xf32, #tpu.memory_space<vmem>>) dst(%dma_wait3A_1550 : memref<32x256xf32, #tpu.memory_space<hbm>>)
    return
  }
}

</mosaic_0001>

<sc_bundles>
// kernel: _sc_bigram_t.3.cloned.1.call-start
scs
__scs_entry_jumppad:
0x0: {  	(pc) =	sbr.rel $0x88, $3  }
0x1: {  	(tag) =	ssettag $0x0;
	lr =	simm.s32 $0x1  }
0x2: {  	[smem:$0x3F9D] =	sst lr;
	_ =	strace $0xD0000000  }
0x3: {  	_ = 	snop  }
0x4: {  	_ = 	snop  }
0x5: {  	_ = 	snop  }
0x6: {  	_ = 	snop  }
0x7: {  	_ = 	snop  }
__scs_overlays_trampoline_lowered:
0x8: {  	[smem:$0x3FAC] =	sst s0  }
0x9: {  	[smem:$0x3FAD] =	sst s1  }
0xa: {  	[smem:$0x3FAE] =	sst s2  }
0xb: {  	[smem:$0x3FAF] =	sst s3  }
0xc: {  	[smem:$0x3FB0] =	sst s4  }
0xd: {  	[smem:$0x3FB1] =	sst s5  }
0xe: {  	[smem:$0x3FB2] =	sst s6  }
0xf: {  	[smem:$0x3FB3] =	sst s7  }
0x10: {  	[smem:$0x3FB4] =	sst s8  }
0x11: {  	[smem:$0x3FB5] =	sst s9;
	s0 =	simm.s32 @!p0 $0x0  }
0x12: {  	s1 =	sld [smem:$0x3F9B];
	s0 =	simm.s32 @p0 $0x1  }
0x13: {  	[smem:$0x3FB6] =	sst s0;
	s0 =	simm.s32 @!p1 $0x0  }
0x14: {  	s2 =	sld [smem:$0x3F9A];
	s0 =	simm.s32 @p1 $0x1  }
0x15: {  	[smem:$0x3FB7] =	sst s0;
	s0 =	simm.s32 @!p2 $0x0  }
0x16: {  	s3 =	sld [smem:$0x3FDB];
	s0 =	simm.s32 @p2 $0x1  }
0x17: {  	s4 =	simm.s32 $0x1BF5;
	[smem:$0x3FB9] =	sst s0  }
0x18: {  	s0 =	sld [smem:$0x3F9C];
	_ =	swait.ge [sflag:s4], $0x0  }
0x19: {  	s7 =	sld [smem:$0x3F9D]  }
0x1a: {  	s8 =	sadd.s32 $0xFFFFE003, lr  }
0x1b: {  	s9 =	sadd.s32 $0xFFFFFEF7, lr;
	s5 =	simm.s32 $0xFFFFFFFF;
	p2 =	slt.u32 s8, $0xFFFFF086  }
0x1c: {  	p1 =	slt.u32 s9, $0xF7A;
	s5 =	simm.s32 @!p2 $0x0  }
0x1d: {  	s5 =	simm.s32 @p1 $0x1;
	p0 =	seq.s32 s7, s2  }
0x1e: {  	s7 =	smul.u32 @!p0 $0xF7A, s2;
	p2 =	seq.s32 @!p0 s5, $0x0  }
0x1f: {  	s9 =	smul.u32 $0xF7A, s1;
	s8 =	simm.s32 @!p0 $0x1BF5;
	p2 =	por !p2, p0  }
0x20: {  	[sflag:s8] =	ssyncset.s32 @!p0 $0xFFFFF086;
	s6 =	sadd.s32 @!p0 s3, s7;
	s7 =	simm.s32 @!p0 $0x108  }
0x21: {  	s3 =	sadd.s32 s3, s9;
	s6 =	sadd.s32 @!p0 $0x88, s6;
	s7 =	simm.s32 @p2 $0x1082  }
0x22: {  	[simem:s7], [sflag:s8] =	dma.local @!p0 [hbm:s6], $0xF7A  }
0x23: {  	s9 =	sor.u32 $0xD0000000, s2;
	s6 =	simm.s32 $0x108;
	_ =	swait.ge @!p0 [sflag:s8], $0x0  }
0x24: {  	s3 =	sadd.s32 $0x88, s3;
	s6 =	simm.s32 @!p1 $0x1082;
	[sflag:s4] =	ssyncset.s32 $0xFFFFF086  }
0x25: {  	[simem:s6], [sflag:s4] =	dma.local [hbm:s3], $0xF7A  }
0x26: {  	[smem:$0x3F9D] =	sst s1;
	(tag) =	ssettag s2;
	_ =	strace s9  }
0x27: {  	s1 =	sld [smem:$0x3FAD]  }
0x28: {  	s2 =	sld [smem:$0x3FAE]  }
0x29: {  	s4 =	sld [smem:$0x3FB0]  }
0x2a: {  	p0 =	seq.s32 s5, $0x0;
	s5 =	sld [smem:$0x3FB1]  }
0x2b: {  	s6 =	sld [smem:$0x3FB2]  }
0x2c: {  	s7 =	sld [smem:$0x3FB3]  }
0x2d: {  	s3 =	simm.s32 $0x108;
	s8 =	sld [smem:$0x3FB4]  }
0x2e: {  	s3 =	simm.s32 @!p0 $0x1082;
	s9 =	sld [smem:$0x3FB5]  }
0x2f: {  	lr =	sadd.s32 s0, s3;
	s0 =	sld [smem:$0x3FAC]  }
0x30: {  	s3 =	sld [smem:$0x3FAF]  }
0x31: {  	[smem:$0x3FB8] =	sst s10  }
0x32: {  	s10 =	sld [smem:$0x3FB6];
	_ =	sdelay $0x3  }
0x33: {  	p0 =	seq.s32 s10, $0x1;
	s10 =	sld [smem:$0x3FB8];
	_ =	sdelay $0x3  }
0x34: {  	[smem:$0x3FB8] =	sst s10  }
0x35: {  	s10 =	sld [smem:$0x3FB7];
	_ =	sdelay $0x3  }
0x36: {  	p1 =	seq.s32 s10, $0x1;
	s10 =	sld [smem:$0x3FB8];
	_ =	sdelay $0x3  }
0x37: {  	[smem:$0x3FB8] =	sst s10  }
0x38: {  	s10 =	sld [smem:$0x3FB9]  }
0x39: {  	_ = 	snop;
	(pc) =	sbr.ind lr, $3  }
0x3a: {  	_ = 	snop  }
0x3b: {  	_ = 	snop  }
0x3c: {  	p2 =	seq.s32 s10, $0x1;
	s10 =	sld [smem:$0x3FB8]  }
0x3d: {  	_ =	shalt  }
0x3e: {  	_ =	shalt  }
0x3f: {  	_ =	shalt  }
0x40: {  	_ =	shalt  }
0x41: {  	_ =	shalt  }
0x42: {  	_ =	shalt  }
0x43: {  	_ =	shalt  }
0x44: {  	_ =	shalt  }
0x45: {  	_ =	shalt  }
0x46: {  	_ =	shalt  }
0x47: {  	_ =	shalt  }
0x48: {  	_ =	shalt  }
0x49: {  	_ =	shalt  }
0x4a: {  	_ =	shalt  }
0x4b: {  	_ =	shalt  }
0x4c: {  	_ =	shalt  }
0x4d: {  	_ =	shalt  }
0x4e: {  	_ =	shalt  }
0x4f: {  	_ =	shalt  }
0x50: {  	_ =	shalt  }
0x51: {  	_ =	shalt  }
0x52: {  	_ =	shalt  }
0x53: {  	_ =	shalt  }
0x54: {  	_ =	shalt  }
0x55: {  	_ =	shalt  }
0x56: {  	_ =	shalt  }
0x57: {  	_ =	shalt  }
0x58: {  	_ =	shalt  }
0x59: {  	_ =	shalt  }
0x5a: {  	_ =	shalt  }
0x5b: {  	_ =	shalt  }
0x5c: {  	_ =	shalt  }
0x5d: {  	_ =	shalt  }
0x5e: {  	_ =	shalt  }
0x5f: {  	_ =	shalt  }
0x60: {  	_ =	shalt  }
0x61: {  	_ =	shalt  }
0x62: {  	_ =	shalt  }
0x63: {  	_ =	shalt  }
0x64: {  	_ =	shalt  }
0x65: {  	_ =	shalt  }
0x66: {  	_ =	shalt  }
0x67: {  	_ =	shalt  }
0x68: {  	_ =	shalt  }
0x69: {  	_ =	shalt  }
0x6a: {  	_ =	shalt  }
0x6b: {  	_ =	shalt  }
0x6c: {  	_ =	shalt  }
0x6d: {  	_ =	shalt  }
0x6e: {  	_ =	shalt  }
0x6f: {  	_ =	shalt  }
0x70: {  	_ =	shalt  }
0x71: {  	_ =	shalt  }
0x72: {  	_ =	shalt  }
0x73: {  	_ =	shalt  }
0x74: {  	_ =	shalt  }
0x75: {  	_ =	shalt  }
0x76: {  	_ =	shalt  }
0x77: {  	_ =	shalt  }
0x78: {  	_ =	shalt  }
0x79: {  	_ =	shalt  }
0x7a: {  	_ =	shalt  }
0x7b: {  	_ =	shalt  }
0x7c: {  	_ =	shalt  }
0x7d: {  	_ =	shalt  }
0x7e: {  	_ =	shalt  }
0x7f: {  	_ =	shalt  }
0x80: {  	_ =	shalt  }
0x81: {  	_ =	shalt  }
0x82: {  	_ =	shalt  }
0x83: {  	_ =	shalt  }
0x84: {  	_ =	shalt  }
0x85: {  	_ =	shalt  }
0x86: {  	_ =	shalt  }
0x87: {  	_ =	shalt  }
.Lfunc_end0:
.L_simem_size_0:
called_computation_lowered:
.L_overlay_start_0:
0x88: {  	s2 =	sld [smem:$0x3FD9]  }
0x89: {  	s3 =	sld [smem:$0x3FFE];
	_ =	sdelay $0x1  }
0x8a: {  	s1 =	srdreg.scid  }
0x8b: {  	s0 =	sand.u32 $0x1, s1  }
0x8c: {  	s18 =	sshll.u32 s0, $0xA;
	s2 =	sadd.s32 s3, s2  }
0x8d: {  	s2 =	sadd.s32 s2, s18  }
0x8e: {  	[smem:$0x3FC4] =	sst s2  }
0x8f: {  	_ = 	snop  }
0x90: {  	s2 =	sld [smem:$0x3FC9]  }
0x91: {  	s19 =	sld [smem:$0x3FC8]  }
0x92: {  	s4 =	sld [smem:$0x3FC7]  }
0x93: {  	s5 =	sld [smem:$0x3FC6]  }
0x94: {  	s6 =	sld [smem:$0x3FD0];
	(tm) =	ssettm $0x1  }
0x95: {  	s7 =	sld [smem:$0x3FFB];
	_ =	sdelay $0x3  }
0x96: {  	_ =	strace s7  }
0x97: {  	s7 =	sld [smem:$0x3FFC];
	_ =	sdelay $0x3  }
0x98: {  	_ =	strace s7  }
0x99: {  	s7 =	sld [smem:$0x3FFD];
	_ =	sdelay $0x3  }
0x9a: {  	_ =	strace s7  }
0x9b: {  	_ =	strace $0x8FFFFFFF  }
0x9c: {  	s20 =	sld [smem:$0x3FDB];
	_ =	sdelay $0x1  }
0x9d: {  	s8 =	simm.s32 $_scs_section_size  }
0x9e: {  	s9 =	simm.s32 $_size__tile_overlayer_lowered;
	s10 =	simm.s32 $_tile_overlayer_lowered  }
0x9f: {  	s23 =	simm.s32 $0x1BFF;
	s22 =	sshll.u32 s10, $0x1;
	s7 =	sadd.s32 s8, s20  }
0xa0: {  	s11 =	simm.s32 $0x0;
	s21 =	sshll.u32 s9, $0x1;
	s9 =	sadd.s32 s22, s7  }
0xa1: {  	[timem:s11], [sflag:s23] =	dma.local [hbm:s9], s21  }
0xa2: {  	_ =	swait.ge [sflag:s23], s21  }
0xa3: {  	s8 =	ssub.s32 $0x0, s21;
	[sflag:s23] =	ssyncset.done $0x0  }
0xa4: {  	[sflag:s23] =	ssyncadd.s32 s8;
	_ =	sdelay $0x1  }
0xa5: {  	s24 =	simm.s32 $0x1B8B  }
0xa6: {  	_ =	swait.ge [sflag:s24], $0x1  }
0xa7: {  	[sflag:s24] =	ssyncset.done $0x0  }
0xa8: {  	s25 =	simm.s32 $0x1B8E;
	[sflag:s24] =	ssyncadd.s32 $0xFFFFFFFF  }
0xa9: {  	s26 =	simm.s32 $execute0_lowered;
	[smem:$0x3FD2] =	sst s25  }
0xaa: {  	s8 =	sshll.u32 s26, $0x1;
	_ =	strace $0x80000046;
	[dreg:$0x1] =	wrdreg $0xFFFFFFFF  }
0xab: {  	s28 =	simm.s32 $_size_execute0_lowered;
	s7 =	sadd.s32 s7, s8;
	[dreg:$0x0] =	wrdreg $0x0  }
0xac: {  	s8 =	sshll.u32 s28, $0x1;
	[dreg:$0x2] =	wrdreg s7  }
0xad: {  	[dreg:$0x3] =	wrdreg s8  }
0xae: {  	[dreg:$0x4] =	wrdreg $0xC0  }
0xaf: {  	_ =	task [dreg:s11], $0x5FFFF  }
0xb0: {  	[dreg:$0x1] =	wrdreg $0xFFFFFFFF  }
0xb1: {  	[dreg:$0x0] =	wrdreg $0x60  }
0xb2: {  	[dreg:$0x2] =	wrdreg s2  }
0xb3: {  	[dreg:$0x3] =	wrdreg s19  }
0xb4: {  	[dreg:$0x4] =	wrdreg s4  }
0xb5: {  	[dreg:$0x5] =	wrdreg s5  }
0xb6: {  	[dreg:$0x6] =	wrdreg s6  }
0xb7: {  	[dreg:$0x7] =	wrdreg $0x9  }
0xb8: {  	_ =	task.clear_ibuf [dreg:s11], $0x8FFFF;
	_ =	strace $0x90000046  }
0xb9: {  	s29 =	simm.s32 $0x9;
	_ =	strace $0x80000048  }
0xba: {  	_ =	swait.ge [sflag:s29], $0x1  }
0xbb: {  	[sflag:s29] =	ssyncadd.s32 $0xFFFFFFFF  }
0xbc: {  	_ =	strace $0x90000048  }
0xbd: {  	_ =	sfence  }
0xbe: {  	s30 =	sld [smem:$0x0];
	_ =	sdelay $0x2  }
0xbf: {  	s31 =	sshll.u32 s1, $0xD;
	s1 =	sshrl.u32 s1, $0x2  }
0xc0: {  	s3 =	sand.u32 $0x4000, s31;
	s1 =	sadd.s32 s1, s30  }
0xc1: {  	s0 =	sor.u32 s3, s0;
	s1 =	sshll.u32 s1, $0x11  }
0xc2: {  	s0 =	sor.u32 s1, s0  }
0xc3: {  	s0 =	sadd.s32 $0x8F2B, s0  }
0xc4: {  	[sflag:s0] =	ssyncadd.remote.s32 $0x1  }
0xc5: {  	_ =	sfence.sel $0xFFFF  }
0xc6: {  	[dreg:$0x0] =	wrdreg $0xFFFFFFFF;
	(pc) =	sbr.abs _section_cstart, $3  }
0xc7: {  	[dreg:$0x1] =	wrdreg $0xFFFFFFFF  }
0xc8: {  	_ =	task.clear_ibuf [dreg:s11], $0x2FFFF;
	_ =	strace $0x9FFFFFFF  }
0xc9: {  	(tm) =	ssettm $0x7FFFFFFF  }
tec
execute0_lowered:
.L_overlay_start_1:
0x0: {  	(tag) =	ssettag $0x1  }
0x1: {  	s0 =	srdreg.scid  }
0x2: {  	s1 =	stileid.u32;
	s4 =	sand.u32 $0x1, s0  }
0x3: {  	s11 =	sshll.u32 s1, $0x6;
	s12 =	sshll.u32 s4, $0x5  }
0x4: {  	s1 =	sor.u32 s12, s11  }
0x5: {  	s2 =	rddreg [dreg:$0x0];
	s3 =	smin.u32 s1, $0x3C8  }
0x6: {  	s0 =	rddreg [dreg:$0x1];
	s5 =	sshll.u32 s3, $0x7  }
0x7: {  	s4 =	ssub.s32 $0x2, s4;
	s1 =	simm.s32 $0x0;
	s7 =	sor.u32 $0x10, s5  }
0x8: {  	s6 =	sshrl.u32 s4, $0x1;
	[smem:$0x7FF] =	sst s1;
	s13 =	sadd.s32 s2, s7  }
0x9: {  	s14 =	sor.u32 $0x20, s5;
	s7 =	sadd.s32 s0, s7;
	[dreg:$0x6] =	wrdreg s13  }
0xa: {  	s4 =	ssub.s32 s4, s6;
	s15 =	sadd.s32 s2, s14;
	[dreg:$0x7] =	wrdreg s7  }
0xb: {  	s16 =	sor.u32 $0x30, s5;
	s6 =	sadd.s32 s0, s14;
	[dreg:$0x8] =	wrdreg s15  }
0xc: {  	s18 =	sor.u32 $0x40, s5;
	s17 =	sadd.s32 s2, s16;
	[dreg:$0x9] =	wrdreg s6  }
0xd: {  	s20 =	sor.u32 $0x50, s5;
	s19 =	sadd.s32 s2, s18;
	[dreg:$0xa] =	wrdreg s17  }
0xe: {  	s22 =	sor.u32 $0x60, s5;
	s21 =	sadd.s32 s2, s20;
	[dreg:$0xc] =	wrdreg s19  }
0xf: {  	s24 =	sor.u32 $0x70, s5;
	s23 =	sadd.s32 s2, s22;
	[dreg:$0xe] =	wrdreg s21  }
0x10: {  	s26 =	sadd.s32 $0x400, s5;
	s25 =	sadd.s32 s2, s24;
	[dreg:$0x10] =	wrdreg s23  }
0x11: {  	s29 =	sadd.s32 $0x410, s5;
	s28 =	sadd.s32 s2, s26;
	[dreg:$0x12] =	wrdreg s25  }
0x12: {  	s31 =	sadd.s32 $0x420, s5;
	s30 =	sadd.s32 s2, s29;
	[dreg:$0x14] =	wrdreg s28  }
0x13: {  	s9 =	sadd.s32 $0x430, s5;
	s8 =	sadd.s32 s2, s31;
	[dreg:$0x16] =	wrdreg s30  }
0x14: {  	s11 =	sadd.s32 $0x440, s5;
	s10 =	sadd.s32 s2, s9;
	[dreg:$0x18] =	wrdreg s8  }
0x15: {  	s12 =	sadd.s32 s2, s11;
	[dreg:$0x1a] =	wrdreg s10  }
0x16: {  	s7 =	sadd.s32 s0, s16;
	[dreg:$0x1c] =	wrdreg s12  }
0x17: {  	s6 =	sadd.s32 s0, s18;
	[dreg:$0xb] =	wrdreg s7  }
0x18: {  	[dreg:$0xd] =	wrdreg s6;
	s7 =	sadd.s32 s0, s20  }
0x19: {  	s13 =	sadd.s32 $0x450, s5;
	s6 =	sadd.s32 s0, s22;
	[dreg:$0xf] =	wrdreg s7  }
0x1a: {  	s15 =	sadd.s32 $0x460, s5;
	s14 =	sadd.s32 s2, s13;
	[dreg:$0x11] =	wrdreg s6  }
0x1b: {  	s17 =	sadd.s32 $0x470, s5;
	s16 =	sadd.s32 s2, s15;
	[dreg:$0x1e] =	wrdreg s14  }
0x1c: {  	s19 =	sor.u32 $0x800, s5;
	s18 =	sadd.s32 s2, s17;
	[smem:$0x7D7] =	sst s16  }
0x1d: {  	s21 =	sor.u32 $0x810, s5;
	s20 =	sadd.s32 s2, s19;
	[smem:$0x7D9] =	sst s18  }
0x1e: {  	s22 =	sadd.s32 s2, s21;
	[smem:$0x7DB] =	sst s20  }
0x1f: {  	s7 =	sadd.s32 s0, s24;
	[smem:$0x7DD] =	sst s22  }
0x20: {  	s23 =	sor.u32 $0x820, s5;
	s6 =	sadd.s32 s0, s26;
	[dreg:$0x13] =	wrdreg s7  }
0x21: {  	s25 =	sor.u32 $0x830, s5;
	s24 =	sadd.s32 s2, s23;
	[dreg:$0x15] =	wrdreg s6  }
0x22: {  	s26 =	sadd.s32 s2, s25;
	[smem:$0x7DF] =	sst s24  }
0x23: {  	s7 =	sadd.s32 s0, s29;
	[smem:$0x7E1] =	sst s26  }
0x24: {  	s28 =	sor.u32 $0x840, s5;
	s6 =	sadd.s32 s0, s31;
	[dreg:$0x17] =	wrdreg s7  }
0x25: {  	s30 =	sor.u32 $0x850, s5;
	s29 =	sadd.s32 s2, s28;
	[dreg:$0x19] =	wrdreg s6  }
0x26: {  	s31 =	sadd.s32 s2, s30;
	[smem:$0x7E3] =	sst s29  }
0x27: {  	s26 =	sadd.s32 s2, s5;
	[smem:$0x7E5] =	sst s31  }
0x28: {  	[smem:$0x7F9] =	sst s26  }
0x29: {  	s7 =	sadd.s32 s0, s9;
	s29 =	rddreg [dreg:$0x4]  }
0x2a: {  	s8 =	sor.u32 $0x860, s5;
	s6 =	sadd.s32 s0, s11;
	[dreg:$0x1b] =	wrdreg s7  }
0x2b: {  	s10 =	sor.u32 $0x870, s5;
	s9 =	sadd.s32 s2, s8;
	[dreg:$0x1d] =	wrdreg s6  }
0x2c: {  	s11 =	sadd.s32 s2, s10;
	[smem:$0x7E7] =	sst s9  }
0x2d: {  	s7 =	sadd.s32 s0, s13;
	[smem:$0x7E9] =	sst s11  }
0x2e: {  	s12 =	sadd.s32 $0xC00, s5;
	s6 =	sadd.s32 s0, s15;
	[dreg:$0x1f] =	wrdreg s7  }
0x2f: {  	s14 =	sadd.s32 $0xC10, s5;
	s13 =	sadd.s32 s2, s12;
	[smem:$0x7D8] =	sst s6  }
0x30: {  	s15 =	sadd.s32 s2, s14;
	[smem:$0x7EB] =	sst s13  }
0x31: {  	s7 =	sadd.s32 s0, s17;
	[smem:$0x7ED] =	sst s15  }
0x32: {  	s16 =	sadd.s32 $0xC20, s5;
	s6 =	sadd.s32 s0, s19;
	[smem:$0x7DA] =	sst s7  }
0x33: {  	s18 =	sadd.s32 $0xC30, s5;
	s17 =	sadd.s32 s2, s16;
	[smem:$0x7DC] =	sst s6  }
0x34: {  	s19 =	sadd.s32 s2, s18;
	[smem:$0x7EF] =	sst s17  }
0x35: {  	s7 =	sadd.s32 s0, s21;
	[smem:$0x7F1] =	sst s19  }
0x36: {  	s20 =	sadd.s32 $0xC40, s5;
	s6 =	sadd.s32 s0, s23;
	[smem:$0x7DE] =	sst s7  }
0x37: {  	s22 =	sadd.s32 $0xC50, s5;
	s21 =	sadd.s32 s2, s20;
	[smem:$0x7E0] =	sst s6  }
0x38: {  	s23 =	sadd.s32 s2, s22;
	[smem:$0x7F3] =	sst s21  }
0x39: {  	s7 =	sadd.s32 s0, s25;
	[smem:$0x7F5] =	sst s23  }
0x3a: {  	s24 =	sadd.s32 $0xC60, s5;
	s6 =	sadd.s32 s0, s28;
	[smem:$0x7E2] =	sst s7  }
0x3b: {  	s25 =	sadd.s32 s2, s24;
	[smem:$0x7E4] =	sst s6  }
0x3c: {  	s28 =	sadd.s32 s0, s5;
	[smem:$0x7F7] =	sst s25  }
0x3d: {  	s7 =	sadd.s32 s0, s30;
	[smem:$0x7FA] =	sst s28  }
0x3e: {  	s5 =	sadd.s32 $0xC70, s5;
	s6 =	sadd.s32 s0, s8;
	[smem:$0x7E6] =	sst s7  }
0x3f: {  	s2 =	sadd.s32 s2, s5;
	[smem:$0x7E8] =	sst s6  }
0x40: {  	s31 =	smax.u32 s4, $0x1;
	s7 =	sadd.s32 s0, s10;
	[smem:$0x7FB] =	sst s2  }
0x41: {  	s9 =	simm.s32 $0x400;
	s6 =	sadd.s32 s0, s12;
	[smem:$0x7EA] =	sst s7  }
0x42: {  	s11 =	simm.s32 $0x800;
	[smem:$0x7EC] =	sst s6;
	s7 =	sadd.s32 s0, s14  }
0x43: {  	s13 =	simm.s32 $0x3;
	s6 =	sadd.s32 s0, s16;
	[smem:$0x7EE] =	sst s7  }
0x44: {  	s15 =	simm.s32 $0x18000;
	[smem:$0x7F0] =	sst s6;
	s7 =	sadd.s32 s0, s18  }
0x45: {  	s30 =	sshll.u32 s3, $0xB;
	s6 =	sadd.s32 s0, s20;
	[smem:$0x7F2] =	sst s7  }
0x46: {  	s8 =	simm.s32 $0x80;
	[smem:$0x7F4] =	sst s6;
	s7 =	sadd.s32 s0, s22  }
0x47: {  	s3 =	simm.s32 $0x0;
	s6 =	sadd.s32 s0, s24;
	[smem:$0x7F6] =	sst s7  }
0x48: {  	s10 =	simm.s32 $0x8000;
	s0 =	sadd.s32 s0, s5;
	[smem:$0x7F8] =	sst s6  }
0x49: {  	s14 =	simm.s32 $0x20000;
	s16 =	simm.s32 $0x1A000;
	[smem:$0x7FC] =	sst s0  }
0x4a: {  	s6 =	sadd.s32 s29, s30;
	_ =	strace $0x80000047;
	[smem:$0x7FD] =	sst s31  }
.LBB2_1:
0x4b: {  	s0 =	sld [smem:$0x7F9]  }
0x4c: {  	[smem:$0x7D6] =	sst s3  }
0x4d: {  	s26 =	sld [smem:$0x7FA]  }
0x4e: {  	[tilespmem:s1], [sflag:$0x3] =	stream.strided.gather [hbm4b:s0+s8], $0x400, s9, s8, $0x38;
	[tilespmem:$0x1C000] =	vst v63  }
0x4f: {  	s28 =	rddreg [dreg:$0x6]  }
0x50: {  	[tilespmem:s10], [sflag:$0x3] =	stream.strided.gather [hbm4b:s26+s8], $0x400, s9, s8, $0x38;
	[tilespmem:$0x1C000] =	vst v63  }
0x51: {  	s29 =	rddreg [dreg:$0x7]  }
0x52: {  	[tilespmem:s9], [sflag:$0x3] =	stream.strided.gather [hbm4b:s28+s8], $0x400, s9, s8, $0x38;
	[tilespmem:$0x1C000] =	vst v63  }
0x53: {  	s2 =	simm.s32 $0x8400;
	s3 =	rddreg [dreg:$0x8]  }
0x54: {  	[tilespmem:s2], [sflag:$0x3] =	stream.strided.gather [hbm4b:s29+s8], $0x400, s9, s8, $0x38;
	[tilespmem:$0x1C000] =	vst v63  }
0x55: {  	s4 =	rddreg [dreg:$0x9]  }
0x56: {  	[tilespmem:s11], [sflag:$0x3] =	stream.strided.gather [hbm4b:s3+s8], $0x400, s9, s8, $0x38;
	[tilespmem:$0x1C000] =	vst v63  }
0x57: {  	s5 =	simm.s32 $0x8800;
	s7 =	rddreg [dreg:$0xa]  }
0x58: {  	[tilespmem:s5], [sflag:$0x3] =	stream.strided.gather [hbm4b:s4+s8], $0x400, s9, s8, $0x38;
	[tilespmem:$0x1C000] =	vst v63  }
0x59: {  	s12 =	simm.s32 $0xC00;
	s17 =	rddreg [dreg:$0xb]  }
0x5a: {  	[tilespmem:s12], [sflag:$0x3] =	stream.strided.gather [hbm4b:s7+s8], $0x400, s9, s8, $0x38;
	[tilespmem:$0x1C000] =	vst v63  }
0x5b: {  	s18 =	simm.s32 $0x8C00;
	s19 =	rddreg [dreg:$0xc]  }
0x5c: {  	[tilespmem:s18], [sflag:$0x3] =	stream.strided.gather [hbm4b:s17+s8], $0x400, s9, s8, $0x38;
	[tilespmem:$0x1C000] =	vst v63  }
0x5d: {  	s20 =	simm.s32 $0x1000;
	s21 =	rddreg [dreg:$0xd]  }
0x5e: {  	[tilespmem:s20], [sflag:$0x3] =	stream.strided.gather [hbm4b:s19+s8], $0x400, s9, s8, $0x38;
	[tilespmem:$0x1C000] =	vst v63  }
0x5f: {  	s22 =	simm.s32 $0x9000;
	s23 =	rddreg [dreg:$0xe]  }
0x60: {  	[tilespmem:s22], [sflag:$0x3] =	stream.strided.gather [hbm4b:s21+s8], $0x400, s9, s8, $0x38;
	[tilespmem:$0x1C000] =	vst v63  }
0x61: {  	s24 =	simm.s32 $0x1400;
	s25 =	rddreg [dreg:$0xf]  }
0x62: {  	[tilespmem:s24], [sflag:$0x3] =	stream.strided.gather [hbm4b:s23+s8], $0x400, s9, s8, $0x38;
	[tilespmem:$0x1C000] =	vst v63  }
0x63: {  	s26 =	simm.s32 $0x9400;
	s28 =	rddreg [dreg:$0x10]  }
0x64: {  	[tilespmem:s26], [sflag:$0x3] =	stream.strided.gather [hbm4b:s25+s8], $0x400, s9, s8, $0x38;
	[tilespmem:$0x1C000] =	vst v63  }
0x65: {  	s29 =	simm.s32 $0x1800;
	s2 =	rddreg [dreg:$0x11]  }
0x66: {  	[tilespmem:s29], [sflag:$0x3] =	stream.strided.gather [hbm4b:s28+s8], $0x400, s9, s8, $0x38;
	[tilespmem:$0x1C000] =	vst v63  }
0x67: {  	s3 =	simm.s32 $0x9800;
	s4 =	rddreg [dreg:$0x12]  }
0x68: {  	[tilespmem:s3], [sflag:$0x3] =	stream.strided.gather [hbm4b:s2+s8], $0x400, s9, s8, $0x38;
	[tilespmem:$0x1C000] =	vst v63  }
0x69: {  	s5 =	simm.s32 $0x1C00;
	s7 =	rddreg [dreg:$0x13]  }
0x6a: {  	[tilespmem:s5], [sflag:$0x3] =	stream.strided.gather [hbm4b:s4+s8], $0x400, s9, s8, $0x38;
	[tilespmem:$0x1C000] =	vst v63  }
0x6b: {  	s12 =	simm.s32 $0x9C00;
	s17 =	rddreg [dreg:$0x14]  }
0x6c: {  	[tilespmem:s12], [sflag:$0x3] =	stream.strided.gather [hbm4b:s7+s8], $0x400, s9, s8, $0x38;
	[tilespmem:$0x1C000] =	vst v63  }
0x6d: {  	s18 =	simm.s32 $0x2000;
	s19 =	rddreg [dreg:$0x15]  }
0x6e: {  	[tilespmem:s18], [sflag:$0x3] =	stream.strided.gather [hbm4b:s17+s8], $0x400, s9, s8, $0x38;
	[tilespmem:$0x1C000] =	vst v63  }
0x6f: {  	s20 =	simm.s32 $0xA000;
	s21 =	rddreg [dreg:$0x16]  }
0x70: {  	[tilespmem:s20], [sflag:$0x3] =	stream.strided.gather [hbm4b:s19+s8], $0x400, s9, s8, $0x38;
	[tilespmem:$0x1C000] =	vst v63  }
0x71: {  	s22 =	simm.s32 $0x2400;
	s23 =	rddreg [dreg:$0x17]  }
0x72: {  	[tilespmem:s22], [sflag:$0x3] =	stream.strided.gather [hbm4b:s21+s8], $0x400, s9, s8, $0x38;
	[tilespmem:$0x1C000] =	vst v63  }
0x73: {  	s24 =	simm.s32 $0xA400;
	s25 =	rddreg [dreg:$0x18]  }
0x74: {  	[tilespmem:s24], [sflag:$0x3] =	stream.strided.gather [hbm4b:s23+s8], $0x400, s9, s8, $0x38;
	[tilespmem:$0x1C000] =	vst v63  }
0x75: {  	s26 =	simm.s32 $0x2800;
	s28 =	rddreg [dreg:$0x19]  }
0x76: {  	[tilespmem:s26], [sflag:$0x3] =	stream.strided.gather [hbm4b:s25+s8], $0x400, s9, s8, $0x38;
	[tilespmem:$0x1C000] =	vst v63  }
0x77: {  	s29 =	simm.s32 $0xA800;
	s2 =	rddreg [dreg:$0x1a]  }
0x78: {  	[tilespmem:s29], [sflag:$0x3] =	stream.strided.gather [hbm4b:s28+s8], $0x400, s9, s8, $0x38;
	[tilespmem:$0x1C000] =	vst v63  }
0x79: {  	s3 =	simm.s32 $0x2C00;
	s4 =	rddreg [dreg:$0x1b]  }
0x7a: {  	[tilespmem:s3], [sflag:$0x3] =	stream.strided.gather [hbm4b:s2+s8], $0x400, s9, s8, $0x38;
	[tilespmem:$0x1C000] =	vst v63  }
0x7b: {  	s5 =	simm.s32 $0xAC00;
	s7 =	rddreg [dreg:$0x1c]  }
0x7c: {  	[tilespmem:s5], [sflag:$0x3] =	stream.strided.gather [hbm4b:s4+s8], $0x400, s9, s8, $0x38;
	[tilespmem:$0x1C000] =	vst v63  }
0x7d: {  	s12 =	simm.s32 $0x3000;
	s17 =	rddreg [dreg:$0x1d]  }
0x7e: {  	[tilespmem:s12], [sflag:$0x3] =	stream.strided.gather [hbm4b:s7+s8], $0x400, s9, s8, $0x38;
	[tilespmem:$0x1C000] =	vst v63  }
0x7f: {  	s18 =	simm.s32 $0xB000;
	s19 =	rddreg [dreg:$0x1e]  }
0x80: {  	[tilespmem:s18], [sflag:$0x3] =	stream.strided.gather [hbm4b:s17+s8], $0x400, s9, s8, $0x38;
	[tilespmem:$0x1C000] =	vst v63  }
0x81: {  	s20 =	simm.s32 $0x3400;
	s21 =	rddreg [dreg:$0x1f]  }
0x82: {  	[tilespmem:s20], [sflag:$0x3] =	stream.strided.gather [hbm4b:s19+s8], $0x400, s9, s8, $0x38;
	[tilespmem:$0x1C000] =	vst v63  }
0x83: {  	s22 =	simm.s32 $0xB400;
	s23 =	sld [smem:$0x7D7]  }
0x84: {  	[tilespmem:s22], [sflag:$0x3] =	stream.strided.gather [hbm4b:s21+s8], $0x400, s9, s8, $0x38;
	[tilespmem:$0x1C000] =	vst v63  }
0x85: {  	s24 =	simm.s32 $0x3800;
	s25 =	sld [smem:$0x7D8]  }
0x86: {  	[tilespmem:s24], [sflag:$0x3] =	stream.strided.gather [hbm4b:s23+s8], $0x400, s9, s8, $0x38;
	[tilespmem:$0x1C000] =	vst v63  }
0x87: {  	s26 =	simm.s32 $0xB800;
	s28 =	sld [smem:$0x7D9]  }
0x88: {  	[tilespmem:s26], [sflag:$0x3] =	stream.strided.gather [hbm4b:s25+s8], $0x400, s9, s8, $0x38;
	[tilespmem:$0x1C000] =	vst v63  }
0x89: {  	s29 =	simm.s32 $0x3C00;
	s2 =	sld [smem:$0x7DA]  }
0x8a: {  	[tilespmem:s29], [sflag:$0x3] =	stream.strided.gather [hbm4b:s28+s8], $0x400, s9, s8, $0x38;
	[tilespmem:$0x1C000] =	vst v63  }
0x8b: {  	s3 =	simm.s32 $0xBC00;
	s4 =	sld [smem:$0x7DB]  }
0x8c: {  	[tilespmem:s3], [sflag:$0x3] =	stream.strided.gather [hbm4b:s2+s8], $0x400, s9, s8, $0x38;
	[tilespmem:$0x1C000] =	vst v63  }
0x8d: {  	s5 =	simm.s32 $0x4000;
	s7 =	sld [smem:$0x7DC]  }
0x8e: {  	[tilespmem:s5], [sflag:$0x3] =	stream.strided.gather [hbm4b:s4+s8], $0x400, s9, s8, $0x38;
	[tilespmem:$0x1C000] =	vst v63  }
0x8f: {  	s12 =	simm.s32 $0xC000;
	s17 =	sld [smem:$0x7DD]  }
0x90: {  	[tilespmem:s12], [sflag:$0x3] =	stream.strided.gather [hbm4b:s7+s8], $0x400, s9, s8, $0x38;
	[tilespmem:$0x1C000] =	vst v63  }
0x91: {  	s18 =	simm.s32 $0x4400;
	s19 =	sld [smem:$0x7DE]  }
0x92: {  	[tilespmem:s18], [sflag:$0x3] =	stream.strided.gather [hbm4b:s17+s8], $0x400, s9, s8, $0x38;
	[tilespmem:$0x1C000] =	vst v63  }
0x93: {  	s20 =	simm.s32 $0xC400;
	s21 =	sld [smem:$0x7DF]  }
0x94: {  	[tilespmem:s20], [sflag:$0x3] =	stream.strided.gather [hbm4b:s19+s8], $0x400, s9, s8, $0x38;
	[tilespmem:$0x1C000] =	vst v63  }
0x95: {  	s22 =	simm.s32 $0x4800;
	s23 =	sld [smem:$0x7E0]  }
0x96: {  	[tilespmem:s22], [sflag:$0x3] =	stream.strided.gather [hbm4b:s21+s8], $0x400, s9, s8, $0x38;
	[tilespmem:$0x1C000] =	vst v63  }
0x97: {  	s24 =	simm.s32 $0xC800;
	s25 =	sld [smem:$0x7E1]  }
0x98: {  	[tilespmem:s24], [sflag:$0x3] =	stream.strided.gather [hbm4b:s23+s8], $0x400, s9, s8, $0x38;
	[tilespmem:$0x1C000] =	vst v63  }
0x99: {  	s26 =	simm.s32 $0x4C00;
	s28 =	sld [smem:$0x7E2]  }
0x9a: {  	[tilespmem:s26], [sflag:$0x3] =	stream.strided.gather [hbm4b:s25+s8], $0x400, s9, s8, $0x38;
	[tilespmem:$0x1C000] =	vst v63  }
0x9b: {  	s29 =	simm.s32 $0xCC00;
	s2 =	sld [smem:$0x7E3]  }
0x9c: {  	[tilespmem:s29], [sflag:$0x3] =	stream.strided.gather [hbm4b:s28+s8], $0x400, s9, s8, $0x38;
	[tilespmem:$0x1C000] =	vst v63  }
0x9d: {  	s3 =	simm.s32 $0x5000;
	s4 =	sld [smem:$0x7E4]  }
0x9e: {  	[tilespmem:s3], [sflag:$0x3] =	stream.strided.gather [hbm4b:s2+s8], $0x400, s9, s8, $0x38;
	[tilespmem:$0x1C000] =	vst v63  }
0x9f: {  	s5 =	simm.s32 $0xD000;
	s7 =	sld [smem:$0x7E5]  }
0xa0: {  	[tilespmem:s5], [sflag:$0x3] =	stream.strided.gather [hbm4b:s4+s8], $0x400, s9, s8, $0x38;
	[tilespmem:$0x1C000] =	vst v63  }
0xa1: {  	s12 =	simm.s32 $0x5400;
	s17 =	sld [smem:$0x7E6]  }
0xa2: {  	[tilespmem:s12], [sflag:$0x3] =	stream.strided.gather [hbm4b:s7+s8], $0x400, s9, s8, $0x38;
	[tilespmem:$0x1C000] =	vst v63  }
0xa3: {  	s18 =	simm.s32 $0xD400;
	s19 =	sld [smem:$0x7E7]  }
0xa4: {  	[tilespmem:s18], [sflag:$0x3] =	stream.strided.gather [hbm4b:s17+s8], $0x400, s9, s8, $0x38;
	[tilespmem:$0x1C000] =	vst v63  }
0xa5: {  	s20 =	simm.s32 $0x5800;
	s21 =	sld [smem:$0x7E8]  }
0xa6: {  	[tilespmem:s20], [sflag:$0x3] =	stream.strided.gather [hbm4b:s19+s8], $0x400, s9, s8, $0x38;
	[tilespmem:$0x1C000] =	vst v63  }
0xa7: {  	s22 =	simm.s32 $0xD800;
	s23 =	sld [smem:$0x7E9]  }
0xa8: {  	[tilespmem:s22], [sflag:$0x3] =	stream.strided.gather [hbm4b:s21+s8], $0x400, s9, s8, $0x38;
	[tilespmem:$0x1C000] =	vst v63  }
0xa9: {  	s24 =	simm.s32 $0x5C00;
	s25 =	sld [smem:$0x7EA]  }
0xaa: {  	[tilespmem:s24], [sflag:$0x3] =	stream.strided.gather [hbm4b:s23+s8], $0x400, s9, s8, $0x38;
	[tilespmem:$0x1C000] =	vst v63  }
0xab: {  	s26 =	simm.s32 $0xDC00;
	s28 =	sld [smem:$0x7EB]  }
0xac: {  	[tilespmem:s26], [sflag:$0x3] =	stream.strided.gather [hbm4b:s25+s8], $0x400, s9, s8, $0x38;
	[tilespmem:$0x1C000] =	vst v63  }
0xad: {  	s29 =	simm.s32 $0x6000;
	s2 =	sld [smem:$0x7EC]  }
0xae: {  	[tilespmem:s29], [sflag:$0x3] =	stream.strided.gather [hbm4b:s28+s8], $0x400, s9, s8, $0x38;
	[tilespmem:$0x1C000] =	vst v63  }
0xaf: {  	s3 =	simm.s32 $0xE000;
	s4 =	sld [smem:$0x7ED]  }
0xb0: {  	[tilespmem:s3], [sflag:$0x3] =	stream.strided.gather [hbm4b:s2+s8], $0x400, s9, s8, $0x38;
	[tilespmem:$0x1C000] =	vst v63  }
0xb1: {  	s5 =	simm.s32 $0x6400;
	s7 =	sld [smem:$0x7EE]  }
0xb2: {  	[tilespmem:s5], [sflag:$0x3] =	stream.strided.gather [hbm4b:s4+s8], $0x400, s9, s8, $0x38;
	[tilespmem:$0x1C000] =	vst v63  }
0xb3: {  	s12 =	simm.s32 $0xE400;
	s17 =	sld [smem:$0x7EF]  }
0xb4: {  	[tilespmem:s12], [sflag:$0x3] =	stream.strided.gather [hbm4b:s7+s8], $0x400, s9, s8, $0x38;
	[tilespmem:$0x1C000] =	vst v63  }
0xb5: {  	s18 =	simm.s32 $0x6800;
	s19 =	sld [smem:$0x7F0]  }
0xb6: {  	[tilespmem:s18], [sflag:$0x3] =	stream.strided.gather [hbm4b:s17+s8], $0x400, s9, s8, $0x38;
	[tilespmem:$0x1C000] =	vst v63  }
0xb7: {  	s20 =	simm.s32 $0xE800;
	s21 =	sld [smem:$0x7F1]  }
0xb8: {  	[tilespmem:s20], [sflag:$0x3] =	stream.strided.gather [hbm4b:s19+s8], $0x400, s9, s8, $0x38;
	[tilespmem:$0x1C000] =	vst v63  }
0xb9: {  	s22 =	simm.s32 $0x6C00;
	s23 =	sld [smem:$0x7F2]  }
0xba: {  	[tilespmem:s22], [sflag:$0x3] =	stream.strided.gather [hbm4b:s21+s8], $0x400, s9, s8, $0x38;
	[tilespmem:$0x1C000] =	vst v63  }
0xbb: {  	s24 =	simm.s32 $0xEC00;
	s25 =	sld [smem:$0x7F3]  }
0xbc: {  	[tilespmem:s24], [sflag:$0x3] =	stream.strided.gather [hbm4b:s23+s8], $0x400, s9, s8, $0x38;
	[tilespmem:$0x1C000] =	vst v63  }
0xbd: {  	s26 =	simm.s32 $0x7000;
	s28 =	sld [smem:$0x7F4]  }
0xbe: {  	[tilespmem:s26], [sflag:$0x3] =	stream.strided.gather [hbm4b:s25+s8], $0x400, s9, s8, $0x38;
	[tilespmem:$0x1C000] =	vst v63  }
0xbf: {  	s29 =	simm.s32 $0xF000;
	s3 =	sld [smem:$0x7F5]  }
0xc0: {  	[tilespmem:s29], [sflag:$0x3] =	stream.strided.gather [hbm4b:s28+s8], $0x400, s9, s8, $0x38;
	[tilespmem:$0x1C000] =	vst v63  }
0xc1: {  	s4 =	simm.s32 $0x7400;
	s5 =	sld [smem:$0x7F6]  }
0xc2: {  	[tilespmem:s4], [sflag:$0x3] =	stream.strided.gather [hbm4b:s3+s8], $0x400, s9, s8, $0x38;
	[tilespmem:$0x1C000] =	vst v63  }
0xc3: {  	s7 =	simm.s32 $0xF400;
	s12 =	sld [smem:$0x7F7]  }
0xc4: {  	[tilespmem:s7], [sflag:$0x3] =	stream.strided.gather [hbm4b:s5+s8], $0x400, s9, s8, $0x38;
	[tilespmem:$0x1C000] =	vst v63  }
0xc5: {  	s17 =	simm.s32 $0x7800;
	s18 =	sld [smem:$0x7F8]  }
0xc6: {  	[tilespmem:s17], [sflag:$0x3] =	stream.strided.gather [hbm4b:s12+s8], $0x400, s9, s8, $0x38;
	[tilespmem:$0x1C000] =	vst v63  }
0xc7: {  	s19 =	simm.s32 $0xF800;
	s20 =	sld [smem:$0x7FB]  }
0xc8: {  	[tilespmem:s19], [sflag:$0x3] =	stream.strided.gather [hbm4b:s18+s8], $0x400, s9, s8, $0x38;
	[tilespmem:$0x1C000] =	vst v63  }
0xc9: {  	s21 =	simm.s32 $0x7C00;
	s22 =	sld [smem:$0x7FC]  }
0xca: {  	[tilespmem:s21], [sflag:$0x3] =	stream.strided.gather [hbm4b:s20+s8], $0x400, s9, s8, $0x38;
	[tilespmem:$0x1C000] =	vst v63  }
0xcb: {  	s23 =	simm.s32 $0xFC00  }
0xcc: {  	[tilespmem:s23], [sflag:$0x3] =	stream.strided.gather [hbm4b:s22+s8], $0x400, s9, s8, $0x38;
	[tilespmem:$0x1C000] =	vst v63  }
0xcd: {  	s24 =	rddreg [dreg:$0x2];
	s25 =	simm.s32 $0x10000;
	s26 =	simm.s32 $0x4  }
0xce: {  	[tilespmem:s25], [sflag:$0x4] =	stream.linear.gather [hbm4b:s24+s1], $0x4000, $0x38;
	[tilespmem:$0x1C000] =	vst v63  }
0xcf: {  	_ =	swait.ge [sflag:s26], $0x4000  }
0xd0: {  	[sflag:s26] =	ssyncset.done $0x0  }
0xd1: {  	[sflag:s26] =	ssyncadd.s32 $0xFFFFC000  }
0xd2: {  	s29 =	simm.s32 $0x14000;
	s28 =	rddreg [dreg:$0x3]  }
0xd3: {  	[tilespmem:s29], [sflag:$0x4] =	stream.linear.gather [hbm4b:s28+s1], $0x4000, $0x38;
	[tilespmem:$0x1C000] =	vst v63  }
0xd4: {  	_ =	swait.ge [sflag:s26], $0x4000  }
0xd5: {  	[sflag:s26] =	ssyncset.done $0x0  }
0xd6: {  	[sflag:s26] =	ssyncadd.s32 $0xFFFFC000  }
0xd7: {  	_ =	swait.ge [sflag:s13], $0x400  }
0xd8: {  	[sflag:s13] =	ssyncset.done $0x0  }
0xd9: {  	[sflag:s13] =	ssyncadd.s32 $0xFFFFFC00  }
0xda: {  	_ =	swait.ge [sflag:s13], $0x400  }
0xdb: {  	[sflag:s13] =	ssyncset.done $0x0  }
0xdc: {  	[sflag:s13] =	ssyncadd.s32 $0xFFFFFC00  }
0xdd: {  	_ =	swait.ge [sflag:s13], $0x400  }
0xde: {  	[sflag:s13] =	ssyncset.done $0x0  }
0xdf: {  	[sflag:s13] =	ssyncadd.s32 $0xFFFFFC00  }
0xe0: {  	_ =	swait.ge [sflag:s13], $0x400  }
0xe1: {  	[sflag:s13] =	ssyncset.done $0x0  }
0xe2: {  	[sflag:s13] =	ssyncadd.s32 $0xFFFFFC00  }
0xe3: {  	_ =	swait.ge [sflag:s13], $0x400  }
0xe4: {  	[sflag:s13] =	ssyncset.done $0x0  }
0xe5: {  	[sflag:s13] =	ssyncadd.s32 $0xFFFFFC00  }
0xe6: {  	_ =	swait.ge [sflag:s13], $0x400  }
0xe7: {  	[sflag:s13] =	ssyncset.done $0x0  }
0xe8: {  	[sflag:s13] =	ssyncadd.s32 $0xFFFFFC00  }
0xe9: {  	_ =	swait.ge [sflag:s13], $0x400  }
0xea: {  	[sflag:s13] =	ssyncset.done $0x0  }
0xeb: {  	[sflag:s13] =	ssyncadd.s32 $0xFFFFFC00  }
0xec: {  	_ =	swait.ge [sflag:s13], $0x400  }
0xed: {  	[sflag:s13] =	ssyncset.done $0x0  }
0xee: {  	[sflag:s13] =	ssyncadd.s32 $0xFFFFFC00  }
0xef: {  	_ =	swait.ge [sflag:s13], $0x400  }
0xf0: {  	[sflag:s13] =	ssyncset.done $0x0  }
0xf1: {  	[sflag:s13] =	ssyncadd.s32 $0xFFFFFC00  }
0xf2: {  	_ =	swait.ge [sflag:s13], $0x400  }
0xf3: {  	[sflag:s13] =	ssyncset.done $0x0  }
0xf4: {  	[sflag:s13] =	ssyncadd.s32 $0xFFFFFC00  }
0xf5: {  	_ =	swait.ge [sflag:s13], $0x400  }
0xf6: {  	[sflag:s13] =	ssyncset.done $0x0  }
0xf7: {  	[sflag:s13] =	ssyncadd.s32 $0xFFFFFC00  }
0xf8: {  	_ =	swait.ge [sflag:s13], $0x400  }
0xf9: {  	[sflag:s13] =	ssyncset.done $0x0  }
0xfa: {  	[sflag:s13] =	ssyncadd.s32 $0xFFFFFC00  }
0xfb: {  	_ =	swait.ge [sflag:s13], $0x400  }
0xfc: {  	[sflag:s13] =	ssyncset.done $0x0  }
0xfd: {  	[sflag:s13] =	ssyncadd.s32 $0xFFFFFC00  }
0xfe: {  	_ =	swait.ge [sflag:s13], $0x400  }
0xff: {  	[sflag:s13] =	ssyncset.done $0x0  }
0x100: {  	[sflag:s13] =	ssyncadd.s32 $0xFFFFFC00  }
0x101: {  	_ =	swait.ge [sflag:s13], $0x400  }
0x102: {  	[sflag:s13] =	ssyncset.done $0x0  }
0x103: {  	[sflag:s13] =	ssyncadd.s32 $0xFFFFFC00  }
0x104: {  	_ =	swait.ge [sflag:s13], $0x400  }
0x105: {  	[sflag:s13] =	ssyncset.done $0x0  }
0x106: {  	[sflag:s13] =	ssyncadd.s32 $0xFFFFFC00  }
0x107: {  	_ =	swait.ge [sflag:s13], $0x400  }
0x108: {  	[sflag:s13] =	ssyncset.done $0x0  }
0x109: {  	[sflag:s13] =	ssyncadd.s32 $0xFFFFFC00  }
0x10a: {  	_ =	swait.ge [sflag:s13], $0x400  }
0x10b: {  	[sflag:s13] =	ssyncset.done $0x0  }
0x10c: {  	[sflag:s13] =	ssyncadd.s32 $0xFFFFFC00  }
0x10d: {  	_ =	swait.ge [sflag:s13], $0x400  }
0x10e: {  	[sflag:s13] =	ssyncset.done $0x0  }
0x10f: {  	[sflag:s13] =	ssyncadd.s32 $0xFFFFFC00  }
0x110: {  	_ =	swait.ge [sflag:s13], $0x400  }
0x111: {  	[sflag:s13] =	ssyncset.done $0x0  }
0x112: {  	[sflag:s13] =	ssyncadd.s32 $0xFFFFFC00  }
0x113: {  	_ =	swait.ge [sflag:s13], $0x400  }
0x114: {  	[sflag:s13] =	ssyncset.done $0x0  }
0x115: {  	[sflag:s13] =	ssyncadd.s32 $0xFFFFFC00  }
0x116: {  	_ =	swait.ge [sflag:s13], $0x400  }
0x117: {  	[sflag:s13] =	ssyncset.done $0x0  }
0x118: {  	[sflag:s13] =	ssyncadd.s32 $0xFFFFFC00  }
0x119: {  	_ =	swait.ge [sflag:s13], $0x400  }
0x11a: {  	[sflag:s13] =	ssyncset.done $0x0  }
0x11b: {  	[sflag:s13] =	ssyncadd.s32 $0xFFFFFC00  }
0x11c: {  	_ =	swait.ge [sflag:s13], $0x400  }
0x11d: {  	[sflag:s13] =	ssyncset.done $0x0  }
0x11e: {  	[sflag:s13] =	ssyncadd.s32 $0xFFFFFC00  }
0x11f: {  	_ =	swait.ge [sflag:s13], $0x400  }
0x120: {  	[sflag:s13] =	ssyncset.done $0x0  }
0x121: {  	[sflag:s13] =	ssyncadd.s32 $0xFFFFFC00  }
0x122: {  	_ =	swait.ge [sflag:s13], $0x400  }
0x123: {  	[sflag:s13] =	ssyncset.done $0x0  }
0x124: {  	[sflag:s13] =	ssyncadd.s32 $0xFFFFFC00  }
0x125: {  	_ =	swait.ge [sflag:s13], $0x400  }
0x126: {  	[sflag:s13] =	ssyncset.done $0x0  }
0x127: {  	[sflag:s13] =	ssyncadd.s32 $0xFFFFFC00  }
0x128: {  	_ =	swait.ge [sflag:s13], $0x400  }
0x129: {  	[sflag:s13] =	ssyncset.done $0x0  }
0x12a: {  	[sflag:s13] =	ssyncadd.s32 $0xFFFFFC00  }
0x12b: {  	_ =	swait.ge [sflag:s13], $0x400  }
0x12c: {  	[sflag:s13] =	ssyncset.done $0x0  }
0x12d: {  	[sflag:s13] =	ssyncadd.s32 $0xFFFFFC00  }
0x12e: {  	_ =	swait.ge [sflag:s13], $0x400  }
0x12f: {  	[sflag:s13] =	ssyncset.done $0x0  }
0x130: {  	[sflag:s13] =	ssyncadd.s32 $0xFFFFFC00  }
0x131: {  	_ =	swait.ge [sflag:s13], $0x400  }
0x132: {  	[sflag:s13] =	ssyncset.done $0x0  }
0x133: {  	[sflag:s13] =	ssyncadd.s32 $0xFFFFFC00  }
0x134: {  	_ =	swait.ge [sflag:s13], $0x400  }
0x135: {  	[sflag:s13] =	ssyncset.done $0x0  }
0x136: {  	[sflag:s13] =	ssyncadd.s32 $0xFFFFFC00  }
0x137: {  	_ =	swait.ge [sflag:s13], $0x400  }
0x138: {  	[sflag:s13] =	ssyncset.done $0x0  }
0x139: {  	[sflag:s13] =	ssyncadd.s32 $0xFFFFFC00  }
0x13a: {  	_ =	swait.ge [sflag:s13], $0x400  }
0x13b: {  	[sflag:s13] =	ssyncset.done $0x0  }
0x13c: {  	[sflag:s13] =	ssyncadd.s32 $0xFFFFFC00  }
0x13d: {  	_ =	swait.ge [sflag:s13], $0x400  }
0x13e: {  	[sflag:s13] =	ssyncset.done $0x0  }
0x13f: {  	[sflag:s13] =	ssyncadd.s32 $0xFFFFFC00  }
0x140: {  	_ =	swait.ge [sflag:s13], $0x400  }
0x141: {  	[sflag:s13] =	ssyncset.done $0x0  }
0x142: {  	[sflag:s13] =	ssyncadd.s32 $0xFFFFFC00  }
0x143: {  	_ =	swait.ge [sflag:s13], $0x400  }
0x144: {  	[sflag:s13] =	ssyncset.done $0x0  }
0x145: {  	[sflag:s13] =	ssyncadd.s32 $0xFFFFFC00  }
0x146: {  	_ =	swait.ge [sflag:s13], $0x400  }
0x147: {  	[sflag:s13] =	ssyncset.done $0x0  }
0x148: {  	[sflag:s13] =	ssyncadd.s32 $0xFFFFFC00  }
0x149: {  	_ =	swait.ge [sflag:s13], $0x400  }
0x14a: {  	[sflag:s13] =	ssyncset.done $0x0  }
0x14b: {  	[sflag:s13] =	ssyncadd.s32 $0xFFFFFC00  }
0x14c: {  	_ =	swait.ge [sflag:s13], $0x400  }
0x14d: {  	[sflag:s13] =	ssyncset.done $0x0  }
0x14e: {  	[sflag:s13] =	ssyncadd.s32 $0xFFFFFC00  }
0x14f: {  	_ =	swait.ge [sflag:s13], $0x400  }
0x150: {  	[sflag:s13] =	ssyncset.done $0x0  }
0x151: {  	[sflag:s13] =	ssyncadd.s32 $0xFFFFFC00  }
0x152: {  	_ =	swait.ge [sflag:s13], $0x400  }
0x153: {  	[sflag:s13] =	ssyncset.done $0x0  }
0x154: {  	[sflag:s13] =	ssyncadd.s32 $0xFFFFFC00  }
0x155: {  	_ =	swait.ge [sflag:s13], $0x400  }
0x156: {  	[sflag:s13] =	ssyncset.done $0x0  }
0x157: {  	[sflag:s13] =	ssyncadd.s32 $0xFFFFFC00  }
0x158: {  	_ =	swait.ge [sflag:s13], $0x400  }
0x159: {  	[sflag:s13] =	ssyncset.done $0x0  }
0x15a: {  	[sflag:s13] =	ssyncadd.s32 $0xFFFFFC00  }
0x15b: {  	_ =	swait.ge [sflag:s13], $0x400  }
0x15c: {  	[sflag:s13] =	ssyncset.done $0x0  }
0x15d: {  	[sflag:s13] =	ssyncadd.s32 $0xFFFFFC00  }
0x15e: {  	_ =	swait.ge [sflag:s13], $0x400  }
0x15f: {  	[sflag:s13] =	ssyncset.done $0x0  }
0x160: {  	[sflag:s13] =	ssyncadd.s32 $0xFFFFFC00  }
0x161: {  	_ =	swait.ge [sflag:s13], $0x400  }
0x162: {  	[sflag:s13] =	ssyncset.done $0x0  }
0x163: {  	[sflag:s13] =	ssyncadd.s32 $0xFFFFFC00  }
0x164: {  	_ =	swait.ge [sflag:s13], $0x400  }
0x165: {  	[sflag:s13] =	ssyncset.done $0x0  }
0x166: {  	[sflag:s13] =	ssyncadd.s32 $0xFFFFFC00  }
0x167: {  	_ =	swait.ge [sflag:s13], $0x400  }
0x168: {  	[sflag:s13] =	ssyncset.done $0x0  }
0x169: {  	[sflag:s13] =	ssyncadd.s32 $0xFFFFFC00  }
0x16a: {  	_ =	swait.ge [sflag:s13], $0x400  }
0x16b: {  	[sflag:s13] =	ssyncset.done $0x0  }
0x16c: {  	[sflag:s13] =	ssyncadd.s32 $0xFFFFFC00  }
0x16d: {  	_ =	swait.ge [sflag:s13], $0x400  }
0x16e: {  	[sflag:s13] =	ssyncset.done $0x0  }
0x16f: {  	[sflag:s13] =	ssyncadd.s32 $0xFFFFFC00  }
0x170: {  	_ =	swait.ge [sflag:s13], $0x400  }
0x171: {  	[sflag:s13] =	ssyncset.done $0x0  }
0x172: {  	[sflag:s13] =	ssyncadd.s32 $0xFFFFFC00  }
0x173: {  	_ =	swait.ge [sflag:s13], $0x400  }
0x174: {  	[sflag:s13] =	ssyncset.done $0x0  }
0x175: {  	[sflag:s13] =	ssyncadd.s32 $0xFFFFFC00  }
0x176: {  	_ =	swait.ge [sflag:s13], $0x400  }
0x177: {  	[sflag:s13] =	ssyncset.done $0x0  }
0x178: {  	[sflag:s13] =	ssyncadd.s32 $0xFFFFFC00  }
0x179: {  	_ =	swait.ge [sflag:s13], $0x400  }
0x17a: {  	[sflag:s13] =	ssyncset.done $0x0  }
0x17b: {  	[sflag:s13] =	ssyncadd.s32 $0xFFFFFC00  }
0x17c: {  	_ =	swait.ge [sflag:s13], $0x400  }
0x17d: {  	[sflag:s13] =	ssyncset.done $0x0  }
0x17e: {  	[sflag:s13] =	ssyncadd.s32 $0xFFFFFC00  }
0x17f: {  	_ =	swait.ge [sflag:s13], $0x400  }
0x180: {  	[sflag:s13] =	ssyncset.done $0x0  }
0x181: {  	[sflag:s13] =	ssyncadd.s32 $0xFFFFFC00  }
0x182: {  	_ =	swait.ge [sflag:s13], $0x400  }
0x183: {  	[sflag:s13] =	ssyncset.done $0x0  }
0x184: {  	[sflag:s13] =	ssyncadd.s32 $0xFFFFFC00  }
0x185: {  	_ =	swait.ge [sflag:s13], $0x400  }
0x186: {  	[sflag:s13] =	ssyncset.done $0x0  }
0x187: {  	[sflag:s13] =	ssyncadd.s32 $0xFFFFFC00  }
0x188: {  	_ =	swait.ge [sflag:s13], $0x400  }
0x189: {  	[sflag:s13] =	ssyncset.done $0x0  }
0x18a: {  	[sflag:s13] =	ssyncadd.s32 $0xFFFFFC00  }
0x18b: {  	_ =	swait.ge [sflag:s13], $0x400  }
0x18c: {  	[sflag:s13] =	ssyncset.done $0x0  }
0x18d: {  	[sflag:s13] =	ssyncadd.s32 $0xFFFFFC00  }
0x18e: {  	_ =	swait.ge [sflag:s13], $0x400  }
0x18f: {  	[sflag:s13] =	ssyncset.done $0x0  }
0x190: {  	[sflag:s13] =	ssyncadd.s32 $0xFFFFFC00  }
0x191: {  	_ =	swait.ge [sflag:s13], $0x400  }
0x192: {  	[sflag:s13] =	ssyncset.done $0x0  }
0x193: {  	[sflag:s13] =	ssyncadd.s32 $0xFFFFFC00  }
0x194: {  	s31 =	simm.s32 $0x14010;
	_ =	swait.ge [sflag:s13], $0x400  }
0x195: {  	s30 =	simm.s32 $0x10010;
	s22 =	simm.s32 $0x14110;
	[sflag:s13] =	ssyncset.done $0x0  }
0x196: {  	s23 =	simm.s32 $0x10110;
	s24 =	simm.s32 $0x0;
	[sflag:s13] =	ssyncadd.s32 $0xFFFFFC00  }
.LBB2_2:
0x197: {  	p0 =	seq.s32 s24, $0x0;
	s26 =	sshll.u32 s24, $0x9  }
0x198: {  	s28 =	simm.s32 $0xFFFFF800;
	s29 =	simm.s32 $0x0;
	s0 =	simm.s32 @!p0 $0x1  }
0x199: {  	s21 =	smov.u32 s30;
	s20 =	smov.u32 s31;
	_ =	swait.ge @!p0 [sflag:s0], $0x2000  }
0x19a: {  	s2 =	simm.s32 $0x0;
	s3 =	simm.s32 $0x0;
	[sflag:s0] =	ssyncset.done @!p0 $0x0  }
0x19b: {  	s25 =	sor.u32 $0x100, s26;
	[sflag:s0] =	ssyncadd.s32 @!p0 $0xFFFFE000;
	s0 =	simm.s32 $0x0  }
.LBB2_3:
0x19c: {  	v3 =	vld [tilespmem:s21+$0xFFFFFFF0]  }
0x19d: {  	v2 =	vld [tilespmem:s20+$0xFFFFFFF0]  }
0x19e: {  	v1 =	vld [tilespmem:s21+$0x0]  }
0x19f: {  	v0 =	vld [tilespmem:s20+$0x0];
	_ =	sdelay $0x3  }
0x1a0: {  	v4 =	vadd.s32 $0x400, v3  }
0x1a1: {  	v6 =	vadd.s32 $0x400, v2;
	v5 =	vld.idx.msk [tilespmem:v3+s1+$0x0], $0xffff  }
0x1a2: {  	v8 =	vadd.s32 $0x400, v1;
	v7 =	vld.idx.msk [tilespmem:v2+s10+$0x0], $0xffff  }
0x1a3: {  	v10 =	vadd.s32 $0x400, v0;
	v9 =	vld.idx.msk [tilespmem:v1+s1+$0x0], $0xffff  }
0x1a4: {  	v12 =	vadd.s32 $0x800, v3;
	v11 =	vld.idx.msk [tilespmem:v0+s10+$0x0], $0xffff  }
0x1a5: {  	v13 =	vadd.s32 $0x800, v2;
	v4 =	vld.idx.msk [tilespmem:v4+s1+$0x0], $0xffff  }
0x1a6: {  	v14 =	vadd.s32 $0x800, v1;
	v6 =	vld.idx.msk [tilespmem:v6+s10+$0x0], $0xffff  }
0x1a7: {  	v15 =	vadd.s32 $0x800, v0;
	v8 =	vld.idx.msk [tilespmem:v8+s1+$0x0], $0xffff  }
0x1a8: {  	s17 =	sadd.s32 $0x800, s28;
	v10 =	vld.idx.msk [tilespmem:v10+s10+$0x0], $0xffff  }
0x1a9: {  	s4 =	sand.u32 $0x400, s17;
	v16 =	vadd.s32 $0xC00, v3;
	v12 =	vld.idx.msk [tilespmem:v12+s1+$0x0], $0xffff  }
0x1aa: {  	s18 =	sadd.s32 $0x10, s3;
	s5 =	sand.u32 $0x60, s3;
	s19 =	sor.u32 $0x18000, s4;
	v37 =	vadd.s32 $0xC00, v2;
	v13 =	vld.idx.msk [tilespmem:v13+s10+$0x0], $0xffff;
	v5 =	vadd.f32 v7, v5  }
0x1ab: {  	s7 =	sand.u32 $0x70, s18;
	s12 =	sor.u32 s5, s19;
	v38 =	vadd.s32 $0xC00, v1;
	v14 =	vld.idx.msk [tilespmem:v14+s1+$0x0], $0xffff;
	v9 =	vadd.f32 v11, v9  }
0x1ac: {  	s19 =	sor.u32 s7, s19;
	v39 =	vadd.s32 $0xC00, v0;
	v15 =	vld.idx.msk [tilespmem:v15+s10+$0x0], $0xffff;
	[tilespmem:s12+$0x0] =	vst v5  }
0x1ad: {  	[tilespmem:s19+$0x0] =	vst v9  }
0x1ae: {  	v40 =	vadd.s32 $0x1000, v3;
	v9 =	vld.idx.msk [tilespmem:v16+s1+$0x0], $0xffff  }
0x1af: {  	v41 =	vadd.s32 $0x1000, v2;
	v4 =	vadd.f32 v6, v4;
	v7 =	vld.idx.msk [tilespmem:v37+s10+$0x0], $0xffff  }
0x1b0: {  	v42 =	vadd.s32 $0x1000, v1;
	v8 =	vadd.f32 v10, v8;
	v11 =	vld.idx.msk [tilespmem:v38+s1+$0x0], $0xffff  }
0x1b1: {  	v43 =	vadd.s32 $0x1000, v0;
	v5 =	vld.idx.msk [tilespmem:v39+s10+$0x0], $0xffff;
	[tilespmem:s12+$0x80] =	vst v4  }
0x1b2: {  	[tilespmem:s19+$0x80] =	vst v8  }
0x1b3: {  	v44 =	vadd.s32 $0x1400, v3;
	v8 =	vld.idx.msk [tilespmem:v40+s1+$0x0], $0xffff  }
0x1b4: {  	v45 =	vadd.s32 $0x1400, v2;
	v12 =	vadd.f32 v13, v12;
	v6 =	vld.idx.msk [tilespmem:v41+s10+$0x0], $0xffff  }
0x1b5: {  	v46 =	vadd.s32 $0x1400, v1;
	v14 =	vadd.f32 v15, v14;
	v10 =	vld.idx.msk [tilespmem:v42+s1+$0x0], $0xffff  }
0x1b6: {  	v47 =	vadd.s32 $0x1400, v0;
	v4 =	vld.idx.msk [tilespmem:v43+s10+$0x0], $0xffff;
	[tilespmem:s12+$0x100] =	vst v12  }
0x1b7: {  	[tilespmem:s19+$0x100] =	vst v14  }
0x1b8: {  	v48 =	vadd.s32 $0x1800, v3;
	v14 =	vld.idx.msk [tilespmem:v44+s1+$0x0], $0xffff  }
0x1b9: {  	v49 =	vadd.s32 $0x1800, v2;
	v13 =	vld.idx.msk [tilespmem:v45+s10+$0x0], $0xffff;
	v7 =	vadd.f32 v7, v9  }
0x1ba: {  	v50 =	vadd.s32 $0x1800, v1;
	v15 =	vld.idx.msk [tilespmem:v46+s1+$0x0], $0xffff;
	v5 =	vadd.f32 v5, v11  }
0x1bb: {  	v51 =	vadd.s32 $0x1800, v0;
	v12 =	vld.idx.msk [tilespmem:v47+s10+$0x0], $0xffff;
	[tilespmem:s12+$0x180] =	vst v7  }
0x1bc: {  	[tilespmem:s19+$0x180] =	vst v5  }
0x1bd: {  	v52 =	vadd.s32 $0x1C00, v3;
	v5 =	vld.idx.msk [tilespmem:v48+s1+$0x0], $0xffff  }
0x1be: {  	v53 =	vadd.s32 $0x1C00, v2;
	v6 =	vadd.f32 v6, v8;
	v9 =	vld.idx.msk [tilespmem:v49+s10+$0x0], $0xffff  }
0x1bf: {  	v54 =	vadd.s32 $0x1C00, v1;
	v4 =	vadd.f32 v4, v10;
	v11 =	vld.idx.msk [tilespmem:v50+s1+$0x0], $0xffff  }
0x1c0: {  	v55 =	vadd.s32 $0x1C00, v0;
	v7 =	vld.idx.msk [tilespmem:v51+s10+$0x0], $0xffff;
	[tilespmem:s12+$0x200] =	vst v6  }
0x1c1: {  	[tilespmem:s19+$0x200] =	vst v4  }
0x1c2: {  	v56 =	vadd.s32 $0x2000, v3;
	v4 =	vld.idx.msk [tilespmem:v52+s1+$0x0], $0xffff  }
0x1c3: {  	v57 =	vadd.s32 $0x2000, v2;
	v13 =	vadd.f32 v13, v14;
	v8 =	vld.idx.msk [tilespmem:v53+s10+$0x0], $0xffff  }
0x1c4: {  	v58 =	vadd.s32 $0x2000, v1;
	v12 =	vadd.f32 v12, v15;
	v10 =	vld.idx.msk [tilespmem:v54+s1+$0x0], $0xffff  }
0x1c5: {  	v59 =	vadd.s32 $0x2000, v0;
	v6 =	vld.idx.msk [tilespmem:v55+s10+$0x0], $0xffff;
	[tilespmem:s12+$0x280] =	vst v13  }
0x1c6: {  	s12 =	sand.u32 $0x7, s2;
	[tilespmem:s19+$0x280] =	vst v12;
	s19 =	sand.u32 $0x3, s29  }
0x1c7: {  	v60 =	vadd.s32 $0x2400, v3;
	s12 =	sshll.u32 s12, $0x4;
	v12 =	vld.idx.msk [tilespmem:v56+s1+$0x0], $0xffff;
	s19 =	sshll.u32 s19, $0x5  }
0x1c8: {  	v61 =	vadd.s32 $0x2400, v2;
	v14 =	vld.idx.msk [tilespmem:v57+s10+$0x0], $0xffff;
	s12 =	sadd.s32 s17, s12;
	s19 =	sadd.s32 s19, s0;
	v5 =	vadd.f32 v9, v5  }
0x1c9: {  	v62 =	vadd.s32 $0x2400, v1;
	v15 =	vld.idx.msk [tilespmem:v58+s1+$0x0], $0xffff;
	v7 =	vadd.f32 v7, v11;
	s12 =	sadd.s32 $0x10, s12;
	s19 =	sor.u32 $0x300, s19  }
0x1ca: {  	v63 =	vadd.s32 $0x2400, v0;
	v13 =	vld.idx.msk [tilespmem:v59+s10+$0x0], $0xffff;
	s12 =	sor.u32 $0x300, s12;
	[tilespmem:s19+$0x18000] =	vst v5  }
0x1cb: {  	[tilespmem:s12+$0x18000] =	vst v7  }
0x1cc: {  	v20 =	vadd.s32 $0x2800, v3;
	v7 =	vld.idx.msk [tilespmem:v60+s1+$0x0], $0xffff  }
0x1cd: {  	v21 =	vadd.s32 $0x2800, v2;
	v4 =	vadd.f32 v8, v4;
	s19 =	sor.u32 s3, s17;
	v9 =	vld.idx.msk [tilespmem:v61+s10+$0x0], $0xffff  }
0x1ce: {  	v22 =	vadd.s32 $0x2800, v1;
	v6 =	vadd.f32 v6, v10;
	s17 =	sor.u32 s18, s17;
	s12 =	sor.u32 $0x380, s19;
	v11 =	vld.idx.msk [tilespmem:v62+s1+$0x0], $0xffff  }
0x1cf: {  	v23 =	vadd.s32 $0x2800, v0;
	s18 =	sor.u32 $0x380, s17;
	v5 =	vld.idx.msk [tilespmem:v63+s10+$0x0], $0xffff;
	[tilespmem:s12+$0x18000] =	vst v4  }
0x1d0: {  	[tilespmem:s18+$0x18000] =	vst v6  }
0x1d1: {  	v24 =	vadd.s32 $0x2C00, v3;
	v6 =	vld.idx.msk [tilespmem:v20+s1+$0x0], $0xffff  }
0x1d2: {  	v25 =	vadd.s32 $0x2C00, v2;
	s19 =	sor.u32 $0x18800, s4;
	v12 =	vadd.f32 v14, v12;
	v8 =	vld.idx.msk [tilespmem:v21+s10+$0x0], $0xffff  }
0x1d3: {  	v26 =	vadd.s32 $0x2C00, v1;
	v13 =	vadd.f32 v13, v15;
	s18 =	sor.u32 s5, s19;
	v10 =	vld.idx.msk [tilespmem:v22+s1+$0x0], $0xffff  }
0x1d4: {  	v27 =	vadd.s32 $0x2C00, v0;
	s12 =	sor.u32 s7, s19;
	v4 =	vld.idx.msk [tilespmem:v23+s10+$0x0], $0xffff;
	[tilespmem:s18+$0x0] =	vst v12  }
0x1d5: {  	[tilespmem:s12+$0x0] =	vst v13  }
0x1d6: {  	v28 =	vadd.s32 $0x3000, v3;
	v13 =	vld.idx.msk [tilespmem:v24+s1+$0x0], $0xffff  }
0x1d7: {  	v29 =	vadd.s32 $0x3000, v2;
	s19 =	sor.u32 $0x18880, s4;
	v14 =	vld.idx.msk [tilespmem:v25+s10+$0x0], $0xffff;
	v7 =	vadd.f32 v9, v7  }
0x1d8: {  	v30 =	vadd.s32 $0x3000, v1;
	s18 =	sor.u32 s5, s19;
	v15 =	vld.idx.msk [tilespmem:v26+s1+$0x0], $0xffff;
	v5 =	vadd.f32 v5, v11  }
0x1d9: {  	v31 =	vadd.s32 $0x3000, v0;
	s12 =	sor.u32 s7, s19;
	v12 =	vld.idx.msk [tilespmem:v27+s10+$0x0], $0xffff;
	[tilespmem:s18+$0x0] =	vst v7  }
0x1da: {  	[tilespmem:s12+$0x0] =	vst v5  }
0x1db: {  	v32 =	vadd.s32 $0x3400, v3;
	v5 =	vld.idx.msk [tilespmem:v28+s1+$0x0], $0xffff  }
0x1dc: {  	v33 =	vadd.s32 $0x3400, v2;
	s19 =	sor.u32 $0x18900, s4;
	v6 =	vadd.f32 v8, v6;
	v9 =	vld.idx.msk [tilespmem:v29+s10+$0x0], $0xffff  }
0x1dd: {  	v34 =	vadd.s32 $0x3400, v1;
	s18 =	sor.u32 s5, s19;
	v4 =	vadd.f32 v4, v10;
	v11 =	vld.idx.msk [tilespmem:v30+s1+$0x0], $0xffff  }
0x1de: {  	v35 =	vadd.s32 $0x3400, v0;
	s12 =	sor.u32 s7, s19;
	v7 =	vld.idx.msk [tilespmem:v31+s10+$0x0], $0xffff;
	[tilespmem:s18+$0x0] =	vst v6  }
0x1df: {  	[tilespmem:s12+$0x0] =	vst v4  }
0x1e0: {  	v36 =	vadd.s32 $0x3800, v3;
	v4 =	vld.idx.msk [tilespmem:v32+s1+$0x0], $0xffff  }
0x1e1: {  	v37 =	vadd.s32 $0x3800, v2;
	s19 =	sor.u32 $0x18980, s4;
	v13 =	vadd.f32 v14, v13;
	v8 =	vld.idx.msk [tilespmem:v33+s10+$0x0], $0xffff  }
0x1e2: {  	v38 =	vadd.s32 $0x3800, v1;
	s18 =	sor.u32 s5, s19;
	v12 =	vadd.f32 v12, v15;
	v10 =	vld.idx.msk [tilespmem:v34+s1+$0x0], $0xffff  }
0x1e3: {  	v39 =	vadd.s32 $0x3800, v0;
	s12 =	sor.u32 s7, s19;
	v6 =	vld.idx.msk [tilespmem:v35+s10+$0x0], $0xffff;
	[tilespmem:s18+$0x0] =	vst v13  }
0x1e4: {  	[tilespmem:s12+$0x0] =	vst v12  }
0x1e5: {  	v40 =	vadd.s32 $0x3C00, v3;
	v12 =	vld.idx.msk [tilespmem:v36+s1+$0x0], $0xffff  }
0x1e6: {  	v41 =	vadd.s32 $0x3C00, v2;
	s19 =	sor.u32 $0x18A00, s4;
	v14 =	vld.idx.msk [tilespmem:v37+s10+$0x0], $0xffff;
	v5 =	vadd.f32 v9, v5  }
0x1e7: {  	v42 =	vadd.s32 $0x3C00, v1;
	s18 =	sor.u32 s5, s19;
	v15 =	vld.idx.msk [tilespmem:v38+s1+$0x0], $0xffff;
	v7 =	vadd.f32 v7, v11  }
0x1e8: {  	v43 =	vadd.s32 $0x3C00, v0;
	s12 =	sor.u32 s7, s19;
	v13 =	vld.idx.msk [tilespmem:v39+s10+$0x0], $0xffff;
	[tilespmem:s18+$0x0] =	vst v5  }
0x1e9: {  	[tilespmem:s12+$0x0] =	vst v7  }
0x1ea: {  	v44 =	vadd.s32 $0x4000, v3;
	v7 =	vld.idx.msk [tilespmem:v40+s1+$0x0], $0xffff  }
0x1eb: {  	v45 =	vadd.s32 $0x4000, v2;
	s19 =	sor.u32 $0x18A80, s4;
	v4 =	vadd.f32 v8, v4;
	v9 =	vld.idx.msk [tilespmem:v41+s10+$0x0], $0xffff  }
0x1ec: {  	v46 =	vadd.s32 $0x4000, v1;
	s18 =	sor.u32 s5, s19;
	v6 =	vadd.f32 v6, v10;
	v11 =	vld.idx.msk [tilespmem:v42+s1+$0x0], $0xffff  }
0x1ed: {  	v47 =	vadd.s32 $0x4000, v0;
	s12 =	sor.u32 s7, s19;
	v5 =	vld.idx.msk [tilespmem:v43+s10+$0x0], $0xffff;
	[tilespmem:s18+$0x0] =	vst v4  }
0x1ee: {  	[tilespmem:s12+$0x0] =	vst v6  }
0x1ef: {  	v48 =	vadd.s32 $0x4400, v3;
	v6 =	vld.idx.msk [tilespmem:v44+s1+$0x0], $0xffff  }
0x1f0: {  	v49 =	vadd.s32 $0x4400, v2;
	s19 =	sor.u32 $0x18B00, s4;
	v12 =	vadd.f32 v14, v12;
	v8 =	vld.idx.msk [tilespmem:v45+s10+$0x0], $0xffff  }
0x1f1: {  	v50 =	vadd.s32 $0x4400, v1;
	s18 =	sor.u32 s5, s19;
	v13 =	vadd.f32 v13, v15;
	v10 =	vld.idx.msk [tilespmem:v46+s1+$0x0], $0xffff  }
0x1f2: {  	v51 =	vadd.s32 $0x4400, v0;
	s12 =	sor.u32 s7, s19;
	v4 =	vld.idx.msk [tilespmem:v47+s10+$0x0], $0xffff;
	[tilespmem:s18+$0x0] =	vst v12  }
0x1f3: {  	[tilespmem:s12+$0x0] =	vst v13  }
0x1f4: {  	v52 =	vadd.s32 $0x4800, v3;
	v13 =	vld.idx.msk [tilespmem:v48+s1+$0x0], $0xffff  }
0x1f5: {  	v53 =	vadd.s32 $0x4800, v2;
	s19 =	sor.u32 $0x18B80, s4;
	v14 =	vld.idx.msk [tilespmem:v49+s10+$0x0], $0xffff;
	v7 =	vadd.f32 v9, v7  }
0x1f6: {  	v54 =	vadd.s32 $0x4800, v1;
	s18 =	sor.u32 s5, s19;
	v15 =	vld.idx.msk [tilespmem:v50+s1+$0x0], $0xffff;
	v5 =	vadd.f32 v5, v11  }
0x1f7: {  	v55 =	vadd.s32 $0x4800, v0;
	s12 =	sor.u32 s7, s19;
	v12 =	vld.idx.msk [tilespmem:v51+s10+$0x0], $0xffff;
	[tilespmem:s18+$0x0] =	vst v7  }
0x1f8: {  	[tilespmem:s12+$0x0] =	vst v5  }
0x1f9: {  	v56 =	vadd.s32 $0x4C00, v3;
	v5 =	vld.idx.msk [tilespmem:v52+s1+$0x0], $0xffff  }
0x1fa: {  	v57 =	vadd.s32 $0x4C00, v2;
	s19 =	sor.u32 $0x19000, s4;
	v6 =	vadd.f32 v8, v6;
	v9 =	vld.idx.msk [tilespmem:v53+s10+$0x0], $0xffff  }
0x1fb: {  	v58 =	vadd.s32 $0x4C00, v1;
	s18 =	sor.u32 s5, s19;
	v4 =	vadd.f32 v4, v10;
	v11 =	vld.idx.msk [tilespmem:v54+s1+$0x0], $0xffff  }
0x1fc: {  	v59 =	vadd.s32 $0x4C00, v0;
	s12 =	sor.u32 s7, s19;
	v7 =	vld.idx.msk [tilespmem:v55+s10+$0x0], $0xffff;
	[tilespmem:s18+$0x0] =	vst v6  }
0x1fd: {  	[tilespmem:s12+$0x0] =	vst v4  }
0x1fe: {  	v60 =	vadd.s32 $0x5000, v3;
	v4 =	vld.idx.msk [tilespmem:v56+s1+$0x0], $0xffff  }
0x1ff: {  	v61 =	vadd.s32 $0x5000, v2;
	s19 =	sor.u32 $0x19080, s4;
	v13 =	vadd.f32 v14, v13;
	v8 =	vld.idx.msk [tilespmem:v57+s10+$0x0], $0xffff  }
0x200: {  	v62 =	vadd.s32 $0x5000, v1;
	s18 =	sor.u32 s5, s19;
	v12 =	vadd.f32 v12, v15;
	v10 =	vld.idx.msk [tilespmem:v58+s1+$0x0], $0xffff  }
0x201: {  	v63 =	vadd.s32 $0x5000, v0;
	s12 =	sor.u32 s7, s19;
	v6 =	vld.idx.msk [tilespmem:v59+s10+$0x0], $0xffff;
	[tilespmem:s18+$0x0] =	vst v13  }
0x202: {  	[tilespmem:s12+$0x0] =	vst v12  }
0x203: {  	v20 =	vadd.s32 $0x5400, v3;
	v12 =	vld.idx.msk [tilespmem:v60+s1+$0x0], $0xffff  }
0x204: {  	v21 =	vadd.s32 $0x5400, v2;
	s19 =	sor.u32 $0x19100, s4;
	v14 =	vld.idx.msk [tilespmem:v61+s10+$0x0], $0xffff;
	v5 =	vadd.f32 v9, v5  }
0x205: {  	v22 =	vadd.s32 $0x5400, v1;
	s18 =	sor.u32 s5, s19;
	v15 =	vld.idx.msk [tilespmem:v62+s1+$0x0], $0xffff;
	v7 =	vadd.f32 v7, v11  }
0x206: {  	v23 =	vadd.s32 $0x5400, v0;
	s12 =	sor.u32 s7, s19;
	v13 =	vld.idx.msk [tilespmem:v63+s10+$0x0], $0xffff;
	[tilespmem:s18+$0x0] =	vst v5  }
0x207: {  	[tilespmem:s12+$0x0] =	vst v7  }
0x208: {  	v24 =	vadd.s32 $0x5800, v3;
	v7 =	vld.idx.msk [tilespmem:v20+s1+$0x0], $0xffff  }
0x209: {  	v25 =	vadd.s32 $0x5800, v2;
	s19 =	sor.u32 $0x19180, s4;
	v4 =	vadd.f32 v8, v4;
	v9 =	vld.idx.msk [tilespmem:v21+s10+$0x0], $0xffff  }
0x20a: {  	v26 =	vadd.s32 $0x5800, v1;
	s18 =	sor.u32 s5, s19;
	v6 =	vadd.f32 v6, v10;
	v11 =	vld.idx.msk [tilespmem:v22+s1+$0x0], $0xffff  }
0x20b: {  	v27 =	vadd.s32 $0x5800, v0;
	s12 =	sor.u32 s7, s19;
	v5 =	vld.idx.msk [tilespmem:v23+s10+$0x0], $0xffff;
	[tilespmem:s18+$0x0] =	vst v4  }
0x20c: {  	[tilespmem:s12+$0x0] =	vst v6  }
0x20d: {  	v28 =	vadd.s32 $0x5C00, v3;
	v6 =	vld.idx.msk [tilespmem:v24+s1+$0x0], $0xffff  }
0x20e: {  	v29 =	vadd.s32 $0x5C00, v2;
	s19 =	sor.u32 $0x19200, s4;
	v12 =	vadd.f32 v14, v12;
	v8 =	vld.idx.msk [tilespmem:v25+s10+$0x0], $0xffff  }
0x20f: {  	v30 =	vadd.s32 $0x5C00, v1;
	s18 =	sor.u32 s5, s19;
	v13 =	vadd.f32 v13, v15;
	v10 =	vld.idx.msk [tilespmem:v26+s1+$0x0], $0xffff  }
0x210: {  	v31 =	vadd.s32 $0x5C00, v0;
	s12 =	sor.u32 s7, s19;
	v4 =	vld.idx.msk [tilespmem:v27+s10+$0x0], $0xffff;
	[tilespmem:s18+$0x0] =	vst v12  }
0x211: {  	[tilespmem:s12+$0x0] =	vst v13  }
0x212: {  	v32 =	vadd.s32 $0x6000, v3;
	v13 =	vld.idx.msk [tilespmem:v28+s1+$0x0], $0xffff  }
0x213: {  	v33 =	vadd.s32 $0x6000, v2;
	s19 =	sor.u32 $0x19280, s4;
	v14 =	vld.idx.msk [tilespmem:v29+s10+$0x0], $0xffff;
	v7 =	vadd.f32 v9, v7  }
0x214: {  	v34 =	vadd.s32 $0x6000, v1;
	s18 =	sor.u32 s5, s19;
	v15 =	vld.idx.msk [tilespmem:v30+s1+$0x0], $0xffff;
	v5 =	vadd.f32 v5, v11  }
0x215: {  	v35 =	vadd.s32 $0x6000, v0;
	s12 =	sor.u32 s7, s19;
	v12 =	vld.idx.msk [tilespmem:v31+s10+$0x0], $0xffff;
	[tilespmem:s18+$0x0] =	vst v7  }
0x216: {  	[tilespmem:s12+$0x0] =	vst v5  }
0x217: {  	v36 =	vadd.s32 $0x6400, v3;
	v5 =	vld.idx.msk [tilespmem:v32+s1+$0x0], $0xffff  }
0x218: {  	v37 =	vadd.s32 $0x6400, v2;
	s19 =	sor.u32 $0x19300, s4;
	v6 =	vadd.f32 v8, v6;
	v9 =	vld.idx.msk [tilespmem:v33+s10+$0x0], $0xffff  }
0x219: {  	v38 =	vadd.s32 $0x6400, v1;
	s18 =	sor.u32 s5, s19;
	v4 =	vadd.f32 v4, v10;
	v11 =	vld.idx.msk [tilespmem:v34+s1+$0x0], $0xffff  }
0x21a: {  	v39 =	vadd.s32 $0x6400, v0;
	s12 =	sor.u32 s7, s19;
	v7 =	vld.idx.msk [tilespmem:v35+s10+$0x0], $0xffff;
	[tilespmem:s18+$0x0] =	vst v6  }
0x21b: {  	[tilespmem:s12+$0x0] =	vst v4  }
0x21c: {  	v40 =	vadd.s32 $0x6800, v3;
	v4 =	vld.idx.msk [tilespmem:v36+s1+$0x0], $0xffff  }
0x21d: {  	v41 =	vadd.s32 $0x6800, v2;
	s19 =	sor.u32 $0x19380, s4;
	v13 =	vadd.f32 v14, v13;
	v8 =	vld.idx.msk [tilespmem:v37+s10+$0x0], $0xffff  }
0x21e: {  	v42 =	vadd.s32 $0x6800, v1;
	s18 =	sor.u32 s5, s19;
	v12 =	vadd.f32 v12, v15;
	v10 =	vld.idx.msk [tilespmem:v38+s1+$0x0], $0xffff  }
0x21f: {  	v43 =	vadd.s32 $0x6800, v0;
	s12 =	sor.u32 s7, s19;
	v6 =	vld.idx.msk [tilespmem:v39+s10+$0x0], $0xffff;
	[tilespmem:s18+$0x0] =	vst v13  }
0x220: {  	[tilespmem:s12+$0x0] =	vst v12  }
0x221: {  	v44 =	vadd.s32 $0x6C00, v3;
	v12 =	vld.idx.msk [tilespmem:v40+s1+$0x0], $0xffff  }
0x222: {  	v45 =	vadd.s32 $0x6C00, v2;
	s19 =	sor.u32 $0x19800, s4;
	v14 =	vld.idx.msk [tilespmem:v41+s10+$0x0], $0xffff;
	v5 =	vadd.f32 v9, v5  }
0x223: {  	v46 =	vadd.s32 $0x6C00, v1;
	s18 =	sor.u32 s5, s19;
	v15 =	vld.idx.msk [tilespmem:v42+s1+$0x0], $0xffff;
	v7 =	vadd.f32 v7, v11  }
0x224: {  	v47 =	vadd.s32 $0x6C00, v0;
	s12 =	sor.u32 s7, s19;
	v13 =	vld.idx.msk [tilespmem:v43+s10+$0x0], $0xffff;
	[tilespmem:s18+$0x0] =	vst v5  }
0x225: {  	[tilespmem:s12+$0x0] =	vst v7  }
0x226: {  	v48 =	vadd.s32 $0x7000, v3;
	v7 =	vld.idx.msk [tilespmem:v44+s1+$0x0], $0xffff  }
0x227: {  	v49 =	vadd.s32 $0x7000, v2;
	s19 =	sor.u32 $0x19880, s4;
	v4 =	vadd.f32 v8, v4;
	v9 =	vld.idx.msk [tilespmem:v45+s10+$0x0], $0xffff  }
0x228: {  	v50 =	vadd.s32 $0x7000, v1;
	s18 =	sor.u32 s5, s19;
	v6 =	vadd.f32 v6, v10;
	v11 =	vld.idx.msk [tilespmem:v46+s1+$0x0], $0xffff  }
0x229: {  	v51 =	vadd.s32 $0x7000, v0;
	s12 =	sor.u32 s7, s19;
	v5 =	vld.idx.msk [tilespmem:v47+s10+$0x0], $0xffff;
	[tilespmem:s18+$0x0] =	vst v4  }
0x22a: {  	[tilespmem:s12+$0x0] =	vst v6  }
0x22b: {  	v52 =	vadd.s32 $0x7400, v3;
	v6 =	vld.idx.msk [tilespmem:v48+s1+$0x0], $0xffff  }
0x22c: {  	v53 =	vadd.s32 $0x7400, v2;
	s19 =	sor.u32 $0x19900, s4;
	v12 =	vadd.f32 v14, v12;
	v8 =	vld.idx.msk [tilespmem:v49+s10+$0x0], $0xffff  }
0x22d: {  	v54 =	vadd.s32 $0x7400, v1;
	s18 =	sor.u32 s5, s19;
	v13 =	vadd.f32 v13, v15;
	v10 =	vld.idx.msk [tilespmem:v50+s1+$0x0], $0xffff  }
0x22e: {  	v55 =	vadd.s32 $0x7400, v0;
	s12 =	sor.u32 s7, s19;
	v4 =	vld.idx.msk [tilespmem:v51+s10+$0x0], $0xffff;
	[tilespmem:s18+$0x0] =	vst v12  }
0x22f: {  	[tilespmem:s12+$0x0] =	vst v13  }
0x230: {  	v56 =	vadd.s32 $0x7800, v3;
	v13 =	vld.idx.msk [tilespmem:v52+s1+$0x0], $0xffff  }
0x231: {  	v57 =	vadd.s32 $0x7800, v2;
	s19 =	sor.u32 $0x19980, s4;
	v14 =	vld.idx.msk [tilespmem:v53+s10+$0x0], $0xffff;
	v7 =	vadd.f32 v9, v7  }
0x232: {  	v58 =	vadd.s32 $0x7800, v1;
	s18 =	sor.u32 s5, s19;
	v15 =	vld.idx.msk [tilespmem:v54+s1+$0x0], $0xffff;
	v5 =	vadd.f32 v5, v11  }
0x233: {  	v59 =	vadd.s32 $0x7800, v0;
	s12 =	sor.u32 s7, s19;
	v12 =	vld.idx.msk [tilespmem:v55+s10+$0x0], $0xffff;
	[tilespmem:s18+$0x0] =	vst v7  }
0x234: {  	[tilespmem:s12+$0x0] =	vst v5  }
0x235: {  	v3 =	vadd.s32 $0x7C00, v3;
	v5 =	vld.idx.msk [tilespmem:v56+s1+$0x0], $0xffff  }
0x236: {  	v2 =	vadd.s32 $0x7C00, v2;
	s19 =	sor.u32 $0x19A00, s4;
	v6 =	vadd.f32 v8, v6;
	v9 =	vld.idx.msk [tilespmem:v57+s10+$0x0], $0xffff  }
0x237: {  	v1 =	vadd.s32 $0x7C00, v1;
	s18 =	sor.u32 s5, s19;
	v4 =	vadd.f32 v4, v10;
	v11 =	vld.idx.msk [tilespmem:v58+s1+$0x0], $0xffff  }
0x238: {  	v0 =	vadd.s32 $0x7C00, v0;
	s12 =	sor.u32 s7, s19;
	v7 =	vld.idx.msk [tilespmem:v59+s10+$0x0], $0xffff;
	[tilespmem:s18+$0x0] =	vst v6  }
0x239: {  	[tilespmem:s12+$0x0] =	vst v4  }
0x23a: {  	v3 =	vld.idx.msk [tilespmem:v3+s1+$0x0], $0xffff  }
0x23b: {  	v2 =	vld.idx.msk [tilespmem:v2+s10+$0x0], $0xffff  }
0x23c: {  	v1 =	vld.idx.msk [tilespmem:v1+s1+$0x0], $0xffff  }
0x23d: {  	s19 =	sor.u32 $0x19A80, s4;
	v60 =	vadd.f32 v14, v13;
	v0 =	vld.idx.msk [tilespmem:v0+s10+$0x0], $0xffff  }
0x23e: {  	s18 =	sor.u32 s5, s19;
	v61 =	vadd.f32 v12, v15  }
0x23f: {  	p1 =	sne.s32 s3, $0xE0;
	s12 =	sor.u32 s7, s19;
	s19 =	sor.u32 $0x19B00, s4;
	[tilespmem:s18+$0x0] =	vst v60;
	v62 =	vadd.f32 v9, v5  }
.Ltmp0:
0x240: {  	s18 =	sor.u32 s5, s19;
	[tilespmem:s12+$0x0] =	vst v61;
	v63 =	vadd.f32 v7, v11;
	(pc) =	sbr.rel @p1 .LBB2_3-.Ltmp0, $4  }
0x241: {  	s4 =	sor.u32 $0x19B80, s4;
	s19 =	sor.u32 s7, s19;
	[tilespmem:s18+$0x0] =	vst v62;
	v2 =	vadd.f32 v2, v3  }
0x242: {  	s28 =	sadd.s32 $0x100, s28;
	s20 =	sadd.s32 $0x20, s20;
	s5 =	sor.u32 s5, s4;
	v0 =	vadd.f32 v0, v1;
	[tilespmem:s19+$0x0] =	vst v63  }
0x243: {  	s21 =	sadd.s32 $0x20, s21;
	s2 =	sadd.s32 $0x2, s2;
	s4 =	sor.u32 s7, s4;
	[tilespmem:s5+$0x0] =	vst v2  }
0x244: {  	s29 =	sadd.s32 $0x1, s29;
	s0 =	sadd.s32 $0x100, s0;
	s3 =	sadd.s32 $0x20, s3;
	[tilespmem:s4+$0x0] =	vst v0  }
0x245: {  	s0 =	sadd.s32 s26, s6  }
0x246: {  	[hbm4b:s0+s11] =	stream.strided.scatter [tilespmem:s15], [sflag:$0x1], $0x2000, s14, s11, $0x38;
	[tilespmem:$0x1C000] =	vst v63  }
0x247: {  	s0 =	simm.s32 @!p0 $0x2  }
0x248: {  	s20 =	simm.s32 $0x0;
	s2 =	smov.u32 s22;
	_ =	swait.ge @!p0 [sflag:s0], $0x2000  }
0x249: {  	s3 =	simm.s32 $0x0;
	s21 =	simm.s32 $0x0;
	[sflag:s0] =	ssyncset.done @!p0 $0x0  }
0x24a: {  	s26 =	simm.s32 $0x0;
	[sflag:s0] =	ssyncadd.s32 @!p0 $0xFFFFE000;
	s0 =	smov.u32 s23  }
.LBB2_5:
0x24b: {  	v3 =	vld [tilespmem:s0+$0xFFFFFFF0]  }
0x24c: {  	v2 =	vld [tilespmem:s2+$0xFFFFFFF0]  }
0x24d: {  	v1 =	vld [tilespmem:s0+$0x0]  }
0x24e: {  	v0 =	vld [tilespmem:s2+$0x0];
	_ =	sdelay $0x3  }
0x24f: {  	v4 =	vadd.s32 $0x400, v3  }
0x250: {  	v6 =	vadd.s32 $0x400, v2;
	v5 =	vld.idx.msk [tilespmem:v3+s1+$0x0], $0xffff  }
0x251: {  	v8 =	vadd.s32 $0x400, v1;
	v7 =	vld.idx.msk [tilespmem:v2+s10+$0x0], $0xffff  }
0x252: {  	v10 =	vadd.s32 $0x400, v0;
	v9 =	vld.idx.msk [tilespmem:v1+s1+$0x0], $0xffff  }
0x253: {  	v12 =	vadd.s32 $0x800, v3;
	v11 =	vld.idx.msk [tilespmem:v0+s10+$0x0], $0xffff  }
0x254: {  	v13 =	vadd.s32 $0x800, v2;
	v4 =	vld.idx.msk [tilespmem:v4+s1+$0x0], $0xffff  }
0x255: {  	v14 =	vadd.s32 $0x800, v1;
	v6 =	vld.idx.msk [tilespmem:v6+s10+$0x0], $0xffff  }
0x256: {  	v15 =	vadd.s32 $0x800, v0;
	v8 =	vld.idx.msk [tilespmem:v8+s1+$0x0], $0xffff  }
0x257: {  	v10 =	vld.idx.msk [tilespmem:v10+s10+$0x0], $0xffff  }
0x258: {  	s28 =	sand.u32 $0x400, s26;
	v16 =	vadd.s32 $0xC00, v3;
	v12 =	vld.idx.msk [tilespmem:v12+s1+$0x0], $0xffff  }
0x259: {  	s7 =	sadd.s32 $0x10, s20;
	s4 =	sand.u32 $0x60, s20;
	s17 =	sor.u32 $0x1A000, s28;
	v37 =	vadd.s32 $0xC00, v2;
	v13 =	vld.idx.msk [tilespmem:v13+s10+$0x0], $0xffff;
	v5 =	vadd.f32 v7, v5  }
0x25a: {  	s5 =	sand.u32 $0x70, s7;
	s12 =	sor.u32 s4, s17;
	v38 =	vadd.s32 $0xC00, v1;
	v14 =	vld.idx.msk [tilespmem:v14+s1+$0x0], $0xffff;
	v9 =	vadd.f32 v11, v9  }
0x25b: {  	s17 =	sor.u32 s5, s17;
	v39 =	vadd.s32 $0xC00, v0;
	v15 =	vld.idx.msk [tilespmem:v15+s10+$0x0], $0xffff;
	[tilespmem:s12+$0x0] =	vst v5  }
0x25c: {  	[tilespmem:s17+$0x0] =	vst v9  }
0x25d: {  	v40 =	vadd.s32 $0x1000, v3;
	v9 =	vld.idx.msk [tilespmem:v16+s1+$0x0], $0xffff  }
0x25e: {  	v41 =	vadd.s32 $0x1000, v2;
	v4 =	vadd.f32 v6, v4;
	v7 =	vld.idx.msk [tilespmem:v37+s10+$0x0], $0xffff  }
0x25f: {  	v42 =	vadd.s32 $0x1000, v1;
	v8 =	vadd.f32 v10, v8;
	v11 =	vld.idx.msk [tilespmem:v38+s1+$0x0], $0xffff  }
0x260: {  	v43 =	vadd.s32 $0x1000, v0;
	v5 =	vld.idx.msk [tilespmem:v39+s10+$0x0], $0xffff;
	[tilespmem:s12+$0x80] =	vst v4  }
0x261: {  	[tilespmem:s17+$0x80] =	vst v8  }
0x262: {  	v44 =	vadd.s32 $0x1400, v3;
	v8 =	vld.idx.msk [tilespmem:v40+s1+$0x0], $0xffff  }
0x263: {  	v45 =	vadd.s32 $0x1400, v2;
	v12 =	vadd.f32 v13, v12;
	v6 =	vld.idx.msk [tilespmem:v41+s10+$0x0], $0xffff  }
0x264: {  	v46 =	vadd.s32 $0x1400, v1;
	v14 =	vadd.f32 v15, v14;
	v10 =	vld.idx.msk [tilespmem:v42+s1+$0x0], $0xffff  }
0x265: {  	v47 =	vadd.s32 $0x1400, v0;
	v4 =	vld.idx.msk [tilespmem:v43+s10+$0x0], $0xffff;
	[tilespmem:s12+$0x100] =	vst v12  }
0x266: {  	[tilespmem:s17+$0x100] =	vst v14  }
0x267: {  	v48 =	vadd.s32 $0x1800, v3;
	v14 =	vld.idx.msk [tilespmem:v44+s1+$0x0], $0xffff  }
0x268: {  	v49 =	vadd.s32 $0x1800, v2;
	v13 =	vld.idx.msk [tilespmem:v45+s10+$0x0], $0xffff;
	v7 =	vadd.f32 v7, v9  }
0x269: {  	v50 =	vadd.s32 $0x1800, v1;
	v15 =	vld.idx.msk [tilespmem:v46+s1+$0x0], $0xffff;
	v5 =	vadd.f32 v5, v11  }
0x26a: {  	v51 =	vadd.s32 $0x1800, v0;
	v12 =	vld.idx.msk [tilespmem:v47+s10+$0x0], $0xffff;
	[tilespmem:s12+$0x180] =	vst v7  }
0x26b: {  	[tilespmem:s17+$0x180] =	vst v5  }
0x26c: {  	v52 =	vadd.s32 $0x1C00, v3;
	v5 =	vld.idx.msk [tilespmem:v48+s1+$0x0], $0xffff  }
0x26d: {  	v53 =	vadd.s32 $0x1C00, v2;
	v6 =	vadd.f32 v6, v8;
	v9 =	vld.idx.msk [tilespmem:v49+s10+$0x0], $0xffff  }
0x26e: {  	v54 =	vadd.s32 $0x1C00, v1;
	v4 =	vadd.f32 v4, v10;
	v11 =	vld.idx.msk [tilespmem:v50+s1+$0x0], $0xffff  }
0x26f: {  	v55 =	vadd.s32 $0x1C00, v0;
	v7 =	vld.idx.msk [tilespmem:v51+s10+$0x0], $0xffff;
	[tilespmem:s12+$0x200] =	vst v6  }
0x270: {  	[tilespmem:s17+$0x200] =	vst v4  }
0x271: {  	v56 =	vadd.s32 $0x2000, v3;
	v4 =	vld.idx.msk [tilespmem:v52+s1+$0x0], $0xffff  }
0x272: {  	v57 =	vadd.s32 $0x2000, v2;
	v13 =	vadd.f32 v13, v14;
	v8 =	vld.idx.msk [tilespmem:v53+s10+$0x0], $0xffff  }
0x273: {  	v58 =	vadd.s32 $0x2000, v1;
	v12 =	vadd.f32 v12, v15;
	v10 =	vld.idx.msk [tilespmem:v54+s1+$0x0], $0xffff  }
0x274: {  	v59 =	vadd.s32 $0x2000, v0;
	v6 =	vld.idx.msk [tilespmem:v55+s10+$0x0], $0xffff;
	[tilespmem:s12+$0x280] =	vst v13  }
0x275: {  	s18 =	sand.u32 $0x7, s21;
	s19 =	sand.u32 $0x3, s3;
	[tilespmem:s17+$0x280] =	vst v12  }
0x276: {  	v60 =	vadd.s32 $0x2400, v3;
	s12 =	sshll.u32 s18, $0x4;
	s17 =	sshll.u32 s19, $0x5;
	v12 =	vld.idx.msk [tilespmem:v56+s1+$0x0], $0xffff  }
0x277: {  	v61 =	vadd.s32 $0x2400, v2;
	s12 =	sadd.s32 s26, s12;
	v14 =	vld.idx.msk [tilespmem:v57+s10+$0x0], $0xffff;
	s17 =	sadd.s32 s17, s26;
	v5 =	vadd.f32 v9, v5  }
0x278: {  	v62 =	vadd.s32 $0x2400, v1;
	v15 =	vld.idx.msk [tilespmem:v58+s1+$0x0], $0xffff;
	s12 =	sadd.s32 $0x10, s12;
	s17 =	sor.u32 $0x300, s17;
	v7 =	vadd.f32 v7, v11  }
0x279: {  	v63 =	vadd.s32 $0x2400, v0;
	v13 =	vld.idx.msk [tilespmem:v59+s10+$0x0], $0xffff;
	s12 =	sor.u32 $0x300, s12;
	[tilespmem:s17+$0x1A000] =	vst v5  }
0x27a: {  	[tilespmem:s12+$0x1A000] =	vst v7  }
0x27b: {  	v20 =	vadd.s32 $0x2800, v3;
	v7 =	vld.idx.msk [tilespmem:v60+s1+$0x0], $0xffff  }
0x27c: {  	s29 =	sor.u32 s20, s26;
	v21 =	vadd.s32 $0x2800, v2;
	v4 =	vadd.f32 v8, v4;
	v9 =	vld.idx.msk [tilespmem:v61+s10+$0x0], $0xffff  }
0x27d: {  	s7 =	sor.u32 s7, s26;
	v22 =	vadd.s32 $0x2800, v1;
	v6 =	vadd.f32 v6, v10;
	s12 =	sor.u32 $0x380, s29;
	v11 =	vld.idx.msk [tilespmem:v62+s1+$0x0], $0xffff  }
0x27e: {  	s7 =	sor.u32 $0x380, s7;
	v23 =	vadd.s32 $0x2800, v0;
	v5 =	vld.idx.msk [tilespmem:v63+s10+$0x0], $0xffff;
	[tilespmem:s12+$0x1A000] =	vst v4  }
0x27f: {  	[tilespmem:s7+$0x1A000] =	vst v6  }
0x280: {  	v24 =	vadd.s32 $0x2C00, v3;
	v6 =	vld.idx.msk [tilespmem:v20+s1+$0x0], $0xffff  }
0x281: {  	v25 =	vadd.s32 $0x2C00, v2;
	s17 =	sor.u32 $0x1A800, s28;
	v12 =	vadd.f32 v14, v12;
	v8 =	vld.idx.msk [tilespmem:v21+s10+$0x0], $0xffff  }
0x282: {  	v26 =	vadd.s32 $0x2C00, v1;
	s18 =	sor.u32 s4, s17;
	v13 =	vadd.f32 v13, v15;
	v10 =	vld.idx.msk [tilespmem:v22+s1+$0x0], $0xffff  }
0x283: {  	v27 =	vadd.s32 $0x2C00, v0;
	s7 =	sor.u32 s5, s17;
	v4 =	vld.idx.msk [tilespmem:v23+s10+$0x0], $0xffff;
	[tilespmem:s18+$0x0] =	vst v12  }
0x284: {  	[tilespmem:s7+$0x0] =	vst v13  }
0x285: {  	v28 =	vadd.s32 $0x3000, v3;
	v13 =	vld.idx.msk [tilespmem:v24+s1+$0x0], $0xffff  }
0x286: {  	v29 =	vadd.s32 $0x3000, v2;
	s19 =	sor.u32 $0x1A880, s28;
	v14 =	vld.idx.msk [tilespmem:v25+s10+$0x0], $0xffff;
	v7 =	vadd.f32 v9, v7  }
0x287: {  	v30 =	vadd.s32 $0x3000, v1;
	s29 =	sor.u32 s4, s19;
	v15 =	vld.idx.msk [tilespmem:v26+s1+$0x0], $0xffff;
	v5 =	vadd.f32 v5, v11  }
0x288: {  	v31 =	vadd.s32 $0x3000, v0;
	s7 =	sor.u32 s5, s19;
	v12 =	vld.idx.msk [tilespmem:v27+s10+$0x0], $0xffff;
	[tilespmem:s29+$0x0] =	vst v7  }
0x289: {  	[tilespmem:s7+$0x0] =	vst v5  }
0x28a: {  	v32 =	vadd.s32 $0x3400, v3;
	v5 =	vld.idx.msk [tilespmem:v28+s1+$0x0], $0xffff  }
0x28b: {  	v33 =	vadd.s32 $0x3400, v2;
	s17 =	sor.u32 $0x1A900, s28;
	v6 =	vadd.f32 v8, v6;
	v9 =	vld.idx.msk [tilespmem:v29+s10+$0x0], $0xffff  }
0x28c: {  	v34 =	vadd.s32 $0x3400, v1;
	s18 =	sor.u32 s4, s17;
	v4 =	vadd.f32 v4, v10;
	v11 =	vld.idx.msk [tilespmem:v30+s1+$0x0], $0xffff  }
0x28d: {  	v35 =	vadd.s32 $0x3400, v0;
	s7 =	sor.u32 s5, s17;
	v7 =	vld.idx.msk [tilespmem:v31+s10+$0x0], $0xffff;
	[tilespmem:s18+$0x0] =	vst v6  }
0x28e: {  	[tilespmem:s7+$0x0] =	vst v4  }
0x28f: {  	v36 =	vadd.s32 $0x3800, v3;
	v4 =	vld.idx.msk [tilespmem:v32+s1+$0x0], $0xffff  }
0x290: {  	v37 =	vadd.s32 $0x3800, v2;
	s19 =	sor.u32 $0x1A980, s28;
	v13 =	vadd.f32 v14, v13;
	v8 =	vld.idx.msk [tilespmem:v33+s10+$0x0], $0xffff  }
0x291: {  	v38 =	vadd.s32 $0x3800, v1;
	s29 =	sor.u32 s4, s19;
	v12 =	vadd.f32 v12, v15;
	v10 =	vld.idx.msk [tilespmem:v34+s1+$0x0], $0xffff  }
0x292: {  	v39 =	vadd.s32 $0x3800, v0;
	s7 =	sor.u32 s5, s19;
	v6 =	vld.idx.msk [tilespmem:v35+s10+$0x0], $0xffff;
	[tilespmem:s29+$0x0] =	vst v13  }
0x293: {  	[tilespmem:s7+$0x0] =	vst v12  }
0x294: {  	v40 =	vadd.s32 $0x3C00, v3;
	v12 =	vld.idx.msk [tilespmem:v36+s1+$0x0], $0xffff  }
0x295: {  	v41 =	vadd.s32 $0x3C00, v2;
	s17 =	sor.u32 $0x1AA00, s28;
	v14 =	vld.idx.msk [tilespmem:v37+s10+$0x0], $0xffff;
	v5 =	vadd.f32 v9, v5  }
0x296: {  	v42 =	vadd.s32 $0x3C00, v1;
	s18 =	sor.u32 s4, s17;
	v15 =	vld.idx.msk [tilespmem:v38+s1+$0x0], $0xffff;
	v7 =	vadd.f32 v7, v11  }
0x297: {  	v43 =	vadd.s32 $0x3C00, v0;
	s7 =	sor.u32 s5, s17;
	v13 =	vld.idx.msk [tilespmem:v39+s10+$0x0], $0xffff;
	[tilespmem:s18+$0x0] =	vst v5  }
0x298: {  	[tilespmem:s7+$0x0] =	vst v7  }
0x299: {  	v44 =	vadd.s32 $0x4000, v3;
	v7 =	vld.idx.msk [tilespmem:v40+s1+$0x0], $0xffff  }
0x29a: {  	v45 =	vadd.s32 $0x4000, v2;
	s19 =	sor.u32 $0x1AA80, s28;
	v4 =	vadd.f32 v8, v4;
	v9 =	vld.idx.msk [tilespmem:v41+s10+$0x0], $0xffff  }
0x29b: {  	v46 =	vadd.s32 $0x4000, v1;
	s29 =	sor.u32 s4, s19;
	v6 =	vadd.f32 v6, v10;
	v11 =	vld.idx.msk [tilespmem:v42+s1+$0x0], $0xffff  }
0x29c: {  	v47 =	vadd.s32 $0x4000, v0;
	s7 =	sor.u32 s5, s19;
	v5 =	vld.idx.msk [tilespmem:v43+s10+$0x0], $0xffff;
	[tilespmem:s29+$0x0] =	vst v4  }
0x29d: {  	[tilespmem:s7+$0x0] =	vst v6  }
0x29e: {  	v48 =	vadd.s32 $0x4400, v3;
	v6 =	vld.idx.msk [tilespmem:v44+s1+$0x0], $0xffff  }
0x29f: {  	v49 =	vadd.s32 $0x4400, v2;
	s17 =	sor.u32 $0x1AB00, s28;
	v12 =	vadd.f32 v14, v12;
	v8 =	vld.idx.msk [tilespmem:v45+s10+$0x0], $0xffff  }
0x2a0: {  	v50 =	vadd.s32 $0x4400, v1;
	s18 =	sor.u32 s4, s17;
	v13 =	vadd.f32 v13, v15;
	v10 =	vld.idx.msk [tilespmem:v46+s1+$0x0], $0xffff  }
0x2a1: {  	v51 =	vadd.s32 $0x4400, v0;
	s7 =	sor.u32 s5, s17;
	v4 =	vld.idx.msk [tilespmem:v47+s10+$0x0], $0xffff;
	[tilespmem:s18+$0x0] =	vst v12  }
0x2a2: {  	[tilespmem:s7+$0x0] =	vst v13  }
0x2a3: {  	v52 =	vadd.s32 $0x4800, v3;
	v13 =	vld.idx.msk [tilespmem:v48+s1+$0x0], $0xffff  }
0x2a4: {  	v53 =	vadd.s32 $0x4800, v2;
	s19 =	sor.u32 $0x1AB80, s28;
	v14 =	vld.idx.msk [tilespmem:v49+s10+$0x0], $0xffff;
	v7 =	vadd.f32 v9, v7  }
0x2a5: {  	v54 =	vadd.s32 $0x4800, v1;
	s29 =	sor.u32 s4, s19;
	v15 =	vld.idx.msk [tilespmem:v50+s1+$0x0], $0xffff;
	v5 =	vadd.f32 v5, v11  }
0x2a6: {  	v55 =	vadd.s32 $0x4800, v0;
	s7 =	sor.u32 s5, s19;
	v12 =	vld.idx.msk [tilespmem:v51+s10+$0x0], $0xffff;
	[tilespmem:s29+$0x0] =	vst v7  }
0x2a7: {  	[tilespmem:s7+$0x0] =	vst v5  }
0x2a8: {  	v56 =	vadd.s32 $0x4C00, v3;
	v5 =	vld.idx.msk [tilespmem:v52+s1+$0x0], $0xffff  }
0x2a9: {  	v57 =	vadd.s32 $0x4C00, v2;
	s17 =	sor.u32 $0x1B000, s28;
	v6 =	vadd.f32 v8, v6;
	v9 =	vld.idx.msk [tilespmem:v53+s10+$0x0], $0xffff  }
0x2aa: {  	v58 =	vadd.s32 $0x4C00, v1;
	s18 =	sor.u32 s4, s17;
	v4 =	vadd.f32 v4, v10;
	v11 =	vld.idx.msk [tilespmem:v54+s1+$0x0], $0xffff  }
0x2ab: {  	v59 =	vadd.s32 $0x4C00, v0;
	s7 =	sor.u32 s5, s17;
	v7 =	vld.idx.msk [tilespmem:v55+s10+$0x0], $0xffff;
	[tilespmem:s18+$0x0] =	vst v6  }
0x2ac: {  	[tilespmem:s7+$0x0] =	vst v4  }
0x2ad: {  	v60 =	vadd.s32 $0x5000, v3;
	v4 =	vld.idx.msk [tilespmem:v56+s1+$0x0], $0xffff  }
0x2ae: {  	v61 =	vadd.s32 $0x5000, v2;
	s19 =	sor.u32 $0x1B080, s28;
	v13 =	vadd.f32 v14, v13;
	v8 =	vld.idx.msk [tilespmem:v57+s10+$0x0], $0xffff  }
0x2af: {  	v62 =	vadd.s32 $0x5000, v1;
	s29 =	sor.u32 s4, s19;
	v12 =	vadd.f32 v12, v15;
	v10 =	vld.idx.msk [tilespmem:v58+s1+$0x0], $0xffff  }
0x2b0: {  	v63 =	vadd.s32 $0x5000, v0;
	s7 =	sor.u32 s5, s19;
	v6 =	vld.idx.msk [tilespmem:v59+s10+$0x0], $0xffff;
	[tilespmem:s29+$0x0] =	vst v13  }
0x2b1: {  	[tilespmem:s7+$0x0] =	vst v12  }
0x2b2: {  	v20 =	vadd.s32 $0x5400, v3;
	v12 =	vld.idx.msk [tilespmem:v60+s1+$0x0], $0xffff  }
0x2b3: {  	v21 =	vadd.s32 $0x5400, v2;
	s17 =	sor.u32 $0x1B100, s28;
	v14 =	vld.idx.msk [tilespmem:v61+s10+$0x0], $0xffff;
	v5 =	vadd.f32 v9, v5  }
0x2b4: {  	v22 =	vadd.s32 $0x5400, v1;
	s18 =	sor.u32 s4, s17;
	v15 =	vld.idx.msk [tilespmem:v62+s1+$0x0], $0xffff;
	v7 =	vadd.f32 v7, v11  }
0x2b5: {  	v23 =	vadd.s32 $0x5400, v0;
	s7 =	sor.u32 s5, s17;
	v13 =	vld.idx.msk [tilespmem:v63+s10+$0x0], $0xffff;
	[tilespmem:s18+$0x0] =	vst v5  }
0x2b6: {  	[tilespmem:s7+$0x0] =	vst v7  }
0x2b7: {  	v24 =	vadd.s32 $0x5800, v3;
	v7 =	vld.idx.msk [tilespmem:v20+s1+$0x0], $0xffff  }
0x2b8: {  	v25 =	vadd.s32 $0x5800, v2;
	s19 =	sor.u32 $0x1B180, s28;
	v4 =	vadd.f32 v8, v4;
	v9 =	vld.idx.msk [tilespmem:v21+s10+$0x0], $0xffff  }
0x2b9: {  	v26 =	vadd.s32 $0x5800, v1;
	s29 =	sor.u32 s4, s19;
	v6 =	vadd.f32 v6, v10;
	v11 =	vld.idx.msk [tilespmem:v22+s1+$0x0], $0xffff  }
0x2ba: {  	v27 =	vadd.s32 $0x5800, v0;
	s7 =	sor.u32 s5, s19;
	v5 =	vld.idx.msk [tilespmem:v23+s10+$0x0], $0xffff;
	[tilespmem:s29+$0x0] =	vst v4  }
0x2bb: {  	[tilespmem:s7+$0x0] =	vst v6  }
0x2bc: {  	v28 =	vadd.s32 $0x5C00, v3;
	v6 =	vld.idx.msk [tilespmem:v24+s1+$0x0], $0xffff  }
0x2bd: {  	v29 =	vadd.s32 $0x5C00, v2;
	s17 =	sor.u32 $0x1B200, s28;
	v12 =	vadd.f32 v14, v12;
	v8 =	vld.idx.msk [tilespmem:v25+s10+$0x0], $0xffff  }
0x2be: {  	v30 =	vadd.s32 $0x5C00, v1;
	s18 =	sor.u32 s4, s17;
	v13 =	vadd.f32 v13, v15;
	v10 =	vld.idx.msk [tilespmem:v26+s1+$0x0], $0xffff  }
0x2bf: {  	v31 =	vadd.s32 $0x5C00, v0;
	s7 =	sor.u32 s5, s17;
	v4 =	vld.idx.msk [tilespmem:v27+s10+$0x0], $0xffff;
	[tilespmem:s18+$0x0] =	vst v12  }
0x2c0: {  	[tilespmem:s7+$0x0] =	vst v13  }
0x2c1: {  	v32 =	vadd.s32 $0x6000, v3;
	v13 =	vld.idx.msk [tilespmem:v28+s1+$0x0], $0xffff  }
0x2c2: {  	v33 =	vadd.s32 $0x6000, v2;
	s19 =	sor.u32 $0x1B280, s28;
	v14 =	vld.idx.msk [tilespmem:v29+s10+$0x0], $0xffff;
	v7 =	vadd.f32 v9, v7  }
0x2c3: {  	v34 =	vadd.s32 $0x6000, v1;
	s29 =	sor.u32 s4, s19;
	v15 =	vld.idx.msk [tilespmem:v30+s1+$0x0], $0xffff;
	v5 =	vadd.f32 v5, v11  }
0x2c4: {  	v35 =	vadd.s32 $0x6000, v0;
	s7 =	sor.u32 s5, s19;
	v12 =	vld.idx.msk [tilespmem:v31+s10+$0x0], $0xffff;
	[tilespmem:s29+$0x0] =	vst v7  }
0x2c5: {  	[tilespmem:s7+$0x0] =	vst v5  }
0x2c6: {  	v36 =	vadd.s32 $0x6400, v3;
	v5 =	vld.idx.msk [tilespmem:v32+s1+$0x0], $0xffff  }
0x2c7: {  	v37 =	vadd.s32 $0x6400, v2;
	s17 =	sor.u32 $0x1B300, s28;
	v6 =	vadd.f32 v8, v6;
	v9 =	vld.idx.msk [tilespmem:v33+s10+$0x0], $0xffff  }
0x2c8: {  	v38 =	vadd.s32 $0x6400, v1;
	s18 =	sor.u32 s4, s17;
	v4 =	vadd.f32 v4, v10;
	v11 =	vld.idx.msk [tilespmem:v34+s1+$0x0], $0xffff  }
0x2c9: {  	v39 =	vadd.s32 $0x6400, v0;
	s7 =	sor.u32 s5, s17;
	v7 =	vld.idx.msk [tilespmem:v35+s10+$0x0], $0xffff;
	[tilespmem:s18+$0x0] =	vst v6  }
0x2ca: {  	[tilespmem:s7+$0x0] =	vst v4  }
0x2cb: {  	v40 =	vadd.s32 $0x6800, v3;
	v4 =	vld.idx.msk [tilespmem:v36+s1+$0x0], $0xffff  }
0x2cc: {  	v41 =	vadd.s32 $0x6800, v2;
	s19 =	sor.u32 $0x1B380, s28;
	v13 =	vadd.f32 v14, v13;
	v8 =	vld.idx.msk [tilespmem:v37+s10+$0x0], $0xffff  }
0x2cd: {  	v42 =	vadd.s32 $0x6800, v1;
	s29 =	sor.u32 s4, s19;
	v12 =	vadd.f32 v12, v15;
	v10 =	vld.idx.msk [tilespmem:v38+s1+$0x0], $0xffff  }
0x2ce: {  	v43 =	vadd.s32 $0x6800, v0;
	s7 =	sor.u32 s5, s19;
	v6 =	vld.idx.msk [tilespmem:v39+s10+$0x0], $0xffff;
	[tilespmem:s29+$0x0] =	vst v13  }
0x2cf: {  	[tilespmem:s7+$0x0] =	vst v12  }
0x2d0: {  	v44 =	vadd.s32 $0x6C00, v3;
	v12 =	vld.idx.msk [tilespmem:v40+s1+$0x0], $0xffff  }
0x2d1: {  	v45 =	vadd.s32 $0x6C00, v2;
	s17 =	sor.u32 $0x1B800, s28;
	v14 =	vld.idx.msk [tilespmem:v41+s10+$0x0], $0xffff;
	v5 =	vadd.f32 v9, v5  }
0x2d2: {  	v46 =	vadd.s32 $0x6C00, v1;
	s18 =	sor.u32 s4, s17;
	v15 =	vld.idx.msk [tilespmem:v42+s1+$0x0], $0xffff;
	v7 =	vadd.f32 v7, v11  }
0x2d3: {  	v47 =	vadd.s32 $0x6C00, v0;
	s7 =	sor.u32 s5, s17;
	v13 =	vld.idx.msk [tilespmem:v43+s10+$0x0], $0xffff;
	[tilespmem:s18+$0x0] =	vst v5  }
0x2d4: {  	[tilespmem:s7+$0x0] =	vst v7  }
0x2d5: {  	v48 =	vadd.s32 $0x7000, v3;
	v7 =	vld.idx.msk [tilespmem:v44+s1+$0x0], $0xffff  }
0x2d6: {  	v49 =	vadd.s32 $0x7000, v2;
	s19 =	sor.u32 $0x1B880, s28;
	v4 =	vadd.f32 v8, v4;
	v9 =	vld.idx.msk [tilespmem:v45+s10+$0x0], $0xffff  }
0x2d7: {  	v50 =	vadd.s32 $0x7000, v1;
	s29 =	sor.u32 s4, s19;
	v6 =	vadd.f32 v6, v10;
	v11 =	vld.idx.msk [tilespmem:v46+s1+$0x0], $0xffff  }
0x2d8: {  	v51 =	vadd.s32 $0x7000, v0;
	s7 =	sor.u32 s5, s19;
	v5 =	vld.idx.msk [tilespmem:v47+s10+$0x0], $0xffff;
	[tilespmem:s29+$0x0] =	vst v4  }
0x2d9: {  	[tilespmem:s7+$0x0] =	vst v6  }
0x2da: {  	v52 =	vadd.s32 $0x7400, v3;
	v6 =	vld.idx.msk [tilespmem:v48+s1+$0x0], $0xffff  }
0x2db: {  	v53 =	vadd.s32 $0x7400, v2;
	s17 =	sor.u32 $0x1B900, s28;
	v12 =	vadd.f32 v14, v12;
	v8 =	vld.idx.msk [tilespmem:v49+s10+$0x0], $0xffff  }
0x2dc: {  	v54 =	vadd.s32 $0x7400, v1;
	s18 =	sor.u32 s4, s17;
	v13 =	vadd.f32 v13, v15;
	v10 =	vld.idx.msk [tilespmem:v50+s1+$0x0], $0xffff  }
0x2dd: {  	v55 =	vadd.s32 $0x7400, v0;
	s7 =	sor.u32 s5, s17;
	v4 =	vld.idx.msk [tilespmem:v51+s10+$0x0], $0xffff;
	[tilespmem:s18+$0x0] =	vst v12  }
0x2de: {  	[tilespmem:s7+$0x0] =	vst v13  }
0x2df: {  	v56 =	vadd.s32 $0x7800, v3;
	v13 =	vld.idx.msk [tilespmem:v52+s1+$0x0], $0xffff  }
0x2e0: {  	v57 =	vadd.s32 $0x7800, v2;
	s19 =	sor.u32 $0x1B980, s28;
	v14 =	vld.idx.msk [tilespmem:v53+s10+$0x0], $0xffff;
	v7 =	vadd.f32 v9, v7  }
0x2e1: {  	v58 =	vadd.s32 $0x7800, v1;
	s29 =	sor.u32 s4, s19;
	v15 =	vld.idx.msk [tilespmem:v54+s1+$0x0], $0xffff;
	v5 =	vadd.f32 v5, v11  }
0x2e2: {  	v59 =	vadd.s32 $0x7800, v0;
	s7 =	sor.u32 s5, s19;
	v12 =	vld.idx.msk [tilespmem:v55+s10+$0x0], $0xffff;
	[tilespmem:s29+$0x0] =	vst v7  }
0x2e3: {  	[tilespmem:s7+$0x0] =	vst v5  }
0x2e4: {  	v3 =	vadd.s32 $0x7C00, v3;
	v5 =	vld.idx.msk [tilespmem:v56+s1+$0x0], $0xffff  }
0x2e5: {  	v2 =	vadd.s32 $0x7C00, v2;
	s17 =	sor.u32 $0x1BA00, s28;
	v6 =	vadd.f32 v8, v6;
	v9 =	vld.idx.msk [tilespmem:v57+s10+$0x0], $0xffff  }
0x2e6: {  	v1 =	vadd.s32 $0x7C00, v1;
	s18 =	sor.u32 s4, s17;
	v4 =	vadd.f32 v4, v10;
	v11 =	vld.idx.msk [tilespmem:v58+s1+$0x0], $0xffff  }
0x2e7: {  	v0 =	vadd.s32 $0x7C00, v0;
	s7 =	sor.u32 s5, s17;
	v7 =	vld.idx.msk [tilespmem:v59+s10+$0x0], $0xffff;
	[tilespmem:s18+$0x0] =	vst v6  }
0x2e8: {  	[tilespmem:s7+$0x0] =	vst v4  }
0x2e9: {  	v3 =	vld.idx.msk [tilespmem:v3+s1+$0x0], $0xffff  }
0x2ea: {  	v2 =	vld.idx.msk [tilespmem:v2+s10+$0x0], $0xffff  }
0x2eb: {  	v1 =	vld.idx.msk [tilespmem:v1+s1+$0x0], $0xffff  }
0x2ec: {  	s19 =	sor.u32 $0x1BA80, s28;
	v60 =	vadd.f32 v14, v13;
	v0 =	vld.idx.msk [tilespmem:v0+s10+$0x0], $0xffff  }
0x2ed: {  	s29 =	sor.u32 s4, s19;
	v61 =	vadd.f32 v12, v15  }
0x2ee: {  	p0 =	sne.s32 s26, $0x700;
	s17 =	sor.u32 $0x1BB00, s28;
	s7 =	sor.u32 s5, s19;
	[tilespmem:s29+$0x0] =	vst v60;
	v62 =	vadd.f32 v9, v5  }
.Ltmp1:
0x2ef: {  	s18 =	sor.u32 s4, s17;
	[tilespmem:s7+$0x0] =	vst v61;
	v63 =	vadd.f32 v7, v11;
	(pc) =	sbr.rel @p0 .LBB2_5-.Ltmp1, $4  }
0x2f0: {  	s19 =	sor.u32 s5, s17;
	s29 =	sor.u32 $0x1BB80, s28;
	[tilespmem:s18+$0x0] =	vst v62;
	v2 =	vadd.f32 v2, v3  }
0x2f1: {  	s21 =	sadd.s32 $0x2, s21;
	s4 =	sor.u32 s4, s29;
	v0 =	vadd.f32 v0, v1;
	[tilespmem:s19+$0x0] =	vst v63  }
0x2f2: {  	s3 =	sadd.s32 $0x1, s3;
	s20 =	sadd.s32 $0x20, s20;
	s5 =	sor.u32 s5, s29;
	[tilespmem:s4+$0x0] =	vst v2  }
0x2f3: {  	s2 =	sadd.s32 $0x20, s2;
	s0 =	sadd.s32 $0x20, s0;
	s26 =	sadd.s32 $0x100, s26;
	[tilespmem:s5+$0x0] =	vst v0  }
0x2f4: {  	s24 =	sadd.s32 $0x1, s24  }
0x2f5: {  	p0 =	sne.s32 s24, $0x20  }
.Ltmp2:
0x2f6: {  	_ = 	snop;
	(pc) =	sbr.rel @p0 .LBB2_2-.Ltmp2, $4  }
0x2f7: {  	_ = 	snop  }
0x2f8: {  	s0 =	sadd.s32 s25, s6;
	s31 =	sadd.s32 $0x200, s31  }
0x2f9: {  	s30 =	sadd.s32 $0x200, s30;
	s22 =	sadd.s32 $0x200, s22;
	s23 =	sadd.s32 $0x200, s23  }
0x2fa: {  	[hbm4b:s0+s11] =	stream.strided.scatter [tilespmem:s16], [sflag:$0x2], $0x2000, s14, s11, $0x38;
	[tilespmem:$0x1C000] =	vst v63  }
0x2fb: {  	s0 =	simm.s32 $0x1  }
0x2fc: {  	_ =	swait.ge [sflag:s0], $0x2000  }
0x2fd: {  	[sflag:s0] =	ssyncset.done $0x0  }
0x2fe: {  	s2 =	simm.s32 $0x2;
	[sflag:s0] =	ssyncadd.s32 $0xFFFFE000  }
0x2ff: {  	_ =	swait.ge [sflag:s2], $0x2000  }
0x300: {  	s3 =	sld [smem:$0x7D6]  }
0x301: {  	s31 =	sld [smem:$0x7FD];
	_ =	sdelay $0x1  }
0x302: {  	s3 =	sadd.s32 $0x1, s3  }
0x303: {  	p0 =	sne.s32 s3, s31  }
.Ltmp3:
0x304: {  	_ = 	snop;
	(pc) =	sbr.rel @p0 .LBB2_1-.Ltmp3, $3  }
0x305: {  	_ =	sdelay $0x1  }
0x306: {  	[sflag:s2] =	ssyncset.done $0x0  }
0x307: {  	[sflag:s2] =	ssyncadd.s32 $0xFFFFE000  }
0x308: {  	_ =	sfence.sel $0x180000  }
0x309: {  	[bflag:$0x0] =	sbarrier.arrive $0xFFFF  }
0x30a: {  	_ =	strace $0x90000047  }
0x30b: {  	s0 =	stileid.u32;
	[bflag:$0x2] =	sbarrier.arrive $0xFFFF  }
0x30c: {  	p0 =	sne.s32 s0, $0x0;
	s0 =	rddreg [dreg:$0x5]  }
0x30d: {  	s0 =	sadd.s32 @!p0 $0x100000, s0  }
0x30e: {  	[sflag:s0] =	ssyncadd.tile.s32 @!p0 $0x1;
	_ =	shalt  }
.Lfunc_end2:
_tile_overlayer_lowered:
.L_overlay_start_2:
0x30f: {  	(tag) =	ssettag $0x2  }
0x310: {  	s0 =	rddreg [dreg:$0x0];
	s2 =	stileid.u32  }
0x311: {  	s1 =	rddreg [dreg:$0x1];
	p0 =	sne.s32 s2, $0x0  }
0x312: {  	s3 =	rddreg [dreg:$0x2];
	[bflag:$0x3] =	sbarrier.arrive $0xFFFF;
	s2 =	simm.s32 @!p0 $0x1C04  }
0x313: {  	[timem:s3], [sflag:s2] =	dma.local @!p0 [hbm:s0], s1  }
0x314: {  	s0 =	simm.s32 @!p0 $0x4  }
0x315: {  	_ =	swait.ge @!p0 [sflag:s0], s1  }
0x316: {  	s1 =	ssub.s32 @!p0 $0x0, s1;
	[sflag:s0] =	ssyncset.done @!p0 $0x0  }
0x317: {  	[sflag:s0] =	ssyncadd.s32 @!p0 s1  }
0x318: {  	[bflag:$0x3] =	sbarrier.arrive $0xFFFF  }
0x319: {  	_ =	shalt  }

</sc_bundles>
